<compile_context>
chip_gen: v7x
topology: tpu7x:2x2x1
jax: 0.10.2.dev20260603
libtpu: 0.0.44.dev20260713+nightly
codegen_flags: <defaults>
</compile_context>

<pallas_src>
import functools

import jax
import jax.numpy as jnp
from jax import lax
from jax.experimental import pallas as pl
from jax.experimental.pallas import tpu as pltpu
from jax.experimental.pallas import tpu_sc as plsc

NC = 2
NS = 16
NW = NC * NS
L = 16

_f32 = jnp.float32
_i32 = jnp.int32
NSEM = 8


def _tables_body(ee, en, w1, w2, vmat, c0row, bcrow, tinv, de_o, dn_o):
    vs = vmat[...] * tinv[0, 0]
    u1 = jnp.dot(w1[...], vs, preferred_element_type=_f32)
    u2 = jnp.dot(w2[...], vs, preferred_element_type=_f32)
    de_o[...] = jnp.dot(ee[...], u1, preferred_element_type=_f32)
    bias = jnp.dot(bcrow[...], vs, preferred_element_type=_f32) + c0row[...] * tinv[0, 0]
    dn_o[...] = jnp.dot(en[...], u2, preferred_element_type=_f32) + bias


def _tables_call(ee, en, w1, w2, vmat, c0row, bcrow, tinv):
    n_codes = ee.shape[0]
    return pl.pallas_call(
        _tables_body,
        out_shape=(
            jax.ShapeDtypeStruct((n_codes, 128), _f32),
            jax.ShapeDtypeStruct((n_codes, 128), _f32),
        ),
    )(ee, en, w1, w2, vmat, c0row, bcrow, tinv)


def _edge_body(E_RAND, Q, K, NP,
               ecode_h, brev_h, src_h, dst_h, s_h, bs_h, de_h, dn_h,
               ncode_h, ns_h, zeros_h,
               out_h, accs_h, lp_h,
               brev_v, acode_v, src_v, dst_v, s_v, bs_v, out_v, val_v,
               de_v, dn_v, ncode_v, ns_v, lsum_v, acc_sh, gsems, ssem, lsem,
               osem, bsem):
    cid = lax.axis_index("c")
    sid = lax.axis_index("s")
    wid = cid * NS + sid

    @pl.when(sid == 0)
    def _():
        pltpu.sync_copy(zeros_h, acc_sh)

    plsc.subcore_barrier()

    brev_cp = pltpu.async_copy(brev_h.at[wid], brev_v, bsem)
    pltpu.async_copy(de_h, de_v, lsem)
    pltpu.async_copy(dn_h, dn_v, lsem)
    pltpu.async_copy(ncode_h, ncode_v, lsem)
    pltpu.async_copy(ns_h, ns_v, lsem)
    pltpu.async_copy(src_h.at[wid], src_v, lsem)
    pltpu.async_copy(dst_h.at[wid], dst_v, lsem)
    pltpu.async_copy(s_h.at[wid], s_v, lsem)
    pltpu.async_copy(bs_h.at[wid], bs_v, lsem)
    brev_cp.wait()

    def _gfire(j):
        pltpu.async_copy(ecode_h.at[brev_v.at[j]], acode_v.at[j],
                         gsems.at[lax.rem(j, NSEM)])

    def _gpro(j, c):
        _gfire(j)
        return c

    lax.fori_loop(0, NSEM, _gpro, 0)

    for ref, hbm in ((de_v, de_h), (dn_v, dn_h), (ncode_v, ncode_h),
                     (ns_v, ns_h), (src_v, src_h.at[wid]),
                     (dst_v, dst_h.at[wid]), (s_v, s_h.at[wid]),
                     (bs_v, bs_h.at[wid])):
        pltpu.make_async_copy(hbm, ref, lsem).wait()

    iota16 = lax.iota(_i32, L)

    def _chunk(j, lacc):
        pltpu.make_async_copy(ecode_h.at[brev_v.at[j]], acode_v.at[j],
                              gsems.at[lax.rem(j, NSEM)]).wait()
        for i in range(128 // L):
            sl = pl.ds(i * L, L)
            a = acode_v[j, sl]
            srcv = src_v[j, sl]
            dstv = dst_v[j, sl]
            sv = s_v[j, sl]
            bsv = bs_v[j, sl]
            b = plsc.load_gather(ncode_v, [srcv])
            nss = plsc.load_gather(ns_v, [srcv])
            nsd = plsc.load_gather(ns_v, [dstv])
            a4 = a * 4
            b4 = b * 4
            x_incr = plsc.load_gather(de_v, [a4]) + plsc.load_gather(dn_v, [b4])
            x_pwo = plsc.load_gather(de_v, [a4 + 1]) + plsc.load_gather(dn_v, [b4 + 1])
            x_pw = plsc.load_gather(de_v, [a4 + 2]) + plsc.load_gather(dn_v, [b4 + 2])
            x_keep = plsc.load_gather(de_v, [a4 + 3]) + plsc.load_gather(dn_v, [b4 + 3])
            incr = 1.0 / (1.0 + jnp.exp(-x_incr))
            pwo = 1.0 / (1.0 + jnp.exp(-x_pwo))
            pw = 1.0 / (1.0 + jnp.exp(-x_pw))
            keep = 1.0 / (1.0 + jnp.exp(-x_keep))
            swo = sv - nsd
            swn = swo + nss
            val = pwo * swo + pw * swn
            outv = incr + keep * sv
            out_v[j, sl] = outv
            val_v[j, sl] = val
            gidx = wid * Q + j * 128 + i * L + iota16
            d = bsv - outv
            lacc = lacc + jnp.where(gidx < E_RAND, d * d, 0.0)
        pltpu.async_copy(val_v.at[j], acc_sh.at[dst_v.at[j]], ssem, add=True)
        pltpu.async_copy(out_v.at[j], out_h.at[wid, j], osem)

        @pl.when(j + NSEM < K)
        def _():
            _gfire(j + NSEM)

        return lacc

    def _jbody(jj, lacc):
        lacc = _chunk(2 * jj, lacc)
        return _chunk(2 * jj + 1, lacc)

    lacc = lax.fori_loop(0, K // 2, _jbody, jnp.zeros((L,), _f32))
    lsum_v[...] = lacc

    def _odrain(j, c):
        pltpu.make_async_copy(out_v.at[j], out_h.at[wid, j], osem).wait()
        return c

    lax.fori_loop(0, K, _odrain, 0)

    def _sdrain(j, c):
        pltpu.make_async_copy(val_v.at[j], acc_sh.at[dst_v.at[j]], ssem).wait()
        return c

    lax.fori_loop(0, K, _sdrain, 0)

    plsc.subcore_barrier()

    @pl.when(sid == 0)
    def _():
        pltpu.sync_copy(acc_sh, accs_h.at[pl.ds(cid * NP, NP)])

    pltpu.sync_copy(lsum_v, lp_h.at[wid])


def _edge_call(E_RAND, Q, K, NP,
               ecode, brev_p, src_p, dst_p, s_p, bs_p, detab, dntab, ncode_p,
               ns_p, zeros_np):
    mesh = plsc.VectorSubcoreMesh(core_axis_name="c", subcore_axis_name="s")
    kern = functools.partial(
        pl.kernel,
        out_type=(
            jax.ShapeDtypeStruct((NW, K, 128), _f32),
            jax.ShapeDtypeStruct((NC * NP,), _f32),
            jax.ShapeDtypeStruct((NW, L), _f32),
        ),
        mesh=mesh,
        scratch_types=[
            pltpu.VMEM((K, 128), _i32),
            pltpu.VMEM((K, 128), _i32),
            pltpu.VMEM((K, 128), _i32),
            pltpu.VMEM((K, 128), _i32),
            pltpu.VMEM((K, 128), _f32),
            pltpu.VMEM((K, 128), _f32),
            pltpu.VMEM((K, 128), _f32),
            pltpu.VMEM((K, 128), _f32),
            pltpu.VMEM((1024,), _f32),
            pltpu.VMEM((1024,), _f32),
            pltpu.VMEM((NP,), _i32),
            pltpu.VMEM((NP,), _f32),
            pltpu.VMEM((L,), _f32),
            pltpu.VMEM_SHARED((NP,), _f32),
            pltpu.SemaphoreType.DMA((NSEM,)),
            pltpu.SemaphoreType.DMA,
            pltpu.SemaphoreType.DMA,
            pltpu.SemaphoreType.DMA,
            pltpu.SemaphoreType.DMA,
        ],
        compiler_params=pltpu.CompilerParams(needs_layout_passes=False),
    )(functools.partial(_edge_body, E_RAND, Q, K, NP))
    return kern(ecode, brev_p, src_p, dst_p, s_p, bs_p, detab, dntab,
                ncode_p, ns_p, zeros_np)


def _node_body(N, PN, NP, accs_h, outt_h, bst_h, selfout_h, lp2_h,
               a0_v, a1_v, ot_v, bt_v, so_v, ls_v):
    wid = lax.axis_index("c") * NS + lax.axis_index("s")
    base = wid * PN
    pltpu.sync_copy(accs_h.at[pl.ds(base, PN)], a0_v)
    pltpu.sync_copy(accs_h.at[pl.ds(NP + base, PN)], a1_v)
    pltpu.sync_copy(outt_h.at[pl.ds(base, PN)], ot_v)
    pltpu.sync_copy(bst_h.at[pl.ds(base, PN)], bt_v)
    iota16 = lax.iota(_i32, L)
    lacc = jnp.zeros((L,), _f32)
    for i in range(PN // L):
        sl = pl.ds(i * L, L)
        so = ot_v[sl] + a0_v[sl] + a1_v[sl]
        so_v[sl] = so
        nid = base + i * L + iota16
        d = bt_v[sl] - so
        lacc = lacc + jnp.where(nid < N, d * d, 0.0)
    ls_v[...] = lacc
    pltpu.sync_copy(so_v, selfout_h.at[pl.ds(base, PN)])
    pltpu.sync_copy(ls_v, lp2_h.at[wid])


def _node_call(N, NP, accs, outt, bst):
    PN = NP // NW
    mesh = plsc.VectorSubcoreMesh(core_axis_name="c", subcore_axis_name="s")
    kern = functools.partial(
        pl.kernel,
        out_type=(
            jax.ShapeDtypeStruct((NP,), _f32),
            jax.ShapeDtypeStruct((NW, L), _f32),
        ),
        mesh=mesh,
        scratch_types=[
            pltpu.VMEM((PN,), _f32),
            pltpu.VMEM((PN,), _f32),
            pltpu.VMEM((PN,), _f32),
            pltpu.VMEM((PN,), _f32),
            pltpu.VMEM((PN,), _f32),
            pltpu.VMEM((L,), _f32),
        ],
        compiler_params=pltpu.CompilerParams(needs_layout_passes=False),
    )(functools.partial(_node_body, N, PN, NP))
    return kern(accs, outt, bst)


def _pad_to(x, n, val):
    return jnp.concatenate(
        [x, jnp.full((n - x.shape[0],), val, x.dtype)]) if n > x.shape[0] else x


def kernel(node_states, edge_states, scalars, batched_reverse_idx, edge_index,
           batch_scalars, emb_node, emb_edge, W_combine, b_combine,
           W_keep, b_keep, W_push, b_push, W_push_node, b_push_node,
           W_incr, b_incr, training_step, processor_step, teacher_force):
    N = node_states.shape[0]
    E = scalars.shape[0]
    E_RAND = E - N
    H = emb_node.shape[1]

    K = -(-E // (NW * 128))
    K += K % 2
    Q = K * 128
    EPAD = NW * Q
    PN = -(-N // (NW * L)) * L
    NP = PN * NW
    while EPAD < E_RAND + NP:
        K += 2
        Q = K * 128
        EPAD = NW * Q

    pn2 = 2 ** jnp.arange(node_states.shape[1], dtype=_i32)
    pe2 = 2 ** jnp.arange(edge_states.shape[1], dtype=_i32)
    ncode = jnp.sum(node_states * pn2[None, :], axis=1).astype(_i32)
    ecode = jnp.sum(edge_states * pe2[None, :], axis=1).astype(_i32)

    ts = jnp.asarray(training_step)
    frac = jnp.minimum(ts.astype(_f32) / 10000.0, 1.0)
    tau = jnp.where(ts == -1, 0.5, 3.0 + frac * (0.5 - 3.0))
    tinv = (1.0 / tau).reshape(1, 1).astype(_f32)

    Vmat = jnp.stack([
        W_incr[:, 0] - W_incr[:, 1],
        W_push[:, 0] - W_push[:, 1],
        W_push_node[:, 0] - W_push_node[:, 1],
        W_keep[:, 0] - W_keep[:, 1],
    ], axis=1)
    Vpad = jnp.zeros((H, 128), _f32).at[:, :4].set(Vmat)
    c0 = jnp.stack([
        b_incr[0] - b_incr[1],
        b_push[0] - b_push[1],
        b_push_node[0] - b_push_node[1],
        b_keep[0] - b_keep[1],
    ])
    c0row = jnp.zeros((1, 128), _f32).at[0, :4].set(c0)
    bcrow = b_combine.reshape(1, H)

    de2d, dn2d = _tables_call(emb_edge, emb_node, W_combine[:H], W_combine[H:],
                              Vpad, c0row, bcrow, tinv)
    detab = de2d[:, :4].reshape(-1)
    dntab = dn2d[:, :4].reshape(-1)

    s_flat = scalars.reshape(-1)
    src = edge_index[0]
    dst = edge_index[1]
    bsf = lax.dynamic_slice_in_dim(batch_scalars[:, :, 0], processor_step, 1,
                                   axis=1).reshape(-1)
    ns_node = s_flat[E_RAND:]

    def lay(x):
        return x.reshape(NW, K, 128)

    brev_p = lay(_pad_to(batched_reverse_idx, EPAD, 0))
    src_p = lay(_pad_to(src, EPAD, 0))
    dst_p = lay(_pad_to(dst, EPAD, NP - 1))
    s_p = lay(_pad_to(s_flat, EPAD, 0.0))
    bs_p = lay(_pad_to(bsf, EPAD, 0.0))
    ncode_p = _pad_to(ncode, NP, 0)
    ns_p = _pad_to(ns_node, NP, 0.0)
    zeros_np = jnp.zeros((NP,), _f32)

    out4, accs, lp1 = _edge_call(E_RAND, Q, K, NP, ecode, brev_p, src_p, dst_p,
                                 s_p, bs_p, detab, dntab, ncode_p, ns_p,
                                 zeros_np)

    out_flat = out4.reshape(EPAD)
    outt = out_flat[E_RAND:E_RAND + NP]
    bst = _pad_to(bsf[E_RAND:], NP, 0.0)
    selfout, lp2 = _node_call(N, NP, accs, outt, bst)

    new_flat = jnp.concatenate([out_flat[:E_RAND], selfout[:N]])
    loss = (jnp.sum(lp1) + jnp.sum(lp2)) / E
    new_scalars = new_flat[:, None]
    new_scalars = jnp.where(teacher_force, bsf[:, None], new_scalars)
    return (new_scalars, loss)

# --- scband reference (transcript-rebuilt; emitter-appended) ---
"""Pipeline reference for scband-scalar-updater-1924145349108 (READ-ONLY COPY).

The authoritative reference and input builder live on the scoring server;
editing this copy changes nothing except your own understanding.
"""

import jax, jax.numpy as jnp
import numpy as np

H = 128
N = 10000
E_RAND = 320000
E = E_RAND + N
T = 8
NUM_NODE_STATES = 8
NUM_EDGE_STATES = 8
UPPER_T = 3.0
LOWER_T = 0.5
NUM_ITER = 10000
TEMP_ON_EVAL = 0.5
USE_NOISE = False


def from_binary_states(states):
    p = (2 ** jnp.arange(states.shape[-1])).astype(states.dtype)
    return jnp.sum(states * p, axis=-1)


def temp_by_step(step, upper_t, lower_t, num_iterations, temp_on_eval):
    step = jnp.asarray(step)
    frac = jnp.minimum(step.astype(jnp.float32) / float(num_iterations), 1.0)
    sched = upper_t + frac * (lower_t - upper_t)
    return jnp.where(step == -1, temp_on_eval, sched)


def pair_gumbel_softmax_first(logits2, tau, use_noise, key=None):
    # equivalent to gumbel_softmax(logits.view(-1), index=repeat_interleave(arange(E),2))[::2]
    x = logits2
    if use_noise:
        g = -jnp.log(-jnp.log(jax.random.uniform(key, x.shape) + 1e-20) + 1e-20)
        x = x + g
    return jax.nn.softmax(x / tau, axis=-1)[:, 0]


def setup_inputs(seed: int = 0):
    key = jax.random.key(seed)
    ks = jax.random.split(key, 20)
    node_states = jax.random.randint(ks[0], (N, NUM_NODE_STATES), 0, 2, dtype=jnp.int32)
    edge_states = jax.random.randint(ks[1], (E, NUM_EDGE_STATES), 0, 2, dtype=jnp.int32)
    scalars = jax.random.normal(ks[2], (E, 1), dtype=jnp.float32)
    batched_reverse_idx = jax.random.randint(ks[3], (E,), 0, E, dtype=jnp.int32)
    # random edges guaranteed non-self-loop, then exactly one self-loop per node (in node order)
    src = jax.random.randint(ks[4], (E_RAND,), 0, N, dtype=jnp.int32)
    off = jax.random.randint(ks[5], (E_RAND,), 1, N, dtype=jnp.int32)
    dst = (src + off) % N
    loops = jnp.arange(N, dtype=jnp.int32)
    edge_index = jnp.stack([jnp.concatenate([src, loops]), jnp.concatenate([dst, loops])])
    batch_scalars = jax.random.normal(ks[6], (E, T, 1), dtype=jnp.float32)
    s = 1.0 / np.sqrt(H)
    emb_node = jax.random.normal(ks[7], (2 ** NUM_NODE_STATES, H), dtype=jnp.float32)
    emb_edge = jax.random.normal(ks[8], (2 ** NUM_EDGE_STATES, H), dtype=jnp.float32)
    W_combine = jax.random.normal(ks[9], (2 * H, H), dtype=jnp.float32) * s
    b_combine = jnp.zeros((H,), dtype=jnp.float32)
    W_keep = jax.random.normal(ks[10], (H, 2), dtype=jnp.float32) * s
    b_keep = jnp.zeros((2,), dtype=jnp.float32)
    W_push = jax.random.normal(ks[11], (H, 2), dtype=jnp.float32) * s
    b_push = jnp.zeros((2,), dtype=jnp.float32)
    W_push_node = jax.random.normal(ks[12], (H, 2), dtype=jnp.float32) * s
    b_push_node = jnp.zeros((2,), dtype=jnp.float32)
    W_incr = jax.random.normal(ks[13], (H, 2), dtype=jnp.float32) * s
    b_incr = jnp.zeros((2,), dtype=jnp.float32)
    return {
        'node_states': node_states, 'edge_states': edge_states, 'scalars': scalars,
        'batched_reverse_idx': batched_reverse_idx, 'edge_index': edge_index,
        'batch_scalars': batch_scalars,
        'emb_node': emb_node, 'emb_edge': emb_edge,
        'W_combine': W_combine, 'b_combine': b_combine,
        'W_keep': W_keep, 'b_keep': b_keep,
        'W_push': W_push, 'b_push': b_push,
        'W_push_node': W_push_node, 'b_push_node': b_push_node,
        'W_incr': W_incr, 'b_incr': b_incr,
        'training_step': 1000, 'processor_step': 3, 'teacher_force': False,
    }


def reference(node_states, edge_states, scalars, batched_reverse_idx, edge_index,
              batch_scalars, emb_node, emb_edge, W_combine, b_combine,
              W_keep, b_keep, W_push, b_push, W_push_node, b_push_node,
              W_incr, b_incr, training_step, processor_step, teacher_force):
    node_fts = emb_node[from_binary_states(node_states)]
    edge_fts = emb_edge[from_binary_states(edge_states)]
    fts = jnp.concatenate([edge_fts[batched_reverse_idx], node_fts[edge_index[0]]], axis=1) @ W_combine + b_combine
    tau = temp_by_step(training_step, UPPER_T, LOWER_T, NUM_ITER, TEMP_ON_EVAL)
    use_noise = USE_NOISE and training_step != -1
    # increment
    increment = 1.0 * pair_gumbel_softmax_first(fts @ W_incr + b_incr, tau, use_noise)
    s_flat = scalars.reshape(-1)
    # push
    push_wo = pair_gumbel_softmax_first(fts @ W_push + b_push, tau, use_noise)
    push_w = pair_gumbel_softmax_first(fts @ W_push_node + b_push_node, tau, use_noise)
    self_mask = edge_index[0] == edge_index[1]
    idx_self = jnp.nonzero(self_mask, size=node_states.shape[0])[0]
    node_scalars = s_flat[idx_self]  # one self-loop per node, in node order
    scalars_without_node = s_flat - node_scalars[edge_index[1]]
    scalars_with_node = scalars_without_node + node_scalars[edge_index[0]]
    num_nodes = node_scalars.shape[0]
    ep_wo = jax.ops.segment_sum(push_wo * scalars_without_node, edge_index[1], num_segments=num_nodes)
    ep_w = jax.ops.segment_sum(push_w * scalars_with_node, edge_index[1], num_segments=num_nodes)
    accumulated_node = ep_wo + ep_w
    edge_push = jnp.zeros_like(s_flat).at[idx_self].set(accumulated_node)
    # keep
    keep = pair_gumbel_softmax_first(fts @ W_keep + b_keep, tau, use_noise)
    keep_term = s_flat * keep
    new_scalars = (increment + keep_term + edge_push)[:, None]
    loss = jnp.mean((batch_scalars[:, processor_step] - new_scalars) ** 2)
    new_scalars = jnp.where(teacher_force, batch_scalars[:, processor_step], new_scalars)
    return (new_scalars, loss)

if __name__ == "__main__":
    import jax
    _d = setup_inputs()
    print(jax.jit(kernel)(*tuple(_d.values())))

</pallas_src>

<mosaic_0001>
#map = affine_map<(d0, d1) -> (0)>
#map1 = affine_map<(d0, d1) -> (0, 0)>
module attributes {stable_mosaic.version = 14 : i64} {
  func.func @_node_body(%arg0: i32, %arg1: i32, %arg2: memref<20480xf32, #tpu.memory_space<hbm>>, %arg3: memref<10240xf32, #tpu.memory_space<hbm>>, %arg4: memref<10240xf32, #tpu.memory_space<hbm>>, %arg5: memref<10240xf32, #tpu.memory_space<hbm>>, %arg6: memref<32x16xf32, #tpu.memory_space<hbm>>, %arg7: memref<320xf32, #tpu.memory_space<vmem>>, %arg8: memref<320xf32, #tpu.memory_space<vmem>>, %arg9: memref<320xf32, #tpu.memory_space<vmem>>, %arg10: memref<320xf32, #tpu.memory_space<vmem>>, %arg11: memref<320xf32, #tpu.memory_space<vmem>>, %arg12: memref<16xf32, #tpu.memory_space<vmem>>) attributes {dimension_semantics = [#tpu.dimension_semantics<core_parallel>, #tpu.dimension_semantics<subcore_parallel>], iteration_bounds = array<i64: 2, 16>, scalar_prefetch = 0 : i64, scratch_operands = 6 : i64, tpu.core_type = #tpu.core_type<sc_vector_subcore>, window_params = [{transform_indices = #map}, {transform_indices = #map}, {transform_indices = #map}, {transform_indices = #map}, {transform_indices = #map1}]} {
    %mul3A = arith.constant 16 : i32
    %mul3A_0 = arith.muli %arg0, %mul3A : i32
    %add3A = arith.addi %mul3A_0, %arg1 : i32
    %mul3A_1 = arith.constant 320 : i32
    %mul3A_2 = arith.muli %add3A, %mul3A_1 : i32
    "tpu.region"() ({
      %run_scoped3A = tpu.sem_alloc : memref<!tpu.dma_semaphore, #tpu.memory_space<semaphore_mem>>
      %dma_start3A = tpu.memref_slice %arg2[%mul3A_2] : memref<20480xf32, #tpu.memory_space<hbm>> -> memref<320xf32, #tpu.memory_space<hbm>>
      %dma_start3A_502 = tpu.memref_slice %arg2[%mul3A_2] : memref<20480xf32, #tpu.memory_space<hbm>> -> memref<320xf32, #tpu.memory_space<hbm>>
      tpu.enqueue_dma source(%dma_start3A_502 : memref<320xf32, #tpu.memory_space<hbm>>) target(%arg7 : memref<320xf32, #tpu.memory_space<vmem>>) target_semaphore(%run_scoped3A : memref<!tpu.dma_semaphore, #tpu.memory_space<semaphore_mem>>)
      %dma_wait3A = tpu.memref_slice %arg2[%mul3A_2] : memref<20480xf32, #tpu.memory_space<hbm>> -> memref<320xf32, #tpu.memory_space<hbm>>
      %dma_wait3A_503 = tpu.memref_slice %arg2[%mul3A_2] : memref<20480xf32, #tpu.memory_space<hbm>> -> memref<320xf32, #tpu.memory_space<hbm>>
      tpu.wait_dma2 semaphore(%run_scoped3A : memref<!tpu.dma_semaphore, #tpu.memory_space<semaphore_mem>>) src(%dma_wait3A_503 : memref<320xf32, #tpu.memory_space<hbm>>) dst(%arg7 : memref<320xf32, #tpu.memory_space<vmem>>)
      tpu.yield
    }) : () -> ()
    %add3A_3 = arith.constant 10240 : i32
    %add3A_4 = arith.addi %add3A_3, %mul3A_2 : i32
    "tpu.region"() ({
      %run_scoped3A = tpu.sem_alloc : memref<!tpu.dma_semaphore, #tpu.memory_space<semaphore_mem>>
      %dma_start3A = tpu.memref_slice %arg2[%add3A_4] : memref<20480xf32, #tpu.memory_space<hbm>> -> memref<320xf32, #tpu.memory_space<hbm>>
      %dma_start3A_502 = tpu.memref_slice %arg2[%add3A_4] : memref<20480xf32, #tpu.memory_space<hbm>> -> memref<320xf32, #tpu.memory_space<hbm>>
      tpu.enqueue_dma source(%dma_start3A_502 : memref<320xf32, #tpu.memory_space<hbm>>) target(%arg8 : memref<320xf32, #tpu.memory_space<vmem>>) target_semaphore(%run_scoped3A : memref<!tpu.dma_semaphore, #tpu.memory_space<semaphore_mem>>)
      %dma_wait3A = tpu.memref_slice %arg2[%add3A_4] : memref<20480xf32, #tpu.memory_space<hbm>> -> memref<320xf32, #tpu.memory_space<hbm>>
      %dma_wait3A_503 = tpu.memref_slice %arg2[%add3A_4] : memref<20480xf32, #tpu.memory_space<hbm>> -> memref<320xf32, #tpu.memory_space<hbm>>
      tpu.wait_dma2 semaphore(%run_scoped3A : memref<!tpu.dma_semaphore, #tpu.memory_space<semaphore_mem>>) src(%dma_wait3A_503 : memref<320xf32, #tpu.memory_space<hbm>>) dst(%arg8 : memref<320xf32, #tpu.memory_space<vmem>>)
      tpu.yield
    }) : () -> ()
    "tpu.region"() ({
      %run_scoped3A = tpu.sem_alloc : memref<!tpu.dma_semaphore, #tpu.memory_space<semaphore_mem>>
      %dma_start3A = tpu.memref_slice %arg3[%mul3A_2] : memref<10240xf32, #tpu.memory_space<hbm>> -> memref<320xf32, #tpu.memory_space<hbm>>
      %dma_start3A_502 = tpu.memref_slice %arg3[%mul3A_2] : memref<10240xf32, #tpu.memory_space<hbm>> -> memref<320xf32, #tpu.memory_space<hbm>>
      tpu.enqueue_dma source(%dma_start3A_502 : memref<320xf32, #tpu.memory_space<hbm>>) target(%arg9 : memref<320xf32, #tpu.memory_space<vmem>>) target_semaphore(%run_scoped3A : memref<!tpu.dma_semaphore, #tpu.memory_space<semaphore_mem>>)
      %dma_wait3A = tpu.memref_slice %arg3[%mul3A_2] : memref<10240xf32, #tpu.memory_space<hbm>> -> memref<320xf32, #tpu.memory_space<hbm>>
      %dma_wait3A_503 = tpu.memref_slice %arg3[%mul3A_2] : memref<10240xf32, #tpu.memory_space<hbm>> -> memref<320xf32, #tpu.memory_space<hbm>>
      tpu.wait_dma2 semaphore(%run_scoped3A : memref<!tpu.dma_semaphore, #tpu.memory_space<semaphore_mem>>) src(%dma_wait3A_503 : memref<320xf32, #tpu.memory_space<hbm>>) dst(%arg9 : memref<320xf32, #tpu.memory_space<vmem>>)
      tpu.yield
    }) : () -> ()
    "tpu.region"() ({
      %run_scoped3A = tpu.sem_alloc : memref<!tpu.dma_semaphore, #tpu.memory_space<semaphore_mem>>
      %dma_start3A = tpu.memref_slice %arg4[%mul3A_2] : memref<10240xf32, #tpu.memory_space<hbm>> -> memref<320xf32, #tpu.memory_space<hbm>>
      %dma_start3A_502 = tpu.memref_slice %arg4[%mul3A_2] : memref<10240xf32, #tpu.memory_space<hbm>> -> memref<320xf32, #tpu.memory_space<hbm>>
      tpu.enqueue_dma source(%dma_start3A_502 : memref<320xf32, #tpu.memory_space<hbm>>) target(%arg10 : memref<320xf32, #tpu.memory_space<vmem>>) target_semaphore(%run_scoped3A : memref<!tpu.dma_semaphore, #tpu.memory_space<semaphore_mem>>)
      %dma_wait3A = tpu.memref_slice %arg4[%mul3A_2] : memref<10240xf32, #tpu.memory_space<hbm>> -> memref<320xf32, #tpu.memory_space<hbm>>
      %dma_wait3A_503 = tpu.memref_slice %arg4[%mul3A_2] : memref<10240xf32, #tpu.memory_space<hbm>> -> memref<320xf32, #tpu.memory_space<hbm>>
      tpu.wait_dma2 semaphore(%run_scoped3A : memref<!tpu.dma_semaphore, #tpu.memory_space<semaphore_mem>>) src(%dma_wait3A_503 : memref<320xf32, #tpu.memory_space<hbm>>) dst(%arg10 : memref<320xf32, #tpu.memory_space<vmem>>)
      tpu.yield
    }) : () -> ()
    %iota3A = tpu.iota {dimensions = array<i32: 0>} : vector<16xi32>
    %broadcast_in_dim3A = arith.constant 0.000000e+00 : f32
    %broadcast_in_dim3A_5 = vector.broadcast %broadcast_in_dim3A : f32 to vector<16xf32>
    %get3A = arith.constant 0 : index
    %get3A_6 = tpu.vector_load %arg9[%get3A] {strides = array<i32>} : memref<320xf32, #tpu.memory_space<vmem>>, vector<16xf32>,
    %get3A_7 = arith.constant 0 : index
    %get3A_8 = tpu.vector_load %arg7[%get3A_7] {strides = array<i32>} : memref<320xf32, #tpu.memory_space<vmem>>, vector<16xf32>,
    %add3A_9 = arith.addf %get3A_6, %get3A_8 : vector<16xf32>
    %get3A_10 = arith.constant 0 : index
    %get3A_11 = tpu.vector_load %arg8[%get3A_10] {strides = array<i32>} : memref<320xf32, #tpu.memory_space<vmem>>, vector<16xf32>,
    %add3A_12 = arith.addf %add3A_9, %get3A_11 : vector<16xf32>
    %swap3A = arith.constant 0 : index
    %swap3A_13 = tpu.vector_load %arg11[%swap3A] {strides = array<i32>} : memref<320xf32, #tpu.memory_space<vmem>>, vector<16xf32>,
    tpu.vector_store %arg11[%swap3A], %add3A_12 {strides = array<i32>} : memref<320xf32, #tpu.memory_space<vmem>>, vector<16xf32>,
    %add3A_14 = arith.constant 0 : i32
    %add3A_15 = arith.addi %mul3A_2, %add3A_14 : i32
    %add3A_16 = vector.broadcast %add3A_15 : i32 to vector<16xi32>
    %add3A_17 = arith.addi %add3A_16, %iota3A : vector<16xi32>
    %get3A_18 = arith.constant 0 : index
    %get3A_19 = tpu.vector_load %arg10[%get3A_18] {strides = array<i32>} : memref<320xf32, #tpu.memory_space<vmem>>, vector<16xf32>,
    %sub3A = arith.subf %get3A_19, %add3A_12 : vector<16xf32>
    %lt3A = arith.constant 10000 : i32
    %lt3A_20 = vector.broadcast %lt3A : i32 to vector<16xi32>
    %lt3A_21 = arith.cmpi slt, %add3A_17, %lt3A_20 : vector<16xi32>
    %mul3A_22 = arith.mulf %sub3A, %sub3A : vector<16xf32>
    %jit3A = arith.constant 0.000000e+00 : f32
    %broadcast_in_dim3A_23 = vector.broadcast %jit3A : f32 to vector<16xf32>
    %select_n3A = arith.select %lt3A_21, %mul3A_22, %broadcast_in_dim3A_23 : vector<16xi1>, vector<16xf32>
    %add3A_24 = arith.addf %broadcast_in_dim3A_5, %select_n3A : vector<16xf32>
    %get3A_25 = arith.constant 16 : index
    %get3A_26 = tpu.vector_load %arg9[%get3A_25] {strides = array<i32>} : memref<320xf32, #tpu.memory_space<vmem>>, vector<16xf32>,
    %get3A_27 = arith.constant 16 : index
    %get3A_28 = tpu.vector_load %arg7[%get3A_27] {strides = array<i32>} : memref<320xf32, #tpu.memory_space<vmem>>, vector<16xf32>,
    %add3A_29 = arith.addf %get3A_26, %get3A_28 : vector<16xf32>
    %get3A_30 = arith.constant 16 : index
    %get3A_31 = tpu.vector_load %arg8[%get3A_30] {strides = array<i32>} : memref<320xf32, #tpu.memory_space<vmem>>, vector<16xf32>,
    %add3A_32 = arith.addf %add3A_29, %get3A_31 : vector<16xf32>
    %swap3A_33 = arith.constant 16 : index
    %swap3A_34 = tpu.vector_load %arg11[%swap3A_33] {strides = array<i32>} : memref<320xf32, #tpu.memory_space<vmem>>, vector<16xf32>,
    tpu.vector_store %arg11[%swap3A_33], %add3A_32 {strides = array<i32>} : memref<320xf32, #tpu.memory_space<vmem>>, vector<16xf32>,
    %add3A_35 = arith.constant 16 : i32
    %add3A_36 = arith.addi %mul3A_2, %add3A_35 : i32
    %add3A_37 = vector.broadcast %add3A_36 : i32 to vector<16xi32>
    %add3A_38 = arith.addi %add3A_37, %iota3A : vector<16xi32>
    %get3A_39 = arith.constant 16 : index
    %get3A_40 = tpu.vector_load %arg10[%get3A_39] {strides = array<i32>} : memref<320xf32, #tpu.memory_space<vmem>>, vector<16xf32>,
    %sub3A_41 = arith.subf %get3A_40, %add3A_32 : vector<16xf32>
    %lt3A_42 = arith.constant 10000 : i32
    %lt3A_43 = vector.broadcast %lt3A_42 : i32 to vector<16xi32>
    %lt3A_44 = arith.cmpi slt, %add3A_38, %lt3A_43 : vector<16xi32>
    %mul3A_45 = arith.mulf %sub3A_41, %sub3A_41 : vector<16xf32>
    %jit3A_46 = arith.constant 0.000000e+00 : f32
    %broadcast_in_dim3A_47 = vector.broadcast %jit3A_46 : f32 to vector<16xf32>
    %select_n3A_48 = arith.select %lt3A_44, %mul3A_45, %broadcast_in_dim3A_47 : vector<16xi1>, vector<16xf32>
    %add3A_49 = arith.addf %add3A_24, %select_n3A_48 : vector<16xf32>
    %get3A_50 = arith.constant 32 : index
    %get3A_51 = tpu.vector_load %arg9[%get3A_50] {strides = array<i32>} : memref<320xf32, #tpu.memory_space<vmem>>, vector<16xf32>,
    %get3A_52 = arith.constant 32 : index
    %get3A_53 = tpu.vector_load %arg7[%get3A_52] {strides = array<i32>} : memref<320xf32, #tpu.memory_space<vmem>>, vector<16xf32>,
    %add3A_54 = arith.addf %get3A_51, %get3A_53 : vector<16xf32>
    %get3A_55 = arith.constant 32 : index
    %get3A_56 = tpu.vector_load %arg8[%get3A_55] {strides = array<i32>} : memref<320xf32, #tpu.memory_space<vmem>>, vector<16xf32>,
    %add3A_57 = arith.addf %add3A_54, %get3A_56 : vector<16xf32>
    %swap3A_58 = arith.constant 32 : index
    %swap3A_59 = tpu.vector_load %arg11[%swap3A_58] {strides = array<i32>} : memref<320xf32, #tpu.memory_space<vmem>>, vector<16xf32>,
    tpu.vector_store %arg11[%swap3A_58], %add3A_57 {strides = array<i32>} : memref<320xf32, #tpu.memory_space<vmem>>, vector<16xf32>,
    %add3A_60 = arith.constant 32 : i32
    %add3A_61 = arith.addi %mul3A_2, %add3A_60 : i32
    %add3A_62 = vector.broadcast %add3A_61 : i32 to vector<16xi32>
    %add3A_63 = arith.addi %add3A_62, %iota3A : vector<16xi32>
    %get3A_64 = arith.constant 32 : index
    %get3A_65 = tpu.vector_load %arg10[%get3A_64] {strides = array<i32>} : memref<320xf32, #tpu.memory_space<vmem>>, vector<16xf32>,
    %sub3A_66 = arith.subf %get3A_65, %add3A_57 : vector<16xf32>
    %lt3A_67 = arith.constant 10000 : i32
    %lt3A_68 = vector.broadcast %lt3A_67 : i32 to vector<16xi32>
    %lt3A_69 = arith.cmpi slt, %add3A_63, %lt3A_68 : vector<16xi32>
    %mul3A_70 = arith.mulf %sub3A_66, %sub3A_66 : vector<16xf32>
    %jit3A_71 = arith.constant 0.000000e+00 : f32
    %broadcast_in_dim3A_72 = vector.broadcast %jit3A_71 : f32 to vector<16xf32>
    %select_n3A_73 = arith.select %lt3A_69, %mul3A_70, %broadcast_in_dim3A_72 : vector<16xi1>, vector<16xf32>
    %add3A_74 = arith.addf %add3A_49, %select_n3A_73 : vector<16xf32>
    %get3A_75 = arith.constant 48 : index
    %get3A_76 = tpu.vector_load %arg9[%get3A_75] {strides = array<i32>} : memref<320xf32, #tpu.memory_space<vmem>>, vector<16xf32>,
    %get3A_77 = arith.constant 48 : index
    %get3A_78 = tpu.vector_load %arg7[%get3A_77] {strides = array<i32>} : memref<320xf32, #tpu.memory_space<vmem>>, vector<16xf32>,
    %add3A_79 = arith.addf %get3A_76, %get3A_78 : vector<16xf32>
    %get3A_80 = arith.constant 48 : index
    %get3A_81 = tpu.vector_load %arg8[%get3A_80] {strides = array<i32>} : memref<320xf32, #tpu.memory_space<vmem>>, vector<16xf32>,
    %add3A_82 = arith.addf %add3A_79, %get3A_81 : vector<16xf32>
    %swap3A_83 = arith.constant 48 : index
    %swap3A_84 = tpu.vector_load %arg11[%swap3A_83] {strides = array<i32>} : memref<320xf32, #tpu.memory_space<vmem>>, vector<16xf32>,
    tpu.vector_store %arg11[%swap3A_83], %add3A_82 {strides = array<i32>} : memref<320xf32, #tpu.memory_space<vmem>>, vector<16xf32>,
    %add3A_85 = arith.constant 48 : i32
    %add3A_86 = arith.addi %mul3A_2, %add3A_85 : i32
    %add3A_87 = vector.broadcast %add3A_86 : i32 to vector<16xi32>
    %add3A_88 = arith.addi %add3A_87, %iota3A : vector<16xi32>
    %get3A_89 = arith.constant 48 : index
    %get3A_90 = tpu.vector_load %arg10[%get3A_89] {strides = array<i32>} : memref<320xf32, #tpu.memory_space<vmem>>, vector<16xf32>,
    %sub3A_91 = arith.subf %get3A_90, %add3A_82 : vector<16xf32>
    %lt3A_92 = arith.constant 10000 : i32
    %lt3A_93 = vector.broadcast %lt3A_92 : i32 to vector<16xi32>
    %lt3A_94 = arith.cmpi slt, %add3A_88, %lt3A_93 : vector<16xi32>
    %mul3A_95 = arith.mulf %sub3A_91, %sub3A_91 : vector<16xf32>
    %jit3A_96 = arith.constant 0.000000e+00 : f32
    %broadcast_in_dim3A_97 = vector.broadcast %jit3A_96 : f32 to vector<16xf32>
    %select_n3A_98 = arith.select %lt3A_94, %mul3A_95, %broadcast_in_dim3A_97 : vector<16xi1>, vector<16xf32>
    %add3A_99 = arith.addf %add3A_74, %select_n3A_98 : vector<16xf32>
    %get3A_100 = arith.constant 64 : index
    %get3A_101 = tpu.vector_load %arg9[%get3A_100] {strides = array<i32>} : memref<320xf32, #tpu.memory_space<vmem>>, vector<16xf32>,
    %get3A_102 = arith.constant 64 : index
    %get3A_103 = tpu.vector_load %arg7[%get3A_102] {strides = array<i32>} : memref<320xf32, #tpu.memory_space<vmem>>, vector<16xf32>,
    %add3A_104 = arith.addf %get3A_101, %get3A_103 : vector<16xf32>
    %get3A_105 = arith.constant 64 : index
    %get3A_106 = tpu.vector_load %arg8[%get3A_105] {strides = array<i32>} : memref<320xf32, #tpu.memory_space<vmem>>, vector<16xf32>,
    %add3A_107 = arith.addf %add3A_104, %get3A_106 : vector<16xf32>
    %swap3A_108 = arith.constant 64 : index
    %swap3A_109 = tpu.vector_load %arg11[%swap3A_108] {strides = array<i32>} : memref<320xf32, #tpu.memory_space<vmem>>, vector<16xf32>,
    tpu.vector_store %arg11[%swap3A_108], %add3A_107 {strides = array<i32>} : memref<320xf32, #tpu.memory_space<vmem>>, vector<16xf32>,
    %add3A_110 = arith.constant 64 : i32
    %add3A_111 = arith.addi %mul3A_2, %add3A_110 : i32
    %add3A_112 = vector.broadcast %add3A_111 : i32 to vector<16xi32>
    %add3A_113 = arith.addi %add3A_112, %iota3A : vector<16xi32>
    %get3A_114 = arith.constant 64 : index
    %get3A_115 = tpu.vector_load %arg10[%get3A_114] {strides = array<i32>} : memref<320xf32, #tpu.memory_space<vmem>>, vector<16xf32>,
    %sub3A_116 = arith.subf %get3A_115, %add3A_107 : vector<16xf32>
    %lt3A_117 = arith.constant 10000 : i32
    %lt3A_118 = vector.broadcast %lt3A_117 : i32 to vector<16xi32>
    %lt3A_119 = arith.cmpi slt, %add3A_113, %lt3A_118 : vector<16xi32>
    %mul3A_120 = arith.mulf %sub3A_116, %sub3A_116 : vector<16xf32>
    %jit3A_121 = arith.constant 0.000000e+00 : f32
    %broadcast_in_dim3A_122 = vector.broadcast %jit3A_121 : f32 to vector<16xf32>
    %select_n3A_123 = arith.select %lt3A_119, %mul3A_120, %broadcast_in_dim3A_122 : vector<16xi1>, vector<16xf32>
    %add3A_124 = arith.addf %add3A_99, %select_n3A_123 : vector<16xf32>
    %get3A_125 = arith.constant 80 : index
    %get3A_126 = tpu.vector_load %arg9[%get3A_125] {strides = array<i32>} : memref<320xf32, #tpu.memory_space<vmem>>, vector<16xf32>,
    %get3A_127 = arith.constant 80 : index
    %get3A_128 = tpu.vector_load %arg7[%get3A_127] {strides = array<i32>} : memref<320xf32, #tpu.memory_space<vmem>>, vector<16xf32>,
    %add3A_129 = arith.addf %get3A_126, %get3A_128 : vector<16xf32>
    %get3A_130 = arith.constant 80 : index
    %get3A_131 = tpu.vector_load %arg8[%get3A_130] {strides = array<i32>} : memref<320xf32, #tpu.memory_space<vmem>>, vector<16xf32>,
    %add3A_132 = arith.addf %add3A_129, %get3A_131 : vector<16xf32>
    %swap3A_133 = arith.constant 80 : index
    %swap3A_134 = tpu.vector_load %arg11[%swap3A_133] {strides = array<i32>} : memref<320xf32, #tpu.memory_space<vmem>>, vector<16xf32>,
    tpu.vector_store %arg11[%swap3A_133], %add3A_132 {strides = array<i32>} : memref<320xf32, #tpu.memory_space<vmem>>, vector<16xf32>,
    %add3A_135 = arith.constant 80 : i32
    %add3A_136 = arith.addi %mul3A_2, %add3A_135 : i32
    %add3A_137 = vector.broadcast %add3A_136 : i32 to vector<16xi32>
    %add3A_138 = arith.addi %add3A_137, %iota3A : vector<16xi32>
    %get3A_139 = arith.constant 80 : index
    %get3A_140 = tpu.vector_load %arg10[%get3A_139] {strides = array<i32>} : memref<320xf32, #tpu.memory_space<vmem>>, vector<16xf32>,
    %sub3A_141 = arith.subf %get3A_140, %add3A_132 : vector<16xf32>
    %lt3A_142 = arith.constant 10000 : i32
    %lt3A_143 = vector.broadcast %lt3A_142 : i32 to vector<16xi32>
    %lt3A_144 = arith.cmpi slt, %add3A_138, %lt3A_143 : vector<16xi32>
    %mul3A_145 = arith.mulf %sub3A_141, %sub3A_141 : vector<16xf32>
    %jit3A_146 = arith.constant 0.000000e+00 : f32
    %broadcast_in_dim3A_147 = vector.broadcast %jit3A_146 : f32 to vector<16xf32>
    %select_n3A_148 = arith.select %lt3A_144, %mul3A_145, %broadcast_in_dim3A_147 : vector<16xi1>, vector<16xf32>
    %add3A_149 = arith.addf %add3A_124, %select_n3A_148 : vector<16xf32>
    %get3A_150 = arith.constant 96 : index
    %get3A_151 = tpu.vector_load %arg9[%get3A_150] {strides = array<i32>} : memref<320xf32, #tpu.memory_space<vmem>>, vector<16xf32>,
    %get3A_152 = arith.constant 96 : index
    %get3A_153 = tpu.vector_load %arg7[%get3A_152] {strides = array<i32>} : memref<320xf32, #tpu.memory_space<vmem>>, vector<16xf32>,
    %add3A_154 = arith.addf %get3A_151, %get3A_153 : vector<16xf32>
    %get3A_155 = arith.constant 96 : index
    %get3A_156 = tpu.vector_load %arg8[%get3A_155] {strides = array<i32>} : memref<320xf32, #tpu.memory_space<vmem>>, vector<16xf32>,
    %add3A_157 = arith.addf %add3A_154, %get3A_156 : vector<16xf32>
    %swap3A_158 = arith.constant 96 : index
    %swap3A_159 = tpu.vector_load %arg11[%swap3A_158] {strides = array<i32>} : memref<320xf32, #tpu.memory_space<vmem>>, vector<16xf32>,
    tpu.vector_store %arg11[%swap3A_158], %add3A_157 {strides = array<i32>} : memref<320xf32, #tpu.memory_space<vmem>>, vector<16xf32>,
    %add3A_160 = arith.constant 96 : i32
    %add3A_161 = arith.addi %mul3A_2, %add3A_160 : i32
    %add3A_162 = vector.broadcast %add3A_161 : i32 to vector<16xi32>
    %add3A_163 = arith.addi %add3A_162, %iota3A : vector<16xi32>
    %get3A_164 = arith.constant 96 : index
    %get3A_165 = tpu.vector_load %arg10[%get3A_164] {strides = array<i32>} : memref<320xf32, #tpu.memory_space<vmem>>, vector<16xf32>,
    %sub3A_166 = arith.subf %get3A_165, %add3A_157 : vector<16xf32>
    %lt3A_167 = arith.constant 10000 : i32
    %lt3A_168 = vector.broadcast %lt3A_167 : i32 to vector<16xi32>
    %lt3A_169 = arith.cmpi slt, %add3A_163, %lt3A_168 : vector<16xi32>
    %mul3A_170 = arith.mulf %sub3A_166, %sub3A_166 : vector<16xf32>
    %jit3A_171 = arith.constant 0.000000e+00 : f32
    %broadcast_in_dim3A_172 = vector.broadcast %jit3A_171 : f32 to vector<16xf32>
    %select_n3A_173 = arith.select %lt3A_169, %mul3A_170, %broadcast_in_dim3A_172 : vector<16xi1>, vector<16xf32>
    %add3A_174 = arith.addf %add3A_149, %select_n3A_173 : vector<16xf32>
    %get3A_175 = arith.constant 112 : index
    %get3A_176 = tpu.vector_load %arg9[%get3A_175] {strides = array<i32>} : memref<320xf32, #tpu.memory_space<vmem>>, vector<16xf32>,
    %get3A_177 = arith.constant 112 : index
    %get3A_178 = tpu.vector_load %arg7[%get3A_177] {strides = array<i32>} : memref<320xf32, #tpu.memory_space<vmem>>, vector<16xf32>,
    %add3A_179 = arith.addf %get3A_176, %get3A_178 : vector<16xf32>
    %get3A_180 = arith.constant 112 : index
    %get3A_181 = tpu.vector_load %arg8[%get3A_180] {strides = array<i32>} : memref<320xf32, #tpu.memory_space<vmem>>, vector<16xf32>,
    %add3A_182 = arith.addf %add3A_179, %get3A_181 : vector<16xf32>
    %swap3A_183 = arith.constant 112 : index
    %swap3A_184 = tpu.vector_load %arg11[%swap3A_183] {strides = array<i32>} : memref<320xf32, #tpu.memory_space<vmem>>, vector<16xf32>,
    tpu.vector_store %arg11[%swap3A_183], %add3A_182 {strides = array<i32>} : memref<320xf32, #tpu.memory_space<vmem>>, vector<16xf32>,
    %add3A_185 = arith.constant 112 : i32
    %add3A_186 = arith.addi %mul3A_2, %add3A_185 : i32
    %add3A_187 = vector.broadcast %add3A_186 : i32 to vector<16xi32>
    %add3A_188 = arith.addi %add3A_187, %iota3A : vector<16xi32>
    %get3A_189 = arith.constant 112 : index
    %get3A_190 = tpu.vector_load %arg10[%get3A_189] {strides = array<i32>} : memref<320xf32, #tpu.memory_space<vmem>>, vector<16xf32>,
    %sub3A_191 = arith.subf %get3A_190, %add3A_182 : vector<16xf32>
    %lt3A_192 = arith.constant 10000 : i32
    %lt3A_193 = vector.broadcast %lt3A_192 : i32 to vector<16xi32>
    %lt3A_194 = arith.cmpi slt, %add3A_188, %lt3A_193 : vector<16xi32>
    %mul3A_195 = arith.mulf %sub3A_191, %sub3A_191 : vector<16xf32>
    %jit3A_196 = arith.constant 0.000000e+00 : f32
    %broadcast_in_dim3A_197 = vector.broadcast %jit3A_196 : f32 to vector<16xf32>
    %select_n3A_198 = arith.select %lt3A_194, %mul3A_195, %broadcast_in_dim3A_197 : vector<16xi1>, vector<16xf32>
    %add3A_199 = arith.addf %add3A_174, %select_n3A_198 : vector<16xf32>
    %get3A_200 = arith.constant 128 : index
    %get3A_201 = tpu.vector_load %arg9[%get3A_200] {strides = array<i32>} : memref<320xf32, #tpu.memory_space<vmem>>, vector<16xf32>,
    %get3A_202 = arith.constant 128 : index
    %get3A_203 = tpu.vector_load %arg7[%get3A_202] {strides = array<i32>} : memref<320xf32, #tpu.memory_space<vmem>>, vector<16xf32>,
    %add3A_204 = arith.addf %get3A_201, %get3A_203 : vector<16xf32>
    %get3A_205 = arith.constant 128 : index
    %get3A_206 = tpu.vector_load %arg8[%get3A_205] {strides = array<i32>} : memref<320xf32, #tpu.memory_space<vmem>>, vector<16xf32>,
    %add3A_207 = arith.addf %add3A_204, %get3A_206 : vector<16xf32>
    %swap3A_208 = arith.constant 128 : index
    %swap3A_209 = tpu.vector_load %arg11[%swap3A_208] {strides = array<i32>} : memref<320xf32, #tpu.memory_space<vmem>>, vector<16xf32>,
    tpu.vector_store %arg11[%swap3A_208], %add3A_207 {strides = array<i32>} : memref<320xf32, #tpu.memory_space<vmem>>, vector<16xf32>,
    %add3A_210 = arith.constant 128 : i32
    %add3A_211 = arith.addi %mul3A_2, %add3A_210 : i32
    %add3A_212 = vector.broadcast %add3A_211 : i32 to vector<16xi32>
    %add3A_213 = arith.addi %add3A_212, %iota3A : vector<16xi32>
    %get3A_214 = arith.constant 128 : index
    %get3A_215 = tpu.vector_load %arg10[%get3A_214] {strides = array<i32>} : memref<320xf32, #tpu.memory_space<vmem>>, vector<16xf32>,
    %sub3A_216 = arith.subf %get3A_215, %add3A_207 : vector<16xf32>
    %lt3A_217 = arith.constant 10000 : i32
    %lt3A_218 = vector.broadcast %lt3A_217 : i32 to vector<16xi32>
    %lt3A_219 = arith.cmpi slt, %add3A_213, %lt3A_218 : vector<16xi32>
    %mul3A_220 = arith.mulf %sub3A_216, %sub3A_216 : vector<16xf32>
    %jit3A_221 = arith.constant 0.000000e+00 : f32
    %broadcast_in_dim3A_222 = vector.broadcast %jit3A_221 : f32 to vector<16xf32>
    %select_n3A_223 = arith.select %lt3A_219, %mul3A_220, %broadcast_in_dim3A_222 : vector<16xi1>, vector<16xf32>
    %add3A_224 = arith.addf %add3A_199, %select_n3A_223 : vector<16xf32>
    %get3A_225 = arith.constant 144 : index
    %get3A_226 = tpu.vector_load %arg9[%get3A_225] {strides = array<i32>} : memref<320xf32, #tpu.memory_space<vmem>>, vector<16xf32>,
    %get3A_227 = arith.constant 144 : index
    %get3A_228 = tpu.vector_load %arg7[%get3A_227] {strides = array<i32>} : memref<320xf32, #tpu.memory_space<vmem>>, vector<16xf32>,
    %add3A_229 = arith.addf %get3A_226, %get3A_228 : vector<16xf32>
    %get3A_230 = arith.constant 144 : index
    %get3A_231 = tpu.vector_load %arg8[%get3A_230] {strides = array<i32>} : memref<320xf32, #tpu.memory_space<vmem>>, vector<16xf32>,
    %add3A_232 = arith.addf %add3A_229, %get3A_231 : vector<16xf32>
    %swap3A_233 = arith.constant 144 : index
    %swap3A_234 = tpu.vector_load %arg11[%swap3A_233] {strides = array<i32>} : memref<320xf32, #tpu.memory_space<vmem>>, vector<16xf32>,
    tpu.vector_store %arg11[%swap3A_233], %add3A_232 {strides = array<i32>} : memref<320xf32, #tpu.memory_space<vmem>>, vector<16xf32>,
    %add3A_235 = arith.constant 144 : i32
    %add3A_236 = arith.addi %mul3A_2, %add3A_235 : i32
    %add3A_237 = vector.broadcast %add3A_236 : i32 to vector<16xi32>
    %add3A_238 = arith.addi %add3A_237, %iota3A : vector<16xi32>
    %get3A_239 = arith.constant 144 : index
    %get3A_240 = tpu.vector_load %arg10[%get3A_239] {strides = array<i32>} : memref<320xf32, #tpu.memory_space<vmem>>, vector<16xf32>,
    %sub3A_241 = arith.subf %get3A_240, %add3A_232 : vector<16xf32>
    %lt3A_242 = arith.constant 10000 : i32
    %lt3A_243 = vector.broadcast %lt3A_242 : i32 to vector<16xi32>
    %lt3A_244 = arith.cmpi slt, %add3A_238, %lt3A_243 : vector<16xi32>
    %mul3A_245 = arith.mulf %sub3A_241, %sub3A_241 : vector<16xf32>
    %jit3A_246 = arith.constant 0.000000e+00 : f32
    %broadcast_in_dim3A_247 = vector.broadcast %jit3A_246 : f32 to vector<16xf32>
    %select_n3A_248 = arith.select %lt3A_244, %mul3A_245, %broadcast_in_dim3A_247 : vector<16xi1>, vector<16xf32>
    %add3A_249 = arith.addf %add3A_224, %select_n3A_248 : vector<16xf32>
    %get3A_250 = arith.constant 160 : index
    %get3A_251 = tpu.vector_load %arg9[%get3A_250] {strides = array<i32>} : memref<320xf32, #tpu.memory_space<vmem>>, vector<16xf32>,
    %get3A_252 = arith.constant 160 : index
    %get3A_253 = tpu.vector_load %arg7[%get3A_252] {strides = array<i32>} : memref<320xf32, #tpu.memory_space<vmem>>, vector<16xf32>,
    %add3A_254 = arith.addf %get3A_251, %get3A_253 : vector<16xf32>
    %get3A_255 = arith.constant 160 : index
    %get3A_256 = tpu.vector_load %arg8[%get3A_255] {strides = array<i32>} : memref<320xf32, #tpu.memory_space<vmem>>, vector<16xf32>,
    %add3A_257 = arith.addf %add3A_254, %get3A_256 : vector<16xf32>
    %swap3A_258 = arith.constant 160 : index
    %swap3A_259 = tpu.vector_load %arg11[%swap3A_258] {strides = array<i32>} : memref<320xf32, #tpu.memory_space<vmem>>, vector<16xf32>,
    tpu.vector_store %arg11[%swap3A_258], %add3A_257 {strides = array<i32>} : memref<320xf32, #tpu.memory_space<vmem>>, vector<16xf32>,
    %add3A_260 = arith.constant 160 : i32
    %add3A_261 = arith.addi %mul3A_2, %add3A_260 : i32
    %add3A_262 = vector.broadcast %add3A_261 : i32 to vector<16xi32>
    %add3A_263 = arith.addi %add3A_262, %iota3A : vector<16xi32>
    %get3A_264 = arith.constant 160 : index
    %get3A_265 = tpu.vector_load %arg10[%get3A_264] {strides = array<i32>} : memref<320xf32, #tpu.memory_space<vmem>>, vector<16xf32>,
    %sub3A_266 = arith.subf %get3A_265, %add3A_257 : vector<16xf32>
    %lt3A_267 = arith.constant 10000 : i32
    %lt3A_268 = vector.broadcast %lt3A_267 : i32 to vector<16xi32>
    %lt3A_269 = arith.cmpi slt, %add3A_263, %lt3A_268 : vector<16xi32>
    %mul3A_270 = arith.mulf %sub3A_266, %sub3A_266 : vector<16xf32>
    %jit3A_271 = arith.constant 0.000000e+00 : f32
    %broadcast_in_dim3A_272 = vector.broadcast %jit3A_271 : f32 to vector<16xf32>
    %select_n3A_273 = arith.select %lt3A_269, %mul3A_270, %broadcast_in_dim3A_272 : vector<16xi1>, vector<16xf32>
    %add3A_274 = arith.addf %add3A_249, %select_n3A_273 : vector<16xf32>
    %get3A_275 = arith.constant 176 : index
    %get3A_276 = tpu.vector_load %arg9[%get3A_275] {strides = array<i32>} : memref<320xf32, #tpu.memory_space<vmem>>, vector<16xf32>,
    %get3A_277 = arith.constant 176 : index
    %get3A_278 = tpu.vector_load %arg7[%get3A_277] {strides = array<i32>} : memref<320xf32, #tpu.memory_space<vmem>>, vector<16xf32>,
    %add3A_279 = arith.addf %get3A_276, %get3A_278 : vector<16xf32>
    %get3A_280 = arith.constant 176 : index
    %get3A_281 = tpu.vector_load %arg8[%get3A_280] {strides = array<i32>} : memref<320xf32, #tpu.memory_space<vmem>>, vector<16xf32>,
    %add3A_282 = arith.addf %add3A_279, %get3A_281 : vector<16xf32>
    %swap3A_283 = arith.constant 176 : index
    %swap3A_284 = tpu.vector_load %arg11[%swap3A_283] {strides = array<i32>} : memref<320xf32, #tpu.memory_space<vmem>>, vector<16xf32>,
    tpu.vector_store %arg11[%swap3A_283], %add3A_282 {strides = array<i32>} : memref<320xf32, #tpu.memory_space<vmem>>, vector<16xf32>,
    %add3A_285 = arith.constant 176 : i32
    %add3A_286 = arith.addi %mul3A_2, %add3A_285 : i32
    %add3A_287 = vector.broadcast %add3A_286 : i32 to vector<16xi32>
    %add3A_288 = arith.addi %add3A_287, %iota3A : vector<16xi32>
    %get3A_289 = arith.constant 176 : index
    %get3A_290 = tpu.vector_load %arg10[%get3A_289] {strides = array<i32>} : memref<320xf32, #tpu.memory_space<vmem>>, vector<16xf32>,
    %sub3A_291 = arith.subf %get3A_290, %add3A_282 : vector<16xf32>
    %lt3A_292 = arith.constant 10000 : i32
    %lt3A_293 = vector.broadcast %lt3A_292 : i32 to vector<16xi32>
    %lt3A_294 = arith.cmpi slt, %add3A_288, %lt3A_293 : vector<16xi32>
    %mul3A_295 = arith.mulf %sub3A_291, %sub3A_291 : vector<16xf32>
    %jit3A_296 = arith.constant 0.000000e+00 : f32
    %broadcast_in_dim3A_297 = vector.broadcast %jit3A_296 : f32 to vector<16xf32>
    %select_n3A_298 = arith.select %lt3A_294, %mul3A_295, %broadcast_in_dim3A_297 : vector<16xi1>, vector<16xf32>
    %add3A_299 = arith.addf %add3A_274, %select_n3A_298 : vector<16xf32>
    %get3A_300 = arith.constant 192 : index
    %get3A_301 = tpu.vector_load %arg9[%get3A_300] {strides = array<i32>} : memref<320xf32, #tpu.memory_space<vmem>>, vector<16xf32>,
    %get3A_302 = arith.constant 192 : index
    %get3A_303 = tpu.vector_load %arg7[%get3A_302] {strides = array<i32>} : memref<320xf32, #tpu.memory_space<vmem>>, vector<16xf32>,
    %add3A_304 = arith.addf %get3A_301, %get3A_303 : vector<16xf32>
    %get3A_305 = arith.constant 192 : index
    %get3A_306 = tpu.vector_load %arg8[%get3A_305] {strides = array<i32>} : memref<320xf32, #tpu.memory_space<vmem>>, vector<16xf32>,
    %add3A_307 = arith.addf %add3A_304, %get3A_306 : vector<16xf32>
    %swap3A_308 = arith.constant 192 : index
    %swap3A_309 = tpu.vector_load %arg11[%swap3A_308] {strides = array<i32>} : memref<320xf32, #tpu.memory_space<vmem>>, vector<16xf32>,
    tpu.vector_store %arg11[%swap3A_308], %add3A_307 {strides = array<i32>} : memref<320xf32, #tpu.memory_space<vmem>>, vector<16xf32>,
    %add3A_310 = arith.constant 192 : i32
    %add3A_311 = arith.addi %mul3A_2, %add3A_310 : i32
    %add3A_312 = vector.broadcast %add3A_311 : i32 to vector<16xi32>
    %add3A_313 = arith.addi %add3A_312, %iota3A : vector<16xi32>
    %get3A_314 = arith.constant 192 : index
    %get3A_315 = tpu.vector_load %arg10[%get3A_314] {strides = array<i32>} : memref<320xf32, #tpu.memory_space<vmem>>, vector<16xf32>,
    %sub3A_316 = arith.subf %get3A_315, %add3A_307 : vector<16xf32>
    %lt3A_317 = arith.constant 10000 : i32
    %lt3A_318 = vector.broadcast %lt3A_317 : i32 to vector<16xi32>
    %lt3A_319 = arith.cmpi slt, %add3A_313, %lt3A_318 : vector<16xi32>
    %mul3A_320 = arith.mulf %sub3A_316, %sub3A_316 : vector<16xf32>
    %jit3A_321 = arith.constant 0.000000e+00 : f32
    %broadcast_in_dim3A_322 = vector.broadcast %jit3A_321 : f32 to vector<16xf32>
    %select_n3A_323 = arith.select %lt3A_319, %mul3A_320, %broadcast_in_dim3A_322 : vector<16xi1>, vector<16xf32>
    %add3A_324 = arith.addf %add3A_299, %select_n3A_323 : vector<16xf32>
    %get3A_325 = arith.constant 208 : index
    %get3A_326 = tpu.vector_load %arg9[%get3A_325] {strides = array<i32>} : memref<320xf32, #tpu.memory_space<vmem>>, vector<16xf32>,
    %get3A_327 = arith.constant 208 : index
    %get3A_328 = tpu.vector_load %arg7[%get3A_327] {strides = array<i32>} : memref<320xf32, #tpu.memory_space<vmem>>, vector<16xf32>,
    %add3A_329 = arith.addf %get3A_326, %get3A_328 : vector<16xf32>
    %get3A_330 = arith.constant 208 : index
    %get3A_331 = tpu.vector_load %arg8[%get3A_330] {strides = array<i32>} : memref<320xf32, #tpu.memory_space<vmem>>, vector<16xf32>,
    %add3A_332 = arith.addf %add3A_329, %get3A_331 : vector<16xf32>
    %swap3A_333 = arith.constant 208 : index
    %swap3A_334 = tpu.vector_load %arg11[%swap3A_333] {strides = array<i32>} : memref<320xf32, #tpu.memory_space<vmem>>, vector<16xf32>,
    tpu.vector_store %arg11[%swap3A_333], %add3A_332 {strides = array<i32>} : memref<320xf32, #tpu.memory_space<vmem>>, vector<16xf32>,
    %add3A_335 = arith.constant 208 : i32
    %add3A_336 = arith.addi %mul3A_2, %add3A_335 : i32
    %add3A_337 = vector.broadcast %add3A_336 : i32 to vector<16xi32>
    %add3A_338 = arith.addi %add3A_337, %iota3A : vector<16xi32>
    %get3A_339 = arith.constant 208 : index
    %get3A_340 = tpu.vector_load %arg10[%get3A_339] {strides = array<i32>} : memref<320xf32, #tpu.memory_space<vmem>>, vector<16xf32>,
    %sub3A_341 = arith.subf %get3A_340, %add3A_332 : vector<16xf32>
    %lt3A_342 = arith.constant 10000 : i32
    %lt3A_343 = vector.broadcast %lt3A_342 : i32 to vector<16xi32>
    %lt3A_344 = arith.cmpi slt, %add3A_338, %lt3A_343 : vector<16xi32>
    %mul3A_345 = arith.mulf %sub3A_341, %sub3A_341 : vector<16xf32>
    %jit3A_346 = arith.constant 0.000000e+00 : f32
    %broadcast_in_dim3A_347 = vector.broadcast %jit3A_346 : f32 to vector<16xf32>
    %select_n3A_348 = arith.select %lt3A_344, %mul3A_345, %broadcast_in_dim3A_347 : vector<16xi1>, vector<16xf32>
    %add3A_349 = arith.addf %add3A_324, %select_n3A_348 : vector<16xf32>
    %get3A_350 = arith.constant 224 : index
    %get3A_351 = tpu.vector_load %arg9[%get3A_350] {strides = array<i32>} : memref<320xf32, #tpu.memory_space<vmem>>, vector<16xf32>,
    %get3A_352 = arith.constant 224 : index
    %get3A_353 = tpu.vector_load %arg7[%get3A_352] {strides = array<i32>} : memref<320xf32, #tpu.memory_space<vmem>>, vector<16xf32>,
    %add3A_354 = arith.addf %get3A_351, %get3A_353 : vector<16xf32>
    %get3A_355 = arith.constant 224 : index
    %get3A_356 = tpu.vector_load %arg8[%get3A_355] {strides = array<i32>} : memref<320xf32, #tpu.memory_space<vmem>>, vector<16xf32>,
    %add3A_357 = arith.addf %add3A_354, %get3A_356 : vector<16xf32>
    %swap3A_358 = arith.constant 224 : index
    %swap3A_359 = tpu.vector_load %arg11[%swap3A_358] {strides = array<i32>} : memref<320xf32, #tpu.memory_space<vmem>>, vector<16xf32>,
    tpu.vector_store %arg11[%swap3A_358], %add3A_357 {strides = array<i32>} : memref<320xf32, #tpu.memory_space<vmem>>, vector<16xf32>,
    %add3A_360 = arith.constant 224 : i32
    %add3A_361 = arith.addi %mul3A_2, %add3A_360 : i32
    %add3A_362 = vector.broadcast %add3A_361 : i32 to vector<16xi32>
    %add3A_363 = arith.addi %add3A_362, %iota3A : vector<16xi32>
    %get3A_364 = arith.constant 224 : index
    %get3A_365 = tpu.vector_load %arg10[%get3A_364] {strides = array<i32>} : memref<320xf32, #tpu.memory_space<vmem>>, vector<16xf32>,
    %sub3A_366 = arith.subf %get3A_365, %add3A_357 : vector<16xf32>
    %lt3A_367 = arith.constant 10000 : i32
    %lt3A_368 = vector.broadcast %lt3A_367 : i32 to vector<16xi32>
    %lt3A_369 = arith.cmpi slt, %add3A_363, %lt3A_368 : vector<16xi32>
    %mul3A_370 = arith.mulf %sub3A_366, %sub3A_366 : vector<16xf32>
    %jit3A_371 = arith.constant 0.000000e+00 : f32
    %broadcast_in_dim3A_372 = vector.broadcast %jit3A_371 : f32 to vector<16xf32>
    %select_n3A_373 = arith.select %lt3A_369, %mul3A_370, %broadcast_in_dim3A_372 : vector<16xi1>, vector<16xf32>
    %add3A_374 = arith.addf %add3A_349, %select_n3A_373 : vector<16xf32>
    %get3A_375 = arith.constant 240 : index
    %get3A_376 = tpu.vector_load %arg9[%get3A_375] {strides = array<i32>} : memref<320xf32, #tpu.memory_space<vmem>>, vector<16xf32>,
    %get3A_377 = arith.constant 240 : index
    %get3A_378 = tpu.vector_load %arg7[%get3A_377] {strides = array<i32>} : memref<320xf32, #tpu.memory_space<vmem>>, vector<16xf32>,
    %add3A_379 = arith.addf %get3A_376, %get3A_378 : vector<16xf32>
    %get3A_380 = arith.constant 240 : index
    %get3A_381 = tpu.vector_load %arg8[%get3A_380] {strides = array<i32>} : memref<320xf32, #tpu.memory_space<vmem>>, vector<16xf32>,
    %add3A_382 = arith.addf %add3A_379, %get3A_381 : vector<16xf32>
    %swap3A_383 = arith.constant 240 : index
    %swap3A_384 = tpu.vector_load %arg11[%swap3A_383] {strides = array<i32>} : memref<320xf32, #tpu.memory_space<vmem>>, vector<16xf32>,
    tpu.vector_store %arg11[%swap3A_383], %add3A_382 {strides = array<i32>} : memref<320xf32, #tpu.memory_space<vmem>>, vector<16xf32>,
    %add3A_385 = arith.constant 240 : i32
    %add3A_386 = arith.addi %mul3A_2, %add3A_385 : i32
    %add3A_387 = vector.broadcast %add3A_386 : i32 to vector<16xi32>
    %add3A_388 = arith.addi %add3A_387, %iota3A : vector<16xi32>
    %get3A_389 = arith.constant 240 : index
    %get3A_390 = tpu.vector_load %arg10[%get3A_389] {strides = array<i32>} : memref<320xf32, #tpu.memory_space<vmem>>, vector<16xf32>,
    %sub3A_391 = arith.subf %get3A_390, %add3A_382 : vector<16xf32>
    %lt3A_392 = arith.constant 10000 : i32
    %lt3A_393 = vector.broadcast %lt3A_392 : i32 to vector<16xi32>
    %lt3A_394 = arith.cmpi slt, %add3A_388, %lt3A_393 : vector<16xi32>
    %mul3A_395 = arith.mulf %sub3A_391, %sub3A_391 : vector<16xf32>
    %jit3A_396 = arith.constant 0.000000e+00 : f32
    %broadcast_in_dim3A_397 = vector.broadcast %jit3A_396 : f32 to vector<16xf32>
    %select_n3A_398 = arith.select %lt3A_394, %mul3A_395, %broadcast_in_dim3A_397 : vector<16xi1>, vector<16xf32>
    %add3A_399 = arith.addf %add3A_374, %select_n3A_398 : vector<16xf32>
    %get3A_400 = arith.constant 256 : index
    %get3A_401 = tpu.vector_load %arg9[%get3A_400] {strides = array<i32>} : memref<320xf32, #tpu.memory_space<vmem>>, vector<16xf32>,
    %get3A_402 = arith.constant 256 : index
    %get3A_403 = tpu.vector_load %arg7[%get3A_402] {strides = array<i32>} : memref<320xf32, #tpu.memory_space<vmem>>, vector<16xf32>,
    %add3A_404 = arith.addf %get3A_401, %get3A_403 : vector<16xf32>
    %get3A_405 = arith.constant 256 : index
    %get3A_406 = tpu.vector_load %arg8[%get3A_405] {strides = array<i32>} : memref<320xf32, #tpu.memory_space<vmem>>, vector<16xf32>,
    %add3A_407 = arith.addf %add3A_404, %get3A_406 : vector<16xf32>
    %swap3A_408 = arith.constant 256 : index
    %swap3A_409 = tpu.vector_load %arg11[%swap3A_408] {strides = array<i32>} : memref<320xf32, #tpu.memory_space<vmem>>, vector<16xf32>,
    tpu.vector_store %arg11[%swap3A_408], %add3A_407 {strides = array<i32>} : memref<320xf32, #tpu.memory_space<vmem>>, vector<16xf32>,
    %add3A_410 = arith.constant 256 : i32
    %add3A_411 = arith.addi %mul3A_2, %add3A_410 : i32
    %add3A_412 = vector.broadcast %add3A_411 : i32 to vector<16xi32>
    %add3A_413 = arith.addi %add3A_412, %iota3A : vector<16xi32>
    %get3A_414 = arith.constant 256 : index
    %get3A_415 = tpu.vector_load %arg10[%get3A_414] {strides = array<i32>} : memref<320xf32, #tpu.memory_space<vmem>>, vector<16xf32>,
    %sub3A_416 = arith.subf %get3A_415, %add3A_407 : vector<16xf32>
    %lt3A_417 = arith.constant 10000 : i32
    %lt3A_418 = vector.broadcast %lt3A_417 : i32 to vector<16xi32>
    %lt3A_419 = arith.cmpi slt, %add3A_413, %lt3A_418 : vector<16xi32>
    %mul3A_420 = arith.mulf %sub3A_416, %sub3A_416 : vector<16xf32>
    %jit3A_421 = arith.constant 0.000000e+00 : f32
    %broadcast_in_dim3A_422 = vector.broadcast %jit3A_421 : f32 to vector<16xf32>
    %select_n3A_423 = arith.select %lt3A_419, %mul3A_420, %broadcast_in_dim3A_422 : vector<16xi1>, vector<16xf32>
    %add3A_424 = arith.addf %add3A_399, %select_n3A_423 : vector<16xf32>
    %get3A_425 = arith.constant 272 : index
    %get3A_426 = tpu.vector_load %arg9[%get3A_425] {strides = array<i32>} : memref<320xf32, #tpu.memory_space<vmem>>, vector<16xf32>,
    %get3A_427 = arith.constant 272 : index
    %get3A_428 = tpu.vector_load %arg7[%get3A_427] {strides = array<i32>} : memref<320xf32, #tpu.memory_space<vmem>>, vector<16xf32>,
    %add3A_429 = arith.addf %get3A_426, %get3A_428 : vector<16xf32>
    %get3A_430 = arith.constant 272 : index
    %get3A_431 = tpu.vector_load %arg8[%get3A_430] {strides = array<i32>} : memref<320xf32, #tpu.memory_space<vmem>>, vector<16xf32>,
    %add3A_432 = arith.addf %add3A_429, %get3A_431 : vector<16xf32>
    %swap3A_433 = arith.constant 272 : index
    %swap3A_434 = tpu.vector_load %arg11[%swap3A_433] {strides = array<i32>} : memref<320xf32, #tpu.memory_space<vmem>>, vector<16xf32>,
    tpu.vector_store %arg11[%swap3A_433], %add3A_432 {strides = array<i32>} : memref<320xf32, #tpu.memory_space<vmem>>, vector<16xf32>,
    %add3A_435 = arith.constant 272 : i32
    %add3A_436 = arith.addi %mul3A_2, %add3A_435 : i32
    %add3A_437 = vector.broadcast %add3A_436 : i32 to vector<16xi32>
    %add3A_438 = arith.addi %add3A_437, %iota3A : vector<16xi32>
    %get3A_439 = arith.constant 272 : index
    %get3A_440 = tpu.vector_load %arg10[%get3A_439] {strides = array<i32>} : memref<320xf32, #tpu.memory_space<vmem>>, vector<16xf32>,
    %sub3A_441 = arith.subf %get3A_440, %add3A_432 : vector<16xf32>
    %lt3A_442 = arith.constant 10000 : i32
    %lt3A_443 = vector.broadcast %lt3A_442 : i32 to vector<16xi32>
    %lt3A_444 = arith.cmpi slt, %add3A_438, %lt3A_443 : vector<16xi32>
    %mul3A_445 = arith.mulf %sub3A_441, %sub3A_441 : vector<16xf32>
    %jit3A_446 = arith.constant 0.000000e+00 : f32
    %broadcast_in_dim3A_447 = vector.broadcast %jit3A_446 : f32 to vector<16xf32>
    %select_n3A_448 = arith.select %lt3A_444, %mul3A_445, %broadcast_in_dim3A_447 : vector<16xi1>, vector<16xf32>
    %add3A_449 = arith.addf %add3A_424, %select_n3A_448 : vector<16xf32>
    %get3A_450 = arith.constant 288 : index
    %get3A_451 = tpu.vector_load %arg9[%get3A_450] {strides = array<i32>} : memref<320xf32, #tpu.memory_space<vmem>>, vector<16xf32>,
    %get3A_452 = arith.constant 288 : index
    %get3A_453 = tpu.vector_load %arg7[%get3A_452] {strides = array<i32>} : memref<320xf32, #tpu.memory_space<vmem>>, vector<16xf32>,
    %add3A_454 = arith.addf %get3A_451, %get3A_453 : vector<16xf32>
    %get3A_455 = arith.constant 288 : index
    %get3A_456 = tpu.vector_load %arg8[%get3A_455] {strides = array<i32>} : memref<320xf32, #tpu.memory_space<vmem>>, vector<16xf32>,
    %add3A_457 = arith.addf %add3A_454, %get3A_456 : vector<16xf32>
    %swap3A_458 = arith.constant 288 : index
    %swap3A_459 = tpu.vector_load %arg11[%swap3A_458] {strides = array<i32>} : memref<320xf32, #tpu.memory_space<vmem>>, vector<16xf32>,
    tpu.vector_store %arg11[%swap3A_458], %add3A_457 {strides = array<i32>} : memref<320xf32, #tpu.memory_space<vmem>>, vector<16xf32>,
    %add3A_460 = arith.constant 288 : i32
    %add3A_461 = arith.addi %mul3A_2, %add3A_460 : i32
    %add3A_462 = vector.broadcast %add3A_461 : i32 to vector<16xi32>
    %add3A_463 = arith.addi %add3A_462, %iota3A : vector<16xi32>
    %get3A_464 = arith.constant 288 : index
    %get3A_465 = tpu.vector_load %arg10[%get3A_464] {strides = array<i32>} : memref<320xf32, #tpu.memory_space<vmem>>, vector<16xf32>,
    %sub3A_466 = arith.subf %get3A_465, %add3A_457 : vector<16xf32>
    %lt3A_467 = arith.constant 10000 : i32
    %lt3A_468 = vector.broadcast %lt3A_467 : i32 to vector<16xi32>
    %lt3A_469 = arith.cmpi slt, %add3A_463, %lt3A_468 : vector<16xi32>
    %mul3A_470 = arith.mulf %sub3A_466, %sub3A_466 : vector<16xf32>
    %jit3A_471 = arith.constant 0.000000e+00 : f32
    %broadcast_in_dim3A_472 = vector.broadcast %jit3A_471 : f32 to vector<16xf32>
    %select_n3A_473 = arith.select %lt3A_469, %mul3A_470, %broadcast_in_dim3A_472 : vector<16xi1>, vector<16xf32>
    %add3A_474 = arith.addf %add3A_449, %select_n3A_473 : vector<16xf32>
    %get3A_475 = arith.constant 304 : index
    %get3A_476 = tpu.vector_load %arg9[%get3A_475] {strides = array<i32>} : memref<320xf32, #tpu.memory_space<vmem>>, vector<16xf32>,
    %get3A_477 = arith.constant 304 : index
    %get3A_478 = tpu.vector_load %arg7[%get3A_477] {strides = array<i32>} : memref<320xf32, #tpu.memory_space<vmem>>, vector<16xf32>,
    %add3A_479 = arith.addf %get3A_476, %get3A_478 : vector<16xf32>
    %get3A_480 = arith.constant 304 : index
    %get3A_481 = tpu.vector_load %arg8[%get3A_480] {strides = array<i32>} : memref<320xf32, #tpu.memory_space<vmem>>, vector<16xf32>,
    %add3A_482 = arith.addf %add3A_479, %get3A_481 : vector<16xf32>
    %swap3A_483 = arith.constant 304 : index
    %swap3A_484 = tpu.vector_load %arg11[%swap3A_483] {strides = array<i32>} : memref<320xf32, #tpu.memory_space<vmem>>, vector<16xf32>,
    tpu.vector_store %arg11[%swap3A_483], %add3A_482 {strides = array<i32>} : memref<320xf32, #tpu.memory_space<vmem>>, vector<16xf32>,
    %add3A_485 = arith.constant 304 : i32
    %add3A_486 = arith.addi %mul3A_2, %add3A_485 : i32
    %add3A_487 = vector.broadcast %add3A_486 : i32 to vector<16xi32>
    %add3A_488 = arith.addi %add3A_487, %iota3A : vector<16xi32>
    %get3A_489 = arith.constant 304 : index
    %get3A_490 = tpu.vector_load %arg10[%get3A_489] {strides = array<i32>} : memref<320xf32, #tpu.memory_space<vmem>>, vector<16xf32>,
    %sub3A_491 = arith.subf %get3A_490, %add3A_482 : vector<16xf32>
    %lt3A_492 = arith.constant 10000 : i32
    %lt3A_493 = vector.broadcast %lt3A_492 : i32 to vector<16xi32>
    %lt3A_494 = arith.cmpi slt, %add3A_488, %lt3A_493 : vector<16xi32>
    %mul3A_495 = arith.mulf %sub3A_491, %sub3A_491 : vector<16xf32>
    %jit3A_496 = arith.constant 0.000000e+00 : f32
    %broadcast_in_dim3A_497 = vector.broadcast %jit3A_496 : f32 to vector<16xf32>
    %select_n3A_498 = arith.select %lt3A_494, %mul3A_495, %broadcast_in_dim3A_497 : vector<16xi1>, vector<16xf32>
    %add3A_499 = arith.addf %add3A_474, %select_n3A_498 : vector<16xf32>
    %swap3A_500 = arith.constant 0 : index
    %swap3A_501 = tpu.vector_load %arg12[%swap3A_500] {strides = array<i32>} : memref<16xf32, #tpu.memory_space<vmem>>, vector<16xf32>,
    tpu.vector_store %arg12[%swap3A_500], %add3A_499 {strides = array<i32>} : memref<16xf32, #tpu.memory_space<vmem>>, vector<16xf32>,
    "tpu.region"() ({
      %run_scoped3A = tpu.sem_alloc : memref<!tpu.dma_semaphore, #tpu.memory_space<semaphore_mem>>
      %dma_start3A = tpu.memref_slice %arg5[%mul3A_2] : memref<10240xf32, #tpu.memory_space<hbm>> -> memref<320xf32, #tpu.memory_space<hbm>>
      %dma_start3A_502 = tpu.memref_slice %arg5[%mul3A_2] : memref<10240xf32, #tpu.memory_space<hbm>> -> memref<320xf32, #tpu.memory_space<hbm>>
      tpu.enqueue_dma source(%arg11 : memref<320xf32, #tpu.memory_space<vmem>>) target(%dma_start3A_502 : memref<320xf32, #tpu.memory_space<hbm>>) target_semaphore(%run_scoped3A : memref<!tpu.dma_semaphore, #tpu.memory_space<semaphore_mem>>)
      %dma_wait3A = tpu.memref_slice %arg5[%mul3A_2] : memref<10240xf32, #tpu.memory_space<hbm>> -> memref<320xf32, #tpu.memory_space<hbm>>
      %dma_wait3A_503 = tpu.memref_slice %arg5[%mul3A_2] : memref<10240xf32, #tpu.memory_space<hbm>> -> memref<320xf32, #tpu.memory_space<hbm>>
      tpu.wait_dma2 semaphore(%run_scoped3A : memref<!tpu.dma_semaphore, #tpu.memory_space<semaphore_mem>>) src(%arg11 : memref<320xf32, #tpu.memory_space<vmem>>) dst(%dma_wait3A_503 : memref<320xf32, #tpu.memory_space<hbm>>)
      tpu.yield
    }) : () -> ()
    "tpu.region"() ({
      %run_scoped3A = tpu.sem_alloc : memref<!tpu.dma_semaphore, #tpu.memory_space<semaphore_mem>>
      %dma_start3A = arith.constant 0 : i32
      %dma_start3A_502 = tpu.memref_slice %arg6[%add3A, %dma_start3A] : memref<32x16xf32, #tpu.memory_space<hbm>> -> memref<1x16xf32, #tpu.memory_space<hbm>>
      %dma_start3A_503 = tpu.memref_squeeze %dma_start3A_502 : memref<1x16xf32, #tpu.memory_space<hbm>> -> memref<16xf32, #tpu.memory_space<hbm>>
      %dma_start3A_504 = arith.constant 0 : i32
      %dma_start3A_505 = tpu.memref_slice %arg6[%add3A, %dma_start3A_504] : memref<32x16xf32, #tpu.memory_space<hbm>> -> memref<1x16xf32, #tpu.memory_space<hbm>>
      %dma_start3A_506 = tpu.memref_squeeze %dma_start3A_505 : memref<1x16xf32, #tpu.memory_space<hbm>> -> memref<16xf32, #tpu.memory_space<hbm>>
      tpu.enqueue_dma source(%arg12 : memref<16xf32, #tpu.memory_space<vmem>>) target(%dma_start3A_506 : memref<16xf32, #tpu.memory_space<hbm>>) target_semaphore(%run_scoped3A : memref<!tpu.dma_semaphore, #tpu.memory_space<semaphore_mem>>)
      %dma_wait3A = arith.constant 0 : i32
      %dma_wait3A_507 = tpu.memref_slice %arg6[%add3A, %dma_wait3A] : memref<32x16xf32, #tpu.memory_space<hbm>> -> memref<1x16xf32, #tpu.memory_space<hbm>>
      %dma_wait3A_508 = tpu.memref_squeeze %dma_wait3A_507 : memref<1x16xf32, #tpu.memory_space<hbm>> -> memref<16xf32, #tpu.memory_space<hbm>>
      %dma_wait3A_509 = arith.constant 0 : i32
      %dma_wait3A_510 = tpu.memref_slice %arg6[%add3A, %dma_wait3A_509] : memref<32x16xf32, #tpu.memory_space<hbm>> -> memref<1x16xf32, #tpu.memory_space<hbm>>
      %dma_wait3A_511 = tpu.memref_squeeze %dma_wait3A_510 : memref<1x16xf32, #tpu.memory_space<hbm>> -> memref<16xf32, #tpu.memory_space<hbm>>
      tpu.wait_dma2 semaphore(%run_scoped3A : memref<!tpu.dma_semaphore, #tpu.memory_space<semaphore_mem>>) src(%arg12 : memref<16xf32, #tpu.memory_space<vmem>>) dst(%dma_wait3A_511 : memref<16xf32, #tpu.memory_space<hbm>>)
      tpu.yield
    }) : () -> ()
    return
  }
}

#map = affine_map<(d0, d1) -> (0)>
#map1 = affine_map<(d0, d1) -> (0, 0, 0)>
#map2 = affine_map<(d0, d1) -> (0, 0)>
module attributes {stable_mosaic.version = 14 : i64} {
  func.func @_edge_body(%arg0: i32, %arg1: i32, %arg2: memref<330000xi32, #tpu.memory_space<hbm>>, %arg3: memref<32x82x128xi32, #tpu.memory_space<hbm>>, %arg4: memref<32x82x128xi32, #tpu.memory_space<hbm>>, %arg5: memref<32x82x128xi32, #tpu.memory_space<hbm>>, %arg6: memref<32x82x128xf32, #tpu.memory_space<hbm>>, %arg7: memref<32x82x128xf32, #tpu.memory_space<hbm>>, %arg8: memref<1024xf32, #tpu.memory_space<hbm>>, %arg9: memref<1024xf32, #tpu.memory_space<hbm>>, %arg10: memref<10240xi32, #tpu.memory_space<hbm>>, %arg11: memref<10240xf32, #tpu.memory_space<hbm>>, %arg12: memref<10240xf32, #tpu.memory_space<hbm>>, %arg13: memref<32x82x128xf32, #tpu.memory_space<hbm>>, %arg14: memref<20480xf32, #tpu.memory_space<hbm>>, %arg15: memref<32x16xf32, #tpu.memory_space<hbm>>, %arg16: memref<82x128xi32, #tpu.memory_space<vmem>>, %arg17: memref<82x128xi32, #tpu.memory_space<vmem>>, %arg18: memref<82x128xi32, #tpu.memory_space<vmem>>, %arg19: memref<82x128xi32, #tpu.memory_space<vmem>>, %arg20: memref<82x128xf32, #tpu.memory_space<vmem>>, %arg21: memref<82x128xf32, #tpu.memory_space<vmem>>, %arg22: memref<82x128xf32, #tpu.memory_space<vmem>>, %arg23: memref<82x128xf32, #tpu.memory_space<vmem>>, %arg24: memref<1024xf32, #tpu.memory_space<vmem>>, %arg25: memref<1024xf32, #tpu.memory_space<vmem>>, %arg26: memref<10240xi32, #tpu.memory_space<vmem>>, %arg27: memref<10240xf32, #tpu.memory_space<vmem>>, %arg28: memref<16xf32, #tpu.memory_space<vmem>>, %arg29: memref<10240xf32, #tpu.memory_space<vmem_shared>>, %arg30: memref<8x!tpu.dma_semaphore, #tpu.memory_space<semaphore_mem>>, %arg31: memref<!tpu.dma_semaphore, #tpu.memory_space<semaphore_mem>>, %arg32: memref<!tpu.dma_semaphore, #tpu.memory_space<semaphore_mem>>, %arg33: memref<!tpu.dma_semaphore, #tpu.memory_space<semaphore_mem>>, %arg34: memref<!tpu.dma_semaphore, #tpu.memory_space<semaphore_mem>>) attributes {dimension_semantics = [#tpu.dimension_semantics<core_parallel>, #tpu.dimension_semantics<subcore_parallel>], iteration_bounds = array<i64: 2, 16>, scalar_prefetch = 0 : i64, scratch_operands = 19 : i64, tpu.core_type = #tpu.core_type<sc_vector_subcore>, window_params = [{transform_indices = #map}, {transform_indices = #map1}, {transform_indices = #map1}, {transform_indices = #map1}, {transform_indices = #map1}, {transform_indices = #map1}, {transform_indices = #map}, {transform_indices = #map}, {transform_indices = #map}, {transform_indices = #map}, {transform_indices = #map}, {transform_indices = #map1}, {transform_indices = #map}, {transform_indices = #map2}]} {
    %mul3A = arith.constant 16 : i32
    %mul3A_0 = arith.muli %arg0, %mul3A : i32
    %add3A = arith.addi %mul3A_0, %arg1 : i32
    %eq3A = arith.constant 0 : i32
    %eq3A_1 = arith.cmpi eq, %arg1, %eq3A : i32
    %convert_element_type3A = arith.extui %eq3A_1 : i1 to i32
    %cond3A = arith.constant 0 : i32
    %cond3A_2 = arith.cmpi ne, %convert_element_type3A, %cond3A : i32
    scf.if %cond3A_2 {
      "tpu.region"() ({
        %run_scoped3A = tpu.sem_alloc : memref<!tpu.dma_semaphore, #tpu.memory_space<semaphore_mem>>
        tpu.enqueue_dma source(%arg12 : memref<10240xf32, #tpu.memory_space<hbm>>) target(%arg29 : memref<10240xf32, #tpu.memory_space<vmem_shared>>) target_semaphore(%run_scoped3A : memref<!tpu.dma_semaphore, #tpu.memory_space<semaphore_mem>>)
        tpu.wait_dma2 semaphore(%run_scoped3A : memref<!tpu.dma_semaphore, #tpu.memory_space<semaphore_mem>>) src(%arg12 : memref<10240xf32, #tpu.memory_space<hbm>>) dst(%arg29 : memref<10240xf32, #tpu.memory_space<vmem_shared>>)
        tpu.yield
      }) : () -> ()
    } else {
    }
    %barrier3A = arith.constant 0 : index
    tpu.barrier barrier_id(%barrier3A)
    %dma_start3A = arith.constant 0 : i32
    %dma_start3A_3 = arith.constant 0 : i32
    %dma_start3A_4 = tpu.memref_slice %arg3[%add3A, %dma_start3A, %dma_start3A_3] : memref<32x82x128xi32, #tpu.memory_space<hbm>> -> memref<1x82x128xi32, #tpu.memory_space<hbm>>
    %dma_start3A_5 = tpu.memref_squeeze %dma_start3A_4 : memref<1x82x128xi32, #tpu.memory_space<hbm>> -> memref<82x128xi32, #tpu.memory_space<hbm>>
    %dma_start3A_6 = arith.constant 0 : i32
    %dma_start3A_7 = arith.constant 0 : i32
    %dma_start3A_8 = tpu.memref_slice %arg3[%add3A, %dma_start3A_6, %dma_start3A_7] : memref<32x82x128xi32, #tpu.memory_space<hbm>> -> memref<1x82x128xi32, #tpu.memory_space<hbm>>
    %dma_start3A_9 = tpu.memref_squeeze %dma_start3A_8 : memref<1x82x128xi32, #tpu.memory_space<hbm>> -> memref<82x128xi32, #tpu.memory_space<hbm>>
    tpu.enqueue_dma source(%dma_start3A_9 : memref<82x128xi32, #tpu.memory_space<hbm>>) target(%arg16 : memref<82x128xi32, #tpu.memory_space<vmem>>) target_semaphore(%arg34 : memref<!tpu.dma_semaphore, #tpu.memory_space<semaphore_mem>>)
    tpu.enqueue_dma source(%arg8 : memref<1024xf32, #tpu.memory_space<hbm>>) target(%arg24 : memref<1024xf32, #tpu.memory_space<vmem>>) target_semaphore(%arg32 : memref<!tpu.dma_semaphore, #tpu.memory_space<semaphore_mem>>)
    tpu.enqueue_dma source(%arg9 : memref<1024xf32, #tpu.memory_space<hbm>>) target(%arg25 : memref<1024xf32, #tpu.memory_space<vmem>>) target_semaphore(%arg32 : memref<!tpu.dma_semaphore, #tpu.memory_space<semaphore_mem>>)
    tpu.enqueue_dma source(%arg10 : memref<10240xi32, #tpu.memory_space<hbm>>) target(%arg26 : memref<10240xi32, #tpu.memory_space<vmem>>) target_semaphore(%arg32 : memref<!tpu.dma_semaphore, #tpu.memory_space<semaphore_mem>>)
    tpu.enqueue_dma source(%arg11 : memref<10240xf32, #tpu.memory_space<hbm>>) target(%arg27 : memref<10240xf32, #tpu.memory_space<vmem>>) target_semaphore(%arg32 : memref<!tpu.dma_semaphore, #tpu.memory_space<semaphore_mem>>)
    %dma_start3A_10 = arith.constant 0 : i32
    %dma_start3A_11 = arith.constant 0 : i32
    %dma_start3A_12 = tpu.memref_slice %arg4[%add3A, %dma_start3A_10, %dma_start3A_11] : memref<32x82x128xi32, #tpu.memory_space<hbm>> -> memref<1x82x128xi32, #tpu.memory_space<hbm>>
    %dma_start3A_13 = tpu.memref_squeeze %dma_start3A_12 : memref<1x82x128xi32, #tpu.memory_space<hbm>> -> memref<82x128xi32, #tpu.memory_space<hbm>>
    %dma_start3A_14 = arith.constant 0 : i32
    %dma_start3A_15 = arith.constant 0 : i32
    %dma_start3A_16 = tpu.memref_slice %arg4[%add3A, %dma_start3A_14, %dma_start3A_15] : memref<32x82x128xi32, #tpu.memory_space<hbm>> -> memref<1x82x128xi32, #tpu.memory_space<hbm>>
    %dma_start3A_17 = tpu.memref_squeeze %dma_start3A_16 : memref<1x82x128xi32, #tpu.memory_space<hbm>> -> memref<82x128xi32, #tpu.memory_space<hbm>>
    tpu.enqueue_dma source(%dma_start3A_17 : memref<82x128xi32, #tpu.memory_space<hbm>>) target(%arg18 : memref<82x128xi32, #tpu.memory_space<vmem>>) target_semaphore(%arg32 : memref<!tpu.dma_semaphore, #tpu.memory_space<semaphore_mem>>)
    %dma_start3A_18 = arith.constant 0 : i32
    %dma_start3A_19 = arith.constant 0 : i32
    %dma_start3A_20 = tpu.memref_slice %arg5[%add3A, %dma_start3A_18, %dma_start3A_19] : memref<32x82x128xi32, #tpu.memory_space<hbm>> -> memref<1x82x128xi32, #tpu.memory_space<hbm>>
    %dma_start3A_21 = tpu.memref_squeeze %dma_start3A_20 : memref<1x82x128xi32, #tpu.memory_space<hbm>> -> memref<82x128xi32, #tpu.memory_space<hbm>>
    %dma_start3A_22 = arith.constant 0 : i32
    %dma_start3A_23 = arith.constant 0 : i32
    %dma_start3A_24 = tpu.memref_slice %arg5[%add3A, %dma_start3A_22, %dma_start3A_23] : memref<32x82x128xi32, #tpu.memory_space<hbm>> -> memref<1x82x128xi32, #tpu.memory_space<hbm>>
    %dma_start3A_25 = tpu.memref_squeeze %dma_start3A_24 : memref<1x82x128xi32, #tpu.memory_space<hbm>> -> memref<82x128xi32, #tpu.memory_space<hbm>>
    tpu.enqueue_dma source(%dma_start3A_25 : memref<82x128xi32, #tpu.memory_space<hbm>>) target(%arg19 : memref<82x128xi32, #tpu.memory_space<vmem>>) target_semaphore(%arg32 : memref<!tpu.dma_semaphore, #tpu.memory_space<semaphore_mem>>)
    %dma_start3A_26 = arith.constant 0 : i32
    %dma_start3A_27 = arith.constant 0 : i32
    %dma_start3A_28 = tpu.memref_slice %arg6[%add3A, %dma_start3A_26, %dma_start3A_27] : memref<32x82x128xf32, #tpu.memory_space<hbm>> -> memref<1x82x128xf32, #tpu.memory_space<hbm>>
    %dma_start3A_29 = tpu.memref_squeeze %dma_start3A_28 : memref<1x82x128xf32, #tpu.memory_space<hbm>> -> memref<82x128xf32, #tpu.memory_space<hbm>>
    %dma_start3A_30 = arith.constant 0 : i32
    %dma_start3A_31 = arith.constant 0 : i32
    %dma_start3A_32 = tpu.memref_slice %arg6[%add3A, %dma_start3A_30, %dma_start3A_31] : memref<32x82x128xf32, #tpu.memory_space<hbm>> -> memref<1x82x128xf32, #tpu.memory_space<hbm>>
    %dma_start3A_33 = tpu.memref_squeeze %dma_start3A_32 : memref<1x82x128xf32, #tpu.memory_space<hbm>> -> memref<82x128xf32, #tpu.memory_space<hbm>>
    tpu.enqueue_dma source(%dma_start3A_33 : memref<82x128xf32, #tpu.memory_space<hbm>>) target(%arg20 : memref<82x128xf32, #tpu.memory_space<vmem>>) target_semaphore(%arg32 : memref<!tpu.dma_semaphore, #tpu.memory_space<semaphore_mem>>)
    %dma_start3A_34 = arith.constant 0 : i32
    %dma_start3A_35 = arith.constant 0 : i32
    %dma_start3A_36 = tpu.memref_slice %arg7[%add3A, %dma_start3A_34, %dma_start3A_35] : memref<32x82x128xf32, #tpu.memory_space<hbm>> -> memref<1x82x128xf32, #tpu.memory_space<hbm>>
    %dma_start3A_37 = tpu.memref_squeeze %dma_start3A_36 : memref<1x82x128xf32, #tpu.memory_space<hbm>> -> memref<82x128xf32, #tpu.memory_space<hbm>>
    %dma_start3A_38 = arith.constant 0 : i32
    %dma_start3A_39 = arith.constant 0 : i32
    %dma_start3A_40 = tpu.memref_slice %arg7[%add3A, %dma_start3A_38, %dma_start3A_39] : memref<32x82x128xf32, #tpu.memory_space<hbm>> -> memref<1x82x128xf32, #tpu.memory_space<hbm>>
    %dma_start3A_41 = tpu.memref_squeeze %dma_start3A_40 : memref<1x82x128xf32, #tpu.memory_space<hbm>> -> memref<82x128xf32, #tpu.memory_space<hbm>>
    tpu.enqueue_dma source(%dma_start3A_41 : memref<82x128xf32, #tpu.memory_space<hbm>>) target(%arg21 : memref<82x128xf32, #tpu.memory_space<vmem>>) target_semaphore(%arg32 : memref<!tpu.dma_semaphore, #tpu.memory_space<semaphore_mem>>)
    %dma_wait3A = arith.constant 0 : i32
    %dma_wait3A_42 = arith.constant 0 : i32
    %dma_wait3A_43 = tpu.memref_slice %arg3[%add3A, %dma_wait3A, %dma_wait3A_42] : memref<32x82x128xi32, #tpu.memory_space<hbm>> -> memref<1x82x128xi32, #tpu.memory_space<hbm>>
    %dma_wait3A_44 = tpu.memref_squeeze %dma_wait3A_43 : memref<1x82x128xi32, #tpu.memory_space<hbm>> -> memref<82x128xi32, #tpu.memory_space<hbm>>
    %dma_wait3A_45 = arith.constant 0 : i32
    %dma_wait3A_46 = arith.constant 0 : i32
    %dma_wait3A_47 = tpu.memref_slice %arg3[%add3A, %dma_wait3A_45, %dma_wait3A_46] : memref<32x82x128xi32, #tpu.memory_space<hbm>> -> memref<1x82x128xi32, #tpu.memory_space<hbm>>
    %dma_wait3A_48 = tpu.memref_squeeze %dma_wait3A_47 : memref<1x82x128xi32, #tpu.memory_space<hbm>> -> memref<82x128xi32, #tpu.memory_space<hbm>>
    tpu.wait_dma2 semaphore(%arg34 : memref<!tpu.dma_semaphore, #tpu.memory_space<semaphore_mem>>) src(%dma_wait3A_48 : memref<82x128xi32, #tpu.memory_space<hbm>>) dst(%arg16 : memref<82x128xi32, #tpu.memory_space<vmem>>)
    %scan3A = arith.constant 0 : i32
    %scan3A_49 = arith.constant 0 : i32
    %scan3A_50 = arith.constant 8 : i32
    %scan3A_51 = arith.addi %scan3A_49, %scan3A_50 : i32
    %scan3A_52 = arith.constant 1 : i32
    scf.for %scan3A_112 = %scan3A_49 to %scan3A_51 step %scan3A_52  : i32 {
      %rem3A = arith.constant 8 : i32
      %rem3A_113 = arith.remsi %scan3A_112, %rem3A : i32
      %dma_start3A_114 = arith.constant 0 : i32
      %dma_start3A_115 = tpu.memref_slice %arg17[%scan3A_112, %dma_start3A_114] : memref<82x128xi32, #tpu.memory_space<vmem>> -> memref<1x128xi32, #tpu.memory_space<vmem>>
      %dma_start3A_116 = tpu.memref_squeeze %dma_start3A_115 : memref<1x128xi32, #tpu.memory_space<vmem>> -> memref<128xi32, #tpu.memory_space<vmem>>
      %dma_start3A_117 = arith.constant 0 : i32
      %dma_start3A_118 = tpu.memref_slice %arg16[%scan3A_112, %dma_start3A_117] : memref<82x128xi32, #tpu.memory_space<vmem>> -> memref<1x128xi32, #tpu.memory_space<vmem>>
      %dma_start3A_119 = tpu.memref_squeeze %dma_start3A_118 : memref<1x128xi32, #tpu.memory_space<vmem>> -> memref<128xi32, #tpu.memory_space<vmem>>
      %dma_start3A_120 = arith.constant 0 : i32
      %dma_start3A_121 = tpu.memref_slice %arg2[%dma_start3A_120] : memref<330000xi32, #tpu.memory_space<hbm>> -> memref<330000xi32, #tpu.memory_space<hbm>>
      %dma_start3A_122 = tpu.memref_slice %arg30[%rem3A_113] : memref<8x!tpu.dma_semaphore, #tpu.memory_space<semaphore_mem>> -> memref<1x!tpu.dma_semaphore, #tpu.memory_space<semaphore_mem>>
      %dma_start3A_123 = tpu.memref_squeeze %dma_start3A_122 : memref<1x!tpu.dma_semaphore, #tpu.memory_space<semaphore_mem>> -> memref<!tpu.dma_semaphore, #tpu.memory_space<semaphore_mem>>
      tpu.enqueue_indirect_dma source(%dma_start3A_121 : memref<330000xi32, #tpu.memory_space<hbm>>) target(%dma_start3A_116 : memref<128xi32, #tpu.memory_space<vmem>>) offsets(%dma_start3A_119 : memref<128xi32, #tpu.memory_space<vmem>>) semaphore(%dma_start3A_123 : memref<!tpu.dma_semaphore, #tpu.memory_space<semaphore_mem>>)
    }
    %scan3A_53 = arith.constant 8 : i32
    tpu.wait_dma2 semaphore(%arg32 : memref<!tpu.dma_semaphore, #tpu.memory_space<semaphore_mem>>) src(%arg8 : memref<1024xf32, #tpu.memory_space<hbm>>) dst(%arg24 : memref<1024xf32, #tpu.memory_space<vmem>>)
    tpu.wait_dma2 semaphore(%arg32 : memref<!tpu.dma_semaphore, #tpu.memory_space<semaphore_mem>>) src(%arg9 : memref<1024xf32, #tpu.memory_space<hbm>>) dst(%arg25 : memref<1024xf32, #tpu.memory_space<vmem>>)
    tpu.wait_dma2 semaphore(%arg32 : memref<!tpu.dma_semaphore, #tpu.memory_space<semaphore_mem>>) src(%arg10 : memref<10240xi32, #tpu.memory_space<hbm>>) dst(%arg26 : memref<10240xi32, #tpu.memory_space<vmem>>)
    tpu.wait_dma2 semaphore(%arg32 : memref<!tpu.dma_semaphore, #tpu.memory_space<semaphore_mem>>) src(%arg11 : memref<10240xf32, #tpu.memory_space<hbm>>) dst(%arg27 : memref<10240xf32, #tpu.memory_space<vmem>>)
    %dma_wait3A_54 = arith.constant 0 : i32
    %dma_wait3A_55 = arith.constant 0 : i32
    %dma_wait3A_56 = tpu.memref_slice %arg4[%add3A, %dma_wait3A_54, %dma_wait3A_55] : memref<32x82x128xi32, #tpu.memory_space<hbm>> -> memref<1x82x128xi32, #tpu.memory_space<hbm>>
    %dma_wait3A_57 = tpu.memref_squeeze %dma_wait3A_56 : memref<1x82x128xi32, #tpu.memory_space<hbm>> -> memref<82x128xi32, #tpu.memory_space<hbm>>
    %dma_wait3A_58 = arith.constant 0 : i32
    %dma_wait3A_59 = arith.constant 0 : i32
    %dma_wait3A_60 = tpu.memref_slice %arg4[%add3A, %dma_wait3A_58, %dma_wait3A_59] : memref<32x82x128xi32, #tpu.memory_space<hbm>> -> memref<1x82x128xi32, #tpu.memory_space<hbm>>
    %dma_wait3A_61 = tpu.memref_squeeze %dma_wait3A_60 : memref<1x82x128xi32, #tpu.memory_space<hbm>> -> memref<82x128xi32, #tpu.memory_space<hbm>>
    tpu.wait_dma2 semaphore(%arg32 : memref<!tpu.dma_semaphore, #tpu.memory_space<semaphore_mem>>) src(%dma_wait3A_61 : memref<82x128xi32, #tpu.memory_space<hbm>>) dst(%arg18 : memref<82x128xi32, #tpu.memory_space<vmem>>)
    %dma_wait3A_62 = arith.constant 0 : i32
    %dma_wait3A_63 = arith.constant 0 : i32
    %dma_wait3A_64 = tpu.memref_slice %arg5[%add3A, %dma_wait3A_62, %dma_wait3A_63] : memref<32x82x128xi32, #tpu.memory_space<hbm>> -> memref<1x82x128xi32, #tpu.memory_space<hbm>>
    %dma_wait3A_65 = tpu.memref_squeeze %dma_wait3A_64 : memref<1x82x128xi32, #tpu.memory_space<hbm>> -> memref<82x128xi32, #tpu.memory_space<hbm>>
    %dma_wait3A_66 = arith.constant 0 : i32
    %dma_wait3A_67 = arith.constant 0 : i32
    %dma_wait3A_68 = tpu.memref_slice %arg5[%add3A, %dma_wait3A_66, %dma_wait3A_67] : memref<32x82x128xi32, #tpu.memory_space<hbm>> -> memref<1x82x128xi32, #tpu.memory_space<hbm>>
    %dma_wait3A_69 = tpu.memref_squeeze %dma_wait3A_68 : memref<1x82x128xi32, #tpu.memory_space<hbm>> -> memref<82x128xi32, #tpu.memory_space<hbm>>
    tpu.wait_dma2 semaphore(%arg32 : memref<!tpu.dma_semaphore, #tpu.memory_space<semaphore_mem>>) src(%dma_wait3A_69 : memref<82x128xi32, #tpu.memory_space<hbm>>) dst(%arg19 : memref<82x128xi32, #tpu.memory_space<vmem>>)
    %dma_wait3A_70 = arith.constant 0 : i32
    %dma_wait3A_71 = arith.constant 0 : i32
    %dma_wait3A_72 = tpu.memref_slice %arg6[%add3A, %dma_wait3A_70, %dma_wait3A_71] : memref<32x82x128xf32, #tpu.memory_space<hbm>> -> memref<1x82x128xf32, #tpu.memory_space<hbm>>
    %dma_wait3A_73 = tpu.memref_squeeze %dma_wait3A_72 : memref<1x82x128xf32, #tpu.memory_space<hbm>> -> memref<82x128xf32, #tpu.memory_space<hbm>>
    %dma_wait3A_74 = arith.constant 0 : i32
    %dma_wait3A_75 = arith.constant 0 : i32
    %dma_wait3A_76 = tpu.memref_slice %arg6[%add3A, %dma_wait3A_74, %dma_wait3A_75] : memref<32x82x128xf32, #tpu.memory_space<hbm>> -> memref<1x82x128xf32, #tpu.memory_space<hbm>>
    %dma_wait3A_77 = tpu.memref_squeeze %dma_wait3A_76 : memref<1x82x128xf32, #tpu.memory_space<hbm>> -> memref<82x128xf32, #tpu.memory_space<hbm>>
    tpu.wait_dma2 semaphore(%arg32 : memref<!tpu.dma_semaphore, #tpu.memory_space<semaphore_mem>>) src(%dma_wait3A_77 : memref<82x128xf32, #tpu.memory_space<hbm>>) dst(%arg20 : memref<82x128xf32, #tpu.memory_space<vmem>>)
    %dma_wait3A_78 = arith.constant 0 : i32
    %dma_wait3A_79 = arith.constant 0 : i32
    %dma_wait3A_80 = tpu.memref_slice %arg7[%add3A, %dma_wait3A_78, %dma_wait3A_79] : memref<32x82x128xf32, #tpu.memory_space<hbm>> -> memref<1x82x128xf32, #tpu.memory_space<hbm>>
    %dma_wait3A_81 = tpu.memref_squeeze %dma_wait3A_80 : memref<1x82x128xf32, #tpu.memory_space<hbm>> -> memref<82x128xf32, #tpu.memory_space<hbm>>
    %dma_wait3A_82 = arith.constant 0 : i32
    %dma_wait3A_83 = arith.constant 0 : i32
    %dma_wait3A_84 = tpu.memref_slice %arg7[%add3A, %dma_wait3A_82, %dma_wait3A_83] : memref<32x82x128xf32, #tpu.memory_space<hbm>> -> memref<1x82x128xf32, #tpu.memory_space<hbm>>
    %dma_wait3A_85 = tpu.memref_squeeze %dma_wait3A_84 : memref<1x82x128xf32, #tpu.memory_space<hbm>> -> memref<82x128xf32, #tpu.memory_space<hbm>>
    tpu.wait_dma2 semaphore(%arg32 : memref<!tpu.dma_semaphore, #tpu.memory_space<semaphore_mem>>) src(%dma_wait3A_85 : memref<82x128xf32, #tpu.memory_space<hbm>>) dst(%arg21 : memref<82x128xf32, #tpu.memory_space<vmem>>)
    %iota3A = tpu.iota {dimensions = array<i32: 0>} : vector<16xi32>
    %broadcast_in_dim3A = arith.constant 0.000000e+00 : f32
    %broadcast_in_dim3A_86 = vector.broadcast %broadcast_in_dim3A : f32 to vector<16xf32>
    %scan3A_87 = arith.constant 0 : i32
    %scan3A_88 = arith.constant 41 : i32
    %scan3A_89 = arith.addi %scan3A_87, %scan3A_88 : i32
    %scan3A_90 = arith.constant 1 : i32
    %scan3A_91 = scf.for %scan3A_112 = %scan3A_87 to %scan3A_89 step %scan3A_90 iter_args(%scan3A_113 = %broadcast_in_dim3A_86) -> (vector<16xf32>)  : i32 {
      %mul3A_114 = arith.constant 2 : i32
      %mul3A_115 = arith.muli %mul3A_114, %scan3A_112 : i32
      %rem3A = arith.constant 8 : i32
      %rem3A_116 = arith.remsi %mul3A_115, %rem3A : i32
      %dma_wait3A_117 = arith.constant 0 : i32
      %dma_wait3A_118 = tpu.memref_slice %arg17[%mul3A_115, %dma_wait3A_117] : memref<82x128xi32, #tpu.memory_space<vmem>> -> memref<1x128xi32, #tpu.memory_space<vmem>>
      %dma_wait3A_119 = tpu.memref_squeeze %dma_wait3A_118 : memref<1x128xi32, #tpu.memory_space<vmem>> -> memref<128xi32, #tpu.memory_space<vmem>>
      %dma_wait3A_120 = arith.constant 0 : i32
      %dma_wait3A_121 = tpu.memref_slice %arg16[%mul3A_115, %dma_wait3A_120] : memref<82x128xi32, #tpu.memory_space<vmem>> -> memref<1x128xi32, #tpu.memory_space<vmem>>
      %dma_wait3A_122 = tpu.memref_squeeze %dma_wait3A_121 : memref<1x128xi32, #tpu.memory_space<vmem>> -> memref<128xi32, #tpu.memory_space<vmem>>
      %dma_wait3A_123 = arith.constant 0 : i32
      %dma_wait3A_124 = tpu.memref_slice %arg2[%dma_wait3A_123] : memref<330000xi32, #tpu.memory_space<hbm>> -> memref<330000xi32, #tpu.memory_space<hbm>>
      %dma_wait3A_125 = tpu.memref_slice %arg30[%rem3A_116] : memref<8x!tpu.dma_semaphore, #tpu.memory_space<semaphore_mem>> -> memref<1x!tpu.dma_semaphore, #tpu.memory_space<semaphore_mem>>
      %dma_wait3A_126 = tpu.memref_squeeze %dma_wait3A_125 : memref<1x!tpu.dma_semaphore, #tpu.memory_space<semaphore_mem>> -> memref<!tpu.dma_semaphore, #tpu.memory_space<semaphore_mem>>
      tpu.wait_indirect_dma semaphore(%dma_wait3A_126 : memref<!tpu.dma_semaphore, #tpu.memory_space<semaphore_mem>>) src(%dma_wait3A_124 : memref<330000xi32, #tpu.memory_space<hbm>>) dst(%dma_wait3A_119 : memref<128xi32, #tpu.memory_space<vmem>>)
      %get3A = arith.index_cast %mul3A_115 : i32 to index
      %get3A_127 = arith.constant 0 : index
      %get3A_128 = tpu.vector_load %arg17[%get3A, %get3A_127] {strides = array<i32>} : memref<82x128xi32, #tpu.memory_space<vmem>>, vector<16xi32>,
      %get3A_129 = arith.index_cast %mul3A_115 : i32 to index
      %get3A_130 = arith.constant 0 : index
      %get3A_131 = tpu.vector_load %arg18[%get3A_129, %get3A_130] {strides = array<i32>} : memref<82x128xi32, #tpu.memory_space<vmem>>, vector<16xi32>,
      %get3A_132 = arith.index_cast %mul3A_115 : i32 to index
      %get3A_133 = arith.constant 0 : index
      %get3A_134 = tpu.vector_load %arg19[%get3A_132, %get3A_133] {strides = array<i32>} : memref<82x128xi32, #tpu.memory_space<vmem>>, vector<16xi32>,
      %get3A_135 = arith.index_cast %mul3A_115 : i32 to index
      %get3A_136 = arith.constant 0 : index
      %get3A_137 = tpu.vector_load %arg20[%get3A_135, %get3A_136] {strides = array<i32>} : memref<82x128xf32, #tpu.memory_space<vmem>>, vector<16xf32>,
      %get3A_138 = arith.index_cast %mul3A_115 : i32 to index
      %get3A_139 = arith.constant 0 : index
      %get3A_140 = tpu.vector_load %arg21[%get3A_138, %get3A_139] {strides = array<i32>} : memref<82x128xf32, #tpu.memory_space<vmem>>, vector<16xf32>,
      %gather3A = tpu.vector_load_idx %arg26[%get3A_131] : memref<10240xi32, #tpu.memory_space<vmem>>[vector<16xi32>], vector<16xi32>,
      %gather3A_141 = tpu.vector_load_idx %arg27[%get3A_131] : memref<10240xf32, #tpu.memory_space<vmem>>[vector<16xi32>], vector<16xf32>,
      %gather3A_142 = tpu.vector_load_idx %arg27[%get3A_134] : memref<10240xf32, #tpu.memory_space<vmem>>[vector<16xi32>], vector<16xf32>,
      %mul3A_143 = arith.constant 4 : i32
      %mul3A_144 = vector.broadcast %mul3A_143 : i32 to vector<16xi32>
      %mul3A_145 = arith.muli %get3A_128, %mul3A_144 : vector<16xi32>
      %mul3A_146 = arith.constant 4 : i32
      %mul3A_147 = vector.broadcast %mul3A_146 : i32 to vector<16xi32>
      %mul3A_148 = arith.muli %gather3A, %mul3A_147 : vector<16xi32>
      %gather3A_149 = tpu.vector_load_idx %arg24[%mul3A_145] : memref<1024xf32, #tpu.memory_space<vmem>>[vector<16xi32>], vector<16xf32>,
      %gather3A_150 = tpu.vector_load_idx %arg25[%mul3A_148] : memref<1024xf32, #tpu.memory_space<vmem>>[vector<16xi32>], vector<16xf32>,
      %add3A_151 = arith.addf %gather3A_149, %gather3A_150 : vector<16xf32>
      %add3A_152 = arith.constant 1 : i32
      %add3A_153 = vector.broadcast %add3A_152 : i32 to vector<16xi32>
      %add3A_154 = arith.addi %mul3A_145, %add3A_153 : vector<16xi32>
      %gather3A_155 = tpu.vector_load_idx %arg24[%add3A_154] : memref<1024xf32, #tpu.memory_space<vmem>>[vector<16xi32>], vector<16xf32>,
      %add3A_156 = arith.constant 1 : i32
      %add3A_157 = vector.broadcast %add3A_156 : i32 to vector<16xi32>
      %add3A_158 = arith.addi %mul3A_148, %add3A_157 : vector<16xi32>
      %gather3A_159 = tpu.vector_load_idx %arg25[%add3A_158] : memref<1024xf32, #tpu.memory_space<vmem>>[vector<16xi32>], vector<16xf32>,
      %add3A_160 = arith.addf %gather3A_155, %gather3A_159 : vector<16xf32>
      %add3A_161 = arith.constant 2 : i32
      %add3A_162 = vector.broadcast %add3A_161 : i32 to vector<16xi32>
      %add3A_163 = arith.addi %mul3A_145, %add3A_162 : vector<16xi32>
      %gather3A_164 = tpu.vector_load_idx %arg24[%add3A_163] : memref<1024xf32, #tpu.memory_space<vmem>>[vector<16xi32>], vector<16xf32>,
      %add3A_165 = arith.constant 2 : i32
      %add3A_166 = vector.broadcast %add3A_165 : i32 to vector<16xi32>
      %add3A_167 = arith.addi %mul3A_148, %add3A_166 : vector<16xi32>
      %gather3A_168 = tpu.vector_load_idx %arg25[%add3A_167] : memref<1024xf32, #tpu.memory_space<vmem>>[vector<16xi32>], vector<16xf32>,
      %add3A_169 = arith.addf %gather3A_164, %gather3A_168 : vector<16xf32>
      %add3A_170 = arith.constant 3 : i32
      %add3A_171 = vector.broadcast %add3A_170 : i32 to vector<16xi32>
      %add3A_172 = arith.addi %mul3A_145, %add3A_171 : vector<16xi32>
      %gather3A_173 = tpu.vector_load_idx %arg24[%add3A_172] : memref<1024xf32, #tpu.memory_space<vmem>>[vector<16xi32>], vector<16xf32>,
      %add3A_174 = arith.constant 3 : i32
      %add3A_175 = vector.broadcast %add3A_174 : i32 to vector<16xi32>
      %add3A_176 = arith.addi %mul3A_148, %add3A_175 : vector<16xi32>
      %gather3A_177 = tpu.vector_load_idx %arg25[%add3A_176] : memref<1024xf32, #tpu.memory_space<vmem>>[vector<16xi32>], vector<16xf32>,
      %add3A_178 = arith.addf %gather3A_173, %gather3A_177 : vector<16xf32>
      %neg3A = arith.constant 0.000000e+00 : f32
      %neg3A_179 = vector.broadcast %neg3A : f32 to vector<16xf32>
      %neg3A_180 = arith.subf %neg3A_179, %add3A_151 : vector<16xf32>
      %exp3A = math.exp %neg3A_180 : vector<16xf32>
      %add3A_181 = arith.constant 1.000000e+00 : f32
      %add3A_182 = vector.broadcast %add3A_181 : f32 to vector<16xf32>
      %add3A_183 = arith.addf %add3A_182, %exp3A : vector<16xf32>
      %div3A = arith.constant 1.000000e+00 : f32
      %div3A_184 = vector.broadcast %div3A : f32 to vector<16xf32>
      %div3A_185 = arith.divf %div3A_184, %add3A_183 : vector<16xf32>
      %neg3A_186 = arith.constant 0.000000e+00 : f32
      %neg3A_187 = vector.broadcast %neg3A_186 : f32 to vector<16xf32>
      %neg3A_188 = arith.subf %neg3A_187, %add3A_160 : vector<16xf32>
      %exp3A_189 = math.exp %neg3A_188 : vector<16xf32>
      %add3A_190 = arith.constant 1.000000e+00 : f32
      %add3A_191 = vector.broadcast %add3A_190 : f32 to vector<16xf32>
      %add3A_192 = arith.addf %add3A_191, %exp3A_189 : vector<16xf32>
      %div3A_193 = arith.constant 1.000000e+00 : f32
      %div3A_194 = vector.broadcast %div3A_193 : f32 to vector<16xf32>
      %div3A_195 = arith.divf %div3A_194, %add3A_192 : vector<16xf32>
      %neg3A_196 = arith.constant 0.000000e+00 : f32
      %neg3A_197 = vector.broadcast %neg3A_196 : f32 to vector<16xf32>
      %neg3A_198 = arith.subf %neg3A_197, %add3A_169 : vector<16xf32>
      %exp3A_199 = math.exp %neg3A_198 : vector<16xf32>
      %add3A_200 = arith.constant 1.000000e+00 : f32
      %add3A_201 = vector.broadcast %add3A_200 : f32 to vector<16xf32>
      %add3A_202 = arith.addf %add3A_201, %exp3A_199 : vector<16xf32>
      %div3A_203 = arith.constant 1.000000e+00 : f32
      %div3A_204 = vector.broadcast %div3A_203 : f32 to vector<16xf32>
      %div3A_205 = arith.divf %div3A_204, %add3A_202 : vector<16xf32>
      %neg3A_206 = arith.constant 0.000000e+00 : f32
      %neg3A_207 = vector.broadcast %neg3A_206 : f32 to vector<16xf32>
      %neg3A_208 = arith.subf %neg3A_207, %add3A_178 : vector<16xf32>
      %exp3A_209 = math.exp %neg3A_208 : vector<16xf32>
      %add3A_210 = arith.constant 1.000000e+00 : f32
      %add3A_211 = vector.broadcast %add3A_210 : f32 to vector<16xf32>
      %add3A_212 = arith.addf %add3A_211, %exp3A_209 : vector<16xf32>
      %div3A_213 = arith.constant 1.000000e+00 : f32
      %div3A_214 = vector.broadcast %div3A_213 : f32 to vector<16xf32>
      %div3A_215 = arith.divf %div3A_214, %add3A_212 : vector<16xf32>
      %sub3A = arith.subf %get3A_137, %gather3A_142 : vector<16xf32>
      %add3A_216 = arith.addf %sub3A, %gather3A_141 : vector<16xf32>
      %mul3A_217 = arith.mulf %div3A_195, %sub3A : vector<16xf32>
      %mul3A_218 = arith.mulf %div3A_205, %add3A_216 : vector<16xf32>
      %add3A_219 = arith.addf %mul3A_217, %mul3A_218 : vector<16xf32>
      %mul3A_220 = arith.mulf %div3A_215, %get3A_137 : vector<16xf32>
      %add3A_221 = arith.addf %div3A_185, %mul3A_220 : vector<16xf32>
      %swap3A_222 = arith.index_cast %mul3A_115 : i32 to index
      %swap3A_223 = arith.constant 0 : index
      %swap3A_224 = tpu.vector_load %arg22[%swap3A_222, %swap3A_223] {strides = array<i32>} : memref<82x128xf32, #tpu.memory_space<vmem>>, vector<16xf32>,
      tpu.vector_store %arg22[%swap3A_222, %swap3A_223], %add3A_221 {strides = array<i32>} : memref<82x128xf32, #tpu.memory_space<vmem>>, vector<16xf32>,
      %swap3A_225 = arith.index_cast %mul3A_115 : i32 to index
      %swap3A_226 = arith.constant 0 : index
      %swap3A_227 = tpu.vector_load %arg23[%swap3A_225, %swap3A_226] {strides = array<i32>} : memref<82x128xf32, #tpu.memory_space<vmem>>, vector<16xf32>,
      tpu.vector_store %arg23[%swap3A_225, %swap3A_226], %add3A_219 {strides = array<i32>} : memref<82x128xf32, #tpu.memory_space<vmem>>, vector<16xf32>,
      %mul3A_228 = arith.constant 10496 : i32
      %mul3A_229 = arith.muli %add3A, %mul3A_228 : i32
      %mul3A_230 = arith.constant 128 : i32
      %mul3A_231 = arith.muli %mul3A_115, %mul3A_230 : i32
      %add3A_232 = arith.addi %mul3A_229, %mul3A_231 : i32
      %add3A_233 = arith.constant 0 : i32
      %add3A_234 = arith.addi %add3A_232, %add3A_233 : i32
      %add3A_235 = vector.broadcast %add3A_234 : i32 to vector<16xi32>
      %add3A_236 = arith.addi %add3A_235, %iota3A : vector<16xi32>
      %sub3A_237 = arith.subf %get3A_140, %add3A_221 : vector<16xf32>
      %lt3A = arith.constant 320000 : i32
      %lt3A_238 = vector.broadcast %lt3A : i32 to vector<16xi32>
      %lt3A_239 = arith.cmpi slt, %add3A_236, %lt3A_238 : vector<16xi32>
      %mul3A_240 = arith.mulf %sub3A_237, %sub3A_237 : vector<16xf32>
      %jit3A = arith.constant 0.000000e+00 : f32
      %broadcast_in_dim3A_241 = vector.broadcast %jit3A : f32 to vector<16xf32>
      %select_n3A = arith.select %lt3A_239, %mul3A_240, %broadcast_in_dim3A_241 : vector<16xi1>, vector<16xf32>
      %add3A_242 = arith.addf %scan3A_113, %select_n3A : vector<16xf32>
      %get3A_243 = arith.index_cast %mul3A_115 : i32 to index
      %get3A_244 = arith.constant 16 : index
      %get3A_245 = tpu.vector_load %arg17[%get3A_243, %get3A_244] {strides = array<i32>} : memref<82x128xi32, #tpu.memory_space<vmem>>, vector<16xi32>,
      %get3A_246 = arith.index_cast %mul3A_115 : i32 to index
      %get3A_247 = arith.constant 16 : index
      %get3A_248 = tpu.vector_load %arg18[%get3A_246, %get3A_247] {strides = array<i32>} : memref<82x128xi32, #tpu.memory_space<vmem>>, vector<16xi32>,
      %get3A_249 = arith.index_cast %mul3A_115 : i32 to index
      %get3A_250 = arith.constant 16 : index
      %get3A_251 = tpu.vector_load %arg19[%get3A_249, %get3A_250] {strides = array<i32>} : memref<82x128xi32, #tpu.memory_space<vmem>>, vector<16xi32>,
      %get3A_252 = arith.index_cast %mul3A_115 : i32 to index
      %get3A_253 = arith.constant 16 : index
      %get3A_254 = tpu.vector_load %arg20[%get3A_252, %get3A_253] {strides = array<i32>} : memref<82x128xf32, #tpu.memory_space<vmem>>, vector<16xf32>,
      %get3A_255 = arith.index_cast %mul3A_115 : i32 to index
      %get3A_256 = arith.constant 16 : index
      %get3A_257 = tpu.vector_load %arg21[%get3A_255, %get3A_256] {strides = array<i32>} : memref<82x128xf32, #tpu.memory_space<vmem>>, vector<16xf32>,
      %gather3A_258 = tpu.vector_load_idx %arg26[%get3A_248] : memref<10240xi32, #tpu.memory_space<vmem>>[vector<16xi32>], vector<16xi32>,
      %gather3A_259 = tpu.vector_load_idx %arg27[%get3A_248] : memref<10240xf32, #tpu.memory_space<vmem>>[vector<16xi32>], vector<16xf32>,
      %gather3A_260 = tpu.vector_load_idx %arg27[%get3A_251] : memref<10240xf32, #tpu.memory_space<vmem>>[vector<16xi32>], vector<16xf32>,
      %mul3A_261 = arith.constant 4 : i32
      %mul3A_262 = vector.broadcast %mul3A_261 : i32 to vector<16xi32>
      %mul3A_263 = arith.muli %get3A_245, %mul3A_262 : vector<16xi32>
      %mul3A_264 = arith.constant 4 : i32
      %mul3A_265 = vector.broadcast %mul3A_264 : i32 to vector<16xi32>
      %mul3A_266 = arith.muli %gather3A_258, %mul3A_265 : vector<16xi32>
      %gather3A_267 = tpu.vector_load_idx %arg24[%mul3A_263] : memref<1024xf32, #tpu.memory_space<vmem>>[vector<16xi32>], vector<16xf32>,
      %gather3A_268 = tpu.vector_load_idx %arg25[%mul3A_266] : memref<1024xf32, #tpu.memory_space<vmem>>[vector<16xi32>], vector<16xf32>,
      %add3A_269 = arith.addf %gather3A_267, %gather3A_268 : vector<16xf32>
      %add3A_270 = arith.constant 1 : i32
      %add3A_271 = vector.broadcast %add3A_270 : i32 to vector<16xi32>
      %add3A_272 = arith.addi %mul3A_263, %add3A_271 : vector<16xi32>
      %gather3A_273 = tpu.vector_load_idx %arg24[%add3A_272] : memref<1024xf32, #tpu.memory_space<vmem>>[vector<16xi32>], vector<16xf32>,
      %add3A_274 = arith.constant 1 : i32
      %add3A_275 = vector.broadcast %add3A_274 : i32 to vector<16xi32>
      %add3A_276 = arith.addi %mul3A_266, %add3A_275 : vector<16xi32>
      %gather3A_277 = tpu.vector_load_idx %arg25[%add3A_276] : memref<1024xf32, #tpu.memory_space<vmem>>[vector<16xi32>], vector<16xf32>,
      %add3A_278 = arith.addf %gather3A_273, %gather3A_277 : vector<16xf32>
      %add3A_279 = arith.constant 2 : i32
      %add3A_280 = vector.broadcast %add3A_279 : i32 to vector<16xi32>
      %add3A_281 = arith.addi %mul3A_263, %add3A_280 : vector<16xi32>
      %gather3A_282 = tpu.vector_load_idx %arg24[%add3A_281] : memref<1024xf32, #tpu.memory_space<vmem>>[vector<16xi32>], vector<16xf32>,
      %add3A_283 = arith.constant 2 : i32
      %add3A_284 = vector.broadcast %add3A_283 : i32 to vector<16xi32>
      %add3A_285 = arith.addi %mul3A_266, %add3A_284 : vector<16xi32>
      %gather3A_286 = tpu.vector_load_idx %arg25[%add3A_285] : memref<1024xf32, #tpu.memory_space<vmem>>[vector<16xi32>], vector<16xf32>,
      %add3A_287 = arith.addf %gather3A_282, %gather3A_286 : vector<16xf32>
      %add3A_288 = arith.constant 3 : i32
      %add3A_289 = vector.broadcast %add3A_288 : i32 to vector<16xi32>
      %add3A_290 = arith.addi %mul3A_263, %add3A_289 : vector<16xi32>
      %gather3A_291 = tpu.vector_load_idx %arg24[%add3A_290] : memref<1024xf32, #tpu.memory_space<vmem>>[vector<16xi32>], vector<16xf32>,
      %add3A_292 = arith.constant 3 : i32
      %add3A_293 = vector.broadcast %add3A_292 : i32 to vector<16xi32>
      %add3A_294 = arith.addi %mul3A_266, %add3A_293 : vector<16xi32>
      %gather3A_295 = tpu.vector_load_idx %arg25[%add3A_294] : memref<1024xf32, #tpu.memory_space<vmem>>[vector<16xi32>], vector<16xf32>,
      %add3A_296 = arith.addf %gather3A_291, %gather3A_295 : vector<16xf32>
      %neg3A_297 = arith.constant 0.000000e+00 : f32
      %neg3A_298 = vector.broadcast %neg3A_297 : f32 to vector<16xf32>
      %neg3A_299 = arith.subf %neg3A_298, %add3A_269 : vector<16xf32>
      %exp3A_300 = math.exp %neg3A_299 : vector<16xf32>
      %add3A_301 = arith.constant 1.000000e+00 : f32
      %add3A_302 = vector.broadcast %add3A_301 : f32 to vector<16xf32>
      %add3A_303 = arith.addf %add3A_302, %exp3A_300 : vector<16xf32>
      %div3A_304 = arith.constant 1.000000e+00 : f32
      %div3A_305 = vector.broadcast %div3A_304 : f32 to vector<16xf32>
      %div3A_306 = arith.divf %div3A_305, %add3A_303 : vector<16xf32>
      %neg3A_307 = arith.constant 0.000000e+00 : f32
      %neg3A_308 = vector.broadcast %neg3A_307 : f32 to vector<16xf32>
      %neg3A_309 = arith.subf %neg3A_308, %add3A_278 : vector<16xf32>
      %exp3A_310 = math.exp %neg3A_309 : vector<16xf32>
      %add3A_311 = arith.constant 1.000000e+00 : f32
      %add3A_312 = vector.broadcast %add3A_311 : f32 to vector<16xf32>
      %add3A_313 = arith.addf %add3A_312, %exp3A_310 : vector<16xf32>
      %div3A_314 = arith.constant 1.000000e+00 : f32
      %div3A_315 = vector.broadcast %div3A_314 : f32 to vector<16xf32>
      %div3A_316 = arith.divf %div3A_315, %add3A_313 : vector<16xf32>
      %neg3A_317 = arith.constant 0.000000e+00 : f32
      %neg3A_318 = vector.broadcast %neg3A_317 : f32 to vector<16xf32>
      %neg3A_319 = arith.subf %neg3A_318, %add3A_287 : vector<16xf32>
      %exp3A_320 = math.exp %neg3A_319 : vector<16xf32>
      %add3A_321 = arith.constant 1.000000e+00 : f32
      %add3A_322 = vector.broadcast %add3A_321 : f32 to vector<16xf32>
      %add3A_323 = arith.addf %add3A_322, %exp3A_320 : vector<16xf32>
      %div3A_324 = arith.constant 1.000000e+00 : f32
      %div3A_325 = vector.broadcast %div3A_324 : f32 to vector<16xf32>
      %div3A_326 = arith.divf %div3A_325, %add3A_323 : vector<16xf32>
      %neg3A_327 = arith.constant 0.000000e+00 : f32
      %neg3A_328 = vector.broadcast %neg3A_327 : f32 to vector<16xf32>
      %neg3A_329 = arith.subf %neg3A_328, %add3A_296 : vector<16xf32>
      %exp3A_330 = math.exp %neg3A_329 : vector<16xf32>
      %add3A_331 = arith.constant 1.000000e+00 : f32
      %add3A_332 = vector.broadcast %add3A_331 : f32 to vector<16xf32>
      %add3A_333 = arith.addf %add3A_332, %exp3A_330 : vector<16xf32>
      %div3A_334 = arith.constant 1.000000e+00 : f32
      %div3A_335 = vector.broadcast %div3A_334 : f32 to vector<16xf32>
      %div3A_336 = arith.divf %div3A_335, %add3A_333 : vector<16xf32>
      %sub3A_337 = arith.subf %get3A_254, %gather3A_260 : vector<16xf32>
      %add3A_338 = arith.addf %sub3A_337, %gather3A_259 : vector<16xf32>
      %mul3A_339 = arith.mulf %div3A_316, %sub3A_337 : vector<16xf32>
      %mul3A_340 = arith.mulf %div3A_326, %add3A_338 : vector<16xf32>
      %add3A_341 = arith.addf %mul3A_339, %mul3A_340 : vector<16xf32>
      %mul3A_342 = arith.mulf %div3A_336, %get3A_254 : vector<16xf32>
      %add3A_343 = arith.addf %div3A_306, %mul3A_342 : vector<16xf32>
      %swap3A_344 = arith.index_cast %mul3A_115 : i32 to index
      %swap3A_345 = arith.constant 16 : index
      %swap3A_346 = tpu.vector_load %arg22[%swap3A_344, %swap3A_345] {strides = array<i32>} : memref<82x128xf32, #tpu.memory_space<vmem>>, vector<16xf32>,
      tpu.vector_store %arg22[%swap3A_344, %swap3A_345], %add3A_343 {strides = array<i32>} : memref<82x128xf32, #tpu.memory_space<vmem>>, vector<16xf32>,
      %swap3A_347 = arith.index_cast %mul3A_115 : i32 to index
      %swap3A_348 = arith.constant 16 : index
      %swap3A_349 = tpu.vector_load %arg23[%swap3A_347, %swap3A_348] {strides = array<i32>} : memref<82x128xf32, #tpu.memory_space<vmem>>, vector<16xf32>,
      tpu.vector_store %arg23[%swap3A_347, %swap3A_348], %add3A_341 {strides = array<i32>} : memref<82x128xf32, #tpu.memory_space<vmem>>, vector<16xf32>,
      %mul3A_350 = arith.constant 10496 : i32
      %mul3A_351 = arith.muli %add3A, %mul3A_350 : i32
      %mul3A_352 = arith.constant 128 : i32
      %mul3A_353 = arith.muli %mul3A_115, %mul3A_352 : i32
      %add3A_354 = arith.addi %mul3A_351, %mul3A_353 : i32
      %add3A_355 = arith.constant 16 : i32
      %add3A_356 = arith.addi %add3A_354, %add3A_355 : i32
      %add3A_357 = vector.broadcast %add3A_356 : i32 to vector<16xi32>
      %add3A_358 = arith.addi %add3A_357, %iota3A : vector<16xi32>
      %sub3A_359 = arith.subf %get3A_257, %add3A_343 : vector<16xf32>
      %lt3A_360 = arith.constant 320000 : i32
      %lt3A_361 = vector.broadcast %lt3A_360 : i32 to vector<16xi32>
      %lt3A_362 = arith.cmpi slt, %add3A_358, %lt3A_361 : vector<16xi32>
      %mul3A_363 = arith.mulf %sub3A_359, %sub3A_359 : vector<16xf32>
      %jit3A_364 = arith.constant 0.000000e+00 : f32
      %broadcast_in_dim3A_365 = vector.broadcast %jit3A_364 : f32 to vector<16xf32>
      %select_n3A_366 = arith.select %lt3A_362, %mul3A_363, %broadcast_in_dim3A_365 : vector<16xi1>, vector<16xf32>
      %add3A_367 = arith.addf %add3A_242, %select_n3A_366 : vector<16xf32>
      %get3A_368 = arith.index_cast %mul3A_115 : i32 to index
      %get3A_369 = arith.constant 32 : index
      %get3A_370 = tpu.vector_load %arg17[%get3A_368, %get3A_369] {strides = array<i32>} : memref<82x128xi32, #tpu.memory_space<vmem>>, vector<16xi32>,
      %get3A_371 = arith.index_cast %mul3A_115 : i32 to index
      %get3A_372 = arith.constant 32 : index
      %get3A_373 = tpu.vector_load %arg18[%get3A_371, %get3A_372] {strides = array<i32>} : memref<82x128xi32, #tpu.memory_space<vmem>>, vector<16xi32>,
      %get3A_374 = arith.index_cast %mul3A_115 : i32 to index
      %get3A_375 = arith.constant 32 : index
      %get3A_376 = tpu.vector_load %arg19[%get3A_374, %get3A_375] {strides = array<i32>} : memref<82x128xi32, #tpu.memory_space<vmem>>, vector<16xi32>,
      %get3A_377 = arith.index_cast %mul3A_115 : i32 to index
      %get3A_378 = arith.constant 32 : index
      %get3A_379 = tpu.vector_load %arg20[%get3A_377, %get3A_378] {strides = array<i32>} : memref<82x128xf32, #tpu.memory_space<vmem>>, vector<16xf32>,
      %get3A_380 = arith.index_cast %mul3A_115 : i32 to index
      %get3A_381 = arith.constant 32 : index
      %get3A_382 = tpu.vector_load %arg21[%get3A_380, %get3A_381] {strides = array<i32>} : memref<82x128xf32, #tpu.memory_space<vmem>>, vector<16xf32>,
      %gather3A_383 = tpu.vector_load_idx %arg26[%get3A_373] : memref<10240xi32, #tpu.memory_space<vmem>>[vector<16xi32>], vector<16xi32>,
      %gather3A_384 = tpu.vector_load_idx %arg27[%get3A_373] : memref<10240xf32, #tpu.memory_space<vmem>>[vector<16xi32>], vector<16xf32>,
      %gather3A_385 = tpu.vector_load_idx %arg27[%get3A_376] : memref<10240xf32, #tpu.memory_space<vmem>>[vector<16xi32>], vector<16xf32>,
      %mul3A_386 = arith.constant 4 : i32
      %mul3A_387 = vector.broadcast %mul3A_386 : i32 to vector<16xi32>
      %mul3A_388 = arith.muli %get3A_370, %mul3A_387 : vector<16xi32>
      %mul3A_389 = arith.constant 4 : i32
      %mul3A_390 = vector.broadcast %mul3A_389 : i32 to vector<16xi32>
      %mul3A_391 = arith.muli %gather3A_383, %mul3A_390 : vector<16xi32>
      %gather3A_392 = tpu.vector_load_idx %arg24[%mul3A_388] : memref<1024xf32, #tpu.memory_space<vmem>>[vector<16xi32>], vector<16xf32>,
      %gather3A_393 = tpu.vector_load_idx %arg25[%mul3A_391] : memref<1024xf32, #tpu.memory_space<vmem>>[vector<16xi32>], vector<16xf32>,
      %add3A_394 = arith.addf %gather3A_392, %gather3A_393 : vector<16xf32>
      %add3A_395 = arith.constant 1 : i32
      %add3A_396 = vector.broadcast %add3A_395 : i32 to vector<16xi32>
      %add3A_397 = arith.addi %mul3A_388, %add3A_396 : vector<16xi32>
      %gather3A_398 = tpu.vector_load_idx %arg24[%add3A_397] : memref<1024xf32, #tpu.memory_space<vmem>>[vector<16xi32>], vector<16xf32>,
      %add3A_399 = arith.constant 1 : i32
      %add3A_400 = vector.broadcast %add3A_399 : i32 to vector<16xi32>
      %add3A_401 = arith.addi %mul3A_391, %add3A_400 : vector<16xi32>
      %gather3A_402 = tpu.vector_load_idx %arg25[%add3A_401] : memref<1024xf32, #tpu.memory_space<vmem>>[vector<16xi32>], vector<16xf32>,
      %add3A_403 = arith.addf %gather3A_398, %gather3A_402 : vector<16xf32>
      %add3A_404 = arith.constant 2 : i32
      %add3A_405 = vector.broadcast %add3A_404 : i32 to vector<16xi32>
      %add3A_406 = arith.addi %mul3A_388, %add3A_405 : vector<16xi32>
      %gather3A_407 = tpu.vector_load_idx %arg24[%add3A_406] : memref<1024xf32, #tpu.memory_space<vmem>>[vector<16xi32>], vector<16xf32>,
      %add3A_408 = arith.constant 2 : i32
      %add3A_409 = vector.broadcast %add3A_408 : i32 to vector<16xi32>
      %add3A_410 = arith.addi %mul3A_391, %add3A_409 : vector<16xi32>
      %gather3A_411 = tpu.vector_load_idx %arg25[%add3A_410] : memref<1024xf32, #tpu.memory_space<vmem>>[vector<16xi32>], vector<16xf32>,
      %add3A_412 = arith.addf %gather3A_407, %gather3A_411 : vector<16xf32>
      %add3A_413 = arith.constant 3 : i32
      %add3A_414 = vector.broadcast %add3A_413 : i32 to vector<16xi32>
      %add3A_415 = arith.addi %mul3A_388, %add3A_414 : vector<16xi32>
      %gather3A_416 = tpu.vector_load_idx %arg24[%add3A_415] : memref<1024xf32, #tpu.memory_space<vmem>>[vector<16xi32>], vector<16xf32>,
      %add3A_417 = arith.constant 3 : i32
      %add3A_418 = vector.broadcast %add3A_417 : i32 to vector<16xi32>
      %add3A_419 = arith.addi %mul3A_391, %add3A_418 : vector<16xi32>
      %gather3A_420 = tpu.vector_load_idx %arg25[%add3A_419] : memref<1024xf32, #tpu.memory_space<vmem>>[vector<16xi32>], vector<16xf32>,
      %add3A_421 = arith.addf %gather3A_416, %gather3A_420 : vector<16xf32>
      %neg3A_422 = arith.constant 0.000000e+00 : f32
      %neg3A_423 = vector.broadcast %neg3A_422 : f32 to vector<16xf32>
      %neg3A_424 = arith.subf %neg3A_423, %add3A_394 : vector<16xf32>
      %exp3A_425 = math.exp %neg3A_424 : vector<16xf32>
      %add3A_426 = arith.constant 1.000000e+00 : f32
      %add3A_427 = vector.broadcast %add3A_426 : f32 to vector<16xf32>
      %add3A_428 = arith.addf %add3A_427, %exp3A_425 : vector<16xf32>
      %div3A_429 = arith.constant 1.000000e+00 : f32
      %div3A_430 = vector.broadcast %div3A_429 : f32 to vector<16xf32>
      %div3A_431 = arith.divf %div3A_430, %add3A_428 : vector<16xf32>
      %neg3A_432 = arith.constant 0.000000e+00 : f32
      %neg3A_433 = vector.broadcast %neg3A_432 : f32 to vector<16xf32>
      %neg3A_434 = arith.subf %neg3A_433, %add3A_403 : vector<16xf32>
      %exp3A_435 = math.exp %neg3A_434 : vector<16xf32>
      %add3A_436 = arith.constant 1.000000e+00 : f32
      %add3A_437 = vector.broadcast %add3A_436 : f32 to vector<16xf32>
      %add3A_438 = arith.addf %add3A_437, %exp3A_435 : vector<16xf32>
      %div3A_439 = arith.constant 1.000000e+00 : f32
      %div3A_440 = vector.broadcast %div3A_439 : f32 to vector<16xf32>
      %div3A_441 = arith.divf %div3A_440, %add3A_438 : vector<16xf32>
      %neg3A_442 = arith.constant 0.000000e+00 : f32
      %neg3A_443 = vector.broadcast %neg3A_442 : f32 to vector<16xf32>
      %neg3A_444 = arith.subf %neg3A_443, %add3A_412 : vector<16xf32>
      %exp3A_445 = math.exp %neg3A_444 : vector<16xf32>
      %add3A_446 = arith.constant 1.000000e+00 : f32
      %add3A_447 = vector.broadcast %add3A_446 : f32 to vector<16xf32>
      %add3A_448 = arith.addf %add3A_447, %exp3A_445 : vector<16xf32>
      %div3A_449 = arith.constant 1.000000e+00 : f32
      %div3A_450 = vector.broadcast %div3A_449 : f32 to vector<16xf32>
      %div3A_451 = arith.divf %div3A_450, %add3A_448 : vector<16xf32>
      %neg3A_452 = arith.constant 0.000000e+00 : f32
      %neg3A_453 = vector.broadcast %neg3A_452 : f32 to vector<16xf32>
      %neg3A_454 = arith.subf %neg3A_453, %add3A_421 : vector<16xf32>
      %exp3A_455 = math.exp %neg3A_454 : vector<16xf32>
      %add3A_456 = arith.constant 1.000000e+00 : f32
      %add3A_457 = vector.broadcast %add3A_456 : f32 to vector<16xf32>
      %add3A_458 = arith.addf %add3A_457, %exp3A_455 : vector<16xf32>
      %div3A_459 = arith.constant 1.000000e+00 : f32
      %div3A_460 = vector.broadcast %div3A_459 : f32 to vector<16xf32>
      %div3A_461 = arith.divf %div3A_460, %add3A_458 : vector<16xf32>
      %sub3A_462 = arith.subf %get3A_379, %gather3A_385 : vector<16xf32>
      %add3A_463 = arith.addf %sub3A_462, %gather3A_384 : vector<16xf32>
      %mul3A_464 = arith.mulf %div3A_441, %sub3A_462 : vector<16xf32>
      %mul3A_465 = arith.mulf %div3A_451, %add3A_463 : vector<16xf32>
      %add3A_466 = arith.addf %mul3A_464, %mul3A_465 : vector<16xf32>
      %mul3A_467 = arith.mulf %div3A_461, %get3A_379 : vector<16xf32>
      %add3A_468 = arith.addf %div3A_431, %mul3A_467 : vector<16xf32>
      %swap3A_469 = arith.index_cast %mul3A_115 : i32 to index
      %swap3A_470 = arith.constant 32 : index
      %swap3A_471 = tpu.vector_load %arg22[%swap3A_469, %swap3A_470] {strides = array<i32>} : memref<82x128xf32, #tpu.memory_space<vmem>>, vector<16xf32>,
      tpu.vector_store %arg22[%swap3A_469, %swap3A_470], %add3A_468 {strides = array<i32>} : memref<82x128xf32, #tpu.memory_space<vmem>>, vector<16xf32>,
      %swap3A_472 = arith.index_cast %mul3A_115 : i32 to index
      %swap3A_473 = arith.constant 32 : index
      %swap3A_474 = tpu.vector_load %arg23[%swap3A_472, %swap3A_473] {strides = array<i32>} : memref<82x128xf32, #tpu.memory_space<vmem>>, vector<16xf32>,
      tpu.vector_store %arg23[%swap3A_472, %swap3A_473], %add3A_466 {strides = array<i32>} : memref<82x128xf32, #tpu.memory_space<vmem>>, vector<16xf32>,
      %mul3A_475 = arith.constant 10496 : i32
      %mul3A_476 = arith.muli %add3A, %mul3A_475 : i32
      %mul3A_477 = arith.constant 128 : i32
      %mul3A_478 = arith.muli %mul3A_115, %mul3A_477 : i32
      %add3A_479 = arith.addi %mul3A_476, %mul3A_478 : i32
      %add3A_480 = arith.constant 32 : i32
      %add3A_481 = arith.addi %add3A_479, %add3A_480 : i32
      %add3A_482 = vector.broadcast %add3A_481 : i32 to vector<16xi32>
      %add3A_483 = arith.addi %add3A_482, %iota3A : vector<16xi32>
      %sub3A_484 = arith.subf %get3A_382, %add3A_468 : vector<16xf32>
      %lt3A_485 = arith.constant 320000 : i32
      %lt3A_486 = vector.broadcast %lt3A_485 : i32 to vector<16xi32>
      %lt3A_487 = arith.cmpi slt, %add3A_483, %lt3A_486 : vector<16xi32>
      %mul3A_488 = arith.mulf %sub3A_484, %sub3A_484 : vector<16xf32>
      %jit3A_489 = arith.constant 0.000000e+00 : f32
      %broadcast_in_dim3A_490 = vector.broadcast %jit3A_489 : f32 to vector<16xf32>
      %select_n3A_491 = arith.select %lt3A_487, %mul3A_488, %broadcast_in_dim3A_490 : vector<16xi1>, vector<16xf32>
      %add3A_492 = arith.addf %add3A_367, %select_n3A_491 : vector<16xf32>
      %get3A_493 = arith.index_cast %mul3A_115 : i32 to index
      %get3A_494 = arith.constant 48 : index
      %get3A_495 = tpu.vector_load %arg17[%get3A_493, %get3A_494] {strides = array<i32>} : memref<82x128xi32, #tpu.memory_space<vmem>>, vector<16xi32>,
      %get3A_496 = arith.index_cast %mul3A_115 : i32 to index
      %get3A_497 = arith.constant 48 : index
      %get3A_498 = tpu.vector_load %arg18[%get3A_496, %get3A_497] {strides = array<i32>} : memref<82x128xi32, #tpu.memory_space<vmem>>, vector<16xi32>,
      %get3A_499 = arith.index_cast %mul3A_115 : i32 to index
      %get3A_500 = arith.constant 48 : index
      %get3A_501 = tpu.vector_load %arg19[%get3A_499, %get3A_500] {strides = array<i32>} : memref<82x128xi32, #tpu.memory_space<vmem>>, vector<16xi32>,
      %get3A_502 = arith.index_cast %mul3A_115 : i32 to index
      %get3A_503 = arith.constant 48 : index
      %get3A_504 = tpu.vector_load %arg20[%get3A_502, %get3A_503] {strides = array<i32>} : memref<82x128xf32, #tpu.memory_space<vmem>>, vector<16xf32>,
      %get3A_505 = arith.index_cast %mul3A_115 : i32 to index
      %get3A_506 = arith.constant 48 : index
      %get3A_507 = tpu.vector_load %arg21[%get3A_505, %get3A_506] {strides = array<i32>} : memref<82x128xf32, #tpu.memory_space<vmem>>, vector<16xf32>,
      %gather3A_508 = tpu.vector_load_idx %arg26[%get3A_498] : memref<10240xi32, #tpu.memory_space<vmem>>[vector<16xi32>], vector<16xi32>,
      %gather3A_509 = tpu.vector_load_idx %arg27[%get3A_498] : memref<10240xf32, #tpu.memory_space<vmem>>[vector<16xi32>], vector<16xf32>,
      %gather3A_510 = tpu.vector_load_idx %arg27[%get3A_501] : memref<10240xf32, #tpu.memory_space<vmem>>[vector<16xi32>], vector<16xf32>,
      %mul3A_511 = arith.constant 4 : i32
      %mul3A_512 = vector.broadcast %mul3A_511 : i32 to vector<16xi32>
      %mul3A_513 = arith.muli %get3A_495, %mul3A_512 : vector<16xi32>
      %mul3A_514 = arith.constant 4 : i32
      %mul3A_515 = vector.broadcast %mul3A_514 : i32 to vector<16xi32>
      %mul3A_516 = arith.muli %gather3A_508, %mul3A_515 : vector<16xi32>
      %gather3A_517 = tpu.vector_load_idx %arg24[%mul3A_513] : memref<1024xf32, #tpu.memory_space<vmem>>[vector<16xi32>], vector<16xf32>,
      %gather3A_518 = tpu.vector_load_idx %arg25[%mul3A_516] : memref<1024xf32, #tpu.memory_space<vmem>>[vector<16xi32>], vector<16xf32>,
      %add3A_519 = arith.addf %gather3A_517, %gather3A_518 : vector<16xf32>
      %add3A_520 = arith.constant 1 : i32
      %add3A_521 = vector.broadcast %add3A_520 : i32 to vector<16xi32>
      %add3A_522 = arith.addi %mul3A_513, %add3A_521 : vector<16xi32>
      %gather3A_523 = tpu.vector_load_idx %arg24[%add3A_522] : memref<1024xf32, #tpu.memory_space<vmem>>[vector<16xi32>], vector<16xf32>,
      %add3A_524 = arith.constant 1 : i32
      %add3A_525 = vector.broadcast %add3A_524 : i32 to vector<16xi32>
      %add3A_526 = arith.addi %mul3A_516, %add3A_525 : vector<16xi32>
      %gather3A_527 = tpu.vector_load_idx %arg25[%add3A_526] : memref<1024xf32, #tpu.memory_space<vmem>>[vector<16xi32>], vector<16xf32>,
      %add3A_528 = arith.addf %gather3A_523, %gather3A_527 : vector<16xf32>
      %add3A_529 = arith.constant 2 : i32
      %add3A_530 = vector.broadcast %add3A_529 : i32 to vector<16xi32>
      %add3A_531 = arith.addi %mul3A_513, %add3A_530 : vector<16xi32>
      %gather3A_532 = tpu.vector_load_idx %arg24[%add3A_531] : memref<1024xf32, #tpu.memory_space<vmem>>[vector<16xi32>], vector<16xf32>,
      %add3A_533 = arith.constant 2 : i32
      %add3A_534 = vector.broadcast %add3A_533 : i32 to vector<16xi32>
      %add3A_535 = arith.addi %mul3A_516, %add3A_534 : vector<16xi32>
      %gather3A_536 = tpu.vector_load_idx %arg25[%add3A_535] : memref<1024xf32, #tpu.memory_space<vmem>>[vector<16xi32>], vector<16xf32>,
      %add3A_537 = arith.addf %gather3A_532, %gather3A_536 : vector<16xf32>
      %add3A_538 = arith.constant 3 : i32
      %add3A_539 = vector.broadcast %add3A_538 : i32 to vector<16xi32>
      %add3A_540 = arith.addi %mul3A_513, %add3A_539 : vector<16xi32>
      %gather3A_541 = tpu.vector_load_idx %arg24[%add3A_540] : memref<1024xf32, #tpu.memory_space<vmem>>[vector<16xi32>], vector<16xf32>,
      %add3A_542 = arith.constant 3 : i32
      %add3A_543 = vector.broadcast %add3A_542 : i32 to vector<16xi32>
      %add3A_544 = arith.addi %mul3A_516, %add3A_543 : vector<16xi32>
      %gather3A_545 = tpu.vector_load_idx %arg25[%add3A_544] : memref<1024xf32, #tpu.memory_space<vmem>>[vector<16xi32>], vector<16xf32>,
      %add3A_546 = arith.addf %gather3A_541, %gather3A_545 : vector<16xf32>
      %neg3A_547 = arith.constant 0.000000e+00 : f32
      %neg3A_548 = vector.broadcast %neg3A_547 : f32 to vector<16xf32>
      %neg3A_549 = arith.subf %neg3A_548, %add3A_519 : vector<16xf32>
      %exp3A_550 = math.exp %neg3A_549 : vector<16xf32>
      %add3A_551 = arith.constant 1.000000e+00 : f32
      %add3A_552 = vector.broadcast %add3A_551 : f32 to vector<16xf32>
      %add3A_553 = arith.addf %add3A_552, %exp3A_550 : vector<16xf32>
      %div3A_554 = arith.constant 1.000000e+00 : f32
      %div3A_555 = vector.broadcast %div3A_554 : f32 to vector<16xf32>
      %div3A_556 = arith.divf %div3A_555, %add3A_553 : vector<16xf32>
      %neg3A_557 = arith.constant 0.000000e+00 : f32
      %neg3A_558 = vector.broadcast %neg3A_557 : f32 to vector<16xf32>
      %neg3A_559 = arith.subf %neg3A_558, %add3A_528 : vector<16xf32>
      %exp3A_560 = math.exp %neg3A_559 : vector<16xf32>
      %add3A_561 = arith.constant 1.000000e+00 : f32
      %add3A_562 = vector.broadcast %add3A_561 : f32 to vector<16xf32>
      %add3A_563 = arith.addf %add3A_562, %exp3A_560 : vector<16xf32>
      %div3A_564 = arith.constant 1.000000e+00 : f32
      %div3A_565 = vector.broadcast %div3A_564 : f32 to vector<16xf32>
      %div3A_566 = arith.divf %div3A_565, %add3A_563 : vector<16xf32>
      %neg3A_567 = arith.constant 0.000000e+00 : f32
      %neg3A_568 = vector.broadcast %neg3A_567 : f32 to vector<16xf32>
      %neg3A_569 = arith.subf %neg3A_568, %add3A_537 : vector<16xf32>
      %exp3A_570 = math.exp %neg3A_569 : vector<16xf32>
      %add3A_571 = arith.constant 1.000000e+00 : f32
      %add3A_572 = vector.broadcast %add3A_571 : f32 to vector<16xf32>
      %add3A_573 = arith.addf %add3A_572, %exp3A_570 : vector<16xf32>
      %div3A_574 = arith.constant 1.000000e+00 : f32
      %div3A_575 = vector.broadcast %div3A_574 : f32 to vector<16xf32>
      %div3A_576 = arith.divf %div3A_575, %add3A_573 : vector<16xf32>
      %neg3A_577 = arith.constant 0.000000e+00 : f32
      %neg3A_578 = vector.broadcast %neg3A_577 : f32 to vector<16xf32>
      %neg3A_579 = arith.subf %neg3A_578, %add3A_546 : vector<16xf32>
      %exp3A_580 = math.exp %neg3A_579 : vector<16xf32>
      %add3A_581 = arith.constant 1.000000e+00 : f32
      %add3A_582 = vector.broadcast %add3A_581 : f32 to vector<16xf32>
      %add3A_583 = arith.addf %add3A_582, %exp3A_580 : vector<16xf32>
      %div3A_584 = arith.constant 1.000000e+00 : f32
      %div3A_585 = vector.broadcast %div3A_584 : f32 to vector<16xf32>
      %div3A_586 = arith.divf %div3A_585, %add3A_583 : vector<16xf32>
      %sub3A_587 = arith.subf %get3A_504, %gather3A_510 : vector<16xf32>
      %add3A_588 = arith.addf %sub3A_587, %gather3A_509 : vector<16xf32>
      %mul3A_589 = arith.mulf %div3A_566, %sub3A_587 : vector<16xf32>
      %mul3A_590 = arith.mulf %div3A_576, %add3A_588 : vector<16xf32>
      %add3A_591 = arith.addf %mul3A_589, %mul3A_590 : vector<16xf32>
      %mul3A_592 = arith.mulf %div3A_586, %get3A_504 : vector<16xf32>
      %add3A_593 = arith.addf %div3A_556, %mul3A_592 : vector<16xf32>
      %swap3A_594 = arith.index_cast %mul3A_115 : i32 to index
      %swap3A_595 = arith.constant 48 : index
      %swap3A_596 = tpu.vector_load %arg22[%swap3A_594, %swap3A_595] {strides = array<i32>} : memref<82x128xf32, #tpu.memory_space<vmem>>, vector<16xf32>,
      tpu.vector_store %arg22[%swap3A_594, %swap3A_595], %add3A_593 {strides = array<i32>} : memref<82x128xf32, #tpu.memory_space<vmem>>, vector<16xf32>,
      %swap3A_597 = arith.index_cast %mul3A_115 : i32 to index
      %swap3A_598 = arith.constant 48 : index
      %swap3A_599 = tpu.vector_load %arg23[%swap3A_597, %swap3A_598] {strides = array<i32>} : memref<82x128xf32, #tpu.memory_space<vmem>>, vector<16xf32>,
      tpu.vector_store %arg23[%swap3A_597, %swap3A_598], %add3A_591 {strides = array<i32>} : memref<82x128xf32, #tpu.memory_space<vmem>>, vector<16xf32>,
      %mul3A_600 = arith.constant 10496 : i32
      %mul3A_601 = arith.muli %add3A, %mul3A_600 : i32
      %mul3A_602 = arith.constant 128 : i32
      %mul3A_603 = arith.muli %mul3A_115, %mul3A_602 : i32
      %add3A_604 = arith.addi %mul3A_601, %mul3A_603 : i32
      %add3A_605 = arith.constant 48 : i32
      %add3A_606 = arith.addi %add3A_604, %add3A_605 : i32
      %add3A_607 = vector.broadcast %add3A_606 : i32 to vector<16xi32>
      %add3A_608 = arith.addi %add3A_607, %iota3A : vector<16xi32>
      %sub3A_609 = arith.subf %get3A_507, %add3A_593 : vector<16xf32>
      %lt3A_610 = arith.constant 320000 : i32
      %lt3A_611 = vector.broadcast %lt3A_610 : i32 to vector<16xi32>
      %lt3A_612 = arith.cmpi slt, %add3A_608, %lt3A_611 : vector<16xi32>
      %mul3A_613 = arith.mulf %sub3A_609, %sub3A_609 : vector<16xf32>
      %jit3A_614 = arith.constant 0.000000e+00 : f32
      %broadcast_in_dim3A_615 = vector.broadcast %jit3A_614 : f32 to vector<16xf32>
      %select_n3A_616 = arith.select %lt3A_612, %mul3A_613, %broadcast_in_dim3A_615 : vector<16xi1>, vector<16xf32>
      %add3A_617 = arith.addf %add3A_492, %select_n3A_616 : vector<16xf32>
      %get3A_618 = arith.index_cast %mul3A_115 : i32 to index
      %get3A_619 = arith.constant 64 : index
      %get3A_620 = tpu.vector_load %arg17[%get3A_618, %get3A_619] {strides = array<i32>} : memref<82x128xi32, #tpu.memory_space<vmem>>, vector<16xi32>,
      %get3A_621 = arith.index_cast %mul3A_115 : i32 to index
      %get3A_622 = arith.constant 64 : index
      %get3A_623 = tpu.vector_load %arg18[%get3A_621, %get3A_622] {strides = array<i32>} : memref<82x128xi32, #tpu.memory_space<vmem>>, vector<16xi32>,
      %get3A_624 = arith.index_cast %mul3A_115 : i32 to index
      %get3A_625 = arith.constant 64 : index
      %get3A_626 = tpu.vector_load %arg19[%get3A_624, %get3A_625] {strides = array<i32>} : memref<82x128xi32, #tpu.memory_space<vmem>>, vector<16xi32>,
      %get3A_627 = arith.index_cast %mul3A_115 : i32 to index
      %get3A_628 = arith.constant 64 : index
      %get3A_629 = tpu.vector_load %arg20[%get3A_627, %get3A_628] {strides = array<i32>} : memref<82x128xf32, #tpu.memory_space<vmem>>, vector<16xf32>,
      %get3A_630 = arith.index_cast %mul3A_115 : i32 to index
      %get3A_631 = arith.constant 64 : index
      %get3A_632 = tpu.vector_load %arg21[%get3A_630, %get3A_631] {strides = array<i32>} : memref<82x128xf32, #tpu.memory_space<vmem>>, vector<16xf32>,
      %gather3A_633 = tpu.vector_load_idx %arg26[%get3A_623] : memref<10240xi32, #tpu.memory_space<vmem>>[vector<16xi32>], vector<16xi32>,
      %gather3A_634 = tpu.vector_load_idx %arg27[%get3A_623] : memref<10240xf32, #tpu.memory_space<vmem>>[vector<16xi32>], vector<16xf32>,
      %gather3A_635 = tpu.vector_load_idx %arg27[%get3A_626] : memref<10240xf32, #tpu.memory_space<vmem>>[vector<16xi32>], vector<16xf32>,
      %mul3A_636 = arith.constant 4 : i32
      %mul3A_637 = vector.broadcast %mul3A_636 : i32 to vector<16xi32>
      %mul3A_638 = arith.muli %get3A_620, %mul3A_637 : vector<16xi32>
      %mul3A_639 = arith.constant 4 : i32
      %mul3A_640 = vector.broadcast %mul3A_639 : i32 to vector<16xi32>
      %mul3A_641 = arith.muli %gather3A_633, %mul3A_640 : vector<16xi32>
      %gather3A_642 = tpu.vector_load_idx %arg24[%mul3A_638] : memref<1024xf32, #tpu.memory_space<vmem>>[vector<16xi32>], vector<16xf32>,
      %gather3A_643 = tpu.vector_load_idx %arg25[%mul3A_641] : memref<1024xf32, #tpu.memory_space<vmem>>[vector<16xi32>], vector<16xf32>,
      %add3A_644 = arith.addf %gather3A_642, %gather3A_643 : vector<16xf32>
      %add3A_645 = arith.constant 1 : i32
      %add3A_646 = vector.broadcast %add3A_645 : i32 to vector<16xi32>
      %add3A_647 = arith.addi %mul3A_638, %add3A_646 : vector<16xi32>
      %gather3A_648 = tpu.vector_load_idx %arg24[%add3A_647] : memref<1024xf32, #tpu.memory_space<vmem>>[vector<16xi32>], vector<16xf32>,
      %add3A_649 = arith.constant 1 : i32
      %add3A_650 = vector.broadcast %add3A_649 : i32 to vector<16xi32>
      %add3A_651 = arith.addi %mul3A_641, %add3A_650 : vector<16xi32>
      %gather3A_652 = tpu.vector_load_idx %arg25[%add3A_651] : memref<1024xf32, #tpu.memory_space<vmem>>[vector<16xi32>], vector<16xf32>,
      %add3A_653 = arith.addf %gather3A_648, %gather3A_652 : vector<16xf32>
      %add3A_654 = arith.constant 2 : i32
      %add3A_655 = vector.broadcast %add3A_654 : i32 to vector<16xi32>
      %add3A_656 = arith.addi %mul3A_638, %add3A_655 : vector<16xi32>
      %gather3A_657 = tpu.vector_load_idx %arg24[%add3A_656] : memref<1024xf32, #tpu.memory_space<vmem>>[vector<16xi32>], vector<16xf32>,
      %add3A_658 = arith.constant 2 : i32
      %add3A_659 = vector.broadcast %add3A_658 : i32 to vector<16xi32>
      %add3A_660 = arith.addi %mul3A_641, %add3A_659 : vector<16xi32>
      %gather3A_661 = tpu.vector_load_idx %arg25[%add3A_660] : memref<1024xf32, #tpu.memory_space<vmem>>[vector<16xi32>], vector<16xf32>,
      %add3A_662 = arith.addf %gather3A_657, %gather3A_661 : vector<16xf32>
      %add3A_663 = arith.constant 3 : i32
      %add3A_664 = vector.broadcast %add3A_663 : i32 to vector<16xi32>
      %add3A_665 = arith.addi %mul3A_638, %add3A_664 : vector<16xi32>
      %gather3A_666 = tpu.vector_load_idx %arg24[%add3A_665] : memref<1024xf32, #tpu.memory_space<vmem>>[vector<16xi32>], vector<16xf32>,
      %add3A_667 = arith.constant 3 : i32
      %add3A_668 = vector.broadcast %add3A_667 : i32 to vector<16xi32>
      %add3A_669 = arith.addi %mul3A_641, %add3A_668 : vector<16xi32>
      %gather3A_670 = tpu.vector_load_idx %arg25[%add3A_669] : memref<1024xf32, #tpu.memory_space<vmem>>[vector<16xi32>], vector<16xf32>,
      %add3A_671 = arith.addf %gather3A_666, %gather3A_670 : vector<16xf32>
      %neg3A_672 = arith.constant 0.000000e+00 : f32
      %neg3A_673 = vector.broadcast %neg3A_672 : f32 to vector<16xf32>
      %neg3A_674 = arith.subf %neg3A_673, %add3A_644 : vector<16xf32>
      %exp3A_675 = math.exp %neg3A_674 : vector<16xf32>
      %add3A_676 = arith.constant 1.000000e+00 : f32
      %add3A_677 = vector.broadcast %add3A_676 : f32 to vector<16xf32>
      %add3A_678 = arith.addf %add3A_677, %exp3A_675 : vector<16xf32>
      %div3A_679 = arith.constant 1.000000e+00 : f32
      %div3A_680 = vector.broadcast %div3A_679 : f32 to vector<16xf32>
      %div3A_681 = arith.divf %div3A_680, %add3A_678 : vector<16xf32>
      %neg3A_682 = arith.constant 0.000000e+00 : f32
      %neg3A_683 = vector.broadcast %neg3A_682 : f32 to vector<16xf32>
      %neg3A_684 = arith.subf %neg3A_683, %add3A_653 : vector<16xf32>
      %exp3A_685 = math.exp %neg3A_684 : vector<16xf32>
      %add3A_686 = arith.constant 1.000000e+00 : f32
      %add3A_687 = vector.broadcast %add3A_686 : f32 to vector<16xf32>
      %add3A_688 = arith.addf %add3A_687, %exp3A_685 : vector<16xf32>
      %div3A_689 = arith.constant 1.000000e+00 : f32
      %div3A_690 = vector.broadcast %div3A_689 : f32 to vector<16xf32>
      %div3A_691 = arith.divf %div3A_690, %add3A_688 : vector<16xf32>
      %neg3A_692 = arith.constant 0.000000e+00 : f32
      %neg3A_693 = vector.broadcast %neg3A_692 : f32 to vector<16xf32>
      %neg3A_694 = arith.subf %neg3A_693, %add3A_662 : vector<16xf32>
      %exp3A_695 = math.exp %neg3A_694 : vector<16xf32>
      %add3A_696 = arith.constant 1.000000e+00 : f32
      %add3A_697 = vector.broadcast %add3A_696 : f32 to vector<16xf32>
      %add3A_698 = arith.addf %add3A_697, %exp3A_695 : vector<16xf32>
      %div3A_699 = arith.constant 1.000000e+00 : f32
      %div3A_700 = vector.broadcast %div3A_699 : f32 to vector<16xf32>
      %div3A_701 = arith.divf %div3A_700, %add3A_698 : vector<16xf32>
      %neg3A_702 = arith.constant 0.000000e+00 : f32
      %neg3A_703 = vector.broadcast %neg3A_702 : f32 to vector<16xf32>
      %neg3A_704 = arith.subf %neg3A_703, %add3A_671 : vector<16xf32>
      %exp3A_705 = math.exp %neg3A_704 : vector<16xf32>
      %add3A_706 = arith.constant 1.000000e+00 : f32
      %add3A_707 = vector.broadcast %add3A_706 : f32 to vector<16xf32>
      %add3A_708 = arith.addf %add3A_707, %exp3A_705 : vector<16xf32>
      %div3A_709 = arith.constant 1.000000e+00 : f32
      %div3A_710 = vector.broadcast %div3A_709 : f32 to vector<16xf32>
      %div3A_711 = arith.divf %div3A_710, %add3A_708 : vector<16xf32>
      %sub3A_712 = arith.subf %get3A_629, %gather3A_635 : vector<16xf32>
      %add3A_713 = arith.addf %sub3A_712, %gather3A_634 : vector<16xf32>
      %mul3A_714 = arith.mulf %div3A_691, %sub3A_712 : vector<16xf32>
      %mul3A_715 = arith.mulf %div3A_701, %add3A_713 : vector<16xf32>
      %add3A_716 = arith.addf %mul3A_714, %mul3A_715 : vector<16xf32>
      %mul3A_717 = arith.mulf %div3A_711, %get3A_629 : vector<16xf32>
      %add3A_718 = arith.addf %div3A_681, %mul3A_717 : vector<16xf32>
      %swap3A_719 = arith.index_cast %mul3A_115 : i32 to index
      %swap3A_720 = arith.constant 64 : index
      %swap3A_721 = tpu.vector_load %arg22[%swap3A_719, %swap3A_720] {strides = array<i32>} : memref<82x128xf32, #tpu.memory_space<vmem>>, vector<16xf32>,
      tpu.vector_store %arg22[%swap3A_719, %swap3A_720], %add3A_718 {strides = array<i32>} : memref<82x128xf32, #tpu.memory_space<vmem>>, vector<16xf32>,
      %swap3A_722 = arith.index_cast %mul3A_115 : i32 to index
      %swap3A_723 = arith.constant 64 : index
      %swap3A_724 = tpu.vector_load %arg23[%swap3A_722, %swap3A_723] {strides = array<i32>} : memref<82x128xf32, #tpu.memory_space<vmem>>, vector<16xf32>,
      tpu.vector_store %arg23[%swap3A_722, %swap3A_723], %add3A_716 {strides = array<i32>} : memref<82x128xf32, #tpu.memory_space<vmem>>, vector<16xf32>,
      %mul3A_725 = arith.constant 10496 : i32
      %mul3A_726 = arith.muli %add3A, %mul3A_725 : i32
      %mul3A_727 = arith.constant 128 : i32
      %mul3A_728 = arith.muli %mul3A_115, %mul3A_727 : i32
      %add3A_729 = arith.addi %mul3A_726, %mul3A_728 : i32
      %add3A_730 = arith.constant 64 : i32
      %add3A_731 = arith.addi %add3A_729, %add3A_730 : i32
      %add3A_732 = vector.broadcast %add3A_731 : i32 to vector<16xi32>
      %add3A_733 = arith.addi %add3A_732, %iota3A : vector<16xi32>
      %sub3A_734 = arith.subf %get3A_632, %add3A_718 : vector<16xf32>
      %lt3A_735 = arith.constant 320000 : i32
      %lt3A_736 = vector.broadcast %lt3A_735 : i32 to vector<16xi32>
      %lt3A_737 = arith.cmpi slt, %add3A_733, %lt3A_736 : vector<16xi32>
      %mul3A_738 = arith.mulf %sub3A_734, %sub3A_734 : vector<16xf32>
      %jit3A_739 = arith.constant 0.000000e+00 : f32
      %broadcast_in_dim3A_740 = vector.broadcast %jit3A_739 : f32 to vector<16xf32>
      %select_n3A_741 = arith.select %lt3A_737, %mul3A_738, %broadcast_in_dim3A_740 : vector<16xi1>, vector<16xf32>
      %add3A_742 = arith.addf %add3A_617, %select_n3A_741 : vector<16xf32>
      %get3A_743 = arith.index_cast %mul3A_115 : i32 to index
      %get3A_744 = arith.constant 80 : index
      %get3A_745 = tpu.vector_load %arg17[%get3A_743, %get3A_744] {strides = array<i32>} : memref<82x128xi32, #tpu.memory_space<vmem>>, vector<16xi32>,
      %get3A_746 = arith.index_cast %mul3A_115 : i32 to index
      %get3A_747 = arith.constant 80 : index
      %get3A_748 = tpu.vector_load %arg18[%get3A_746, %get3A_747] {strides = array<i32>} : memref<82x128xi32, #tpu.memory_space<vmem>>, vector<16xi32>,
      %get3A_749 = arith.index_cast %mul3A_115 : i32 to index
      %get3A_750 = arith.constant 80 : index
      %get3A_751 = tpu.vector_load %arg19[%get3A_749, %get3A_750] {strides = array<i32>} : memref<82x128xi32, #tpu.memory_space<vmem>>, vector<16xi32>,
      %get3A_752 = arith.index_cast %mul3A_115 : i32 to index
      %get3A_753 = arith.constant 80 : index
      %get3A_754 = tpu.vector_load %arg20[%get3A_752, %get3A_753] {strides = array<i32>} : memref<82x128xf32, #tpu.memory_space<vmem>>, vector<16xf32>,
      %get3A_755 = arith.index_cast %mul3A_115 : i32 to index
      %get3A_756 = arith.constant 80 : index
      %get3A_757 = tpu.vector_load %arg21[%get3A_755, %get3A_756] {strides = array<i32>} : memref<82x128xf32, #tpu.memory_space<vmem>>, vector<16xf32>,
      %gather3A_758 = tpu.vector_load_idx %arg26[%get3A_748] : memref<10240xi32, #tpu.memory_space<vmem>>[vector<16xi32>], vector<16xi32>,
      %gather3A_759 = tpu.vector_load_idx %arg27[%get3A_748] : memref<10240xf32, #tpu.memory_space<vmem>>[vector<16xi32>], vector<16xf32>,
      %gather3A_760 = tpu.vector_load_idx %arg27[%get3A_751] : memref<10240xf32, #tpu.memory_space<vmem>>[vector<16xi32>], vector<16xf32>,
      %mul3A_761 = arith.constant 4 : i32
      %mul3A_762 = vector.broadcast %mul3A_761 : i32 to vector<16xi32>
      %mul3A_763 = arith.muli %get3A_745, %mul3A_762 : vector<16xi32>
      %mul3A_764 = arith.constant 4 : i32
      %mul3A_765 = vector.broadcast %mul3A_764 : i32 to vector<16xi32>
      %mul3A_766 = arith.muli %gather3A_758, %mul3A_765 : vector<16xi32>
      %gather3A_767 = tpu.vector_load_idx %arg24[%mul3A_763] : memref<1024xf32, #tpu.memory_space<vmem>>[vector<16xi32>], vector<16xf32>,
      %gather3A_768 = tpu.vector_load_idx %arg25[%mul3A_766] : memref<1024xf32, #tpu.memory_space<vmem>>[vector<16xi32>], vector<16xf32>,
      %add3A_769 = arith.addf %gather3A_767, %gather3A_768 : vector<16xf32>
      %add3A_770 = arith.constant 1 : i32
      %add3A_771 = vector.broadcast %add3A_770 : i32 to vector<16xi32>
      %add3A_772 = arith.addi %mul3A_763, %add3A_771 : vector<16xi32>
      %gather3A_773 = tpu.vector_load_idx %arg24[%add3A_772] : memref<1024xf32, #tpu.memory_space<vmem>>[vector<16xi32>], vector<16xf32>,
      %add3A_774 = arith.constant 1 : i32
      %add3A_775 = vector.broadcast %add3A_774 : i32 to vector<16xi32>
      %add3A_776 = arith.addi %mul3A_766, %add3A_775 : vector<16xi32>
      %gather3A_777 = tpu.vector_load_idx %arg25[%add3A_776] : memref<1024xf32, #tpu.memory_space<vmem>>[vector<16xi32>], vector<16xf32>,
      %add3A_778 = arith.addf %gather3A_773, %gather3A_777 : vector<16xf32>
      %add3A_779 = arith.constant 2 : i32
      %add3A_780 = vector.broadcast %add3A_779 : i32 to vector<16xi32>
      %add3A_781 = arith.addi %mul3A_763, %add3A_780 : vector<16xi32>
      %gather3A_782 = tpu.vector_load_idx %arg24[%add3A_781] : memref<1024xf32, #tpu.memory_space<vmem>>[vector<16xi32>], vector<16xf32>,
      %add3A_783 = arith.constant 2 : i32
      %add3A_784 = vector.broadcast %add3A_783 : i32 to vector<16xi32>
      %add3A_785 = arith.addi %mul3A_766, %add3A_784 : vector<16xi32>
      %gather3A_786 = tpu.vector_load_idx %arg25[%add3A_785] : memref<1024xf32, #tpu.memory_space<vmem>>[vector<16xi32>], vector<16xf32>,
      %add3A_787 = arith.addf %gather3A_782, %gather3A_786 : vector<16xf32>
      %add3A_788 = arith.constant 3 : i32
      %add3A_789 = vector.broadcast %add3A_788 : i32 to vector<16xi32>
      %add3A_790 = arith.addi %mul3A_763, %add3A_789 : vector<16xi32>
      %gather3A_791 = tpu.vector_load_idx %arg24[%add3A_790] : memref<1024xf32, #tpu.memory_space<vmem>>[vector<16xi32>], vector<16xf32>,
      %add3A_792 = arith.constant 3 : i32
      %add3A_793 = vector.broadcast %add3A_792 : i32 to vector<16xi32>
      %add3A_794 = arith.addi %mul3A_766, %add3A_793 : vector<16xi32>
      %gather3A_795 = tpu.vector_load_idx %arg25[%add3A_794] : memref<1024xf32, #tpu.memory_space<vmem>>[vector<16xi32>], vector<16xf32>,
      %add3A_796 = arith.addf %gather3A_791, %gather3A_795 : vector<16xf32>
      %neg3A_797 = arith.constant 0.000000e+00 : f32
      %neg3A_798 = vector.broadcast %neg3A_797 : f32 to vector<16xf32>
      %neg3A_799 = arith.subf %neg3A_798, %add3A_769 : vector<16xf32>
      %exp3A_800 = math.exp %neg3A_799 : vector<16xf32>
      %add3A_801 = arith.constant 1.000000e+00 : f32
      %add3A_802 = vector.broadcast %add3A_801 : f32 to vector<16xf32>
      %add3A_803 = arith.addf %add3A_802, %exp3A_800 : vector<16xf32>
      %div3A_804 = arith.constant 1.000000e+00 : f32
      %div3A_805 = vector.broadcast %div3A_804 : f32 to vector<16xf32>
      %div3A_806 = arith.divf %div3A_805, %add3A_803 : vector<16xf32>
      %neg3A_807 = arith.constant 0.000000e+00 : f32
      %neg3A_808 = vector.broadcast %neg3A_807 : f32 to vector<16xf32>
      %neg3A_809 = arith.subf %neg3A_808, %add3A_778 : vector<16xf32>
      %exp3A_810 = math.exp %neg3A_809 : vector<16xf32>
      %add3A_811 = arith.constant 1.000000e+00 : f32
      %add3A_812 = vector.broadcast %add3A_811 : f32 to vector<16xf32>
      %add3A_813 = arith.addf %add3A_812, %exp3A_810 : vector<16xf32>
      %div3A_814 = arith.constant 1.000000e+00 : f32
      %div3A_815 = vector.broadcast %div3A_814 : f32 to vector<16xf32>
      %div3A_816 = arith.divf %div3A_815, %add3A_813 : vector<16xf32>
      %neg3A_817 = arith.constant 0.000000e+00 : f32
      %neg3A_818 = vector.broadcast %neg3A_817 : f32 to vector<16xf32>
      %neg3A_819 = arith.subf %neg3A_818, %add3A_787 : vector<16xf32>
      %exp3A_820 = math.exp %neg3A_819 : vector<16xf32>
      %add3A_821 = arith.constant 1.000000e+00 : f32
      %add3A_822 = vector.broadcast %add3A_821 : f32 to vector<16xf32>
      %add3A_823 = arith.addf %add3A_822, %exp3A_820 : vector<16xf32>
      %div3A_824 = arith.constant 1.000000e+00 : f32
      %div3A_825 = vector.broadcast %div3A_824 : f32 to vector<16xf32>
      %div3A_826 = arith.divf %div3A_825, %add3A_823 : vector<16xf32>
      %neg3A_827 = arith.constant 0.000000e+00 : f32
      %neg3A_828 = vector.broadcast %neg3A_827 : f32 to vector<16xf32>
      %neg3A_829 = arith.subf %neg3A_828, %add3A_796 : vector<16xf32>
      %exp3A_830 = math.exp %neg3A_829 : vector<16xf32>
      %add3A_831 = arith.constant 1.000000e+00 : f32
      %add3A_832 = vector.broadcast %add3A_831 : f32 to vector<16xf32>
      %add3A_833 = arith.addf %add3A_832, %exp3A_830 : vector<16xf32>
      %div3A_834 = arith.constant 1.000000e+00 : f32
      %div3A_835 = vector.broadcast %div3A_834 : f32 to vector<16xf32>
      %div3A_836 = arith.divf %div3A_835, %add3A_833 : vector<16xf32>
      %sub3A_837 = arith.subf %get3A_754, %gather3A_760 : vector<16xf32>
      %add3A_838 = arith.addf %sub3A_837, %gather3A_759 : vector<16xf32>
      %mul3A_839 = arith.mulf %div3A_816, %sub3A_837 : vector<16xf32>
      %mul3A_840 = arith.mulf %div3A_826, %add3A_838 : vector<16xf32>
      %add3A_841 = arith.addf %mul3A_839, %mul3A_840 : vector<16xf32>
      %mul3A_842 = arith.mulf %div3A_836, %get3A_754 : vector<16xf32>
      %add3A_843 = arith.addf %div3A_806, %mul3A_842 : vector<16xf32>
      %swap3A_844 = arith.index_cast %mul3A_115 : i32 to index
      %swap3A_845 = arith.constant 80 : index
      %swap3A_846 = tpu.vector_load %arg22[%swap3A_844, %swap3A_845] {strides = array<i32>} : memref<82x128xf32, #tpu.memory_space<vmem>>, vector<16xf32>,
      tpu.vector_store %arg22[%swap3A_844, %swap3A_845], %add3A_843 {strides = array<i32>} : memref<82x128xf32, #tpu.memory_space<vmem>>, vector<16xf32>,
      %swap3A_847 = arith.index_cast %mul3A_115 : i32 to index
      %swap3A_848 = arith.constant 80 : index
      %swap3A_849 = tpu.vector_load %arg23[%swap3A_847, %swap3A_848] {strides = array<i32>} : memref<82x128xf32, #tpu.memory_space<vmem>>, vector<16xf32>,
      tpu.vector_store %arg23[%swap3A_847, %swap3A_848], %add3A_841 {strides = array<i32>} : memref<82x128xf32, #tpu.memory_space<vmem>>, vector<16xf32>,
      %mul3A_850 = arith.constant 10496 : i32
      %mul3A_851 = arith.muli %add3A, %mul3A_850 : i32
      %mul3A_852 = arith.constant 128 : i32
      %mul3A_853 = arith.muli %mul3A_115, %mul3A_852 : i32
      %add3A_854 = arith.addi %mul3A_851, %mul3A_853 : i32
      %add3A_855 = arith.constant 80 : i32
      %add3A_856 = arith.addi %add3A_854, %add3A_855 : i32
      %add3A_857 = vector.broadcast %add3A_856 : i32 to vector<16xi32>
      %add3A_858 = arith.addi %add3A_857, %iota3A : vector<16xi32>
      %sub3A_859 = arith.subf %get3A_757, %add3A_843 : vector<16xf32>
      %lt3A_860 = arith.constant 320000 : i32
      %lt3A_861 = vector.broadcast %lt3A_860 : i32 to vector<16xi32>
      %lt3A_862 = arith.cmpi slt, %add3A_858, %lt3A_861 : vector<16xi32>
      %mul3A_863 = arith.mulf %sub3A_859, %sub3A_859 : vector<16xf32>
      %jit3A_864 = arith.constant 0.000000e+00 : f32
      %broadcast_in_dim3A_865 = vector.broadcast %jit3A_864 : f32 to vector<16xf32>
      %select_n3A_866 = arith.select %lt3A_862, %mul3A_863, %broadcast_in_dim3A_865 : vector<16xi1>, vector<16xf32>
      %add3A_867 = arith.addf %add3A_742, %select_n3A_866 : vector<16xf32>
      %get3A_868 = arith.index_cast %mul3A_115 : i32 to index
      %get3A_869 = arith.constant 96 : index
      %get3A_870 = tpu.vector_load %arg17[%get3A_868, %get3A_869] {strides = array<i32>} : memref<82x128xi32, #tpu.memory_space<vmem>>, vector<16xi32>,
      %get3A_871 = arith.index_cast %mul3A_115 : i32 to index
      %get3A_872 = arith.constant 96 : index
      %get3A_873 = tpu.vector_load %arg18[%get3A_871, %get3A_872] {strides = array<i32>} : memref<82x128xi32, #tpu.memory_space<vmem>>, vector<16xi32>,
      %get3A_874 = arith.index_cast %mul3A_115 : i32 to index
      %get3A_875 = arith.constant 96 : index
      %get3A_876 = tpu.vector_load %arg19[%get3A_874, %get3A_875] {strides = array<i32>} : memref<82x128xi32, #tpu.memory_space<vmem>>, vector<16xi32>,
      %get3A_877 = arith.index_cast %mul3A_115 : i32 to index
      %get3A_878 = arith.constant 96 : index
      %get3A_879 = tpu.vector_load %arg20[%get3A_877, %get3A_878] {strides = array<i32>} : memref<82x128xf32, #tpu.memory_space<vmem>>, vector<16xf32>,
      %get3A_880 = arith.index_cast %mul3A_115 : i32 to index
      %get3A_881 = arith.constant 96 : index
      %get3A_882 = tpu.vector_load %arg21[%get3A_880, %get3A_881] {strides = array<i32>} : memref<82x128xf32, #tpu.memory_space<vmem>>, vector<16xf32>,
      %gather3A_883 = tpu.vector_load_idx %arg26[%get3A_873] : memref<10240xi32, #tpu.memory_space<vmem>>[vector<16xi32>], vector<16xi32>,
      %gather3A_884 = tpu.vector_load_idx %arg27[%get3A_873] : memref<10240xf32, #tpu.memory_space<vmem>>[vector<16xi32>], vector<16xf32>,
      %gather3A_885 = tpu.vector_load_idx %arg27[%get3A_876] : memref<10240xf32, #tpu.memory_space<vmem>>[vector<16xi32>], vector<16xf32>,
      %mul3A_886 = arith.constant 4 : i32
      %mul3A_887 = vector.broadcast %mul3A_886 : i32 to vector<16xi32>
      %mul3A_888 = arith.muli %get3A_870, %mul3A_887 : vector<16xi32>
      %mul3A_889 = arith.constant 4 : i32
      %mul3A_890 = vector.broadcast %mul3A_889 : i32 to vector<16xi32>
      %mul3A_891 = arith.muli %gather3A_883, %mul3A_890 : vector<16xi32>
      %gather3A_892 = tpu.vector_load_idx %arg24[%mul3A_888] : memref<1024xf32, #tpu.memory_space<vmem>>[vector<16xi32>], vector<16xf32>,
      %gather3A_893 = tpu.vector_load_idx %arg25[%mul3A_891] : memref<1024xf32, #tpu.memory_space<vmem>>[vector<16xi32>], vector<16xf32>,
      %add3A_894 = arith.addf %gather3A_892, %gather3A_893 : vector<16xf32>
      %add3A_895 = arith.constant 1 : i32
      %add3A_896 = vector.broadcast %add3A_895 : i32 to vector<16xi32>
      %add3A_897 = arith.addi %mul3A_888, %add3A_896 : vector<16xi32>
      %gather3A_898 = tpu.vector_load_idx %arg24[%add3A_897] : memref<1024xf32, #tpu.memory_space<vmem>>[vector<16xi32>], vector<16xf32>,
      %add3A_899 = arith.constant 1 : i32
      %add3A_900 = vector.broadcast %add3A_899 : i32 to vector<16xi32>
      %add3A_901 = arith.addi %mul3A_891, %add3A_900 : vector<16xi32>
      %gather3A_902 = tpu.vector_load_idx %arg25[%add3A_901] : memref<1024xf32, #tpu.memory_space<vmem>>[vector<16xi32>], vector<16xf32>,
      %add3A_903 = arith.addf %gather3A_898, %gather3A_902 : vector<16xf32>
      %add3A_904 = arith.constant 2 : i32
      %add3A_905 = vector.broadcast %add3A_904 : i32 to vector<16xi32>
      %add3A_906 = arith.addi %mul3A_888, %add3A_905 : vector<16xi32>
      %gather3A_907 = tpu.vector_load_idx %arg24[%add3A_906] : memref<1024xf32, #tpu.memory_space<vmem>>[vector<16xi32>], vector<16xf32>,
      %add3A_908 = arith.constant 2 : i32
      %add3A_909 = vector.broadcast %add3A_908 : i32 to vector<16xi32>
      %add3A_910 = arith.addi %mul3A_891, %add3A_909 : vector<16xi32>
      %gather3A_911 = tpu.vector_load_idx %arg25[%add3A_910] : memref<1024xf32, #tpu.memory_space<vmem>>[vector<16xi32>], vector<16xf32>,
      %add3A_912 = arith.addf %gather3A_907, %gather3A_911 : vector<16xf32>
      %add3A_913 = arith.constant 3 : i32
      %add3A_914 = vector.broadcast %add3A_913 : i32 to vector<16xi32>
      %add3A_915 = arith.addi %mul3A_888, %add3A_914 : vector<16xi32>
      %gather3A_916 = tpu.vector_load_idx %arg24[%add3A_915] : memref<1024xf32, #tpu.memory_space<vmem>>[vector<16xi32>], vector<16xf32>,
      %add3A_917 = arith.constant 3 : i32
      %add3A_918 = vector.broadcast %add3A_917 : i32 to vector<16xi32>
      %add3A_919 = arith.addi %mul3A_891, %add3A_918 : vector<16xi32>
      %gather3A_920 = tpu.vector_load_idx %arg25[%add3A_919] : memref<1024xf32, #tpu.memory_space<vmem>>[vector<16xi32>], vector<16xf32>,
      %add3A_921 = arith.addf %gather3A_916, %gather3A_920 : vector<16xf32>
      %neg3A_922 = arith.constant 0.000000e+00 : f32
      %neg3A_923 = vector.broadcast %neg3A_922 : f32 to vector<16xf32>
      %neg3A_924 = arith.subf %neg3A_923, %add3A_894 : vector<16xf32>
      %exp3A_925 = math.exp %neg3A_924 : vector<16xf32>
      %add3A_926 = arith.constant 1.000000e+00 : f32
      %add3A_927 = vector.broadcast %add3A_926 : f32 to vector<16xf32>
      %add3A_928 = arith.addf %add3A_927, %exp3A_925 : vector<16xf32>
      %div3A_929 = arith.constant 1.000000e+00 : f32
      %div3A_930 = vector.broadcast %div3A_929 : f32 to vector<16xf32>
      %div3A_931 = arith.divf %div3A_930, %add3A_928 : vector<16xf32>
      %neg3A_932 = arith.constant 0.000000e+00 : f32
      %neg3A_933 = vector.broadcast %neg3A_932 : f32 to vector<16xf32>
      %neg3A_934 = arith.subf %neg3A_933, %add3A_903 : vector<16xf32>
      %exp3A_935 = math.exp %neg3A_934 : vector<16xf32>
      %add3A_936 = arith.constant 1.000000e+00 : f32
      %add3A_937 = vector.broadcast %add3A_936 : f32 to vector<16xf32>
      %add3A_938 = arith.addf %add3A_937, %exp3A_935 : vector<16xf32>
      %div3A_939 = arith.constant 1.000000e+00 : f32
      %div3A_940 = vector.broadcast %div3A_939 : f32 to vector<16xf32>
      %div3A_941 = arith.divf %div3A_940, %add3A_938 : vector<16xf32>
      %neg3A_942 = arith.constant 0.000000e+00 : f32
      %neg3A_943 = vector.broadcast %neg3A_942 : f32 to vector<16xf32>
      %neg3A_944 = arith.subf %neg3A_943, %add3A_912 : vector<16xf32>
      %exp3A_945 = math.exp %neg3A_944 : vector<16xf32>
      %add3A_946 = arith.constant 1.000000e+00 : f32
      %add3A_947 = vector.broadcast %add3A_946 : f32 to vector<16xf32>
      %add3A_948 = arith.addf %add3A_947, %exp3A_945 : vector<16xf32>
      %div3A_949 = arith.constant 1.000000e+00 : f32
      %div3A_950 = vector.broadcast %div3A_949 : f32 to vector<16xf32>
      %div3A_951 = arith.divf %div3A_950, %add3A_948 : vector<16xf32>
      %neg3A_952 = arith.constant 0.000000e+00 : f32
      %neg3A_953 = vector.broadcast %neg3A_952 : f32 to vector<16xf32>
      %neg3A_954 = arith.subf %neg3A_953, %add3A_921 : vector<16xf32>
      %exp3A_955 = math.exp %neg3A_954 : vector<16xf32>
      %add3A_956 = arith.constant 1.000000e+00 : f32
      %add3A_957 = vector.broadcast %add3A_956 : f32 to vector<16xf32>
      %add3A_958 = arith.addf %add3A_957, %exp3A_955 : vector<16xf32>
      %div3A_959 = arith.constant 1.000000e+00 : f32
      %div3A_960 = vector.broadcast %div3A_959 : f32 to vector<16xf32>
      %div3A_961 = arith.divf %div3A_960, %add3A_958 : vector<16xf32>
      %sub3A_962 = arith.subf %get3A_879, %gather3A_885 : vector<16xf32>
      %add3A_963 = arith.addf %sub3A_962, %gather3A_884 : vector<16xf32>
      %mul3A_964 = arith.mulf %div3A_941, %sub3A_962 : vector<16xf32>
      %mul3A_965 = arith.mulf %div3A_951, %add3A_963 : vector<16xf32>
      %add3A_966 = arith.addf %mul3A_964, %mul3A_965 : vector<16xf32>
      %mul3A_967 = arith.mulf %div3A_961, %get3A_879 : vector<16xf32>
      %add3A_968 = arith.addf %div3A_931, %mul3A_967 : vector<16xf32>
      %swap3A_969 = arith.index_cast %mul3A_115 : i32 to index
      %swap3A_970 = arith.constant 96 : index
      %swap3A_971 = tpu.vector_load %arg22[%swap3A_969, %swap3A_970] {strides = array<i32>} : memref<82x128xf32, #tpu.memory_space<vmem>>, vector<16xf32>,
      tpu.vector_store %arg22[%swap3A_969, %swap3A_970], %add3A_968 {strides = array<i32>} : memref<82x128xf32, #tpu.memory_space<vmem>>, vector<16xf32>,
      %swap3A_972 = arith.index_cast %mul3A_115 : i32 to index
      %swap3A_973 = arith.constant 96 : index
      %swap3A_974 = tpu.vector_load %arg23[%swap3A_972, %swap3A_973] {strides = array<i32>} : memref<82x128xf32, #tpu.memory_space<vmem>>, vector<16xf32>,
      tpu.vector_store %arg23[%swap3A_972, %swap3A_973], %add3A_966 {strides = array<i32>} : memref<82x128xf32, #tpu.memory_space<vmem>>, vector<16xf32>,
      %mul3A_975 = arith.constant 10496 : i32
      %mul3A_976 = arith.muli %add3A, %mul3A_975 : i32
      %mul3A_977 = arith.constant 128 : i32
      %mul3A_978 = arith.muli %mul3A_115, %mul3A_977 : i32
      %add3A_979 = arith.addi %mul3A_976, %mul3A_978 : i32
      %add3A_980 = arith.constant 96 : i32
      %add3A_981 = arith.addi %add3A_979, %add3A_980 : i32
      %add3A_982 = vector.broadcast %add3A_981 : i32 to vector<16xi32>
      %add3A_983 = arith.addi %add3A_982, %iota3A : vector<16xi32>
      %sub3A_984 = arith.subf %get3A_882, %add3A_968 : vector<16xf32>
      %lt3A_985 = arith.constant 320000 : i32
      %lt3A_986 = vector.broadcast %lt3A_985 : i32 to vector<16xi32>
      %lt3A_987 = arith.cmpi slt, %add3A_983, %lt3A_986 : vector<16xi32>
      %mul3A_988 = arith.mulf %sub3A_984, %sub3A_984 : vector<16xf32>
      %jit3A_989 = arith.constant 0.000000e+00 : f32
      %broadcast_in_dim3A_990 = vector.broadcast %jit3A_989 : f32 to vector<16xf32>
      %select_n3A_991 = arith.select %lt3A_987, %mul3A_988, %broadcast_in_dim3A_990 : vector<16xi1>, vector<16xf32>
      %add3A_992 = arith.addf %add3A_867, %select_n3A_991 : vector<16xf32>
      %get3A_993 = arith.index_cast %mul3A_115 : i32 to index
      %get3A_994 = arith.constant 112 : index
      %get3A_995 = tpu.vector_load %arg17[%get3A_993, %get3A_994] {strides = array<i32>} : memref<82x128xi32, #tpu.memory_space<vmem>>, vector<16xi32>,
      %get3A_996 = arith.index_cast %mul3A_115 : i32 to index
      %get3A_997 = arith.constant 112 : index
      %get3A_998 = tpu.vector_load %arg18[%get3A_996, %get3A_997] {strides = array<i32>} : memref<82x128xi32, #tpu.memory_space<vmem>>, vector<16xi32>,
      %get3A_999 = arith.index_cast %mul3A_115 : i32 to index
      %get3A_1000 = arith.constant 112 : index
      %get3A_1001 = tpu.vector_load %arg19[%get3A_999, %get3A_1000] {strides = array<i32>} : memref<82x128xi32, #tpu.memory_space<vmem>>, vector<16xi32>,
      %get3A_1002 = arith.index_cast %mul3A_115 : i32 to index
      %get3A_1003 = arith.constant 112 : index
      %get3A_1004 = tpu.vector_load %arg20[%get3A_1002, %get3A_1003] {strides = array<i32>} : memref<82x128xf32, #tpu.memory_space<vmem>>, vector<16xf32>,
      %get3A_1005 = arith.index_cast %mul3A_115 : i32 to index
      %get3A_1006 = arith.constant 112 : index
      %get3A_1007 = tpu.vector_load %arg21[%get3A_1005, %get3A_1006] {strides = array<i32>} : memref<82x128xf32, #tpu.memory_space<vmem>>, vector<16xf32>,
      %gather3A_1008 = tpu.vector_load_idx %arg26[%get3A_998] : memref<10240xi32, #tpu.memory_space<vmem>>[vector<16xi32>], vector<16xi32>,
      %gather3A_1009 = tpu.vector_load_idx %arg27[%get3A_998] : memref<10240xf32, #tpu.memory_space<vmem>>[vector<16xi32>], vector<16xf32>,
      %gather3A_1010 = tpu.vector_load_idx %arg27[%get3A_1001] : memref<10240xf32, #tpu.memory_space<vmem>>[vector<16xi32>], vector<16xf32>,
      %mul3A_1011 = arith.constant 4 : i32
      %mul3A_1012 = vector.broadcast %mul3A_1011 : i32 to vector<16xi32>
      %mul3A_1013 = arith.muli %get3A_995, %mul3A_1012 : vector<16xi32>
      %mul3A_1014 = arith.constant 4 : i32
      %mul3A_1015 = vector.broadcast %mul3A_1014 : i32 to vector<16xi32>
      %mul3A_1016 = arith.muli %gather3A_1008, %mul3A_1015 : vector<16xi32>
      %gather3A_1017 = tpu.vector_load_idx %arg24[%mul3A_1013] : memref<1024xf32, #tpu.memory_space<vmem>>[vector<16xi32>], vector<16xf32>,
      %gather3A_1018 = tpu.vector_load_idx %arg25[%mul3A_1016] : memref<1024xf32, #tpu.memory_space<vmem>>[vector<16xi32>], vector<16xf32>,
      %add3A_1019 = arith.addf %gather3A_1017, %gather3A_1018 : vector<16xf32>
      %add3A_1020 = arith.constant 1 : i32
      %add3A_1021 = vector.broadcast %add3A_1020 : i32 to vector<16xi32>
      %add3A_1022 = arith.addi %mul3A_1013, %add3A_1021 : vector<16xi32>
      %gather3A_1023 = tpu.vector_load_idx %arg24[%add3A_1022] : memref<1024xf32, #tpu.memory_space<vmem>>[vector<16xi32>], vector<16xf32>,
      %add3A_1024 = arith.constant 1 : i32
      %add3A_1025 = vector.broadcast %add3A_1024 : i32 to vector<16xi32>
      %add3A_1026 = arith.addi %mul3A_1016, %add3A_1025 : vector<16xi32>
      %gather3A_1027 = tpu.vector_load_idx %arg25[%add3A_1026] : memref<1024xf32, #tpu.memory_space<vmem>>[vector<16xi32>], vector<16xf32>,
      %add3A_1028 = arith.addf %gather3A_1023, %gather3A_1027 : vector<16xf32>
      %add3A_1029 = arith.constant 2 : i32
      %add3A_1030 = vector.broadcast %add3A_1029 : i32 to vector<16xi32>
      %add3A_1031 = arith.addi %mul3A_1013, %add3A_1030 : vector<16xi32>
      %gather3A_1032 = tpu.vector_load_idx %arg24[%add3A_1031] : memref<1024xf32, #tpu.memory_space<vmem>>[vector<16xi32>], vector<16xf32>,
      %add3A_1033 = arith.constant 2 : i32
      %add3A_1034 = vector.broadcast %add3A_1033 : i32 to vector<16xi32>
      %add3A_1035 = arith.addi %mul3A_1016, %add3A_1034 : vector<16xi32>
      %gather3A_1036 = tpu.vector_load_idx %arg25[%add3A_1035] : memref<1024xf32, #tpu.memory_space<vmem>>[vector<16xi32>], vector<16xf32>,
      %add3A_1037 = arith.addf %gather3A_1032, %gather3A_1036 : vector<16xf32>
      %add3A_1038 = arith.constant 3 : i32
      %add3A_1039 = vector.broadcast %add3A_1038 : i32 to vector<16xi32>
      %add3A_1040 = arith.addi %mul3A_1013, %add3A_1039 : vector<16xi32>
      %gather3A_1041 = tpu.vector_load_idx %arg24[%add3A_1040] : memref<1024xf32, #tpu.memory_space<vmem>>[vector<16xi32>], vector<16xf32>,
      %add3A_1042 = arith.constant 3 : i32
      %add3A_1043 = vector.broadcast %add3A_1042 : i32 to vector<16xi32>
      %add3A_1044 = arith.addi %mul3A_1016, %add3A_1043 : vector<16xi32>
      %gather3A_1045 = tpu.vector_load_idx %arg25[%add3A_1044] : memref<1024xf32, #tpu.memory_space<vmem>>[vector<16xi32>], vector<16xf32>,
      %add3A_1046 = arith.addf %gather3A_1041, %gather3A_1045 : vector<16xf32>
      %neg3A_1047 = arith.constant 0.000000e+00 : f32
      %neg3A_1048 = vector.broadcast %neg3A_1047 : f32 to vector<16xf32>
      %neg3A_1049 = arith.subf %neg3A_1048, %add3A_1019 : vector<16xf32>
      %exp3A_1050 = math.exp %neg3A_1049 : vector<16xf32>
      %add3A_1051 = arith.constant 1.000000e+00 : f32
      %add3A_1052 = vector.broadcast %add3A_1051 : f32 to vector<16xf32>
      %add3A_1053 = arith.addf %add3A_1052, %exp3A_1050 : vector<16xf32>
      %div3A_1054 = arith.constant 1.000000e+00 : f32
      %div3A_1055 = vector.broadcast %div3A_1054 : f32 to vector<16xf32>
      %div3A_1056 = arith.divf %div3A_1055, %add3A_1053 : vector<16xf32>
      %neg3A_1057 = arith.constant 0.000000e+00 : f32
      %neg3A_1058 = vector.broadcast %neg3A_1057 : f32 to vector<16xf32>
      %neg3A_1059 = arith.subf %neg3A_1058, %add3A_1028 : vector<16xf32>
      %exp3A_1060 = math.exp %neg3A_1059 : vector<16xf32>
      %add3A_1061 = arith.constant 1.000000e+00 : f32
      %add3A_1062 = vector.broadcast %add3A_1061 : f32 to vector<16xf32>
      %add3A_1063 = arith.addf %add3A_1062, %exp3A_1060 : vector<16xf32>
      %div3A_1064 = arith.constant 1.000000e+00 : f32
      %div3A_1065 = vector.broadcast %div3A_1064 : f32 to vector<16xf32>
      %div3A_1066 = arith.divf %div3A_1065, %add3A_1063 : vector<16xf32>
      %neg3A_1067 = arith.constant 0.000000e+00 : f32
      %neg3A_1068 = vector.broadcast %neg3A_1067 : f32 to vector<16xf32>
      %neg3A_1069 = arith.subf %neg3A_1068, %add3A_1037 : vector<16xf32>
      %exp3A_1070 = math.exp %neg3A_1069 : vector<16xf32>
      %add3A_1071 = arith.constant 1.000000e+00 : f32
      %add3A_1072 = vector.broadcast %add3A_1071 : f32 to vector<16xf32>
      %add3A_1073 = arith.addf %add3A_1072, %exp3A_1070 : vector<16xf32>
      %div3A_1074 = arith.constant 1.000000e+00 : f32
      %div3A_1075 = vector.broadcast %div3A_1074 : f32 to vector<16xf32>
      %div3A_1076 = arith.divf %div3A_1075, %add3A_1073 : vector<16xf32>
      %neg3A_1077 = arith.constant 0.000000e+00 : f32
      %neg3A_1078 = vector.broadcast %neg3A_1077 : f32 to vector<16xf32>
      %neg3A_1079 = arith.subf %neg3A_1078, %add3A_1046 : vector<16xf32>
      %exp3A_1080 = math.exp %neg3A_1079 : vector<16xf32>
      %add3A_1081 = arith.constant 1.000000e+00 : f32
      %add3A_1082 = vector.broadcast %add3A_1081 : f32 to vector<16xf32>
      %add3A_1083 = arith.addf %add3A_1082, %exp3A_1080 : vector<16xf32>
      %div3A_1084 = arith.constant 1.000000e+00 : f32
      %div3A_1085 = vector.broadcast %div3A_1084 : f32 to vector<16xf32>
      %div3A_1086 = arith.divf %div3A_1085, %add3A_1083 : vector<16xf32>
      %sub3A_1087 = arith.subf %get3A_1004, %gather3A_1010 : vector<16xf32>
      %add3A_1088 = arith.addf %sub3A_1087, %gather3A_1009 : vector<16xf32>
      %mul3A_1089 = arith.mulf %div3A_1066, %sub3A_1087 : vector<16xf32>
      %mul3A_1090 = arith.mulf %div3A_1076, %add3A_1088 : vector<16xf32>
      %add3A_1091 = arith.addf %mul3A_1089, %mul3A_1090 : vector<16xf32>
      %mul3A_1092 = arith.mulf %div3A_1086, %get3A_1004 : vector<16xf32>
      %add3A_1093 = arith.addf %div3A_1056, %mul3A_1092 : vector<16xf32>
      %swap3A_1094 = arith.index_cast %mul3A_115 : i32 to index
      %swap3A_1095 = arith.constant 112 : index
      %swap3A_1096 = tpu.vector_load %arg22[%swap3A_1094, %swap3A_1095] {strides = array<i32>} : memref<82x128xf32, #tpu.memory_space<vmem>>, vector<16xf32>,
      tpu.vector_store %arg22[%swap3A_1094, %swap3A_1095], %add3A_1093 {strides = array<i32>} : memref<82x128xf32, #tpu.memory_space<vmem>>, vector<16xf32>,
      %swap3A_1097 = arith.index_cast %mul3A_115 : i32 to index
      %swap3A_1098 = arith.constant 112 : index
      %swap3A_1099 = tpu.vector_load %arg23[%swap3A_1097, %swap3A_1098] {strides = array<i32>} : memref<82x128xf32, #tpu.memory_space<vmem>>, vector<16xf32>,
      tpu.vector_store %arg23[%swap3A_1097, %swap3A_1098], %add3A_1091 {strides = array<i32>} : memref<82x128xf32, #tpu.memory_space<vmem>>, vector<16xf32>,
      %mul3A_1100 = arith.constant 10496 : i32
      %mul3A_1101 = arith.muli %add3A, %mul3A_1100 : i32
      %mul3A_1102 = arith.constant 128 : i32
      %mul3A_1103 = arith.muli %mul3A_115, %mul3A_1102 : i32
      %add3A_1104 = arith.addi %mul3A_1101, %mul3A_1103 : i32
      %add3A_1105 = arith.constant 112 : i32
      %add3A_1106 = arith.addi %add3A_1104, %add3A_1105 : i32
      %add3A_1107 = vector.broadcast %add3A_1106 : i32 to vector<16xi32>
      %add3A_1108 = arith.addi %add3A_1107, %iota3A : vector<16xi32>
      %sub3A_1109 = arith.subf %get3A_1007, %add3A_1093 : vector<16xf32>
      %lt3A_1110 = arith.constant 320000 : i32
      %lt3A_1111 = vector.broadcast %lt3A_1110 : i32 to vector<16xi32>
      %lt3A_1112 = arith.cmpi slt, %add3A_1108, %lt3A_1111 : vector<16xi32>
      %mul3A_1113 = arith.mulf %sub3A_1109, %sub3A_1109 : vector<16xf32>
      %jit3A_1114 = arith.constant 0.000000e+00 : f32
      %broadcast_in_dim3A_1115 = vector.broadcast %jit3A_1114 : f32 to vector<16xf32>
      %select_n3A_1116 = arith.select %lt3A_1112, %mul3A_1113, %broadcast_in_dim3A_1115 : vector<16xi1>, vector<16xf32>
      %add3A_1117 = arith.addf %add3A_992, %select_n3A_1116 : vector<16xf32>
      %dma_start3A_1118 = arith.constant 0 : i32
      %dma_start3A_1119 = tpu.memref_slice %arg23[%mul3A_115, %dma_start3A_1118] : memref<82x128xf32, #tpu.memory_space<vmem>> -> memref<1x128xf32, #tpu.memory_space<vmem>>
      %dma_start3A_1120 = tpu.memref_squeeze %dma_start3A_1119 : memref<1x128xf32, #tpu.memory_space<vmem>> -> memref<128xf32, #tpu.memory_space<vmem>>
      %dma_start3A_1121 = arith.constant 0 : i32
      %dma_start3A_1122 = tpu.memref_slice %arg19[%mul3A_115, %dma_start3A_1121] : memref<82x128xi32, #tpu.memory_space<vmem>> -> memref<1x128xi32, #tpu.memory_space<vmem>>
      %dma_start3A_1123 = tpu.memref_squeeze %dma_start3A_1122 : memref<1x128xi32, #tpu.memory_space<vmem>> -> memref<128xi32, #tpu.memory_space<vmem>>
      %dma_start3A_1124 = arith.constant 0 : i32
      %dma_start3A_1125 = tpu.memref_slice %arg29[%dma_start3A_1124] : memref<10240xf32, #tpu.memory_space<vmem_shared>> -> memref<10240xf32, #tpu.memory_space<vmem_shared>>
      tpu.enqueue_indirect_dma source(%dma_start3A_1120 : memref<128xf32, #tpu.memory_space<vmem>>) target(%dma_start3A_1125 : memref<10240xf32, #tpu.memory_space<vmem_shared>>) offsets(%dma_start3A_1123 : memref<128xi32, #tpu.memory_space<vmem>>) semaphore(%arg31 : memref<!tpu.dma_semaphore, #tpu.memory_space<semaphore_mem>>) {add = true}
      %dma_start3A_1126 = arith.constant 0 : i32
      %dma_start3A_1127 = tpu.memref_slice %arg22[%mul3A_115, %dma_start3A_1126] : memref<82x128xf32, #tpu.memory_space<vmem>> -> memref<1x128xf32, #tpu.memory_space<vmem>>
      %dma_start3A_1128 = tpu.memref_squeeze %dma_start3A_1127 : memref<1x128xf32, #tpu.memory_space<vmem>> -> memref<128xf32, #tpu.memory_space<vmem>>
      %dma_start3A_1129 = arith.constant 0 : i32
      %dma_start3A_1130 = tpu.memref_slice %arg13[%add3A, %mul3A_115, %dma_start3A_1129] : memref<32x82x128xf32, #tpu.memory_space<hbm>> -> memref<1x1x128xf32, #tpu.memory_space<hbm>>
      %dma_start3A_1131 = tpu.memref_squeeze %dma_start3A_1130 : memref<1x1x128xf32, #tpu.memory_space<hbm>> -> memref<128xf32, #tpu.memory_space<hbm>>
      %dma_start3A_1132 = arith.constant 0 : i32
      %dma_start3A_1133 = tpu.memref_slice %arg13[%add3A, %mul3A_115, %dma_start3A_1132] : memref<32x82x128xf32, #tpu.memory_space<hbm>> -> memref<1x1x128xf32, #tpu.memory_space<hbm>>
      %dma_start3A_1134 = tpu.memref_squeeze %dma_start3A_1133 : memref<1x1x128xf32, #tpu.memory_space<hbm>> -> memref<128xf32, #tpu.memory_space<hbm>>
      %dma_start3A_1135 = arith.constant 0 : i32
      %dma_start3A_1136 = tpu.memref_slice %arg22[%mul3A_115, %dma_start3A_1135] : memref<82x128xf32, #tpu.memory_space<vmem>> -> memref<1x128xf32, #tpu.memory_space<vmem>>
      %dma_start3A_1137 = tpu.memref_squeeze %dma_start3A_1136 : memref<1x128xf32, #tpu.memory_space<vmem>> -> memref<128xf32, #tpu.memory_space<vmem>>
      tpu.enqueue_dma source(%dma_start3A_1137 : memref<128xf32, #tpu.memory_space<vmem>>) target(%dma_start3A_1134 : memref<128xf32, #tpu.memory_space<hbm>>) target_semaphore(%arg33 : memref<!tpu.dma_semaphore, #tpu.memory_space<semaphore_mem>>)
      %add3A_1138 = arith.constant 8 : i32
      %add3A_1139 = arith.addi %mul3A_115, %add3A_1138 : i32
      %lt3A_1140 = arith.constant 82 : i32
      %lt3A_1141 = arith.cmpi slt, %add3A_1139, %lt3A_1140 : i32
      %convert_element_type3A_1142 = arith.extui %lt3A_1141 : i1 to i32
      %cond3A_1143 = arith.constant 0 : i32
      %cond3A_1144 = arith.cmpi ne, %convert_element_type3A_1142, %cond3A_1143 : i32
      scf.if %cond3A_1144 {
        %add3A_2188 = arith.constant 8 : i32
        %add3A_2189 = arith.addi %mul3A_115, %add3A_2188 : i32
        %rem3A_2190 = arith.constant 8 : i32
        %rem3A_2191 = arith.remsi %add3A_2189, %rem3A_2190 : i32
        %dma_start3A_2192 = arith.constant 0 : i32
        %dma_start3A_2193 = tpu.memref_slice %arg17[%add3A_2189, %dma_start3A_2192] : memref<82x128xi32, #tpu.memory_space<vmem>> -> memref<1x128xi32, #tpu.memory_space<vmem>>
        %dma_start3A_2194 = tpu.memref_squeeze %dma_start3A_2193 : memref<1x128xi32, #tpu.memory_space<vmem>> -> memref<128xi32, #tpu.memory_space<vmem>>
        %dma_start3A_2195 = arith.constant 0 : i32
        %dma_start3A_2196 = tpu.memref_slice %arg16[%add3A_2189, %dma_start3A_2195] : memref<82x128xi32, #tpu.memory_space<vmem>> -> memref<1x128xi32, #tpu.memory_space<vmem>>
        %dma_start3A_2197 = tpu.memref_squeeze %dma_start3A_2196 : memref<1x128xi32, #tpu.memory_space<vmem>> -> memref<128xi32, #tpu.memory_space<vmem>>
        %dma_start3A_2198 = arith.constant 0 : i32
        %dma_start3A_2199 = tpu.memref_slice %arg2[%dma_start3A_2198] : memref<330000xi32, #tpu.memory_space<hbm>> -> memref<330000xi32, #tpu.memory_space<hbm>>
        %dma_start3A_2200 = tpu.memref_slice %arg30[%rem3A_2191] : memref<8x!tpu.dma_semaphore, #tpu.memory_space<semaphore_mem>> -> memref<1x!tpu.dma_semaphore, #tpu.memory_space<semaphore_mem>>
        %dma_start3A_2201 = tpu.memref_squeeze %dma_start3A_2200 : memref<1x!tpu.dma_semaphore, #tpu.memory_space<semaphore_mem>> -> memref<!tpu.dma_semaphore, #tpu.memory_space<semaphore_mem>>
        tpu.enqueue_indirect_dma source(%dma_start3A_2199 : memref<330000xi32, #tpu.memory_space<hbm>>) target(%dma_start3A_2194 : memref<128xi32, #tpu.memory_space<vmem>>) offsets(%dma_start3A_2197 : memref<128xi32, #tpu.memory_space<vmem>>) semaphore(%dma_start3A_2201 : memref<!tpu.dma_semaphore, #tpu.memory_space<semaphore_mem>>)
      } else {
      }
      %mul3A_1145 = arith.constant 2 : i32
      %mul3A_1146 = arith.muli %mul3A_1145, %scan3A_112 : i32
      %add3A_1147 = arith.constant 1 : i32
      %add3A_1148 = arith.addi %mul3A_1146, %add3A_1147 : i32
      %rem3A_1149 = arith.constant 8 : i32
      %rem3A_1150 = arith.remsi %add3A_1148, %rem3A_1149 : i32
      %dma_wait3A_1151 = arith.constant 0 : i32
      %dma_wait3A_1152 = tpu.memref_slice %arg17[%add3A_1148, %dma_wait3A_1151] : memref<82x128xi32, #tpu.memory_space<vmem>> -> memref<1x128xi32, #tpu.memory_space<vmem>>
      %dma_wait3A_1153 = tpu.memref_squeeze %dma_wait3A_1152 : memref<1x128xi32, #tpu.memory_space<vmem>> -> memref<128xi32, #tpu.memory_space<vmem>>
      %dma_wait3A_1154 = arith.constant 0 : i32
      %dma_wait3A_1155 = tpu.memref_slice %arg16[%add3A_1148, %dma_wait3A_1154] : memref<82x128xi32, #tpu.memory_space<vmem>> -> memref<1x128xi32, #tpu.memory_space<vmem>>
      %dma_wait3A_1156 = tpu.memref_squeeze %dma_wait3A_1155 : memref<1x128xi32, #tpu.memory_space<vmem>> -> memref<128xi32, #tpu.memory_space<vmem>>
      %dma_wait3A_1157 = arith.constant 0 : i32
      %dma_wait3A_1158 = tpu.memref_slice %arg2[%dma_wait3A_1157] : memref<330000xi32, #tpu.memory_space<hbm>> -> memref<330000xi32, #tpu.memory_space<hbm>>
      %dma_wait3A_1159 = tpu.memref_slice %arg30[%rem3A_1150] : memref<8x!tpu.dma_semaphore, #tpu.memory_space<semaphore_mem>> -> memref<1x!tpu.dma_semaphore, #tpu.memory_space<semaphore_mem>>
      %dma_wait3A_1160 = tpu.memref_squeeze %dma_wait3A_1159 : memref<1x!tpu.dma_semaphore, #tpu.memory_space<semaphore_mem>> -> memref<!tpu.dma_semaphore, #tpu.memory_space<semaphore_mem>>
      tpu.wait_indirect_dma semaphore(%dma_wait3A_1160 : memref<!tpu.dma_semaphore, #tpu.memory_space<semaphore_mem>>) src(%dma_wait3A_1158 : memref<330000xi32, #tpu.memory_space<hbm>>) dst(%dma_wait3A_1153 : memref<128xi32, #tpu.memory_space<vmem>>)
      %get3A_1161 = arith.index_cast %add3A_1148 : i32 to index
      %get3A_1162 = arith.constant 0 : index
      %get3A_1163 = tpu.vector_load %arg17[%get3A_1161, %get3A_1162] {strides = array<i32>} : memref<82x128xi32, #tpu.memory_space<vmem>>, vector<16xi32>,
      %get3A_1164 = arith.index_cast %add3A_1148 : i32 to index
      %get3A_1165 = arith.constant 0 : index
      %get3A_1166 = tpu.vector_load %arg18[%get3A_1164, %get3A_1165] {strides = array<i32>} : memref<82x128xi32, #tpu.memory_space<vmem>>, vector<16xi32>,
      %get3A_1167 = arith.index_cast %add3A_1148 : i32 to index
      %get3A_1168 = arith.constant 0 : index
      %get3A_1169 = tpu.vector_load %arg19[%get3A_1167, %get3A_1168] {strides = array<i32>} : memref<82x128xi32, #tpu.memory_space<vmem>>, vector<16xi32>,
      %get3A_1170 = arith.index_cast %add3A_1148 : i32 to index
      %get3A_1171 = arith.constant 0 : index
      %get3A_1172 = tpu.vector_load %arg20[%get3A_1170, %get3A_1171] {strides = array<i32>} : memref<82x128xf32, #tpu.memory_space<vmem>>, vector<16xf32>,
      %get3A_1173 = arith.index_cast %add3A_1148 : i32 to index
      %get3A_1174 = arith.constant 0 : index
      %get3A_1175 = tpu.vector_load %arg21[%get3A_1173, %get3A_1174] {strides = array<i32>} : memref<82x128xf32, #tpu.memory_space<vmem>>, vector<16xf32>,
      %gather3A_1176 = tpu.vector_load_idx %arg26[%get3A_1166] : memref<10240xi32, #tpu.memory_space<vmem>>[vector<16xi32>], vector<16xi32>,
      %gather3A_1177 = tpu.vector_load_idx %arg27[%get3A_1166] : memref<10240xf32, #tpu.memory_space<vmem>>[vector<16xi32>], vector<16xf32>,
      %gather3A_1178 = tpu.vector_load_idx %arg27[%get3A_1169] : memref<10240xf32, #tpu.memory_space<vmem>>[vector<16xi32>], vector<16xf32>,
      %mul3A_1179 = arith.constant 4 : i32
      %mul3A_1180 = vector.broadcast %mul3A_1179 : i32 to vector<16xi32>
      %mul3A_1181 = arith.muli %get3A_1163, %mul3A_1180 : vector<16xi32>
      %mul3A_1182 = arith.constant 4 : i32
      %mul3A_1183 = vector.broadcast %mul3A_1182 : i32 to vector<16xi32>
      %mul3A_1184 = arith.muli %gather3A_1176, %mul3A_1183 : vector<16xi32>
      %gather3A_1185 = tpu.vector_load_idx %arg24[%mul3A_1181] : memref<1024xf32, #tpu.memory_space<vmem>>[vector<16xi32>], vector<16xf32>,
      %gather3A_1186 = tpu.vector_load_idx %arg25[%mul3A_1184] : memref<1024xf32, #tpu.memory_space<vmem>>[vector<16xi32>], vector<16xf32>,
      %add3A_1187 = arith.addf %gather3A_1185, %gather3A_1186 : vector<16xf32>
      %add3A_1188 = arith.constant 1 : i32
      %add3A_1189 = vector.broadcast %add3A_1188 : i32 to vector<16xi32>
      %add3A_1190 = arith.addi %mul3A_1181, %add3A_1189 : vector<16xi32>
      %gather3A_1191 = tpu.vector_load_idx %arg24[%add3A_1190] : memref<1024xf32, #tpu.memory_space<vmem>>[vector<16xi32>], vector<16xf32>,
      %add3A_1192 = arith.constant 1 : i32
      %add3A_1193 = vector.broadcast %add3A_1192 : i32 to vector<16xi32>
      %add3A_1194 = arith.addi %mul3A_1184, %add3A_1193 : vector<16xi32>
      %gather3A_1195 = tpu.vector_load_idx %arg25[%add3A_1194] : memref<1024xf32, #tpu.memory_space<vmem>>[vector<16xi32>], vector<16xf32>,
      %add3A_1196 = arith.addf %gather3A_1191, %gather3A_1195 : vector<16xf32>
      %add3A_1197 = arith.constant 2 : i32
      %add3A_1198 = vector.broadcast %add3A_1197 : i32 to vector<16xi32>
      %add3A_1199 = arith.addi %mul3A_1181, %add3A_1198 : vector<16xi32>
      %gather3A_1200 = tpu.vector_load_idx %arg24[%add3A_1199] : memref<1024xf32, #tpu.memory_space<vmem>>[vector<16xi32>], vector<16xf32>,
      %add3A_1201 = arith.constant 2 : i32
      %add3A_1202 = vector.broadcast %add3A_1201 : i32 to vector<16xi32>
      %add3A_1203 = arith.addi %mul3A_1184, %add3A_1202 : vector<16xi32>
      %gather3A_1204 = tpu.vector_load_idx %arg25[%add3A_1203] : memref<1024xf32, #tpu.memory_space<vmem>>[vector<16xi32>], vector<16xf32>,
      %add3A_1205 = arith.addf %gather3A_1200, %gather3A_1204 : vector<16xf32>
      %add3A_1206 = arith.constant 3 : i32
      %add3A_1207 = vector.broadcast %add3A_1206 : i32 to vector<16xi32>
      %add3A_1208 = arith.addi %mul3A_1181, %add3A_1207 : vector<16xi32>
      %gather3A_1209 = tpu.vector_load_idx %arg24[%add3A_1208] : memref<1024xf32, #tpu.memory_space<vmem>>[vector<16xi32>], vector<16xf32>,
      %add3A_1210 = arith.constant 3 : i32
      %add3A_1211 = vector.broadcast %add3A_1210 : i32 to vector<16xi32>
      %add3A_1212 = arith.addi %mul3A_1184, %add3A_1211 : vector<16xi32>
      %gather3A_1213 = tpu.vector_load_idx %arg25[%add3A_1212] : memref<1024xf32, #tpu.memory_space<vmem>>[vector<16xi32>], vector<16xf32>,
      %add3A_1214 = arith.addf %gather3A_1209, %gather3A_1213 : vector<16xf32>
      %neg3A_1215 = arith.constant 0.000000e+00 : f32
      %neg3A_1216 = vector.broadcast %neg3A_1215 : f32 to vector<16xf32>
      %neg3A_1217 = arith.subf %neg3A_1216, %add3A_1187 : vector<16xf32>
      %exp3A_1218 = math.exp %neg3A_1217 : vector<16xf32>
      %add3A_1219 = arith.constant 1.000000e+00 : f32
      %add3A_1220 = vector.broadcast %add3A_1219 : f32 to vector<16xf32>
      %add3A_1221 = arith.addf %add3A_1220, %exp3A_1218 : vector<16xf32>
      %div3A_1222 = arith.constant 1.000000e+00 : f32
      %div3A_1223 = vector.broadcast %div3A_1222 : f32 to vector<16xf32>
      %div3A_1224 = arith.divf %div3A_1223, %add3A_1221 : vector<16xf32>
      %neg3A_1225 = arith.constant 0.000000e+00 : f32
      %neg3A_1226 = vector.broadcast %neg3A_1225 : f32 to vector<16xf32>
      %neg3A_1227 = arith.subf %neg3A_1226, %add3A_1196 : vector<16xf32>
      %exp3A_1228 = math.exp %neg3A_1227 : vector<16xf32>
      %add3A_1229 = arith.constant 1.000000e+00 : f32
      %add3A_1230 = vector.broadcast %add3A_1229 : f32 to vector<16xf32>
      %add3A_1231 = arith.addf %add3A_1230, %exp3A_1228 : vector<16xf32>
      %div3A_1232 = arith.constant 1.000000e+00 : f32
      %div3A_1233 = vector.broadcast %div3A_1232 : f32 to vector<16xf32>
      %div3A_1234 = arith.divf %div3A_1233, %add3A_1231 : vector<16xf32>
      %neg3A_1235 = arith.constant 0.000000e+00 : f32
      %neg3A_1236 = vector.broadcast %neg3A_1235 : f32 to vector<16xf32>
      %neg3A_1237 = arith.subf %neg3A_1236, %add3A_1205 : vector<16xf32>
      %exp3A_1238 = math.exp %neg3A_1237 : vector<16xf32>
      %add3A_1239 = arith.constant 1.000000e+00 : f32
      %add3A_1240 = vector.broadcast %add3A_1239 : f32 to vector<16xf32>
      %add3A_1241 = arith.addf %add3A_1240, %exp3A_1238 : vector<16xf32>
      %div3A_1242 = arith.constant 1.000000e+00 : f32
      %div3A_1243 = vector.broadcast %div3A_1242 : f32 to vector<16xf32>
      %div3A_1244 = arith.divf %div3A_1243, %add3A_1241 : vector<16xf32>
      %neg3A_1245 = arith.constant 0.000000e+00 : f32
      %neg3A_1246 = vector.broadcast %neg3A_1245 : f32 to vector<16xf32>
      %neg3A_1247 = arith.subf %neg3A_1246, %add3A_1214 : vector<16xf32>
      %exp3A_1248 = math.exp %neg3A_1247 : vector<16xf32>
      %add3A_1249 = arith.constant 1.000000e+00 : f32
      %add3A_1250 = vector.broadcast %add3A_1249 : f32 to vector<16xf32>
      %add3A_1251 = arith.addf %add3A_1250, %exp3A_1248 : vector<16xf32>
      %div3A_1252 = arith.constant 1.000000e+00 : f32
      %div3A_1253 = vector.broadcast %div3A_1252 : f32 to vector<16xf32>
      %div3A_1254 = arith.divf %div3A_1253, %add3A_1251 : vector<16xf32>
      %sub3A_1255 = arith.subf %get3A_1172, %gather3A_1178 : vector<16xf32>
      %add3A_1256 = arith.addf %sub3A_1255, %gather3A_1177 : vector<16xf32>
      %mul3A_1257 = arith.mulf %div3A_1234, %sub3A_1255 : vector<16xf32>
      %mul3A_1258 = arith.mulf %div3A_1244, %add3A_1256 : vector<16xf32>
      %add3A_1259 = arith.addf %mul3A_1257, %mul3A_1258 : vector<16xf32>
      %mul3A_1260 = arith.mulf %div3A_1254, %get3A_1172 : vector<16xf32>
      %add3A_1261 = arith.addf %div3A_1224, %mul3A_1260 : vector<16xf32>
      %swap3A_1262 = arith.index_cast %add3A_1148 : i32 to index
      %swap3A_1263 = arith.constant 0 : index
      %swap3A_1264 = tpu.vector_load %arg22[%swap3A_1262, %swap3A_1263] {strides = array<i32>} : memref<82x128xf32, #tpu.memory_space<vmem>>, vector<16xf32>,
      tpu.vector_store %arg22[%swap3A_1262, %swap3A_1263], %add3A_1261 {strides = array<i32>} : memref<82x128xf32, #tpu.memory_space<vmem>>, vector<16xf32>,
      %swap3A_1265 = arith.index_cast %add3A_1148 : i32 to index
      %swap3A_1266 = arith.constant 0 : index
      %swap3A_1267 = tpu.vector_load %arg23[%swap3A_1265, %swap3A_1266] {strides = array<i32>} : memref<82x128xf32, #tpu.memory_space<vmem>>, vector<16xf32>,
      tpu.vector_store %arg23[%swap3A_1265, %swap3A_1266], %add3A_1259 {strides = array<i32>} : memref<82x128xf32, #tpu.memory_space<vmem>>, vector<16xf32>,
      %mul3A_1268 = arith.constant 10496 : i32
      %mul3A_1269 = arith.muli %add3A, %mul3A_1268 : i32
      %mul3A_1270 = arith.constant 128 : i32
      %mul3A_1271 = arith.muli %add3A_1148, %mul3A_1270 : i32
      %add3A_1272 = arith.addi %mul3A_1269, %mul3A_1271 : i32
      %add3A_1273 = arith.constant 0 : i32
      %add3A_1274 = arith.addi %add3A_1272, %add3A_1273 : i32
      %add3A_1275 = vector.broadcast %add3A_1274 : i32 to vector<16xi32>
      %add3A_1276 = arith.addi %add3A_1275, %iota3A : vector<16xi32>
      %sub3A_1277 = arith.subf %get3A_1175, %add3A_1261 : vector<16xf32>
      %lt3A_1278 = arith.constant 320000 : i32
      %lt3A_1279 = vector.broadcast %lt3A_1278 : i32 to vector<16xi32>
      %lt3A_1280 = arith.cmpi slt, %add3A_1276, %lt3A_1279 : vector<16xi32>
      %mul3A_1281 = arith.mulf %sub3A_1277, %sub3A_1277 : vector<16xf32>
      %jit3A_1282 = arith.constant 0.000000e+00 : f32
      %broadcast_in_dim3A_1283 = vector.broadcast %jit3A_1282 : f32 to vector<16xf32>
      %select_n3A_1284 = arith.select %lt3A_1280, %mul3A_1281, %broadcast_in_dim3A_1283 : vector<16xi1>, vector<16xf32>
      %add3A_1285 = arith.addf %add3A_1117, %select_n3A_1284 : vector<16xf32>
      %get3A_1286 = arith.index_cast %add3A_1148 : i32 to index
      %get3A_1287 = arith.constant 16 : index
      %get3A_1288 = tpu.vector_load %arg17[%get3A_1286, %get3A_1287] {strides = array<i32>} : memref<82x128xi32, #tpu.memory_space<vmem>>, vector<16xi32>,
      %get3A_1289 = arith.index_cast %add3A_1148 : i32 to index
      %get3A_1290 = arith.constant 16 : index
      %get3A_1291 = tpu.vector_load %arg18[%get3A_1289, %get3A_1290] {strides = array<i32>} : memref<82x128xi32, #tpu.memory_space<vmem>>, vector<16xi32>,
      %get3A_1292 = arith.index_cast %add3A_1148 : i32 to index
      %get3A_1293 = arith.constant 16 : index
      %get3A_1294 = tpu.vector_load %arg19[%get3A_1292, %get3A_1293] {strides = array<i32>} : memref<82x128xi32, #tpu.memory_space<vmem>>, vector<16xi32>,
      %get3A_1295 = arith.index_cast %add3A_1148 : i32 to index
      %get3A_1296 = arith.constant 16 : index
      %get3A_1297 = tpu.vector_load %arg20[%get3A_1295, %get3A_1296] {strides = array<i32>} : memref<82x128xf32, #tpu.memory_space<vmem>>, vector<16xf32>,
      %get3A_1298 = arith.index_cast %add3A_1148 : i32 to index
      %get3A_1299 = arith.constant 16 : index
      %get3A_1300 = tpu.vector_load %arg21[%get3A_1298, %get3A_1299] {strides = array<i32>} : memref<82x128xf32, #tpu.memory_space<vmem>>, vector<16xf32>,
      %gather3A_1301 = tpu.vector_load_idx %arg26[%get3A_1291] : memref<10240xi32, #tpu.memory_space<vmem>>[vector<16xi32>], vector<16xi32>,
      %gather3A_1302 = tpu.vector_load_idx %arg27[%get3A_1291] : memref<10240xf32, #tpu.memory_space<vmem>>[vector<16xi32>], vector<16xf32>,
      %gather3A_1303 = tpu.vector_load_idx %arg27[%get3A_1294] : memref<10240xf32, #tpu.memory_space<vmem>>[vector<16xi32>], vector<16xf32>,
      %mul3A_1304 = arith.constant 4 : i32
      %mul3A_1305 = vector.broadcast %mul3A_1304 : i32 to vector<16xi32>
      %mul3A_1306 = arith.muli %get3A_1288, %mul3A_1305 : vector<16xi32>
      %mul3A_1307 = arith.constant 4 : i32
      %mul3A_1308 = vector.broadcast %mul3A_1307 : i32 to vector<16xi32>
      %mul3A_1309 = arith.muli %gather3A_1301, %mul3A_1308 : vector<16xi32>
      %gather3A_1310 = tpu.vector_load_idx %arg24[%mul3A_1306] : memref<1024xf32, #tpu.memory_space<vmem>>[vector<16xi32>], vector<16xf32>,
      %gather3A_1311 = tpu.vector_load_idx %arg25[%mul3A_1309] : memref<1024xf32, #tpu.memory_space<vmem>>[vector<16xi32>], vector<16xf32>,
      %add3A_1312 = arith.addf %gather3A_1310, %gather3A_1311 : vector<16xf32>
      %add3A_1313 = arith.constant 1 : i32
      %add3A_1314 = vector.broadcast %add3A_1313 : i32 to vector<16xi32>
      %add3A_1315 = arith.addi %mul3A_1306, %add3A_1314 : vector<16xi32>
      %gather3A_1316 = tpu.vector_load_idx %arg24[%add3A_1315] : memref<1024xf32, #tpu.memory_space<vmem>>[vector<16xi32>], vector<16xf32>,
      %add3A_1317 = arith.constant 1 : i32
      %add3A_1318 = vector.broadcast %add3A_1317 : i32 to vector<16xi32>
      %add3A_1319 = arith.addi %mul3A_1309, %add3A_1318 : vector<16xi32>
      %gather3A_1320 = tpu.vector_load_idx %arg25[%add3A_1319] : memref<1024xf32, #tpu.memory_space<vmem>>[vector<16xi32>], vector<16xf32>,
      %add3A_1321 = arith.addf %gather3A_1316, %gather3A_1320 : vector<16xf32>
      %add3A_1322 = arith.constant 2 : i32
      %add3A_1323 = vector.broadcast %add3A_1322 : i32 to vector<16xi32>
      %add3A_1324 = arith.addi %mul3A_1306, %add3A_1323 : vector<16xi32>
      %gather3A_1325 = tpu.vector_load_idx %arg24[%add3A_1324] : memref<1024xf32, #tpu.memory_space<vmem>>[vector<16xi32>], vector<16xf32>,
      %add3A_1326 = arith.constant 2 : i32
      %add3A_1327 = vector.broadcast %add3A_1326 : i32 to vector<16xi32>
      %add3A_1328 = arith.addi %mul3A_1309, %add3A_1327 : vector<16xi32>
      %gather3A_1329 = tpu.vector_load_idx %arg25[%add3A_1328] : memref<1024xf32, #tpu.memory_space<vmem>>[vector<16xi32>], vector<16xf32>,
      %add3A_1330 = arith.addf %gather3A_1325, %gather3A_1329 : vector<16xf32>
      %add3A_1331 = arith.constant 3 : i32
      %add3A_1332 = vector.broadcast %add3A_1331 : i32 to vector<16xi32>
      %add3A_1333 = arith.addi %mul3A_1306, %add3A_1332 : vector<16xi32>
      %gather3A_1334 = tpu.vector_load_idx %arg24[%add3A_1333] : memref<1024xf32, #tpu.memory_space<vmem>>[vector<16xi32>], vector<16xf32>,
      %add3A_1335 = arith.constant 3 : i32
      %add3A_1336 = vector.broadcast %add3A_1335 : i32 to vector<16xi32>
      %add3A_1337 = arith.addi %mul3A_1309, %add3A_1336 : vector<16xi32>
      %gather3A_1338 = tpu.vector_load_idx %arg25[%add3A_1337] : memref<1024xf32, #tpu.memory_space<vmem>>[vector<16xi32>], vector<16xf32>,
      %add3A_1339 = arith.addf %gather3A_1334, %gather3A_1338 : vector<16xf32>
      %neg3A_1340 = arith.constant 0.000000e+00 : f32
      %neg3A_1341 = vector.broadcast %neg3A_1340 : f32 to vector<16xf32>
      %neg3A_1342 = arith.subf %neg3A_1341, %add3A_1312 : vector<16xf32>
      %exp3A_1343 = math.exp %neg3A_1342 : vector<16xf32>
      %add3A_1344 = arith.constant 1.000000e+00 : f32
      %add3A_1345 = vector.broadcast %add3A_1344 : f32 to vector<16xf32>
      %add3A_1346 = arith.addf %add3A_1345, %exp3A_1343 : vector<16xf32>
      %div3A_1347 = arith.constant 1.000000e+00 : f32
      %div3A_1348 = vector.broadcast %div3A_1347 : f32 to vector<16xf32>
      %div3A_1349 = arith.divf %div3A_1348, %add3A_1346 : vector<16xf32>
      %neg3A_1350 = arith.constant 0.000000e+00 : f32
      %neg3A_1351 = vector.broadcast %neg3A_1350 : f32 to vector<16xf32>
      %neg3A_1352 = arith.subf %neg3A_1351, %add3A_1321 : vector<16xf32>
      %exp3A_1353 = math.exp %neg3A_1352 : vector<16xf32>
      %add3A_1354 = arith.constant 1.000000e+00 : f32
      %add3A_1355 = vector.broadcast %add3A_1354 : f32 to vector<16xf32>
      %add3A_1356 = arith.addf %add3A_1355, %exp3A_1353 : vector<16xf32>
      %div3A_1357 = arith.constant 1.000000e+00 : f32
      %div3A_1358 = vector.broadcast %div3A_1357 : f32 to vector<16xf32>
      %div3A_1359 = arith.divf %div3A_1358, %add3A_1356 : vector<16xf32>
      %neg3A_1360 = arith.constant 0.000000e+00 : f32
      %neg3A_1361 = vector.broadcast %neg3A_1360 : f32 to vector<16xf32>
      %neg3A_1362 = arith.subf %neg3A_1361, %add3A_1330 : vector<16xf32>
      %exp3A_1363 = math.exp %neg3A_1362 : vector<16xf32>
      %add3A_1364 = arith.constant 1.000000e+00 : f32
      %add3A_1365 = vector.broadcast %add3A_1364 : f32 to vector<16xf32>
      %add3A_1366 = arith.addf %add3A_1365, %exp3A_1363 : vector<16xf32>
      %div3A_1367 = arith.constant 1.000000e+00 : f32
      %div3A_1368 = vector.broadcast %div3A_1367 : f32 to vector<16xf32>
      %div3A_1369 = arith.divf %div3A_1368, %add3A_1366 : vector<16xf32>
      %neg3A_1370 = arith.constant 0.000000e+00 : f32
      %neg3A_1371 = vector.broadcast %neg3A_1370 : f32 to vector<16xf32>
      %neg3A_1372 = arith.subf %neg3A_1371, %add3A_1339 : vector<16xf32>
      %exp3A_1373 = math.exp %neg3A_1372 : vector<16xf32>
      %add3A_1374 = arith.constant 1.000000e+00 : f32
      %add3A_1375 = vector.broadcast %add3A_1374 : f32 to vector<16xf32>
      %add3A_1376 = arith.addf %add3A_1375, %exp3A_1373 : vector<16xf32>
      %div3A_1377 = arith.constant 1.000000e+00 : f32
      %div3A_1378 = vector.broadcast %div3A_1377 : f32 to vector<16xf32>
      %div3A_1379 = arith.divf %div3A_1378, %add3A_1376 : vector<16xf32>
      %sub3A_1380 = arith.subf %get3A_1297, %gather3A_1303 : vector<16xf32>
      %add3A_1381 = arith.addf %sub3A_1380, %gather3A_1302 : vector<16xf32>
      %mul3A_1382 = arith.mulf %div3A_1359, %sub3A_1380 : vector<16xf32>
      %mul3A_1383 = arith.mulf %div3A_1369, %add3A_1381 : vector<16xf32>
      %add3A_1384 = arith.addf %mul3A_1382, %mul3A_1383 : vector<16xf32>
      %mul3A_1385 = arith.mulf %div3A_1379, %get3A_1297 : vector<16xf32>
      %add3A_1386 = arith.addf %div3A_1349, %mul3A_1385 : vector<16xf32>
      %swap3A_1387 = arith.index_cast %add3A_1148 : i32 to index
      %swap3A_1388 = arith.constant 16 : index
      %swap3A_1389 = tpu.vector_load %arg22[%swap3A_1387, %swap3A_1388] {strides = array<i32>} : memref<82x128xf32, #tpu.memory_space<vmem>>, vector<16xf32>,
      tpu.vector_store %arg22[%swap3A_1387, %swap3A_1388], %add3A_1386 {strides = array<i32>} : memref<82x128xf32, #tpu.memory_space<vmem>>, vector<16xf32>,
      %swap3A_1390 = arith.index_cast %add3A_1148 : i32 to index
      %swap3A_1391 = arith.constant 16 : index
      %swap3A_1392 = tpu.vector_load %arg23[%swap3A_1390, %swap3A_1391] {strides = array<i32>} : memref<82x128xf32, #tpu.memory_space<vmem>>, vector<16xf32>,
      tpu.vector_store %arg23[%swap3A_1390, %swap3A_1391], %add3A_1384 {strides = array<i32>} : memref<82x128xf32, #tpu.memory_space<vmem>>, vector<16xf32>,
      %mul3A_1393 = arith.constant 10496 : i32
      %mul3A_1394 = arith.muli %add3A, %mul3A_1393 : i32
      %mul3A_1395 = arith.constant 128 : i32
      %mul3A_1396 = arith.muli %add3A_1148, %mul3A_1395 : i32
      %add3A_1397 = arith.addi %mul3A_1394, %mul3A_1396 : i32
      %add3A_1398 = arith.constant 16 : i32
      %add3A_1399 = arith.addi %add3A_1397, %add3A_1398 : i32
      %add3A_1400 = vector.broadcast %add3A_1399 : i32 to vector<16xi32>
      %add3A_1401 = arith.addi %add3A_1400, %iota3A : vector<16xi32>
      %sub3A_1402 = arith.subf %get3A_1300, %add3A_1386 : vector<16xf32>
      %lt3A_1403 = arith.constant 320000 : i32
      %lt3A_1404 = vector.broadcast %lt3A_1403 : i32 to vector<16xi32>
      %lt3A_1405 = arith.cmpi slt, %add3A_1401, %lt3A_1404 : vector<16xi32>
      %mul3A_1406 = arith.mulf %sub3A_1402, %sub3A_1402 : vector<16xf32>
      %jit3A_1407 = arith.constant 0.000000e+00 : f32
      %broadcast_in_dim3A_1408 = vector.broadcast %jit3A_1407 : f32 to vector<16xf32>
      %select_n3A_1409 = arith.select %lt3A_1405, %mul3A_1406, %broadcast_in_dim3A_1408 : vector<16xi1>, vector<16xf32>
      %add3A_1410 = arith.addf %add3A_1285, %select_n3A_1409 : vector<16xf32>
      %get3A_1411 = arith.index_cast %add3A_1148 : i32 to index
      %get3A_1412 = arith.constant 32 : index
      %get3A_1413 = tpu.vector_load %arg17[%get3A_1411, %get3A_1412] {strides = array<i32>} : memref<82x128xi32, #tpu.memory_space<vmem>>, vector<16xi32>,
      %get3A_1414 = arith.index_cast %add3A_1148 : i32 to index
      %get3A_1415 = arith.constant 32 : index
      %get3A_1416 = tpu.vector_load %arg18[%get3A_1414, %get3A_1415] {strides = array<i32>} : memref<82x128xi32, #tpu.memory_space<vmem>>, vector<16xi32>,
      %get3A_1417 = arith.index_cast %add3A_1148 : i32 to index
      %get3A_1418 = arith.constant 32 : index
      %get3A_1419 = tpu.vector_load %arg19[%get3A_1417, %get3A_1418] {strides = array<i32>} : memref<82x128xi32, #tpu.memory_space<vmem>>, vector<16xi32>,
      %get3A_1420 = arith.index_cast %add3A_1148 : i32 to index
      %get3A_1421 = arith.constant 32 : index
      %get3A_1422 = tpu.vector_load %arg20[%get3A_1420, %get3A_1421] {strides = array<i32>} : memref<82x128xf32, #tpu.memory_space<vmem>>, vector<16xf32>,
      %get3A_1423 = arith.index_cast %add3A_1148 : i32 to index
      %get3A_1424 = arith.constant 32 : index
      %get3A_1425 = tpu.vector_load %arg21[%get3A_1423, %get3A_1424] {strides = array<i32>} : memref<82x128xf32, #tpu.memory_space<vmem>>, vector<16xf32>,
      %gather3A_1426 = tpu.vector_load_idx %arg26[%get3A_1416] : memref<10240xi32, #tpu.memory_space<vmem>>[vector<16xi32>], vector<16xi32>,
      %gather3A_1427 = tpu.vector_load_idx %arg27[%get3A_1416] : memref<10240xf32, #tpu.memory_space<vmem>>[vector<16xi32>], vector<16xf32>,
      %gather3A_1428 = tpu.vector_load_idx %arg27[%get3A_1419] : memref<10240xf32, #tpu.memory_space<vmem>>[vector<16xi32>], vector<16xf32>,
      %mul3A_1429 = arith.constant 4 : i32
      %mul3A_1430 = vector.broadcast %mul3A_1429 : i32 to vector<16xi32>
      %mul3A_1431 = arith.muli %get3A_1413, %mul3A_1430 : vector<16xi32>
      %mul3A_1432 = arith.constant 4 : i32
      %mul3A_1433 = vector.broadcast %mul3A_1432 : i32 to vector<16xi32>
      %mul3A_1434 = arith.muli %gather3A_1426, %mul3A_1433 : vector<16xi32>
      %gather3A_1435 = tpu.vector_load_idx %arg24[%mul3A_1431] : memref<1024xf32, #tpu.memory_space<vmem>>[vector<16xi32>], vector<16xf32>,
      %gather3A_1436 = tpu.vector_load_idx %arg25[%mul3A_1434] : memref<1024xf32, #tpu.memory_space<vmem>>[vector<16xi32>], vector<16xf32>,
      %add3A_1437 = arith.addf %gather3A_1435, %gather3A_1436 : vector<16xf32>
      %add3A_1438 = arith.constant 1 : i32
      %add3A_1439 = vector.broadcast %add3A_1438 : i32 to vector<16xi32>
      %add3A_1440 = arith.addi %mul3A_1431, %add3A_1439 : vector<16xi32>
      %gather3A_1441 = tpu.vector_load_idx %arg24[%add3A_1440] : memref<1024xf32, #tpu.memory_space<vmem>>[vector<16xi32>], vector<16xf32>,
      %add3A_1442 = arith.constant 1 : i32
      %add3A_1443 = vector.broadcast %add3A_1442 : i32 to vector<16xi32>
      %add3A_1444 = arith.addi %mul3A_1434, %add3A_1443 : vector<16xi32>
      %gather3A_1445 = tpu.vector_load_idx %arg25[%add3A_1444] : memref<1024xf32, #tpu.memory_space<vmem>>[vector<16xi32>], vector<16xf32>,
      %add3A_1446 = arith.addf %gather3A_1441, %gather3A_1445 : vector<16xf32>
      %add3A_1447 = arith.constant 2 : i32
      %add3A_1448 = vector.broadcast %add3A_1447 : i32 to vector<16xi32>
      %add3A_1449 = arith.addi %mul3A_1431, %add3A_1448 : vector<16xi32>
      %gather3A_1450 = tpu.vector_load_idx %arg24[%add3A_1449] : memref<1024xf32, #tpu.memory_space<vmem>>[vector<16xi32>], vector<16xf32>,
      %add3A_1451 = arith.constant 2 : i32
      %add3A_1452 = vector.broadcast %add3A_1451 : i32 to vector<16xi32>
      %add3A_1453 = arith.addi %mul3A_1434, %add3A_1452 : vector<16xi32>
      %gather3A_1454 = tpu.vector_load_idx %arg25[%add3A_1453] : memref<1024xf32, #tpu.memory_space<vmem>>[vector<16xi32>], vector<16xf32>,
      %add3A_1455 = arith.addf %gather3A_1450, %gather3A_1454 : vector<16xf32>
      %add3A_1456 = arith.constant 3 : i32
      %add3A_1457 = vector.broadcast %add3A_1456 : i32 to vector<16xi32>
      %add3A_1458 = arith.addi %mul3A_1431, %add3A_1457 : vector<16xi32>
      %gather3A_1459 = tpu.vector_load_idx %arg24[%add3A_1458] : memref<1024xf32, #tpu.memory_space<vmem>>[vector<16xi32>], vector<16xf32>,
      %add3A_1460 = arith.constant 3 : i32
      %add3A_1461 = vector.broadcast %add3A_1460 : i32 to vector<16xi32>
      %add3A_1462 = arith.addi %mul3A_1434, %add3A_1461 : vector<16xi32>
      %gather3A_1463 = tpu.vector_load_idx %arg25[%add3A_1462] : memref<1024xf32, #tpu.memory_space<vmem>>[vector<16xi32>], vector<16xf32>,
      %add3A_1464 = arith.addf %gather3A_1459, %gather3A_1463 : vector<16xf32>
      %neg3A_1465 = arith.constant 0.000000e+00 : f32
      %neg3A_1466 = vector.broadcast %neg3A_1465 : f32 to vector<16xf32>
      %neg3A_1467 = arith.subf %neg3A_1466, %add3A_1437 : vector<16xf32>
      %exp3A_1468 = math.exp %neg3A_1467 : vector<16xf32>
      %add3A_1469 = arith.constant 1.000000e+00 : f32
      %add3A_1470 = vector.broadcast %add3A_1469 : f32 to vector<16xf32>
      %add3A_1471 = arith.addf %add3A_1470, %exp3A_1468 : vector<16xf32>
      %div3A_1472 = arith.constant 1.000000e+00 : f32
      %div3A_1473 = vector.broadcast %div3A_1472 : f32 to vector<16xf32>
      %div3A_1474 = arith.divf %div3A_1473, %add3A_1471 : vector<16xf32>
      %neg3A_1475 = arith.constant 0.000000e+00 : f32
      %neg3A_1476 = vector.broadcast %neg3A_1475 : f32 to vector<16xf32>
      %neg3A_1477 = arith.subf %neg3A_1476, %add3A_1446 : vector<16xf32>
      %exp3A_1478 = math.exp %neg3A_1477 : vector<16xf32>
      %add3A_1479 = arith.constant 1.000000e+00 : f32
      %add3A_1480 = vector.broadcast %add3A_1479 : f32 to vector<16xf32>
      %add3A_1481 = arith.addf %add3A_1480, %exp3A_1478 : vector<16xf32>
      %div3A_1482 = arith.constant 1.000000e+00 : f32
      %div3A_1483 = vector.broadcast %div3A_1482 : f32 to vector<16xf32>
      %div3A_1484 = arith.divf %div3A_1483, %add3A_1481 : vector<16xf32>
      %neg3A_1485 = arith.constant 0.000000e+00 : f32
      %neg3A_1486 = vector.broadcast %neg3A_1485 : f32 to vector<16xf32>
      %neg3A_1487 = arith.subf %neg3A_1486, %add3A_1455 : vector<16xf32>
      %exp3A_1488 = math.exp %neg3A_1487 : vector<16xf32>
      %add3A_1489 = arith.constant 1.000000e+00 : f32
      %add3A_1490 = vector.broadcast %add3A_1489 : f32 to vector<16xf32>
      %add3A_1491 = arith.addf %add3A_1490, %exp3A_1488 : vector<16xf32>
      %div3A_1492 = arith.constant 1.000000e+00 : f32
      %div3A_1493 = vector.broadcast %div3A_1492 : f32 to vector<16xf32>
      %div3A_1494 = arith.divf %div3A_1493, %add3A_1491 : vector<16xf32>
      %neg3A_1495 = arith.constant 0.000000e+00 : f32
      %neg3A_1496 = vector.broadcast %neg3A_1495 : f32 to vector<16xf32>
      %neg3A_1497 = arith.subf %neg3A_1496, %add3A_1464 : vector<16xf32>
      %exp3A_1498 = math.exp %neg3A_1497 : vector<16xf32>
      %add3A_1499 = arith.constant 1.000000e+00 : f32
      %add3A_1500 = vector.broadcast %add3A_1499 : f32 to vector<16xf32>
      %add3A_1501 = arith.addf %add3A_1500, %exp3A_1498 : vector<16xf32>
      %div3A_1502 = arith.constant 1.000000e+00 : f32
      %div3A_1503 = vector.broadcast %div3A_1502 : f32 to vector<16xf32>
      %div3A_1504 = arith.divf %div3A_1503, %add3A_1501 : vector<16xf32>
      %sub3A_1505 = arith.subf %get3A_1422, %gather3A_1428 : vector<16xf32>
      %add3A_1506 = arith.addf %sub3A_1505, %gather3A_1427 : vector<16xf32>
      %mul3A_1507 = arith.mulf %div3A_1484, %sub3A_1505 : vector<16xf32>
      %mul3A_1508 = arith.mulf %div3A_1494, %add3A_1506 : vector<16xf32>
      %add3A_1509 = arith.addf %mul3A_1507, %mul3A_1508 : vector<16xf32>
      %mul3A_1510 = arith.mulf %div3A_1504, %get3A_1422 : vector<16xf32>
      %add3A_1511 = arith.addf %div3A_1474, %mul3A_1510 : vector<16xf32>
      %swap3A_1512 = arith.index_cast %add3A_1148 : i32 to index
      %swap3A_1513 = arith.constant 32 : index
      %swap3A_1514 = tpu.vector_load %arg22[%swap3A_1512, %swap3A_1513] {strides = array<i32>} : memref<82x128xf32, #tpu.memory_space<vmem>>, vector<16xf32>,
      tpu.vector_store %arg22[%swap3A_1512, %swap3A_1513], %add3A_1511 {strides = array<i32>} : memref<82x128xf32, #tpu.memory_space<vmem>>, vector<16xf32>,
      %swap3A_1515 = arith.index_cast %add3A_1148 : i32 to index
      %swap3A_1516 = arith.constant 32 : index
      %swap3A_1517 = tpu.vector_load %arg23[%swap3A_1515, %swap3A_1516] {strides = array<i32>} : memref<82x128xf32, #tpu.memory_space<vmem>>, vector<16xf32>,
      tpu.vector_store %arg23[%swap3A_1515, %swap3A_1516], %add3A_1509 {strides = array<i32>} : memref<82x128xf32, #tpu.memory_space<vmem>>, vector<16xf32>,
      %mul3A_1518 = arith.constant 10496 : i32
      %mul3A_1519 = arith.muli %add3A, %mul3A_1518 : i32
      %mul3A_1520 = arith.constant 128 : i32
      %mul3A_1521 = arith.muli %add3A_1148, %mul3A_1520 : i32
      %add3A_1522 = arith.addi %mul3A_1519, %mul3A_1521 : i32
      %add3A_1523 = arith.constant 32 : i32
      %add3A_1524 = arith.addi %add3A_1522, %add3A_1523 : i32
      %add3A_1525 = vector.broadcast %add3A_1524 : i32 to vector<16xi32>
      %add3A_1526 = arith.addi %add3A_1525, %iota3A : vector<16xi32>
      %sub3A_1527 = arith.subf %get3A_1425, %add3A_1511 : vector<16xf32>
      %lt3A_1528 = arith.constant 320000 : i32
      %lt3A_1529 = vector.broadcast %lt3A_1528 : i32 to vector<16xi32>
      %lt3A_1530 = arith.cmpi slt, %add3A_1526, %lt3A_1529 : vector<16xi32>
      %mul3A_1531 = arith.mulf %sub3A_1527, %sub3A_1527 : vector<16xf32>
      %jit3A_1532 = arith.constant 0.000000e+00 : f32
      %broadcast_in_dim3A_1533 = vector.broadcast %jit3A_1532 : f32 to vector<16xf32>
      %select_n3A_1534 = arith.select %lt3A_1530, %mul3A_1531, %broadcast_in_dim3A_1533 : vector<16xi1>, vector<16xf32>
      %add3A_1535 = arith.addf %add3A_1410, %select_n3A_1534 : vector<16xf32>
      %get3A_1536 = arith.index_cast %add3A_1148 : i32 to index
      %get3A_1537 = arith.constant 48 : index
      %get3A_1538 = tpu.vector_load %arg17[%get3A_1536, %get3A_1537] {strides = array<i32>} : memref<82x128xi32, #tpu.memory_space<vmem>>, vector<16xi32>,
      %get3A_1539 = arith.index_cast %add3A_1148 : i32 to index
      %get3A_1540 = arith.constant 48 : index
      %get3A_1541 = tpu.vector_load %arg18[%get3A_1539, %get3A_1540] {strides = array<i32>} : memref<82x128xi32, #tpu.memory_space<vmem>>, vector<16xi32>,
      %get3A_1542 = arith.index_cast %add3A_1148 : i32 to index
      %get3A_1543 = arith.constant 48 : index
      %get3A_1544 = tpu.vector_load %arg19[%get3A_1542, %get3A_1543] {strides = array<i32>} : memref<82x128xi32, #tpu.memory_space<vmem>>, vector<16xi32>,
      %get3A_1545 = arith.index_cast %add3A_1148 : i32 to index
      %get3A_1546 = arith.constant 48 : index
      %get3A_1547 = tpu.vector_load %arg20[%get3A_1545, %get3A_1546] {strides = array<i32>} : memref<82x128xf32, #tpu.memory_space<vmem>>, vector<16xf32>,
      %get3A_1548 = arith.index_cast %add3A_1148 : i32 to index
      %get3A_1549 = arith.constant 48 : index
      %get3A_1550 = tpu.vector_load %arg21[%get3A_1548, %get3A_1549] {strides = array<i32>} : memref<82x128xf32, #tpu.memory_space<vmem>>, vector<16xf32>,
      %gather3A_1551 = tpu.vector_load_idx %arg26[%get3A_1541] : memref<10240xi32, #tpu.memory_space<vmem>>[vector<16xi32>], vector<16xi32>,
      %gather3A_1552 = tpu.vector_load_idx %arg27[%get3A_1541] : memref<10240xf32, #tpu.memory_space<vmem>>[vector<16xi32>], vector<16xf32>,
      %gather3A_1553 = tpu.vector_load_idx %arg27[%get3A_1544] : memref<10240xf32, #tpu.memory_space<vmem>>[vector<16xi32>], vector<16xf32>,
      %mul3A_1554 = arith.constant 4 : i32
      %mul3A_1555 = vector.broadcast %mul3A_1554 : i32 to vector<16xi32>
      %mul3A_1556 = arith.muli %get3A_1538, %mul3A_1555 : vector<16xi32>
      %mul3A_1557 = arith.constant 4 : i32
      %mul3A_1558 = vector.broadcast %mul3A_1557 : i32 to vector<16xi32>
      %mul3A_1559 = arith.muli %gather3A_1551, %mul3A_1558 : vector<16xi32>
      %gather3A_1560 = tpu.vector_load_idx %arg24[%mul3A_1556] : memref<1024xf32, #tpu.memory_space<vmem>>[vector<16xi32>], vector<16xf32>,
      %gather3A_1561 = tpu.vector_load_idx %arg25[%mul3A_1559] : memref<1024xf32, #tpu.memory_space<vmem>>[vector<16xi32>], vector<16xf32>,
      %add3A_1562 = arith.addf %gather3A_1560, %gather3A_1561 : vector<16xf32>
      %add3A_1563 = arith.constant 1 : i32
      %add3A_1564 = vector.broadcast %add3A_1563 : i32 to vector<16xi32>
      %add3A_1565 = arith.addi %mul3A_1556, %add3A_1564 : vector<16xi32>
      %gather3A_1566 = tpu.vector_load_idx %arg24[%add3A_1565] : memref<1024xf32, #tpu.memory_space<vmem>>[vector<16xi32>], vector<16xf32>,
      %add3A_1567 = arith.constant 1 : i32
      %add3A_1568 = vector.broadcast %add3A_1567 : i32 to vector<16xi32>
      %add3A_1569 = arith.addi %mul3A_1559, %add3A_1568 : vector<16xi32>
      %gather3A_1570 = tpu.vector_load_idx %arg25[%add3A_1569] : memref<1024xf32, #tpu.memory_space<vmem>>[vector<16xi32>], vector<16xf32>,
      %add3A_1571 = arith.addf %gather3A_1566, %gather3A_1570 : vector<16xf32>
      %add3A_1572 = arith.constant 2 : i32
      %add3A_1573 = vector.broadcast %add3A_1572 : i32 to vector<16xi32>
      %add3A_1574 = arith.addi %mul3A_1556, %add3A_1573 : vector<16xi32>
      %gather3A_1575 = tpu.vector_load_idx %arg24[%add3A_1574] : memref<1024xf32, #tpu.memory_space<vmem>>[vector<16xi32>], vector<16xf32>,
      %add3A_1576 = arith.constant 2 : i32
      %add3A_1577 = vector.broadcast %add3A_1576 : i32 to vector<16xi32>
      %add3A_1578 = arith.addi %mul3A_1559, %add3A_1577 : vector<16xi32>
      %gather3A_1579 = tpu.vector_load_idx %arg25[%add3A_1578] : memref<1024xf32, #tpu.memory_space<vmem>>[vector<16xi32>], vector<16xf32>,
      %add3A_1580 = arith.addf %gather3A_1575, %gather3A_1579 : vector<16xf32>
      %add3A_1581 = arith.constant 3 : i32
      %add3A_1582 = vector.broadcast %add3A_1581 : i32 to vector<16xi32>
      %add3A_1583 = arith.addi %mul3A_1556, %add3A_1582 : vector<16xi32>
      %gather3A_1584 = tpu.vector_load_idx %arg24[%add3A_1583] : memref<1024xf32, #tpu.memory_space<vmem>>[vector<16xi32>], vector<16xf32>,
      %add3A_1585 = arith.constant 3 : i32
      %add3A_1586 = vector.broadcast %add3A_1585 : i32 to vector<16xi32>
      %add3A_1587 = arith.addi %mul3A_1559, %add3A_1586 : vector<16xi32>
      %gather3A_1588 = tpu.vector_load_idx %arg25[%add3A_1587] : memref<1024xf32, #tpu.memory_space<vmem>>[vector<16xi32>], vector<16xf32>,
      %add3A_1589 = arith.addf %gather3A_1584, %gather3A_1588 : vector<16xf32>
      %neg3A_1590 = arith.constant 0.000000e+00 : f32
      %neg3A_1591 = vector.broadcast %neg3A_1590 : f32 to vector<16xf32>
      %neg3A_1592 = arith.subf %neg3A_1591, %add3A_1562 : vector<16xf32>
      %exp3A_1593 = math.exp %neg3A_1592 : vector<16xf32>
      %add3A_1594 = arith.constant 1.000000e+00 : f32
      %add3A_1595 = vector.broadcast %add3A_1594 : f32 to vector<16xf32>
      %add3A_1596 = arith.addf %add3A_1595, %exp3A_1593 : vector<16xf32>
      %div3A_1597 = arith.constant 1.000000e+00 : f32
      %div3A_1598 = vector.broadcast %div3A_1597 : f32 to vector<16xf32>
      %div3A_1599 = arith.divf %div3A_1598, %add3A_1596 : vector<16xf32>
      %neg3A_1600 = arith.constant 0.000000e+00 : f32
      %neg3A_1601 = vector.broadcast %neg3A_1600 : f32 to vector<16xf32>
      %neg3A_1602 = arith.subf %neg3A_1601, %add3A_1571 : vector<16xf32>
      %exp3A_1603 = math.exp %neg3A_1602 : vector<16xf32>
      %add3A_1604 = arith.constant 1.000000e+00 : f32
      %add3A_1605 = vector.broadcast %add3A_1604 : f32 to vector<16xf32>
      %add3A_1606 = arith.addf %add3A_1605, %exp3A_1603 : vector<16xf32>
      %div3A_1607 = arith.constant 1.000000e+00 : f32
      %div3A_1608 = vector.broadcast %div3A_1607 : f32 to vector<16xf32>
      %div3A_1609 = arith.divf %div3A_1608, %add3A_1606 : vector<16xf32>
      %neg3A_1610 = arith.constant 0.000000e+00 : f32
      %neg3A_1611 = vector.broadcast %neg3A_1610 : f32 to vector<16xf32>
      %neg3A_1612 = arith.subf %neg3A_1611, %add3A_1580 : vector<16xf32>
      %exp3A_1613 = math.exp %neg3A_1612 : vector<16xf32>
      %add3A_1614 = arith.constant 1.000000e+00 : f32
      %add3A_1615 = vector.broadcast %add3A_1614 : f32 to vector<16xf32>
      %add3A_1616 = arith.addf %add3A_1615, %exp3A_1613 : vector<16xf32>
      %div3A_1617 = arith.constant 1.000000e+00 : f32
      %div3A_1618 = vector.broadcast %div3A_1617 : f32 to vector<16xf32>
      %div3A_1619 = arith.divf %div3A_1618, %add3A_1616 : vector<16xf32>
      %neg3A_1620 = arith.constant 0.000000e+00 : f32
      %neg3A_1621 = vector.broadcast %neg3A_1620 : f32 to vector<16xf32>
      %neg3A_1622 = arith.subf %neg3A_1621, %add3A_1589 : vector<16xf32>
      %exp3A_1623 = math.exp %neg3A_1622 : vector<16xf32>
      %add3A_1624 = arith.constant 1.000000e+00 : f32
      %add3A_1625 = vector.broadcast %add3A_1624 : f32 to vector<16xf32>
      %add3A_1626 = arith.addf %add3A_1625, %exp3A_1623 : vector<16xf32>
      %div3A_1627 = arith.constant 1.000000e+00 : f32
      %div3A_1628 = vector.broadcast %div3A_1627 : f32 to vector<16xf32>
      %div3A_1629 = arith.divf %div3A_1628, %add3A_1626 : vector<16xf32>
      %sub3A_1630 = arith.subf %get3A_1547, %gather3A_1553 : vector<16xf32>
      %add3A_1631 = arith.addf %sub3A_1630, %gather3A_1552 : vector<16xf32>
      %mul3A_1632 = arith.mulf %div3A_1609, %sub3A_1630 : vector<16xf32>
      %mul3A_1633 = arith.mulf %div3A_1619, %add3A_1631 : vector<16xf32>
      %add3A_1634 = arith.addf %mul3A_1632, %mul3A_1633 : vector<16xf32>
      %mul3A_1635 = arith.mulf %div3A_1629, %get3A_1547 : vector<16xf32>
      %add3A_1636 = arith.addf %div3A_1599, %mul3A_1635 : vector<16xf32>
      %swap3A_1637 = arith.index_cast %add3A_1148 : i32 to index
      %swap3A_1638 = arith.constant 48 : index
      %swap3A_1639 = tpu.vector_load %arg22[%swap3A_1637, %swap3A_1638] {strides = array<i32>} : memref<82x128xf32, #tpu.memory_space<vmem>>, vector<16xf32>,
      tpu.vector_store %arg22[%swap3A_1637, %swap3A_1638], %add3A_1636 {strides = array<i32>} : memref<82x128xf32, #tpu.memory_space<vmem>>, vector<16xf32>,
      %swap3A_1640 = arith.index_cast %add3A_1148 : i32 to index
      %swap3A_1641 = arith.constant 48 : index
      %swap3A_1642 = tpu.vector_load %arg23[%swap3A_1640, %swap3A_1641] {strides = array<i32>} : memref<82x128xf32, #tpu.memory_space<vmem>>, vector<16xf32>,
      tpu.vector_store %arg23[%swap3A_1640, %swap3A_1641], %add3A_1634 {strides = array<i32>} : memref<82x128xf32, #tpu.memory_space<vmem>>, vector<16xf32>,
      %mul3A_1643 = arith.constant 10496 : i32
      %mul3A_1644 = arith.muli %add3A, %mul3A_1643 : i32
      %mul3A_1645 = arith.constant 128 : i32
      %mul3A_1646 = arith.muli %add3A_1148, %mul3A_1645 : i32
      %add3A_1647 = arith.addi %mul3A_1644, %mul3A_1646 : i32
      %add3A_1648 = arith.constant 48 : i32
      %add3A_1649 = arith.addi %add3A_1647, %add3A_1648 : i32
      %add3A_1650 = vector.broadcast %add3A_1649 : i32 to vector<16xi32>
      %add3A_1651 = arith.addi %add3A_1650, %iota3A : vector<16xi32>
      %sub3A_1652 = arith.subf %get3A_1550, %add3A_1636 : vector<16xf32>
      %lt3A_1653 = arith.constant 320000 : i32
      %lt3A_1654 = vector.broadcast %lt3A_1653 : i32 to vector<16xi32>
      %lt3A_1655 = arith.cmpi slt, %add3A_1651, %lt3A_1654 : vector<16xi32>
      %mul3A_1656 = arith.mulf %sub3A_1652, %sub3A_1652 : vector<16xf32>
      %jit3A_1657 = arith.constant 0.000000e+00 : f32
      %broadcast_in_dim3A_1658 = vector.broadcast %jit3A_1657 : f32 to vector<16xf32>
      %select_n3A_1659 = arith.select %lt3A_1655, %mul3A_1656, %broadcast_in_dim3A_1658 : vector<16xi1>, vector<16xf32>
      %add3A_1660 = arith.addf %add3A_1535, %select_n3A_1659 : vector<16xf32>
      %get3A_1661 = arith.index_cast %add3A_1148 : i32 to index
      %get3A_1662 = arith.constant 64 : index
      %get3A_1663 = tpu.vector_load %arg17[%get3A_1661, %get3A_1662] {strides = array<i32>} : memref<82x128xi32, #tpu.memory_space<vmem>>, vector<16xi32>,
      %get3A_1664 = arith.index_cast %add3A_1148 : i32 to index
      %get3A_1665 = arith.constant 64 : index
      %get3A_1666 = tpu.vector_load %arg18[%get3A_1664, %get3A_1665] {strides = array<i32>} : memref<82x128xi32, #tpu.memory_space<vmem>>, vector<16xi32>,
      %get3A_1667 = arith.index_cast %add3A_1148 : i32 to index
      %get3A_1668 = arith.constant 64 : index
      %get3A_1669 = tpu.vector_load %arg19[%get3A_1667, %get3A_1668] {strides = array<i32>} : memref<82x128xi32, #tpu.memory_space<vmem>>, vector<16xi32>,
      %get3A_1670 = arith.index_cast %add3A_1148 : i32 to index
      %get3A_1671 = arith.constant 64 : index
      %get3A_1672 = tpu.vector_load %arg20[%get3A_1670, %get3A_1671] {strides = array<i32>} : memref<82x128xf32, #tpu.memory_space<vmem>>, vector<16xf32>,
      %get3A_1673 = arith.index_cast %add3A_1148 : i32 to index
      %get3A_1674 = arith.constant 64 : index
      %get3A_1675 = tpu.vector_load %arg21[%get3A_1673, %get3A_1674] {strides = array<i32>} : memref<82x128xf32, #tpu.memory_space<vmem>>, vector<16xf32>,
      %gather3A_1676 = tpu.vector_load_idx %arg26[%get3A_1666] : memref<10240xi32, #tpu.memory_space<vmem>>[vector<16xi32>], vector<16xi32>,
      %gather3A_1677 = tpu.vector_load_idx %arg27[%get3A_1666] : memref<10240xf32, #tpu.memory_space<vmem>>[vector<16xi32>], vector<16xf32>,
      %gather3A_1678 = tpu.vector_load_idx %arg27[%get3A_1669] : memref<10240xf32, #tpu.memory_space<vmem>>[vector<16xi32>], vector<16xf32>,
      %mul3A_1679 = arith.constant 4 : i32
      %mul3A_1680 = vector.broadcast %mul3A_1679 : i32 to vector<16xi32>
      %mul3A_1681 = arith.muli %get3A_1663, %mul3A_1680 : vector<16xi32>
      %mul3A_1682 = arith.constant 4 : i32
      %mul3A_1683 = vector.broadcast %mul3A_1682 : i32 to vector<16xi32>
      %mul3A_1684 = arith.muli %gather3A_1676, %mul3A_1683 : vector<16xi32>
      %gather3A_1685 = tpu.vector_load_idx %arg24[%mul3A_1681] : memref<1024xf32, #tpu.memory_space<vmem>>[vector<16xi32>], vector<16xf32>,
      %gather3A_1686 = tpu.vector_load_idx %arg25[%mul3A_1684] : memref<1024xf32, #tpu.memory_space<vmem>>[vector<16xi32>], vector<16xf32>,
      %add3A_1687 = arith.addf %gather3A_1685, %gather3A_1686 : vector<16xf32>
      %add3A_1688 = arith.constant 1 : i32
      %add3A_1689 = vector.broadcast %add3A_1688 : i32 to vector<16xi32>
      %add3A_1690 = arith.addi %mul3A_1681, %add3A_1689 : vector<16xi32>
      %gather3A_1691 = tpu.vector_load_idx %arg24[%add3A_1690] : memref<1024xf32, #tpu.memory_space<vmem>>[vector<16xi32>], vector<16xf32>,
      %add3A_1692 = arith.constant 1 : i32
      %add3A_1693 = vector.broadcast %add3A_1692 : i32 to vector<16xi32>
      %add3A_1694 = arith.addi %mul3A_1684, %add3A_1693 : vector<16xi32>
      %gather3A_1695 = tpu.vector_load_idx %arg25[%add3A_1694] : memref<1024xf32, #tpu.memory_space<vmem>>[vector<16xi32>], vector<16xf32>,
      %add3A_1696 = arith.addf %gather3A_1691, %gather3A_1695 : vector<16xf32>
      %add3A_1697 = arith.constant 2 : i32
      %add3A_1698 = vector.broadcast %add3A_1697 : i32 to vector<16xi32>
      %add3A_1699 = arith.addi %mul3A_1681, %add3A_1698 : vector<16xi32>
      %gather3A_1700 = tpu.vector_load_idx %arg24[%add3A_1699] : memref<1024xf32, #tpu.memory_space<vmem>>[vector<16xi32>], vector<16xf32>,
      %add3A_1701 = arith.constant 2 : i32
      %add3A_1702 = vector.broadcast %add3A_1701 : i32 to vector<16xi32>
      %add3A_1703 = arith.addi %mul3A_1684, %add3A_1702 : vector<16xi32>
      %gather3A_1704 = tpu.vector_load_idx %arg25[%add3A_1703] : memref<1024xf32, #tpu.memory_space<vmem>>[vector<16xi32>], vector<16xf32>,
      %add3A_1705 = arith.addf %gather3A_1700, %gather3A_1704 : vector<16xf32>
      %add3A_1706 = arith.constant 3 : i32
      %add3A_1707 = vector.broadcast %add3A_1706 : i32 to vector<16xi32>
      %add3A_1708 = arith.addi %mul3A_1681, %add3A_1707 : vector<16xi32>
      %gather3A_1709 = tpu.vector_load_idx %arg24[%add3A_1708] : memref<1024xf32, #tpu.memory_space<vmem>>[vector<16xi32>], vector<16xf32>,
      %add3A_1710 = arith.constant 3 : i32
      %add3A_1711 = vector.broadcast %add3A_1710 : i32 to vector<16xi32>
      %add3A_1712 = arith.addi %mul3A_1684, %add3A_1711 : vector<16xi32>
      %gather3A_1713 = tpu.vector_load_idx %arg25[%add3A_1712] : memref<1024xf32, #tpu.memory_space<vmem>>[vector<16xi32>], vector<16xf32>,
      %add3A_1714 = arith.addf %gather3A_1709, %gather3A_1713 : vector<16xf32>
      %neg3A_1715 = arith.constant 0.000000e+00 : f32
      %neg3A_1716 = vector.broadcast %neg3A_1715 : f32 to vector<16xf32>
      %neg3A_1717 = arith.subf %neg3A_1716, %add3A_1687 : vector<16xf32>
      %exp3A_1718 = math.exp %neg3A_1717 : vector<16xf32>
      %add3A_1719 = arith.constant 1.000000e+00 : f32
      %add3A_1720 = vector.broadcast %add3A_1719 : f32 to vector<16xf32>
      %add3A_1721 = arith.addf %add3A_1720, %exp3A_1718 : vector<16xf32>
      %div3A_1722 = arith.constant 1.000000e+00 : f32
      %div3A_1723 = vector.broadcast %div3A_1722 : f32 to vector<16xf32>
      %div3A_1724 = arith.divf %div3A_1723, %add3A_1721 : vector<16xf32>
      %neg3A_1725 = arith.constant 0.000000e+00 : f32
      %neg3A_1726 = vector.broadcast %neg3A_1725 : f32 to vector<16xf32>
      %neg3A_1727 = arith.subf %neg3A_1726, %add3A_1696 : vector<16xf32>
      %exp3A_1728 = math.exp %neg3A_1727 : vector<16xf32>
      %add3A_1729 = arith.constant 1.000000e+00 : f32
      %add3A_1730 = vector.broadcast %add3A_1729 : f32 to vector<16xf32>
      %add3A_1731 = arith.addf %add3A_1730, %exp3A_1728 : vector<16xf32>
      %div3A_1732 = arith.constant 1.000000e+00 : f32
      %div3A_1733 = vector.broadcast %div3A_1732 : f32 to vector<16xf32>
      %div3A_1734 = arith.divf %div3A_1733, %add3A_1731 : vector<16xf32>
      %neg3A_1735 = arith.constant 0.000000e+00 : f32
      %neg3A_1736 = vector.broadcast %neg3A_1735 : f32 to vector<16xf32>
      %neg3A_1737 = arith.subf %neg3A_1736, %add3A_1705 : vector<16xf32>
      %exp3A_1738 = math.exp %neg3A_1737 : vector<16xf32>
      %add3A_1739 = arith.constant 1.000000e+00 : f32
      %add3A_1740 = vector.broadcast %add3A_1739 : f32 to vector<16xf32>
      %add3A_1741 = arith.addf %add3A_1740, %exp3A_1738 : vector<16xf32>
      %div3A_1742 = arith.constant 1.000000e+00 : f32
      %div3A_1743 = vector.broadcast %div3A_1742 : f32 to vector<16xf32>
      %div3A_1744 = arith.divf %div3A_1743, %add3A_1741 : vector<16xf32>
      %neg3A_1745 = arith.constant 0.000000e+00 : f32
      %neg3A_1746 = vector.broadcast %neg3A_1745 : f32 to vector<16xf32>
      %neg3A_1747 = arith.subf %neg3A_1746, %add3A_1714 : vector<16xf32>
      %exp3A_1748 = math.exp %neg3A_1747 : vector<16xf32>
      %add3A_1749 = arith.constant 1.000000e+00 : f32
      %add3A_1750 = vector.broadcast %add3A_1749 : f32 to vector<16xf32>
      %add3A_1751 = arith.addf %add3A_1750, %exp3A_1748 : vector<16xf32>
      %div3A_1752 = arith.constant 1.000000e+00 : f32
      %div3A_1753 = vector.broadcast %div3A_1752 : f32 to vector<16xf32>
      %div3A_1754 = arith.divf %div3A_1753, %add3A_1751 : vector<16xf32>
      %sub3A_1755 = arith.subf %get3A_1672, %gather3A_1678 : vector<16xf32>
      %add3A_1756 = arith.addf %sub3A_1755, %gather3A_1677 : vector<16xf32>
      %mul3A_1757 = arith.mulf %div3A_1734, %sub3A_1755 : vector<16xf32>
      %mul3A_1758 = arith.mulf %div3A_1744, %add3A_1756 : vector<16xf32>
      %add3A_1759 = arith.addf %mul3A_1757, %mul3A_1758 : vector<16xf32>
      %mul3A_1760 = arith.mulf %div3A_1754, %get3A_1672 : vector<16xf32>
      %add3A_1761 = arith.addf %div3A_1724, %mul3A_1760 : vector<16xf32>
      %swap3A_1762 = arith.index_cast %add3A_1148 : i32 to index
      %swap3A_1763 = arith.constant 64 : index
      %swap3A_1764 = tpu.vector_load %arg22[%swap3A_1762, %swap3A_1763] {strides = array<i32>} : memref<82x128xf32, #tpu.memory_space<vmem>>, vector<16xf32>,
      tpu.vector_store %arg22[%swap3A_1762, %swap3A_1763], %add3A_1761 {strides = array<i32>} : memref<82x128xf32, #tpu.memory_space<vmem>>, vector<16xf32>,
      %swap3A_1765 = arith.index_cast %add3A_1148 : i32 to index
      %swap3A_1766 = arith.constant 64 : index
      %swap3A_1767 = tpu.vector_load %arg23[%swap3A_1765, %swap3A_1766] {strides = array<i32>} : memref<82x128xf32, #tpu.memory_space<vmem>>, vector<16xf32>,
      tpu.vector_store %arg23[%swap3A_1765, %swap3A_1766], %add3A_1759 {strides = array<i32>} : memref<82x128xf32, #tpu.memory_space<vmem>>, vector<16xf32>,
      %mul3A_1768 = arith.constant 10496 : i32
      %mul3A_1769 = arith.muli %add3A, %mul3A_1768 : i32
      %mul3A_1770 = arith.constant 128 : i32
      %mul3A_1771 = arith.muli %add3A_1148, %mul3A_1770 : i32
      %add3A_1772 = arith.addi %mul3A_1769, %mul3A_1771 : i32
      %add3A_1773 = arith.constant 64 : i32
      %add3A_1774 = arith.addi %add3A_1772, %add3A_1773 : i32
      %add3A_1775 = vector.broadcast %add3A_1774 : i32 to vector<16xi32>
      %add3A_1776 = arith.addi %add3A_1775, %iota3A : vector<16xi32>
      %sub3A_1777 = arith.subf %get3A_1675, %add3A_1761 : vector<16xf32>
      %lt3A_1778 = arith.constant 320000 : i32
      %lt3A_1779 = vector.broadcast %lt3A_1778 : i32 to vector<16xi32>
      %lt3A_1780 = arith.cmpi slt, %add3A_1776, %lt3A_1779 : vector<16xi32>
      %mul3A_1781 = arith.mulf %sub3A_1777, %sub3A_1777 : vector<16xf32>
      %jit3A_1782 = arith.constant 0.000000e+00 : f32
      %broadcast_in_dim3A_1783 = vector.broadcast %jit3A_1782 : f32 to vector<16xf32>
      %select_n3A_1784 = arith.select %lt3A_1780, %mul3A_1781, %broadcast_in_dim3A_1783 : vector<16xi1>, vector<16xf32>
      %add3A_1785 = arith.addf %add3A_1660, %select_n3A_1784 : vector<16xf32>
      %get3A_1786 = arith.index_cast %add3A_1148 : i32 to index
      %get3A_1787 = arith.constant 80 : index
      %get3A_1788 = tpu.vector_load %arg17[%get3A_1786, %get3A_1787] {strides = array<i32>} : memref<82x128xi32, #tpu.memory_space<vmem>>, vector<16xi32>,
      %get3A_1789 = arith.index_cast %add3A_1148 : i32 to index
      %get3A_1790 = arith.constant 80 : index
      %get3A_1791 = tpu.vector_load %arg18[%get3A_1789, %get3A_1790] {strides = array<i32>} : memref<82x128xi32, #tpu.memory_space<vmem>>, vector<16xi32>,
      %get3A_1792 = arith.index_cast %add3A_1148 : i32 to index
      %get3A_1793 = arith.constant 80 : index
      %get3A_1794 = tpu.vector_load %arg19[%get3A_1792, %get3A_1793] {strides = array<i32>} : memref<82x128xi32, #tpu.memory_space<vmem>>, vector<16xi32>,
      %get3A_1795 = arith.index_cast %add3A_1148 : i32 to index
      %get3A_1796 = arith.constant 80 : index
      %get3A_1797 = tpu.vector_load %arg20[%get3A_1795, %get3A_1796] {strides = array<i32>} : memref<82x128xf32, #tpu.memory_space<vmem>>, vector<16xf32>,
      %get3A_1798 = arith.index_cast %add3A_1148 : i32 to index
      %get3A_1799 = arith.constant 80 : index
      %get3A_1800 = tpu.vector_load %arg21[%get3A_1798, %get3A_1799] {strides = array<i32>} : memref<82x128xf32, #tpu.memory_space<vmem>>, vector<16xf32>,
      %gather3A_1801 = tpu.vector_load_idx %arg26[%get3A_1791] : memref<10240xi32, #tpu.memory_space<vmem>>[vector<16xi32>], vector<16xi32>,
      %gather3A_1802 = tpu.vector_load_idx %arg27[%get3A_1791] : memref<10240xf32, #tpu.memory_space<vmem>>[vector<16xi32>], vector<16xf32>,
      %gather3A_1803 = tpu.vector_load_idx %arg27[%get3A_1794] : memref<10240xf32, #tpu.memory_space<vmem>>[vector<16xi32>], vector<16xf32>,
      %mul3A_1804 = arith.constant 4 : i32
      %mul3A_1805 = vector.broadcast %mul3A_1804 : i32 to vector<16xi32>
      %mul3A_1806 = arith.muli %get3A_1788, %mul3A_1805 : vector<16xi32>
      %mul3A_1807 = arith.constant 4 : i32
      %mul3A_1808 = vector.broadcast %mul3A_1807 : i32 to vector<16xi32>
      %mul3A_1809 = arith.muli %gather3A_1801, %mul3A_1808 : vector<16xi32>
      %gather3A_1810 = tpu.vector_load_idx %arg24[%mul3A_1806] : memref<1024xf32, #tpu.memory_space<vmem>>[vector<16xi32>], vector<16xf32>,
      %gather3A_1811 = tpu.vector_load_idx %arg25[%mul3A_1809] : memref<1024xf32, #tpu.memory_space<vmem>>[vector<16xi32>], vector<16xf32>,
      %add3A_1812 = arith.addf %gather3A_1810, %gather3A_1811 : vector<16xf32>
      %add3A_1813 = arith.constant 1 : i32
      %add3A_1814 = vector.broadcast %add3A_1813 : i32 to vector<16xi32>
      %add3A_1815 = arith.addi %mul3A_1806, %add3A_1814 : vector<16xi32>
      %gather3A_1816 = tpu.vector_load_idx %arg24[%add3A_1815] : memref<1024xf32, #tpu.memory_space<vmem>>[vector<16xi32>], vector<16xf32>,
      %add3A_1817 = arith.constant 1 : i32
      %add3A_1818 = vector.broadcast %add3A_1817 : i32 to vector<16xi32>
      %add3A_1819 = arith.addi %mul3A_1809, %add3A_1818 : vector<16xi32>
      %gather3A_1820 = tpu.vector_load_idx %arg25[%add3A_1819] : memref<1024xf32, #tpu.memory_space<vmem>>[vector<16xi32>], vector<16xf32>,
      %add3A_1821 = arith.addf %gather3A_1816, %gather3A_1820 : vector<16xf32>
      %add3A_1822 = arith.constant 2 : i32
      %add3A_1823 = vector.broadcast %add3A_1822 : i32 to vector<16xi32>
      %add3A_1824 = arith.addi %mul3A_1806, %add3A_1823 : vector<16xi32>
      %gather3A_1825 = tpu.vector_load_idx %arg24[%add3A_1824] : memref<1024xf32, #tpu.memory_space<vmem>>[vector<16xi32>], vector<16xf32>,
      %add3A_1826 = arith.constant 2 : i32
      %add3A_1827 = vector.broadcast %add3A_1826 : i32 to vector<16xi32>
      %add3A_1828 = arith.addi %mul3A_1809, %add3A_1827 : vector<16xi32>
      %gather3A_1829 = tpu.vector_load_idx %arg25[%add3A_1828] : memref<1024xf32, #tpu.memory_space<vmem>>[vector<16xi32>], vector<16xf32>,
      %add3A_1830 = arith.addf %gather3A_1825, %gather3A_1829 : vector<16xf32>
      %add3A_1831 = arith.constant 3 : i32
      %add3A_1832 = vector.broadcast %add3A_1831 : i32 to vector<16xi32>
      %add3A_1833 = arith.addi %mul3A_1806, %add3A_1832 : vector<16xi32>
      %gather3A_1834 = tpu.vector_load_idx %arg24[%add3A_1833] : memref<1024xf32, #tpu.memory_space<vmem>>[vector<16xi32>], vector<16xf32>,
      %add3A_1835 = arith.constant 3 : i32
      %add3A_1836 = vector.broadcast %add3A_1835 : i32 to vector<16xi32>
      %add3A_1837 = arith.addi %mul3A_1809, %add3A_1836 : vector<16xi32>
      %gather3A_1838 = tpu.vector_load_idx %arg25[%add3A_1837] : memref<1024xf32, #tpu.memory_space<vmem>>[vector<16xi32>], vector<16xf32>,
      %add3A_1839 = arith.addf %gather3A_1834, %gather3A_1838 : vector<16xf32>
      %neg3A_1840 = arith.constant 0.000000e+00 : f32
      %neg3A_1841 = vector.broadcast %neg3A_1840 : f32 to vector<16xf32>
      %neg3A_1842 = arith.subf %neg3A_1841, %add3A_1812 : vector<16xf32>
      %exp3A_1843 = math.exp %neg3A_1842 : vector<16xf32>
      %add3A_1844 = arith.constant 1.000000e+00 : f32
      %add3A_1845 = vector.broadcast %add3A_1844 : f32 to vector<16xf32>
      %add3A_1846 = arith.addf %add3A_1845, %exp3A_1843 : vector<16xf32>
      %div3A_1847 = arith.constant 1.000000e+00 : f32
      %div3A_1848 = vector.broadcast %div3A_1847 : f32 to vector<16xf32>
      %div3A_1849 = arith.divf %div3A_1848, %add3A_1846 : vector<16xf32>
      %neg3A_1850 = arith.constant 0.000000e+00 : f32
      %neg3A_1851 = vector.broadcast %neg3A_1850 : f32 to vector<16xf32>
      %neg3A_1852 = arith.subf %neg3A_1851, %add3A_1821 : vector<16xf32>
      %exp3A_1853 = math.exp %neg3A_1852 : vector<16xf32>
      %add3A_1854 = arith.constant 1.000000e+00 : f32
      %add3A_1855 = vector.broadcast %add3A_1854 : f32 to vector<16xf32>
      %add3A_1856 = arith.addf %add3A_1855, %exp3A_1853 : vector<16xf32>
      %div3A_1857 = arith.constant 1.000000e+00 : f32
      %div3A_1858 = vector.broadcast %div3A_1857 : f32 to vector<16xf32>
      %div3A_1859 = arith.divf %div3A_1858, %add3A_1856 : vector<16xf32>
      %neg3A_1860 = arith.constant 0.000000e+00 : f32
      %neg3A_1861 = vector.broadcast %neg3A_1860 : f32 to vector<16xf32>
      %neg3A_1862 = arith.subf %neg3A_1861, %add3A_1830 : vector<16xf32>
      %exp3A_1863 = math.exp %neg3A_1862 : vector<16xf32>
      %add3A_1864 = arith.constant 1.000000e+00 : f32
      %add3A_1865 = vector.broadcast %add3A_1864 : f32 to vector<16xf32>
      %add3A_1866 = arith.addf %add3A_1865, %exp3A_1863 : vector<16xf32>
      %div3A_1867 = arith.constant 1.000000e+00 : f32
      %div3A_1868 = vector.broadcast %div3A_1867 : f32 to vector<16xf32>
      %div3A_1869 = arith.divf %div3A_1868, %add3A_1866 : vector<16xf32>
      %neg3A_1870 = arith.constant 0.000000e+00 : f32
      %neg3A_1871 = vector.broadcast %neg3A_1870 : f32 to vector<16xf32>
      %neg3A_1872 = arith.subf %neg3A_1871, %add3A_1839 : vector<16xf32>
      %exp3A_1873 = math.exp %neg3A_1872 : vector<16xf32>
      %add3A_1874 = arith.constant 1.000000e+00 : f32
      %add3A_1875 = vector.broadcast %add3A_1874 : f32 to vector<16xf32>
      %add3A_1876 = arith.addf %add3A_1875, %exp3A_1873 : vector<16xf32>
      %div3A_1877 = arith.constant 1.000000e+00 : f32
      %div3A_1878 = vector.broadcast %div3A_1877 : f32 to vector<16xf32>
      %div3A_1879 = arith.divf %div3A_1878, %add3A_1876 : vector<16xf32>
      %sub3A_1880 = arith.subf %get3A_1797, %gather3A_1803 : vector<16xf32>
      %add3A_1881 = arith.addf %sub3A_1880, %gather3A_1802 : vector<16xf32>
      %mul3A_1882 = arith.mulf %div3A_1859, %sub3A_1880 : vector<16xf32>
      %mul3A_1883 = arith.mulf %div3A_1869, %add3A_1881 : vector<16xf32>
      %add3A_1884 = arith.addf %mul3A_1882, %mul3A_1883 : vector<16xf32>
      %mul3A_1885 = arith.mulf %div3A_1879, %get3A_1797 : vector<16xf32>
      %add3A_1886 = arith.addf %div3A_1849, %mul3A_1885 : vector<16xf32>
      %swap3A_1887 = arith.index_cast %add3A_1148 : i32 to index
      %swap3A_1888 = arith.constant 80 : index
      %swap3A_1889 = tpu.vector_load %arg22[%swap3A_1887, %swap3A_1888] {strides = array<i32>} : memref<82x128xf32, #tpu.memory_space<vmem>>, vector<16xf32>,
      tpu.vector_store %arg22[%swap3A_1887, %swap3A_1888], %add3A_1886 {strides = array<i32>} : memref<82x128xf32, #tpu.memory_space<vmem>>, vector<16xf32>,
      %swap3A_1890 = arith.index_cast %add3A_1148 : i32 to index
      %swap3A_1891 = arith.constant 80 : index
      %swap3A_1892 = tpu.vector_load %arg23[%swap3A_1890, %swap3A_1891] {strides = array<i32>} : memref<82x128xf32, #tpu.memory_space<vmem>>, vector<16xf32>,
      tpu.vector_store %arg23[%swap3A_1890, %swap3A_1891], %add3A_1884 {strides = array<i32>} : memref<82x128xf32, #tpu.memory_space<vmem>>, vector<16xf32>,
      %mul3A_1893 = arith.constant 10496 : i32
      %mul3A_1894 = arith.muli %add3A, %mul3A_1893 : i32
      %mul3A_1895 = arith.constant 128 : i32
      %mul3A_1896 = arith.muli %add3A_1148, %mul3A_1895 : i32
      %add3A_1897 = arith.addi %mul3A_1894, %mul3A_1896 : i32
      %add3A_1898 = arith.constant 80 : i32
      %add3A_1899 = arith.addi %add3A_1897, %add3A_1898 : i32
      %add3A_1900 = vector.broadcast %add3A_1899 : i32 to vector<16xi32>
      %add3A_1901 = arith.addi %add3A_1900, %iota3A : vector<16xi32>
      %sub3A_1902 = arith.subf %get3A_1800, %add3A_1886 : vector<16xf32>
      %lt3A_1903 = arith.constant 320000 : i32
      %lt3A_1904 = vector.broadcast %lt3A_1903 : i32 to vector<16xi32>
      %lt3A_1905 = arith.cmpi slt, %add3A_1901, %lt3A_1904 : vector<16xi32>
      %mul3A_1906 = arith.mulf %sub3A_1902, %sub3A_1902 : vector<16xf32>
      %jit3A_1907 = arith.constant 0.000000e+00 : f32
      %broadcast_in_dim3A_1908 = vector.broadcast %jit3A_1907 : f32 to vector<16xf32>
      %select_n3A_1909 = arith.select %lt3A_1905, %mul3A_1906, %broadcast_in_dim3A_1908 : vector<16xi1>, vector<16xf32>
      %add3A_1910 = arith.addf %add3A_1785, %select_n3A_1909 : vector<16xf32>
      %get3A_1911 = arith.index_cast %add3A_1148 : i32 to index
      %get3A_1912 = arith.constant 96 : index
      %get3A_1913 = tpu.vector_load %arg17[%get3A_1911, %get3A_1912] {strides = array<i32>} : memref<82x128xi32, #tpu.memory_space<vmem>>, vector<16xi32>,
      %get3A_1914 = arith.index_cast %add3A_1148 : i32 to index
      %get3A_1915 = arith.constant 96 : index
      %get3A_1916 = tpu.vector_load %arg18[%get3A_1914, %get3A_1915] {strides = array<i32>} : memref<82x128xi32, #tpu.memory_space<vmem>>, vector<16xi32>,
      %get3A_1917 = arith.index_cast %add3A_1148 : i32 to index
      %get3A_1918 = arith.constant 96 : index
      %get3A_1919 = tpu.vector_load %arg19[%get3A_1917, %get3A_1918] {strides = array<i32>} : memref<82x128xi32, #tpu.memory_space<vmem>>, vector<16xi32>,
      %get3A_1920 = arith.index_cast %add3A_1148 : i32 to index
      %get3A_1921 = arith.constant 96 : index
      %get3A_1922 = tpu.vector_load %arg20[%get3A_1920, %get3A_1921] {strides = array<i32>} : memref<82x128xf32, #tpu.memory_space<vmem>>, vector<16xf32>,
      %get3A_1923 = arith.index_cast %add3A_1148 : i32 to index
      %get3A_1924 = arith.constant 96 : index
      %get3A_1925 = tpu.vector_load %arg21[%get3A_1923, %get3A_1924] {strides = array<i32>} : memref<82x128xf32, #tpu.memory_space<vmem>>, vector<16xf32>,
      %gather3A_1926 = tpu.vector_load_idx %arg26[%get3A_1916] : memref<10240xi32, #tpu.memory_space<vmem>>[vector<16xi32>], vector<16xi32>,
      %gather3A_1927 = tpu.vector_load_idx %arg27[%get3A_1916] : memref<10240xf32, #tpu.memory_space<vmem>>[vector<16xi32>], vector<16xf32>,
      %gather3A_1928 = tpu.vector_load_idx %arg27[%get3A_1919] : memref<10240xf32, #tpu.memory_space<vmem>>[vector<16xi32>], vector<16xf32>,
      %mul3A_1929 = arith.constant 4 : i32
      %mul3A_1930 = vector.broadcast %mul3A_1929 : i32 to vector<16xi32>
      %mul3A_1931 = arith.muli %get3A_1913, %mul3A_1930 : vector<16xi32>
      %mul3A_1932 = arith.constant 4 : i32
      %mul3A_1933 = vector.broadcast %mul3A_1932 : i32 to vector<16xi32>
      %mul3A_1934 = arith.muli %gather3A_1926, %mul3A_1933 : vector<16xi32>
      %gather3A_1935 = tpu.vector_load_idx %arg24[%mul3A_1931] : memref<1024xf32, #tpu.memory_space<vmem>>[vector<16xi32>], vector<16xf32>,
      %gather3A_1936 = tpu.vector_load_idx %arg25[%mul3A_1934] : memref<1024xf32, #tpu.memory_space<vmem>>[vector<16xi32>], vector<16xf32>,
      %add3A_1937 = arith.addf %gather3A_1935, %gather3A_1936 : vector<16xf32>
      %add3A_1938 = arith.constant 1 : i32
      %add3A_1939 = vector.broadcast %add3A_1938 : i32 to vector<16xi32>
      %add3A_1940 = arith.addi %mul3A_1931, %add3A_1939 : vector<16xi32>
      %gather3A_1941 = tpu.vector_load_idx %arg24[%add3A_1940] : memref<1024xf32, #tpu.memory_space<vmem>>[vector<16xi32>], vector<16xf32>,
      %add3A_1942 = arith.constant 1 : i32
      %add3A_1943 = vector.broadcast %add3A_1942 : i32 to vector<16xi32>
      %add3A_1944 = arith.addi %mul3A_1934, %add3A_1943 : vector<16xi32>
      %gather3A_1945 = tpu.vector_load_idx %arg25[%add3A_1944] : memref<1024xf32, #tpu.memory_space<vmem>>[vector<16xi32>], vector<16xf32>,
      %add3A_1946 = arith.addf %gather3A_1941, %gather3A_1945 : vector<16xf32>
      %add3A_1947 = arith.constant 2 : i32
      %add3A_1948 = vector.broadcast %add3A_1947 : i32 to vector<16xi32>
      %add3A_1949 = arith.addi %mul3A_1931, %add3A_1948 : vector<16xi32>
      %gather3A_1950 = tpu.vector_load_idx %arg24[%add3A_1949] : memref<1024xf32, #tpu.memory_space<vmem>>[vector<16xi32>], vector<16xf32>,
      %add3A_1951 = arith.constant 2 : i32
      %add3A_1952 = vector.broadcast %add3A_1951 : i32 to vector<16xi32>
      %add3A_1953 = arith.addi %mul3A_1934, %add3A_1952 : vector<16xi32>
      %gather3A_1954 = tpu.vector_load_idx %arg25[%add3A_1953] : memref<1024xf32, #tpu.memory_space<vmem>>[vector<16xi32>], vector<16xf32>,
      %add3A_1955 = arith.addf %gather3A_1950, %gather3A_1954 : vector<16xf32>
      %add3A_1956 = arith.constant 3 : i32
      %add3A_1957 = vector.broadcast %add3A_1956 : i32 to vector<16xi32>
      %add3A_1958 = arith.addi %mul3A_1931, %add3A_1957 : vector<16xi32>
      %gather3A_1959 = tpu.vector_load_idx %arg24[%add3A_1958] : memref<1024xf32, #tpu.memory_space<vmem>>[vector<16xi32>], vector<16xf32>,
      %add3A_1960 = arith.constant 3 : i32
      %add3A_1961 = vector.broadcast %add3A_1960 : i32 to vector<16xi32>
      %add3A_1962 = arith.addi %mul3A_1934, %add3A_1961 : vector<16xi32>
      %gather3A_1963 = tpu.vector_load_idx %arg25[%add3A_1962] : memref<1024xf32, #tpu.memory_space<vmem>>[vector<16xi32>], vector<16xf32>,
      %add3A_1964 = arith.addf %gather3A_1959, %gather3A_1963 : vector<16xf32>
      %neg3A_1965 = arith.constant 0.000000e+00 : f32
      %neg3A_1966 = vector.broadcast %neg3A_1965 : f32 to vector<16xf32>
      %neg3A_1967 = arith.subf %neg3A_1966, %add3A_1937 : vector<16xf32>
      %exp3A_1968 = math.exp %neg3A_1967 : vector<16xf32>
      %add3A_1969 = arith.constant 1.000000e+00 : f32
      %add3A_1970 = vector.broadcast %add3A_1969 : f32 to vector<16xf32>
      %add3A_1971 = arith.addf %add3A_1970, %exp3A_1968 : vector<16xf32>
      %div3A_1972 = arith.constant 1.000000e+00 : f32
      %div3A_1973 = vector.broadcast %div3A_1972 : f32 to vector<16xf32>
      %div3A_1974 = arith.divf %div3A_1973, %add3A_1971 : vector<16xf32>
      %neg3A_1975 = arith.constant 0.000000e+00 : f32
      %neg3A_1976 = vector.broadcast %neg3A_1975 : f32 to vector<16xf32>
      %neg3A_1977 = arith.subf %neg3A_1976, %add3A_1946 : vector<16xf32>
      %exp3A_1978 = math.exp %neg3A_1977 : vector<16xf32>
      %add3A_1979 = arith.constant 1.000000e+00 : f32
      %add3A_1980 = vector.broadcast %add3A_1979 : f32 to vector<16xf32>
      %add3A_1981 = arith.addf %add3A_1980, %exp3A_1978 : vector<16xf32>
      %div3A_1982 = arith.constant 1.000000e+00 : f32
      %div3A_1983 = vector.broadcast %div3A_1982 : f32 to vector<16xf32>
      %div3A_1984 = arith.divf %div3A_1983, %add3A_1981 : vector<16xf32>
      %neg3A_1985 = arith.constant 0.000000e+00 : f32
      %neg3A_1986 = vector.broadcast %neg3A_1985 : f32 to vector<16xf32>
      %neg3A_1987 = arith.subf %neg3A_1986, %add3A_1955 : vector<16xf32>
      %exp3A_1988 = math.exp %neg3A_1987 : vector<16xf32>
      %add3A_1989 = arith.constant 1.000000e+00 : f32
      %add3A_1990 = vector.broadcast %add3A_1989 : f32 to vector<16xf32>
      %add3A_1991 = arith.addf %add3A_1990, %exp3A_1988 : vector<16xf32>
      %div3A_1992 = arith.constant 1.000000e+00 : f32
      %div3A_1993 = vector.broadcast %div3A_1992 : f32 to vector<16xf32>
      %div3A_1994 = arith.divf %div3A_1993, %add3A_1991 : vector<16xf32>
      %neg3A_1995 = arith.constant 0.000000e+00 : f32
      %neg3A_1996 = vector.broadcast %neg3A_1995 : f32 to vector<16xf32>
      %neg3A_1997 = arith.subf %neg3A_1996, %add3A_1964 : vector<16xf32>
      %exp3A_1998 = math.exp %neg3A_1997 : vector<16xf32>
      %add3A_1999 = arith.constant 1.000000e+00 : f32
      %add3A_2000 = vector.broadcast %add3A_1999 : f32 to vector<16xf32>
      %add3A_2001 = arith.addf %add3A_2000, %exp3A_1998 : vector<16xf32>
      %div3A_2002 = arith.constant 1.000000e+00 : f32
      %div3A_2003 = vector.broadcast %div3A_2002 : f32 to vector<16xf32>
      %div3A_2004 = arith.divf %div3A_2003, %add3A_2001 : vector<16xf32>
      %sub3A_2005 = arith.subf %get3A_1922, %gather3A_1928 : vector<16xf32>
      %add3A_2006 = arith.addf %sub3A_2005, %gather3A_1927 : vector<16xf32>
      %mul3A_2007 = arith.mulf %div3A_1984, %sub3A_2005 : vector<16xf32>
      %mul3A_2008 = arith.mulf %div3A_1994, %add3A_2006 : vector<16xf32>
      %add3A_2009 = arith.addf %mul3A_2007, %mul3A_2008 : vector<16xf32>
      %mul3A_2010 = arith.mulf %div3A_2004, %get3A_1922 : vector<16xf32>
      %add3A_2011 = arith.addf %div3A_1974, %mul3A_2010 : vector<16xf32>
      %swap3A_2012 = arith.index_cast %add3A_1148 : i32 to index
      %swap3A_2013 = arith.constant 96 : index
      %swap3A_2014 = tpu.vector_load %arg22[%swap3A_2012, %swap3A_2013] {strides = array<i32>} : memref<82x128xf32, #tpu.memory_space<vmem>>, vector<16xf32>,
      tpu.vector_store %arg22[%swap3A_2012, %swap3A_2013], %add3A_2011 {strides = array<i32>} : memref<82x128xf32, #tpu.memory_space<vmem>>, vector<16xf32>,
      %swap3A_2015 = arith.index_cast %add3A_1148 : i32 to index
      %swap3A_2016 = arith.constant 96 : index
      %swap3A_2017 = tpu.vector_load %arg23[%swap3A_2015, %swap3A_2016] {strides = array<i32>} : memref<82x128xf32, #tpu.memory_space<vmem>>, vector<16xf32>,
      tpu.vector_store %arg23[%swap3A_2015, %swap3A_2016], %add3A_2009 {strides = array<i32>} : memref<82x128xf32, #tpu.memory_space<vmem>>, vector<16xf32>,
      %mul3A_2018 = arith.constant 10496 : i32
      %mul3A_2019 = arith.muli %add3A, %mul3A_2018 : i32
      %mul3A_2020 = arith.constant 128 : i32
      %mul3A_2021 = arith.muli %add3A_1148, %mul3A_2020 : i32
      %add3A_2022 = arith.addi %mul3A_2019, %mul3A_2021 : i32
      %add3A_2023 = arith.constant 96 : i32
      %add3A_2024 = arith.addi %add3A_2022, %add3A_2023 : i32
      %add3A_2025 = vector.broadcast %add3A_2024 : i32 to vector<16xi32>
      %add3A_2026 = arith.addi %add3A_2025, %iota3A : vector<16xi32>
      %sub3A_2027 = arith.subf %get3A_1925, %add3A_2011 : vector<16xf32>
      %lt3A_2028 = arith.constant 320000 : i32
      %lt3A_2029 = vector.broadcast %lt3A_2028 : i32 to vector<16xi32>
      %lt3A_2030 = arith.cmpi slt, %add3A_2026, %lt3A_2029 : vector<16xi32>
      %mul3A_2031 = arith.mulf %sub3A_2027, %sub3A_2027 : vector<16xf32>
      %jit3A_2032 = arith.constant 0.000000e+00 : f32
      %broadcast_in_dim3A_2033 = vector.broadcast %jit3A_2032 : f32 to vector<16xf32>
      %select_n3A_2034 = arith.select %lt3A_2030, %mul3A_2031, %broadcast_in_dim3A_2033 : vector<16xi1>, vector<16xf32>
      %add3A_2035 = arith.addf %add3A_1910, %select_n3A_2034 : vector<16xf32>
      %get3A_2036 = arith.index_cast %add3A_1148 : i32 to index
      %get3A_2037 = arith.constant 112 : index
      %get3A_2038 = tpu.vector_load %arg17[%get3A_2036, %get3A_2037] {strides = array<i32>} : memref<82x128xi32, #tpu.memory_space<vmem>>, vector<16xi32>,
      %get3A_2039 = arith.index_cast %add3A_1148 : i32 to index
      %get3A_2040 = arith.constant 112 : index
      %get3A_2041 = tpu.vector_load %arg18[%get3A_2039, %get3A_2040] {strides = array<i32>} : memref<82x128xi32, #tpu.memory_space<vmem>>, vector<16xi32>,
      %get3A_2042 = arith.index_cast %add3A_1148 : i32 to index
      %get3A_2043 = arith.constant 112 : index
      %get3A_2044 = tpu.vector_load %arg19[%get3A_2042, %get3A_2043] {strides = array<i32>} : memref<82x128xi32, #tpu.memory_space<vmem>>, vector<16xi32>,
      %get3A_2045 = arith.index_cast %add3A_1148 : i32 to index
      %get3A_2046 = arith.constant 112 : index
      %get3A_2047 = tpu.vector_load %arg20[%get3A_2045, %get3A_2046] {strides = array<i32>} : memref<82x128xf32, #tpu.memory_space<vmem>>, vector<16xf32>,
      %get3A_2048 = arith.index_cast %add3A_1148 : i32 to index
      %get3A_2049 = arith.constant 112 : index
      %get3A_2050 = tpu.vector_load %arg21[%get3A_2048, %get3A_2049] {strides = array<i32>} : memref<82x128xf32, #tpu.memory_space<vmem>>, vector<16xf32>,
      %gather3A_2051 = tpu.vector_load_idx %arg26[%get3A_2041] : memref<10240xi32, #tpu.memory_space<vmem>>[vector<16xi32>], vector<16xi32>,
      %gather3A_2052 = tpu.vector_load_idx %arg27[%get3A_2041] : memref<10240xf32, #tpu.memory_space<vmem>>[vector<16xi32>], vector<16xf32>,
      %gather3A_2053 = tpu.vector_load_idx %arg27[%get3A_2044] : memref<10240xf32, #tpu.memory_space<vmem>>[vector<16xi32>], vector<16xf32>,
      %mul3A_2054 = arith.constant 4 : i32
      %mul3A_2055 = vector.broadcast %mul3A_2054 : i32 to vector<16xi32>
      %mul3A_2056 = arith.muli %get3A_2038, %mul3A_2055 : vector<16xi32>
      %mul3A_2057 = arith.constant 4 : i32
      %mul3A_2058 = vector.broadcast %mul3A_2057 : i32 to vector<16xi32>
      %mul3A_2059 = arith.muli %gather3A_2051, %mul3A_2058 : vector<16xi32>
      %gather3A_2060 = tpu.vector_load_idx %arg24[%mul3A_2056] : memref<1024xf32, #tpu.memory_space<vmem>>[vector<16xi32>], vector<16xf32>,
      %gather3A_2061 = tpu.vector_load_idx %arg25[%mul3A_2059] : memref<1024xf32, #tpu.memory_space<vmem>>[vector<16xi32>], vector<16xf32>,
      %add3A_2062 = arith.addf %gather3A_2060, %gather3A_2061 : vector<16xf32>
      %add3A_2063 = arith.constant 1 : i32
      %add3A_2064 = vector.broadcast %add3A_2063 : i32 to vector<16xi32>
      %add3A_2065 = arith.addi %mul3A_2056, %add3A_2064 : vector<16xi32>
      %gather3A_2066 = tpu.vector_load_idx %arg24[%add3A_2065] : memref<1024xf32, #tpu.memory_space<vmem>>[vector<16xi32>], vector<16xf32>,
      %add3A_2067 = arith.constant 1 : i32
      %add3A_2068 = vector.broadcast %add3A_2067 : i32 to vector<16xi32>
      %add3A_2069 = arith.addi %mul3A_2059, %add3A_2068 : vector<16xi32>
      %gather3A_2070 = tpu.vector_load_idx %arg25[%add3A_2069] : memref<1024xf32, #tpu.memory_space<vmem>>[vector<16xi32>], vector<16xf32>,
      %add3A_2071 = arith.addf %gather3A_2066, %gather3A_2070 : vector<16xf32>
      %add3A_2072 = arith.constant 2 : i32
      %add3A_2073 = vector.broadcast %add3A_2072 : i32 to vector<16xi32>
      %add3A_2074 = arith.addi %mul3A_2056, %add3A_2073 : vector<16xi32>
      %gather3A_2075 = tpu.vector_load_idx %arg24[%add3A_2074] : memref<1024xf32, #tpu.memory_space<vmem>>[vector<16xi32>], vector<16xf32>,
      %add3A_2076 = arith.constant 2 : i32
      %add3A_2077 = vector.broadcast %add3A_2076 : i32 to vector<16xi32>
      %add3A_2078 = arith.addi %mul3A_2059, %add3A_2077 : vector<16xi32>
      %gather3A_2079 = tpu.vector_load_idx %arg25[%add3A_2078] : memref<1024xf32, #tpu.memory_space<vmem>>[vector<16xi32>], vector<16xf32>,
      %add3A_2080 = arith.addf %gather3A_2075, %gather3A_2079 : vector<16xf32>
      %add3A_2081 = arith.constant 3 : i32
      %add3A_2082 = vector.broadcast %add3A_2081 : i32 to vector<16xi32>
      %add3A_2083 = arith.addi %mul3A_2056, %add3A_2082 : vector<16xi32>
      %gather3A_2084 = tpu.vector_load_idx %arg24[%add3A_2083] : memref<1024xf32, #tpu.memory_space<vmem>>[vector<16xi32>], vector<16xf32>,
      %add3A_2085 = arith.constant 3 : i32
      %add3A_2086 = vector.broadcast %add3A_2085 : i32 to vector<16xi32>
      %add3A_2087 = arith.addi %mul3A_2059, %add3A_2086 : vector<16xi32>
      %gather3A_2088 = tpu.vector_load_idx %arg25[%add3A_2087] : memref<1024xf32, #tpu.memory_space<vmem>>[vector<16xi32>], vector<16xf32>,
      %add3A_2089 = arith.addf %gather3A_2084, %gather3A_2088 : vector<16xf32>
      %neg3A_2090 = arith.constant 0.000000e+00 : f32
      %neg3A_2091 = vector.broadcast %neg3A_2090 : f32 to vector<16xf32>
      %neg3A_2092 = arith.subf %neg3A_2091, %add3A_2062 : vector<16xf32>
      %exp3A_2093 = math.exp %neg3A_2092 : vector<16xf32>
      %add3A_2094 = arith.constant 1.000000e+00 : f32
      %add3A_2095 = vector.broadcast %add3A_2094 : f32 to vector<16xf32>
      %add3A_2096 = arith.addf %add3A_2095, %exp3A_2093 : vector<16xf32>
      %div3A_2097 = arith.constant 1.000000e+00 : f32
      %div3A_2098 = vector.broadcast %div3A_2097 : f32 to vector<16xf32>
      %div3A_2099 = arith.divf %div3A_2098, %add3A_2096 : vector<16xf32>
      %neg3A_2100 = arith.constant 0.000000e+00 : f32
      %neg3A_2101 = vector.broadcast %neg3A_2100 : f32 to vector<16xf32>
      %neg3A_2102 = arith.subf %neg3A_2101, %add3A_2071 : vector<16xf32>
      %exp3A_2103 = math.exp %neg3A_2102 : vector<16xf32>
      %add3A_2104 = arith.constant 1.000000e+00 : f32
      %add3A_2105 = vector.broadcast %add3A_2104 : f32 to vector<16xf32>
      %add3A_2106 = arith.addf %add3A_2105, %exp3A_2103 : vector<16xf32>
      %div3A_2107 = arith.constant 1.000000e+00 : f32
      %div3A_2108 = vector.broadcast %div3A_2107 : f32 to vector<16xf32>
      %div3A_2109 = arith.divf %div3A_2108, %add3A_2106 : vector<16xf32>
      %neg3A_2110 = arith.constant 0.000000e+00 : f32
      %neg3A_2111 = vector.broadcast %neg3A_2110 : f32 to vector<16xf32>
      %neg3A_2112 = arith.subf %neg3A_2111, %add3A_2080 : vector<16xf32>
      %exp3A_2113 = math.exp %neg3A_2112 : vector<16xf32>
      %add3A_2114 = arith.constant 1.000000e+00 : f32
      %add3A_2115 = vector.broadcast %add3A_2114 : f32 to vector<16xf32>
      %add3A_2116 = arith.addf %add3A_2115, %exp3A_2113 : vector<16xf32>
      %div3A_2117 = arith.constant 1.000000e+00 : f32
      %div3A_2118 = vector.broadcast %div3A_2117 : f32 to vector<16xf32>
      %div3A_2119 = arith.divf %div3A_2118, %add3A_2116 : vector<16xf32>
      %neg3A_2120 = arith.constant 0.000000e+00 : f32
      %neg3A_2121 = vector.broadcast %neg3A_2120 : f32 to vector<16xf32>
      %neg3A_2122 = arith.subf %neg3A_2121, %add3A_2089 : vector<16xf32>
      %exp3A_2123 = math.exp %neg3A_2122 : vector<16xf32>
      %add3A_2124 = arith.constant 1.000000e+00 : f32
      %add3A_2125 = vector.broadcast %add3A_2124 : f32 to vector<16xf32>
      %add3A_2126 = arith.addf %add3A_2125, %exp3A_2123 : vector<16xf32>
      %div3A_2127 = arith.constant 1.000000e+00 : f32
      %div3A_2128 = vector.broadcast %div3A_2127 : f32 to vector<16xf32>
      %div3A_2129 = arith.divf %div3A_2128, %add3A_2126 : vector<16xf32>
      %sub3A_2130 = arith.subf %get3A_2047, %gather3A_2053 : vector<16xf32>
      %add3A_2131 = arith.addf %sub3A_2130, %gather3A_2052 : vector<16xf32>
      %mul3A_2132 = arith.mulf %div3A_2109, %sub3A_2130 : vector<16xf32>
      %mul3A_2133 = arith.mulf %div3A_2119, %add3A_2131 : vector<16xf32>
      %add3A_2134 = arith.addf %mul3A_2132, %mul3A_2133 : vector<16xf32>
      %mul3A_2135 = arith.mulf %div3A_2129, %get3A_2047 : vector<16xf32>
      %add3A_2136 = arith.addf %div3A_2099, %mul3A_2135 : vector<16xf32>
      %swap3A_2137 = arith.index_cast %add3A_1148 : i32 to index
      %swap3A_2138 = arith.constant 112 : index
      %swap3A_2139 = tpu.vector_load %arg22[%swap3A_2137, %swap3A_2138] {strides = array<i32>} : memref<82x128xf32, #tpu.memory_space<vmem>>, vector<16xf32>,
      tpu.vector_store %arg22[%swap3A_2137, %swap3A_2138], %add3A_2136 {strides = array<i32>} : memref<82x128xf32, #tpu.memory_space<vmem>>, vector<16xf32>,
      %swap3A_2140 = arith.index_cast %add3A_1148 : i32 to index
      %swap3A_2141 = arith.constant 112 : index
      %swap3A_2142 = tpu.vector_load %arg23[%swap3A_2140, %swap3A_2141] {strides = array<i32>} : memref<82x128xf32, #tpu.memory_space<vmem>>, vector<16xf32>,
      tpu.vector_store %arg23[%swap3A_2140, %swap3A_2141], %add3A_2134 {strides = array<i32>} : memref<82x128xf32, #tpu.memory_space<vmem>>, vector<16xf32>,
      %mul3A_2143 = arith.constant 10496 : i32
      %mul3A_2144 = arith.muli %add3A, %mul3A_2143 : i32
      %mul3A_2145 = arith.constant 128 : i32
      %mul3A_2146 = arith.muli %add3A_1148, %mul3A_2145 : i32
      %add3A_2147 = arith.addi %mul3A_2144, %mul3A_2146 : i32
      %add3A_2148 = arith.constant 112 : i32
      %add3A_2149 = arith.addi %add3A_2147, %add3A_2148 : i32
      %add3A_2150 = vector.broadcast %add3A_2149 : i32 to vector<16xi32>
      %add3A_2151 = arith.addi %add3A_2150, %iota3A : vector<16xi32>
      %sub3A_2152 = arith.subf %get3A_2050, %add3A_2136 : vector<16xf32>
      %lt3A_2153 = arith.constant 320000 : i32
      %lt3A_2154 = vector.broadcast %lt3A_2153 : i32 to vector<16xi32>
      %lt3A_2155 = arith.cmpi slt, %add3A_2151, %lt3A_2154 : vector<16xi32>
      %mul3A_2156 = arith.mulf %sub3A_2152, %sub3A_2152 : vector<16xf32>
      %jit3A_2157 = arith.constant 0.000000e+00 : f32
      %broadcast_in_dim3A_2158 = vector.broadcast %jit3A_2157 : f32 to vector<16xf32>
      %select_n3A_2159 = arith.select %lt3A_2155, %mul3A_2156, %broadcast_in_dim3A_2158 : vector<16xi1>, vector<16xf32>
      %add3A_2160 = arith.addf %add3A_2035, %select_n3A_2159 : vector<16xf32>
      %dma_start3A_2161 = arith.constant 0 : i32
      %dma_start3A_2162 = tpu.memref_slice %arg23[%add3A_1148, %dma_start3A_2161] : memref<82x128xf32, #tpu.memory_space<vmem>> -> memref<1x128xf32, #tpu.memory_space<vmem>>
      %dma_start3A_2163 = tpu.memref_squeeze %dma_start3A_2162 : memref<1x128xf32, #tpu.memory_space<vmem>> -> memref<128xf32, #tpu.memory_space<vmem>>
      %dma_start3A_2164 = arith.constant 0 : i32
      %dma_start3A_2165 = tpu.memref_slice %arg19[%add3A_1148, %dma_start3A_2164] : memref<82x128xi32, #tpu.memory_space<vmem>> -> memref<1x128xi32, #tpu.memory_space<vmem>>
      %dma_start3A_2166 = tpu.memref_squeeze %dma_start3A_2165 : memref<1x128xi32, #tpu.memory_space<vmem>> -> memref<128xi32, #tpu.memory_space<vmem>>
      %dma_start3A_2167 = arith.constant 0 : i32
      %dma_start3A_2168 = tpu.memref_slice %arg29[%dma_start3A_2167] : memref<10240xf32, #tpu.memory_space<vmem_shared>> -> memref<10240xf32, #tpu.memory_space<vmem_shared>>
      tpu.enqueue_indirect_dma source(%dma_start3A_2163 : memref<128xf32, #tpu.memory_space<vmem>>) target(%dma_start3A_2168 : memref<10240xf32, #tpu.memory_space<vmem_shared>>) offsets(%dma_start3A_2166 : memref<128xi32, #tpu.memory_space<vmem>>) semaphore(%arg31 : memref<!tpu.dma_semaphore, #tpu.memory_space<semaphore_mem>>) {add = true}
      %dma_start3A_2169 = arith.constant 0 : i32
      %dma_start3A_2170 = tpu.memref_slice %arg22[%add3A_1148, %dma_start3A_2169] : memref<82x128xf32, #tpu.memory_space<vmem>> -> memref<1x128xf32, #tpu.memory_space<vmem>>
      %dma_start3A_2171 = tpu.memref_squeeze %dma_start3A_2170 : memref<1x128xf32, #tpu.memory_space<vmem>> -> memref<128xf32, #tpu.memory_space<vmem>>
      %dma_start3A_2172 = arith.constant 0 : i32
      %dma_start3A_2173 = tpu.memref_slice %arg13[%add3A, %add3A_1148, %dma_start3A_2172] : memref<32x82x128xf32, #tpu.memory_space<hbm>> -> memref<1x1x128xf32, #tpu.memory_space<hbm>>
      %dma_start3A_2174 = tpu.memref_squeeze %dma_start3A_2173 : memref<1x1x128xf32, #tpu.memory_space<hbm>> -> memref<128xf32, #tpu.memory_space<hbm>>
      %dma_start3A_2175 = arith.constant 0 : i32
      %dma_start3A_2176 = tpu.memref_slice %arg13[%add3A, %add3A_1148, %dma_start3A_2175] : memref<32x82x128xf32, #tpu.memory_space<hbm>> -> memref<1x1x128xf32, #tpu.memory_space<hbm>>
      %dma_start3A_2177 = tpu.memref_squeeze %dma_start3A_2176 : memref<1x1x128xf32, #tpu.memory_space<hbm>> -> memref<128xf32, #tpu.memory_space<hbm>>
      %dma_start3A_2178 = arith.constant 0 : i32
      %dma_start3A_2179 = tpu.memref_slice %arg22[%add3A_1148, %dma_start3A_2178] : memref<82x128xf32, #tpu.memory_space<vmem>> -> memref<1x128xf32, #tpu.memory_space<vmem>>
      %dma_start3A_2180 = tpu.memref_squeeze %dma_start3A_2179 : memref<1x128xf32, #tpu.memory_space<vmem>> -> memref<128xf32, #tpu.memory_space<vmem>>
      tpu.enqueue_dma source(%dma_start3A_2180 : memref<128xf32, #tpu.memory_space<vmem>>) target(%dma_start3A_2177 : memref<128xf32, #tpu.memory_space<hbm>>) target_semaphore(%arg33 : memref<!tpu.dma_semaphore, #tpu.memory_space<semaphore_mem>>)
      %add3A_2181 = arith.constant 8 : i32
      %add3A_2182 = arith.addi %add3A_1148, %add3A_2181 : i32
      %lt3A_2183 = arith.constant 82 : i32
      %lt3A_2184 = arith.cmpi slt, %add3A_2182, %lt3A_2183 : i32
      %convert_element_type3A_2185 = arith.extui %lt3A_2184 : i1 to i32
      %cond3A_2186 = arith.constant 0 : i32
      %cond3A_2187 = arith.cmpi ne, %convert_element_type3A_2185, %cond3A_2186 : i32
      scf.if %cond3A_2187 {
        %add3A_2188 = arith.constant 8 : i32
        %add3A_2189 = arith.addi %add3A_1148, %add3A_2188 : i32
        %rem3A_2190 = arith.constant 8 : i32
        %rem3A_2191 = arith.remsi %add3A_2189, %rem3A_2190 : i32
        %dma_start3A_2192 = arith.constant 0 : i32
        %dma_start3A_2193 = tpu.memref_slice %arg17[%add3A_2189, %dma_start3A_2192] : memref<82x128xi32, #tpu.memory_space<vmem>> -> memref<1x128xi32, #tpu.memory_space<vmem>>
        %dma_start3A_2194 = tpu.memref_squeeze %dma_start3A_2193 : memref<1x128xi32, #tpu.memory_space<vmem>> -> memref<128xi32, #tpu.memory_space<vmem>>
        %dma_start3A_2195 = arith.constant 0 : i32
        %dma_start3A_2196 = tpu.memref_slice %arg16[%add3A_2189, %dma_start3A_2195] : memref<82x128xi32, #tpu.memory_space<vmem>> -> memref<1x128xi32, #tpu.memory_space<vmem>>
        %dma_start3A_2197 = tpu.memref_squeeze %dma_start3A_2196 : memref<1x128xi32, #tpu.memory_space<vmem>> -> memref<128xi32, #tpu.memory_space<vmem>>
        %dma_start3A_2198 = arith.constant 0 : i32
        %dma_start3A_2199 = tpu.memref_slice %arg2[%dma_start3A_2198] : memref<330000xi32, #tpu.memory_space<hbm>> -> memref<330000xi32, #tpu.memory_space<hbm>>
        %dma_start3A_2200 = tpu.memref_slice %arg30[%rem3A_2191] : memref<8x!tpu.dma_semaphore, #tpu.memory_space<semaphore_mem>> -> memref<1x!tpu.dma_semaphore, #tpu.memory_space<semaphore_mem>>
        %dma_start3A_2201 = tpu.memref_squeeze %dma_start3A_2200 : memref<1x!tpu.dma_semaphore, #tpu.memory_space<semaphore_mem>> -> memref<!tpu.dma_semaphore, #tpu.memory_space<semaphore_mem>>
        tpu.enqueue_indirect_dma source(%dma_start3A_2199 : memref<330000xi32, #tpu.memory_space<hbm>>) target(%dma_start3A_2194 : memref<128xi32, #tpu.memory_space<vmem>>) offsets(%dma_start3A_2197 : memref<128xi32, #tpu.memory_space<vmem>>) semaphore(%dma_start3A_2201 : memref<!tpu.dma_semaphore, #tpu.memory_space<semaphore_mem>>)
      } else {
      }
      scf.yield %add3A_2160 : vector<16xf32>
    }
    %scan3A_92 = arith.constant 41 : i32
    %swap3A = arith.constant 0 : index
    %swap3A_93 = tpu.vector_load %arg28[%swap3A] {strides = array<i32>} : memref<16xf32, #tpu.memory_space<vmem>>, vector<16xf32>,
    tpu.vector_store %arg28[%swap3A], %scan3A_91 {strides = array<i32>} : memref<16xf32, #tpu.memory_space<vmem>>, vector<16xf32>,
    %scan3A_94 = arith.constant 0 : i32
    %scan3A_95 = arith.constant 0 : i32
    %scan3A_96 = arith.constant 82 : i32
    %scan3A_97 = arith.addi %scan3A_95, %scan3A_96 : i32
    %scan3A_98 = arith.constant 1 : i32
    scf.for %scan3A_112 = %scan3A_95 to %scan3A_97 step %scan3A_98  : i32 {
      %dma_wait3A_113 = arith.constant 0 : i32
      %dma_wait3A_114 = tpu.memref_slice %arg22[%scan3A_112, %dma_wait3A_113] : memref<82x128xf32, #tpu.memory_space<vmem>> -> memref<1x128xf32, #tpu.memory_space<vmem>>
      %dma_wait3A_115 = tpu.memref_squeeze %dma_wait3A_114 : memref<1x128xf32, #tpu.memory_space<vmem>> -> memref<128xf32, #tpu.memory_space<vmem>>
      %dma_wait3A_116 = arith.constant 0 : i32
      %dma_wait3A_117 = tpu.memref_slice %arg13[%add3A, %scan3A_112, %dma_wait3A_116] : memref<32x82x128xf32, #tpu.memory_space<hbm>> -> memref<1x1x128xf32, #tpu.memory_space<hbm>>
      %dma_wait3A_118 = tpu.memref_squeeze %dma_wait3A_117 : memref<1x1x128xf32, #tpu.memory_space<hbm>> -> memref<128xf32, #tpu.memory_space<hbm>>
      %dma_wait3A_119 = arith.constant 0 : i32
      %dma_wait3A_120 = tpu.memref_slice %arg13[%add3A, %scan3A_112, %dma_wait3A_119] : memref<32x82x128xf32, #tpu.memory_space<hbm>> -> memref<1x1x128xf32, #tpu.memory_space<hbm>>
      %dma_wait3A_121 = tpu.memref_squeeze %dma_wait3A_120 : memref<1x1x128xf32, #tpu.memory_space<hbm>> -> memref<128xf32, #tpu.memory_space<hbm>>
      %dma_wait3A_122 = arith.constant 0 : i32
      %dma_wait3A_123 = tpu.memref_slice %arg22[%scan3A_112, %dma_wait3A_122] : memref<82x128xf32, #tpu.memory_space<vmem>> -> memref<1x128xf32, #tpu.memory_space<vmem>>
      %dma_wait3A_124 = tpu.memref_squeeze %dma_wait3A_123 : memref<1x128xf32, #tpu.memory_space<vmem>> -> memref<128xf32, #tpu.memory_space<vmem>>
      tpu.wait_dma2 semaphore(%arg33 : memref<!tpu.dma_semaphore, #tpu.memory_space<semaphore_mem>>) src(%dma_wait3A_124 : memref<128xf32, #tpu.memory_space<vmem>>) dst(%dma_wait3A_121 : memref<128xf32, #tpu.memory_space<hbm>>)
    }
    %scan3A_99 = arith.constant 82 : i32
    %scan3A_100 = arith.constant 0 : i32
    %scan3A_101 = arith.constant 0 : i32
    %scan3A_102 = arith.constant 82 : i32
    %scan3A_103 = arith.addi %scan3A_101, %scan3A_102 : i32
    %scan3A_104 = arith.constant 1 : i32
    scf.for %scan3A_112 = %scan3A_101 to %scan3A_103 step %scan3A_104  : i32 {
      %dma_wait3A_113 = arith.constant 0 : i32
      %dma_wait3A_114 = tpu.memref_slice %arg23[%scan3A_112, %dma_wait3A_113] : memref<82x128xf32, #tpu.memory_space<vmem>> -> memref<1x128xf32, #tpu.memory_space<vmem>>
      %dma_wait3A_115 = tpu.memref_squeeze %dma_wait3A_114 : memref<1x128xf32, #tpu.memory_space<vmem>> -> memref<128xf32, #tpu.memory_space<vmem>>
      %dma_wait3A_116 = arith.constant 0 : i32
      %dma_wait3A_117 = tpu.memref_slice %arg19[%scan3A_112, %dma_wait3A_116] : memref<82x128xi32, #tpu.memory_space<vmem>> -> memref<1x128xi32, #tpu.memory_space<vmem>>
      %dma_wait3A_118 = tpu.memref_squeeze %dma_wait3A_117 : memref<1x128xi32, #tpu.memory_space<vmem>> -> memref<128xi32, #tpu.memory_space<vmem>>
      %dma_wait3A_119 = arith.constant 0 : i32
      %dma_wait3A_120 = tpu.memref_slice %arg29[%dma_wait3A_119] : memref<10240xf32, #tpu.memory_space<vmem_shared>> -> memref<10240xf32, #tpu.memory_space<vmem_shared>>
      tpu.wait_indirect_dma semaphore(%arg31 : memref<!tpu.dma_semaphore, #tpu.memory_space<semaphore_mem>>) src(%dma_wait3A_115 : memref<128xf32, #tpu.memory_space<vmem>>) dst(%dma_wait3A_120 : memref<10240xf32, #tpu.memory_space<vmem_shared>>)
    }
    %scan3A_105 = arith.constant 82 : i32
    %barrier3A_106 = arith.constant 0 : index
    tpu.barrier barrier_id(%barrier3A_106)
    %eq3A_107 = arith.constant 0 : i32
    %eq3A_108 = arith.cmpi eq, %arg1, %eq3A_107 : i32
    %convert_element_type3A_109 = arith.extui %eq3A_108 : i1 to i32
    %cond3A_110 = arith.constant 0 : i32
    %cond3A_111 = arith.cmpi ne, %convert_element_type3A_109, %cond3A_110 : i32
    scf.if %cond3A_111 {
      %mul3A_112 = arith.constant 10240 : i32
      %mul3A_113 = arith.muli %arg0, %mul3A_112 : i32
      "tpu.region"() ({
        %run_scoped3A = tpu.sem_alloc : memref<!tpu.dma_semaphore, #tpu.memory_space<semaphore_mem>>
        %dma_start3A_114 = tpu.memref_slice %arg14[%mul3A_113] : memref<20480xf32, #tpu.memory_space<hbm>> -> memref<10240xf32, #tpu.memory_space<hbm>>
        tpu.enqueue_dma source(%arg29 : memref<10240xf32, #tpu.memory_space<vmem_shared>>) target(%dma_start3A_114 : memref<10240xf32, #tpu.memory_space<hbm>>) target_semaphore(%run_scoped3A : memref<!tpu.dma_semaphore, #tpu.memory_space<semaphore_mem>>)
        %dma_wait3A_115 = tpu.memref_slice %arg14[%mul3A_113] : memref<20480xf32, #tpu.memory_space<hbm>> -> memref<10240xf32, #tpu.memory_space<hbm>>
        tpu.wait_dma2 semaphore(%run_scoped3A : memref<!tpu.dma_semaphore, #tpu.memory_space<semaphore_mem>>) src(%arg29 : memref<10240xf32, #tpu.memory_space<vmem_shared>>) dst(%dma_wait3A_115 : memref<10240xf32, #tpu.memory_space<hbm>>)
        tpu.yield
      }) : () -> ()
    } else {
    }
    "tpu.region"() ({
      %run_scoped3A = tpu.sem_alloc : memref<!tpu.dma_semaphore, #tpu.memory_space<semaphore_mem>>
      %dma_start3A_112 = arith.constant 0 : i32
      %dma_start3A_113 = tpu.memref_slice %arg15[%add3A, %dma_start3A_112] : memref<32x16xf32, #tpu.memory_space<hbm>> -> memref<1x16xf32, #tpu.memory_space<hbm>>
      %dma_start3A_114 = tpu.memref_squeeze %dma_start3A_113 : memref<1x16xf32, #tpu.memory_space<hbm>> -> memref<16xf32, #tpu.memory_space<hbm>>
      %dma_start3A_115 = arith.constant 0 : i32
      %dma_start3A_116 = tpu.memref_slice %arg15[%add3A, %dma_start3A_115] : memref<32x16xf32, #tpu.memory_space<hbm>> -> memref<1x16xf32, #tpu.memory_space<hbm>>
      %dma_start3A_117 = tpu.memref_squeeze %dma_start3A_116 : memref<1x16xf32, #tpu.memory_space<hbm>> -> memref<16xf32, #tpu.memory_space<hbm>>
      tpu.enqueue_dma source(%arg28 : memref<16xf32, #tpu.memory_space<vmem>>) target(%dma_start3A_117 : memref<16xf32, #tpu.memory_space<hbm>>) target_semaphore(%run_scoped3A : memref<!tpu.dma_semaphore, #tpu.memory_space<semaphore_mem>>)
      %dma_wait3A_118 = arith.constant 0 : i32
      %dma_wait3A_119 = tpu.memref_slice %arg15[%add3A, %dma_wait3A_118] : memref<32x16xf32, #tpu.memory_space<hbm>> -> memref<1x16xf32, #tpu.memory_space<hbm>>
      %dma_wait3A_120 = tpu.memref_squeeze %dma_wait3A_119 : memref<1x16xf32, #tpu.memory_space<hbm>> -> memref<16xf32, #tpu.memory_space<hbm>>
      %dma_wait3A_121 = arith.constant 0 : i32
      %dma_wait3A_122 = tpu.memref_slice %arg15[%add3A, %dma_wait3A_121] : memref<32x16xf32, #tpu.memory_space<hbm>> -> memref<1x16xf32, #tpu.memory_space<hbm>>
      %dma_wait3A_123 = tpu.memref_squeeze %dma_wait3A_122 : memref<1x16xf32, #tpu.memory_space<hbm>> -> memref<16xf32, #tpu.memory_space<hbm>>
      tpu.wait_dma2 semaphore(%run_scoped3A : memref<!tpu.dma_semaphore, #tpu.memory_space<semaphore_mem>>) src(%arg28 : memref<16xf32, #tpu.memory_space<vmem>>) dst(%dma_wait3A_123 : memref<16xf32, #tpu.memory_space<hbm>>)
      tpu.yield
    }) : () -> ()
    return
  }
}

module attributes {stable_mosaic.version = 14 : i64} {
  func.func @_tables_body(%arg0: memref<256x128xf32, #tpu.memory_space<vmem>>, %arg1: memref<256x128xf32, #tpu.memory_space<vmem>>, %arg2: memref<128x128xf32, #tpu.memory_space<vmem>>, %arg3: memref<128x128xf32, #tpu.memory_space<vmem>>, %arg4: memref<128x128xf32, #tpu.memory_space<vmem>>, %arg5: memref<1x128xf32, #tpu.memory_space<vmem>>, %arg6: memref<1x128xf32, #tpu.memory_space<vmem>>, %arg7: memref<1x1xf32, #tpu.memory_space<vmem>>, %arg8: memref<256x128xf32, #tpu.memory_space<vmem>>, %arg9: memref<256x128xf32, #tpu.memory_space<vmem>>) attributes {dimension_semantics = [], scalar_prefetch = 0 : i64, scratch_operands = 0 : i64, tpu.core_type = #tpu.core_type<tc>} {
    %get3A = arith.constant 0 : index
    %get3A_0 = arith.constant 0 : index
    %get3A_1 = vector.load %arg4[%get3A, %get3A_0] : memref<128x128xf32, #tpu.memory_space<vmem>>, vector<128x128xf32>
    %get3A_2 = arith.constant 0 : index
    %get3A_3 = arith.constant 0 : index
    %get3A_4 = vector.load %arg7[%get3A_2, %get3A_3] : memref<1x1xf32, #tpu.memory_space<vmem>>, vector<1x1xf32>
    %get3A_5 = vector.extract %get3A_4[0, 0] : f32 from vector<1x1xf32>
    %mul3A = vector.broadcast %get3A_5 : f32 to vector<128x128xf32>
    %mul3A_6 = arith.mulf %get3A_1, %mul3A : vector<128x128xf32>
    %get3A_7 = arith.constant 0 : index
    %get3A_8 = arith.constant 0 : index
    %get3A_9 = vector.load %arg2[%get3A_7, %get3A_8] : memref<128x128xf32, #tpu.memory_space<vmem>>, vector<128x128xf32>
    %dot_general3A = arith.constant dense<0.000000e+00> : vector<128x128xf32>
    %dot_general3A_10 = tpu.matmul %get3A_9, %mul3A_6, %dot_general3A {dimension_numbers = #tpu.dot_dimension_numbers<[1], [0], [0], [1], [0, 0, 1, 1], [], []>, transpose_lhs_hint = false} : vector<128x128xf32>, vector<128x128xf32>, vector<128x128xf32> -> vector<128x128xf32>
    %get3A_11 = arith.constant 0 : index
    %get3A_12 = arith.constant 0 : index
    %get3A_13 = vector.load %arg3[%get3A_11, %get3A_12] : memref<128x128xf32, #tpu.memory_space<vmem>>, vector<128x128xf32>
    %dot_general3A_14 = arith.constant dense<0.000000e+00> : vector<128x128xf32>
    %dot_general3A_15 = tpu.matmul %get3A_13, %mul3A_6, %dot_general3A_14 {dimension_numbers = #tpu.dot_dimension_numbers<[1], [0], [0], [1], [0, 0, 1, 1], [], []>, transpose_lhs_hint = false} : vector<128x128xf32>, vector<128x128xf32>, vector<128x128xf32> -> vector<128x128xf32>
    %get3A_16 = arith.constant 0 : index
    %get3A_17 = arith.constant 0 : index
    %get3A_18 = vector.load %arg0[%get3A_16, %get3A_17] : memref<256x128xf32, #tpu.memory_space<vmem>>, vector<256x128xf32>
    %dot_general3A_19 = arith.constant dense<0.000000e+00> : vector<256x128xf32>
    %dot_general3A_20 = tpu.matmul %get3A_18, %dot_general3A_10, %dot_general3A_19 {dimension_numbers = #tpu.dot_dimension_numbers<[1], [0], [0], [1], [0, 0, 1, 1], [], []>, transpose_lhs_hint = false} : vector<256x128xf32>, vector<128x128xf32>, vector<256x128xf32> -> vector<256x128xf32>
    %swap3A = arith.constant 0 : index
    %swap3A_21 = arith.constant 0 : index
    %swap3A_22 = vector.load %arg8[%swap3A, %swap3A_21] : memref<256x128xf32, #tpu.memory_space<vmem>>, vector<256x128xf32>
    tpu.vector_store %arg8[%swap3A, %swap3A_21], %dot_general3A_20 {strides = array<i32>} : memref<256x128xf32, #tpu.memory_space<vmem>>, vector<256x128xf32>,
    %get3A_23 = arith.constant 0 : index
    %get3A_24 = arith.constant 0 : index
    %get3A_25 = vector.load %arg6[%get3A_23, %get3A_24] : memref<1x128xf32, #tpu.memory_space<vmem>>, vector<1x128xf32>
    %dot_general3A_26 = arith.constant dense<0.000000e+00> : vector<1x128xf32>
    %dot_general3A_27 = tpu.matmul %get3A_25, %mul3A_6, %dot_general3A_26 {dimension_numbers = #tpu.dot_dimension_numbers<[1], [0], [0], [1], [0, 0, 1, 1], [], []>, transpose_lhs_hint = false} : vector<1x128xf32>, vector<128x128xf32>, vector<1x128xf32> -> vector<1x128xf32>
    %get3A_28 = arith.constant 0 : index
    %get3A_29 = arith.constant 0 : index
    %get3A_30 = vector.load %arg5[%get3A_28, %get3A_29] : memref<1x128xf32, #tpu.memory_space<vmem>>, vector<1x128xf32>
    %get3A_31 = arith.constant 0 : index
    %get3A_32 = arith.constant 0 : index
    %get3A_33 = vector.load %arg7[%get3A_31, %get3A_32] : memref<1x1xf32, #tpu.memory_space<vmem>>, vector<1x1xf32>
    %get3A_34 = vector.extract %get3A_33[0, 0] : f32 from vector<1x1xf32>
    %mul3A_35 = vector.broadcast %get3A_34 : f32 to vector<1x128xf32>
    %mul3A_36 = arith.mulf %get3A_30, %mul3A_35 : vector<1x128xf32>
    %add3A = arith.addf %dot_general3A_27, %mul3A_36 : vector<1x128xf32>
    %get3A_37 = arith.constant 0 : index
    %get3A_38 = arith.constant 0 : index
    %get3A_39 = vector.load %arg1[%get3A_37, %get3A_38] : memref<256x128xf32, #tpu.memory_space<vmem>>, vector<256x128xf32>
    %dot_general3A_40 = arith.constant dense<0.000000e+00> : vector<256x128xf32>
    %dot_general3A_41 = tpu.matmul %get3A_39, %dot_general3A_15, %dot_general3A_40 {dimension_numbers = #tpu.dot_dimension_numbers<[1], [0], [0], [1], [0, 0, 1, 1], [], []>, transpose_lhs_hint = false} : vector<256x128xf32>, vector<128x128xf32>, vector<256x128xf32> -> vector<256x128xf32>
    %add3A_42 = vector.broadcast %add3A : vector<1x128xf32> to vector<256x128xf32>
    %add3A_43 = arith.addf %dot_general3A_41, %add3A_42 : vector<256x128xf32>
    %swap3A_44 = arith.constant 0 : index
    %swap3A_45 = arith.constant 0 : index
    %swap3A_46 = vector.load %arg9[%swap3A_44, %swap3A_45] : memref<256x128xf32, #tpu.memory_space<vmem>>, vector<256x128xf32>
    tpu.vector_store %arg9[%swap3A_44, %swap3A_45], %add3A_43 {strides = array<i32>} : memref<256x128xf32, #tpu.memory_space<vmem>>, vector<256x128xf32>,
    return
  }
}

</mosaic_0001>

<sc_bundles>
// kernel: kernel.5.cloned.1.call-start
scs
__scs_entry_jumppad:
0x0: {  	(pc) =	sbr.rel $0x88, $3  }
0x1: {  	(tag) =	ssettag $0x0;
	lr =	simm.s32 $0x1  }
0x2: {  	[smem:$0x3F8C] =	sst lr;
	_ =	strace $0xD0000000  }
0x3: {  	_ = 	snop  }
0x4: {  	_ = 	snop  }
0x5: {  	_ = 	snop  }
0x6: {  	_ = 	snop  }
0x7: {  	_ = 	snop  }
__scs_overlays_trampoline_lowered:
0x8: {  	[smem:$0x3F9B] =	sst s0  }
0x9: {  	[smem:$0x3F9C] =	sst s1  }
0xa: {  	[smem:$0x3F9D] =	sst s2  }
0xb: {  	[smem:$0x3F9E] =	sst s3  }
0xc: {  	[smem:$0x3F9F] =	sst s4  }
0xd: {  	[smem:$0x3FA0] =	sst s5  }
0xe: {  	[smem:$0x3FA1] =	sst s6  }
0xf: {  	[smem:$0x3FA2] =	sst s7  }
0x10: {  	[smem:$0x3FA3] =	sst s8  }
0x11: {  	[smem:$0x3FA4] =	sst s9;
	s0 =	simm.s32 @!p0 $0x0  }
0x12: {  	s1 =	sld [smem:$0x3F8A];
	s0 =	simm.s32 @p0 $0x1  }
0x13: {  	[smem:$0x3FA5] =	sst s0;
	s0 =	simm.s32 @!p1 $0x0  }
0x14: {  	s2 =	sld [smem:$0x3F89];
	s0 =	simm.s32 @p1 $0x1  }
0x15: {  	[smem:$0x3FA6] =	sst s0;
	s0 =	simm.s32 @!p2 $0x0  }
0x16: {  	s3 =	sld [smem:$0x3FDB];
	s0 =	simm.s32 @p2 $0x1  }
0x17: {  	s4 =	simm.s32 $0x1BF5;
	[smem:$0x3FA8] =	sst s0  }
0x18: {  	s0 =	sld [smem:$0x3F8B];
	_ =	swait.ge [sflag:s4], $0x0  }
0x19: {  	s7 =	sld [smem:$0x3F8C]  }
0x1a: {  	s8 =	sadd.s32 $0xFFFFE003, lr  }
0x1b: {  	s9 =	sadd.s32 $0xFFFFFEF7, lr;
	s5 =	simm.s32 $0xFFFFFFFF;
	p2 =	slt.u32 s8, $0xFFFFF086  }
0x1c: {  	p1 =	slt.u32 s9, $0xF7A;
	s5 =	simm.s32 @!p2 $0x0  }
0x1d: {  	s5 =	simm.s32 @p1 $0x1;
	p0 =	seq.s32 s7, s2  }
0x1e: {  	s7 =	smul.u32 @!p0 $0xF7A, s2;
	p2 =	seq.s32 @!p0 s5, $0x0  }
0x1f: {  	s9 =	smul.u32 $0xF7A, s1;
	s8 =	simm.s32 @!p0 $0x1BF5;
	p2 =	por !p2, p0  }
0x20: {  	[sflag:s8] =	ssyncset.s32 @!p0 $0xFFFFF086;
	s6 =	sadd.s32 @!p0 s3, s7;
	s7 =	simm.s32 @!p0 $0x108  }
0x21: {  	s3 =	sadd.s32 s3, s9;
	s6 =	sadd.s32 @!p0 $0x88, s6;
	s7 =	simm.s32 @p2 $0x1082  }
0x22: {  	[simem:s7], [sflag:s8] =	dma.local @!p0 [hbm:s6], $0xF7A  }
0x23: {  	s9 =	sor.u32 $0xD0000000, s2;
	s6 =	simm.s32 $0x108;
	_ =	swait.ge @!p0 [sflag:s8], $0x0  }
0x24: {  	s3 =	sadd.s32 $0x88, s3;
	s6 =	simm.s32 @!p1 $0x1082;
	[sflag:s4] =	ssyncset.s32 $0xFFFFF086  }
0x25: {  	[simem:s6], [sflag:s4] =	dma.local [hbm:s3], $0xF7A  }
0x26: {  	[smem:$0x3F8C] =	sst s1;
	(tag) =	ssettag s2;
	_ =	strace s9  }
0x27: {  	s1 =	sld [smem:$0x3F9C]  }
0x28: {  	s2 =	sld [smem:$0x3F9D]  }
0x29: {  	s4 =	sld [smem:$0x3F9F]  }
0x2a: {  	p0 =	seq.s32 s5, $0x0;
	s5 =	sld [smem:$0x3FA0]  }
0x2b: {  	s6 =	sld [smem:$0x3FA1]  }
0x2c: {  	s7 =	sld [smem:$0x3FA2]  }
0x2d: {  	s3 =	simm.s32 $0x108;
	s8 =	sld [smem:$0x3FA3]  }
0x2e: {  	s3 =	simm.s32 @!p0 $0x1082;
	s9 =	sld [smem:$0x3FA4]  }
0x2f: {  	lr =	sadd.s32 s0, s3;
	s0 =	sld [smem:$0x3F9B]  }
0x30: {  	s3 =	sld [smem:$0x3F9E]  }
0x31: {  	[smem:$0x3FA7] =	sst s10  }
0x32: {  	s10 =	sld [smem:$0x3FA5];
	_ =	sdelay $0x3  }
0x33: {  	p0 =	seq.s32 s10, $0x1;
	s10 =	sld [smem:$0x3FA7];
	_ =	sdelay $0x3  }
0x34: {  	[smem:$0x3FA7] =	sst s10  }
0x35: {  	s10 =	sld [smem:$0x3FA6];
	_ =	sdelay $0x3  }
0x36: {  	p1 =	seq.s32 s10, $0x1;
	s10 =	sld [smem:$0x3FA7];
	_ =	sdelay $0x3  }
0x37: {  	[smem:$0x3FA7] =	sst s10  }
0x38: {  	s10 =	sld [smem:$0x3FA8]  }
0x39: {  	_ = 	snop;
	(pc) =	sbr.ind lr, $3  }
0x3a: {  	_ = 	snop  }
0x3b: {  	_ = 	snop  }
0x3c: {  	p2 =	seq.s32 s10, $0x1;
	s10 =	sld [smem:$0x3FA7]  }
0x3d: {  	_ =	shalt  }
0x3e: {  	_ =	shalt  }
0x3f: {  	_ =	shalt  }
0x40: {  	_ =	shalt  }
0x41: {  	_ =	shalt  }
0x42: {  	_ =	shalt  }
0x43: {  	_ =	shalt  }
0x44: {  	_ =	shalt  }
0x45: {  	_ =	shalt  }
0x46: {  	_ =	shalt  }
0x47: {  	_ =	shalt  }
0x48: {  	_ =	shalt  }
0x49: {  	_ =	shalt  }
0x4a: {  	_ =	shalt  }
0x4b: {  	_ =	shalt  }
0x4c: {  	_ =	shalt  }
0x4d: {  	_ =	shalt  }
0x4e: {  	_ =	shalt  }
0x4f: {  	_ =	shalt  }
0x50: {  	_ =	shalt  }
0x51: {  	_ =	shalt  }
0x52: {  	_ =	shalt  }
0x53: {  	_ =	shalt  }
0x54: {  	_ =	shalt  }
0x55: {  	_ =	shalt  }
0x56: {  	_ =	shalt  }
0x57: {  	_ =	shalt  }
0x58: {  	_ =	shalt  }
0x59: {  	_ =	shalt  }
0x5a: {  	_ =	shalt  }
0x5b: {  	_ =	shalt  }
0x5c: {  	_ =	shalt  }
0x5d: {  	_ =	shalt  }
0x5e: {  	_ =	shalt  }
0x5f: {  	_ =	shalt  }
0x60: {  	_ =	shalt  }
0x61: {  	_ =	shalt  }
0x62: {  	_ =	shalt  }
0x63: {  	_ =	shalt  }
0x64: {  	_ =	shalt  }
0x65: {  	_ =	shalt  }
0x66: {  	_ =	shalt  }
0x67: {  	_ =	shalt  }
0x68: {  	_ =	shalt  }
0x69: {  	_ =	shalt  }
0x6a: {  	_ =	shalt  }
0x6b: {  	_ =	shalt  }
0x6c: {  	_ =	shalt  }
0x6d: {  	_ =	shalt  }
0x6e: {  	_ =	shalt  }
0x6f: {  	_ =	shalt  }
0x70: {  	_ =	shalt  }
0x71: {  	_ =	shalt  }
0x72: {  	_ =	shalt  }
0x73: {  	_ =	shalt  }
0x74: {  	_ =	shalt  }
0x75: {  	_ =	shalt  }
0x76: {  	_ =	shalt  }
0x77: {  	_ =	shalt  }
0x78: {  	_ =	shalt  }
0x79: {  	_ =	shalt  }
0x7a: {  	_ =	shalt  }
0x7b: {  	_ =	shalt  }
0x7c: {  	_ =	shalt  }
0x7d: {  	_ =	shalt  }
0x7e: {  	_ =	shalt  }
0x7f: {  	_ =	shalt  }
0x80: {  	_ =	shalt  }
0x81: {  	_ =	shalt  }
0x82: {  	_ =	shalt  }
0x83: {  	_ =	shalt  }
0x84: {  	_ =	shalt  }
0x85: {  	_ =	shalt  }
0x86: {  	_ =	shalt  }
0x87: {  	_ =	shalt  }
.Lfunc_end0:
.L_simem_size_0:
called_computation_lowered:
.L_overlay_start_0:
0x88: {  	s2 =	sld [smem:$0x3FD9]  }
0x89: {  	s3 =	sld [smem:$0x3FFE];
	_ =	sdelay $0x1  }
0x8a: {  	s1 =	srdreg.scid  }
0x8b: {  	s0 =	sand.u32 $0x1, s1  }
0x8c: {  	s14 =	sshll.u32 s0, $0xA;
	s2 =	sadd.s32 s3, s2  }
0x8d: {  	s2 =	sadd.s32 s2, s14  }
0x8e: {  	[smem:$0x3FB3] =	sst s2  }
0x8f: {  	_ = 	snop  }
0x90: {  	s2 =	sld [smem:$0x3FD0];
	_ =	sdelay $0x2  }
0x91: {  	s15 =	simm.s32 $0xA;
	s4 =	simm.s32 $0x10  }
0x92: {  	[smem:s4], [sflag:s15] =	dma.local [hbm:s2], $0x1  }
0x93: {  	_ =	swait.eq [sflag:s15], $0x1  }
0x94: {  	[sflag:s15] =	ssyncset.done $0x0  }
0x95: {  	[sflag:s15] =	ssyncadd.s32 $0xFFFFFFFF  }
0x96: {  	s16 =	sld [smem:$0x10];
	(tm) =	ssettm $0x1  }
0x97: {  	s17 =	sld [smem:$0x3FFB];
	_ =	sdelay $0x3  }
0x98: {  	_ =	strace s17  }
0x99: {  	s3 =	sld [smem:$0x3FFC];
	_ =	sdelay $0x3  }
0x9a: {  	_ =	strace s3  }
0x9b: {  	s3 =	sld [smem:$0x3FFD];
	_ =	sdelay $0x3  }
0x9c: {  	_ =	strace s3  }
0x9d: {  	_ =	strace $0x8FFFFFFF  }
0x9e: {  	s18 =	sld [smem:$0x3FDB];
	_ =	sdelay $0x1  }
0x9f: {  	s19 =	simm.s32 $_scs_section_size  }
0xa0: {  	s5 =	simm.s32 $_size__tile_overlayer_lowered;
	s6 =	simm.s32 $_tile_overlayer_lowered  }
0xa1: {  	s22 =	simm.s32 $0x1BFF;
	s21 =	sshll.u32 s6, $0x1;
	s3 =	sadd.s32 s19, s18  }
0xa2: {  	s7 =	simm.s32 $0x0;
	s20 =	sshll.u32 s5, $0x1;
	s5 =	sadd.s32 s21, s3  }
0xa3: {  	[timem:s7], [sflag:s22] =	dma.local [hbm:s5], s20  }
0xa4: {  	_ =	swait.ge [sflag:s22], s20  }
0xa5: {  	s4 =	ssub.s32 $0x0, s20;
	[sflag:s22] =	ssyncset.done $0x0  }
0xa6: {  	[sflag:s22] =	ssyncadd.s32 s4;
	_ =	sdelay $0x1  }
0xa7: {  	s23 =	simm.s32 $0x1B8B  }
0xa8: {  	_ =	swait.ge [sflag:s23], $0x1  }
0xa9: {  	[sflag:s23] =	ssyncset.done $0x0  }
0xaa: {  	s25 =	simm.s32 $0x1B8E;
	s24 =	sld [smem:$0x3FFE];
	[sflag:s23] =	ssyncadd.s32 $0xFFFFFFFF  }
0xab: {  	s26 =	simm.s32 $execute0_lowered;
	[smem:$0x3FD2] =	sst s25  }
0xac: {  	s5 =	sshll.u32 s26, $0x1;
	_ =	strace $0x80000046;
	[dreg:$0x1] =	wrdreg $0xFFFFFFFF  }
0xad: {  	s28 =	simm.s32 $_size_execute0_lowered;
	s3 =	sadd.s32 s3, s5;
	[dreg:$0x0] =	wrdreg $0x0  }
0xae: {  	s5 =	sshll.u32 s28, $0x1;
	[dreg:$0x2] =	wrdreg s3  }
0xaf: {  	[dreg:$0x3] =	wrdreg s5  }
0xb0: {  	[dreg:$0x4] =	wrdreg $0xC0  }
0xb1: {  	_ =	task [dreg:s7], $0x5FFFF  }
0xb2: {  	[dreg:$0x1] =	wrdreg $0xFFFFFFFF  }
0xb3: {  	[dreg:$0x0] =	wrdreg $0x60  }
0xb4: {  	[dreg:$0x2] =	wrdreg s24  }
0xb5: {  	[dreg:$0x3] =	wrdreg s16  }
0xb6: {  	[dreg:$0x4] =	wrdreg $0x1B8800  }
0xb7: {  	[dreg:$0x5] =	wrdreg $0x9  }
0xb8: {  	_ =	task.clear_ibuf [dreg:s7], $0x6FFFF;
	_ =	strace $0x90000046  }
0xb9: {  	s29 =	simm.s32 $0x9;
	_ =	strace $0x80000048  }
0xba: {  	_ =	swait.ge [sflag:s29], $0x1  }
0xbb: {  	[sflag:s29] =	ssyncadd.s32 $0xFFFFFFFF  }
0xbc: {  	_ =	strace $0x90000048  }
0xbd: {  	_ =	sfence  }
0xbe: {  	s30 =	sld [smem:$0x0];
	_ =	sdelay $0x2  }
0xbf: {  	s31 =	sshll.u32 s1, $0xD;
	s1 =	sshrl.u32 s1, $0x2  }
0xc0: {  	s3 =	sand.u32 $0x4000, s31;
	s1 =	sadd.s32 s1, s30  }
0xc1: {  	s0 =	sor.u32 s3, s0;
	s1 =	sshll.u32 s1, $0x11  }
0xc2: {  	s0 =	sor.u32 s1, s0  }
0xc3: {  	s0 =	sadd.s32 $0x8F2B, s0  }
0xc4: {  	[sflag:s0] =	ssyncadd.remote.s32 $0x1  }
0xc5: {  	_ =	sfence.sel $0xFFFF  }
0xc6: {  	[dreg:$0x0] =	wrdreg $0xFFFFFFFF;
	(pc) =	sbr.abs _section_cstart, $3  }
0xc7: {  	[dreg:$0x1] =	wrdreg $0xFFFFFFFF  }
0xc8: {  	_ =	task.clear_ibuf [dreg:s7], $0x2FFFF;
	_ =	strace $0x9FFFFFFF  }
0xc9: {  	(tm) =	ssettm $0x7FFFFFFF  }
tec
execute0_lowered:
.L_overlay_start_1:
0x0: {  	(tag) =	ssettag $0x1  }
0x1: {  	s0 =	srdreg.scid;
	s5 =	rddreg [dreg:$0x0]  }
0x2: {  	s6 =	stileid.u32;
	s7 =	rddreg [dreg:$0x1];
	s3 =	simm.s32 $0x0  }
0x3: {  	s29 =	simm.s32 $0xC;
	s30 =	simm.s32 $0x80;
	s31 =	simm.s32 $0xD  }
0x4: {  	s0 =	sand.u32 $0x1, s0;
	[smem:$0x7FF] =	sst s3;
	s4 =	sadd.s32 $0x1200, s5  }
0x5: {  	s10 =	sadd.s32 $0xE00, s5;
	s17 =	sadd.s32 $0x1000, s5;
	s18 =	sadd.s32 $0x800, s5  }
0x6: {  	s19 =	sadd.s32 $0xB400, s5;
	s20 =	sshll.u32 s6, $0x4;
	s1 =	sshll.u32 s0, $0x4  }
0x7: {  	s12 =	sadd.s32 $0x42A00, s5;
	s8 =	sor.u32 s6, s1;
	s1 =	rddreg [dreg:$0x2]  }
0x8: {  	s28 =	smul.u32 $0x2900, s6;
	_ =	strace $0x80000047;
	[dreg:$0x5] =	wrdreg s10  }
0x9: {  	p0 =	sne.s32 s6, $0x0;
	s11 =	ssub.s32 $0x2, s0;
	[dreg:$0x6] =	wrdreg s17  }
0xa: {  	s21 =	sand.u32 $0x70, s20;
	s24 =	smul.u32 $0x500, s0;
	[dreg:$0x7] =	wrdreg s18  }
0xb: {  	s0 =	smul.u32 $0x29000, s0;
	s20 =	simm.s32 $0x16000;
	[dreg:$0x8] =	wrdreg s19  }
0xc: {  	[dreg:$0x9] =	wrdreg s12;
	s13 =	sshrl.u32 s11, $0x1;
	s2 =	smul.u32 $0x2C00, s8  }
0xd: {  	s10 =	sadd.s32 $0x43000, s5;
	s11 =	ssub.s32 s11, s13;
	s8 =	sshll.u32 s8, $0x4  }
0xe: {  	s7 =	sadd.s32 s7, s24;
	s0 =	sadd.s32 s28, s0;
	s9 =	sshrl.u32 s2, $0x3  }
0xf: {  	s19 =	sshrl.u32 @!p0 s1, $0x3;
	[dreg:$0xf] =	wrdreg s7;
	s9 =	sadd.s32 s9, s5  }
0x10: {  	s24 =	simm.s32 $0xA;
	[dreg:$0x4] =	wrdreg s0;
	s22 =	sadd.s32 $0x21A00, s9  }
0x11: {  	s8 =	sand.u32 $0x180, s8;
	s23 =	sadd.s32 $0x37A00, s9;
	[dreg:$0xa] =	wrdreg s22  }
0x12: {  	s18 =	smax.u32 s11, $0x1;
	s25 =	sadd.s32 $0x2CA00, s9;
	[dreg:$0xb] =	wrdreg s23  }
0x13: {  	s0 =	simm.s32 $0x0;
	s26 =	sadd.s32 $0xBA00, s9;
	[dreg:$0xc] =	wrdreg s25  }
0x14: {  	s5 =	sadd.s32 s21, s5;
	s9 =	sadd.s32 $0x16A00, s9;
	[dreg:$0xd] =	wrdreg s26  }
0x15: {  	s21 =	simm.s32 $0x16400;
	s5 =	sadd.s32 s8, s5;
	[dreg:$0xe] =	wrdreg s9  }
0x16: {  	s5 =	sadd.s32 $0x4E000, s5;
	s22 =	simm.s32 $0x16800;
	s23 =	simm.s32 $0x19000  }
0x17: {  	s25 =	simm.s32 $0xB;
	s26 =	simm.s32 $0x9;
	[dreg:$0x10] =	wrdreg s5  }
.LBB2_1:
0x18: {  	s5 =	simm.s32 @!p0 $0x1C0D;
	s6 =	rddreg [dreg:$0x9]  }
0x19: {  	[spmem:s19], [sflag:s5] =	dma.local @!p0 [hbm:s6], $0x500  }
0x1a: {  	s5 =	simm.s32 @!p0 $0xD  }
0x1b: {  	_ =	swait.ge @!p0 [sflag:s5], $0x500  }
0x1c: {  	[sflag:s5] =	ssyncset.done @!p0 $0x0  }
0x1d: {  	[sflag:s5] =	ssyncadd.s32 @!p0 $0xFFFFFB00  }
0x1e: {  	[bflag:$0x0] =	sbarrier.arrive $0xFFFF  }
0x1f: {  	s11 =	rddreg [dreg:$0xa]  }
0x20: {  	[tilespmem:s3], [sflag:$0xC] =	stream.linear.gather [hbm4b:s11+s3], $0x2900, $0x38;
	[tilespmem:$0x1BB00] =	vst v63  }
0x21: {  	s12 =	rddreg [dreg:$0x5]  }
0x22: {  	[tilespmem:s20], [sflag:$0xA] =	stream.linear.gather [hbm4b:s12+s3], $0x400, $0x38;
	[tilespmem:$0x1BB00] =	vst v63  }
0x23: {  	s13 =	rddreg [dreg:$0x6]  }
0x24: {  	[tilespmem:s21], [sflag:$0xA] =	stream.linear.gather [hbm4b:s13+s3], $0x400, $0x38;
	[tilespmem:$0x1BB00] =	vst v63  }
0x25: {  	s14 =	rddreg [dreg:$0x7]  }
0x26: {  	[tilespmem:s22], [sflag:$0xA] =	stream.linear.gather [hbm4b:s14+s3], $0x2800, $0x38;
	[tilespmem:$0x1BB00] =	vst v63  }
0x27: {  	s15 =	rddreg [dreg:$0x8]  }
0x28: {  	[tilespmem:s23], [sflag:$0xA] =	stream.linear.gather [hbm4b:s15+s3], $0x2800, $0x38;
	[tilespmem:$0x1BB00] =	vst v63  }
0x29: {  	s17 =	simm.s32 $0x5800;
	s16 =	rddreg [dreg:$0xb]  }
0x2a: {  	[tilespmem:s17], [sflag:$0xA] =	stream.linear.gather [hbm4b:s16+s3], $0x2900, $0x38;
	[tilespmem:$0x1BB00] =	vst v63  }
0x2b: {  	s8 =	simm.s32 $0x8400;
	s7 =	rddreg [dreg:$0xc]  }
0x2c: {  	[tilespmem:s8], [sflag:$0xA] =	stream.linear.gather [hbm4b:s7+s3], $0x2900, $0x38;
	[tilespmem:$0x1BB00] =	vst v63  }
0x2d: {  	s9 =	rddreg [dreg:$0xd];
	s11 =	simm.s32 $0xB000  }
0x2e: {  	[tilespmem:s11], [sflag:$0xA] =	stream.linear.gather [hbm4b:s9+s3], $0x2900, $0x38;
	[tilespmem:$0x1BB00] =	vst v63  }
0x2f: {  	s12 =	rddreg [dreg:$0xe];
	s13 =	simm.s32 $0xDC00  }
0x30: {  	[tilespmem:s13], [sflag:$0xA] =	stream.linear.gather [hbm4b:s12+s3], $0x2900, $0x38;
	[tilespmem:$0x1BB00] =	vst v63  }
0x31: {  	_ =	swait.ge [sflag:s29], $0x2900  }
0x32: {  	[sflag:s29] =	ssyncset.done $0x0  }
0x33: {  	s14 =	simm.s32 $0x2C00;
	[sflag:s29] =	ssyncadd.s32 $0xFFFFD700  }
0x34: {  	[tilespmem:s14], [sflag:$0x1] =	stream.indirect.gather [hbm4b:s4+s30], $0x1, s3, s30, $0xb8;
	[tilespmem:$0x1BB00] =	vst v63  }
0x35: {  	s15 =	simm.s32 $0x2C80  }
0x36: {  	[tilespmem:s15], [sflag:$0x2] =	stream.indirect.gather [hbm4b:s4+s30], $0x1, s30, s30, $0xb8;
	[tilespmem:$0x1BB00] =	vst v63  }
0x37: {  	s16 =	simm.s32 $0x100;
	s17 =	simm.s32 $0x2D00  }
0x38: {  	[tilespmem:s17], [sflag:$0x3] =	stream.indirect.gather [hbm4b:s4+s30], $0x1, s16, s30, $0xb8;
	[tilespmem:$0x1BB00] =	vst v63  }
0x39: {  	s7 =	simm.s32 $0x180;
	s8 =	simm.s32 $0x2D80  }
0x3a: {  	[tilespmem:s8], [sflag:$0x4] =	stream.indirect.gather [hbm4b:s4+s30], $0x1, s7, s30, $0xb8;
	[tilespmem:$0x1BB00] =	vst v63  }
0x3b: {  	s9 =	simm.s32 $0x200;
	s11 =	simm.s32 $0x2E00  }
0x3c: {  	[tilespmem:s11], [sflag:$0x5] =	stream.indirect.gather [hbm4b:s4+s30], $0x1, s9, s30, $0xb8;
	[tilespmem:$0x1BB00] =	vst v63  }
0x3d: {  	s12 =	simm.s32 $0x280;
	s13 =	simm.s32 $0x2E80  }
0x3e: {  	[tilespmem:s13], [sflag:$0x6] =	stream.indirect.gather [hbm4b:s4+s30], $0x1, s12, s30, $0xb8;
	[tilespmem:$0x1BB00] =	vst v63  }
0x3f: {  	s14 =	simm.s32 $0x300;
	s15 =	simm.s32 $0x2F00  }
0x40: {  	[tilespmem:s15], [sflag:$0x7] =	stream.indirect.gather [hbm4b:s4+s30], $0x1, s14, s30, $0xb8;
	[tilespmem:$0x1BB00] =	vst v63  }
0x41: {  	s16 =	simm.s32 $0x380;
	s17 =	simm.s32 $0x2F80  }
0x42: {  	[tilespmem:s17], [sflag:$0x8] =	stream.indirect.gather [hbm4b:s4+s30], $0x1, s16, s30, $0xb8;
	[tilespmem:$0x1BB00] =	vst v63  }
0x43: {  	_ =	swait.ge [sflag:s24], $0x400  }
0x44: {  	[sflag:s24] =	ssyncset.done $0x0  }
0x45: {  	[sflag:s24] =	ssyncadd.s32 $0xFFFFFC00  }
0x46: {  	_ =	swait.ge [sflag:s24], $0x400  }
0x47: {  	[sflag:s24] =	ssyncset.done $0x0  }
0x48: {  	[sflag:s24] =	ssyncadd.s32 $0xFFFFFC00  }
0x49: {  	_ =	swait.ge [sflag:s24], $0x2800  }
0x4a: {  	[sflag:s24] =	ssyncset.done $0x0  }
0x4b: {  	[sflag:s24] =	ssyncadd.s32 $0xFFFFD800  }
0x4c: {  	_ =	swait.ge [sflag:s24], $0x2800  }
0x4d: {  	[sflag:s24] =	ssyncset.done $0x0  }
0x4e: {  	[sflag:s24] =	ssyncadd.s32 $0xFFFFD800  }
0x4f: {  	_ =	swait.ge [sflag:s24], $0x2900  }
0x50: {  	[sflag:s24] =	ssyncset.done $0x0  }
0x51: {  	[sflag:s24] =	ssyncadd.s32 $0xFFFFD700  }
0x52: {  	_ =	swait.ge [sflag:s24], $0x2900  }
0x53: {  	[sflag:s24] =	ssyncset.done $0x0  }
0x54: {  	[sflag:s24] =	ssyncadd.s32 $0xFFFFD700  }
0x55: {  	_ =	swait.ge [sflag:s24], $0x2900  }
0x56: {  	[sflag:s24] =	ssyncset.done $0x0  }
0x57: {  	[sflag:s24] =	ssyncadd.s32 $0xFFFFD700  }
0x58: {  	_ =	swait.ge [sflag:s24], $0x2900  }
0x59: {  	s28 =	simm.s32 $0x9;
	s6 =	simm.s32 $0x0;
	[sflag:s24] =	ssyncset.done $0x0  }
0x5a: {  	v0 =	vimm.f32 $0.0e+00;
	s5 =	simm.s32 $0x0;
	s7 =	simm.s32 $0x0;
	[sflag:s24] =	ssyncadd.s32 $0xFFFFD700  }
.LBB2_2:
0x5b: {  	s8 =	sadd.s32 $0xFFFFFFFF, s28  }
0x5c: {  	s8 =	sand.u32 $0x6, s8  }
0x5d: {  	s14 =	sor.u32 $0x1, s8  }
0x5e: {  	_ =	swait.ge [sflag:s14], $0x80  }
0x5f: {  	[sflag:s14] =	ssyncset.done $0x0  }
0x60: {  	s8 =	sshra.s32 s5, $0x2;
	[sflag:s14] =	ssyncadd.s32 $0xFFFFFF80  }
0x61: {  	v1 =	vld [tilespmem:s8+$0x5800];
	_ =	sdelay $0x6  }
0x62: {  	v2 =	vld [tilespmem:s8+$0x2C00]  }
0x63: {  	v3 =	vld.idx.msk [tilespmem:v1+s22+$0x0], $0xffff;
	_ =	sdelay $0x3  }
0x64: {  	v2 =	vshll.u32 v2, $0x2  }
0x65: {  	v3 =	vshll.u32 v3, $0x2;
	_ =	sdelay $0x3  }
0x66: {  	v4 =	vld.idx.msk [tilespmem:v2+s20+$0x0], $0xffff  }
0x67: {  	v5 =	vld.idx.msk [tilespmem:v3+s21+$0x0], $0xffff;
	_ =	sdelay $0x4  }
0x68: {  	v4 =	vadd.f32 v5, v4;
	_ =	sdelay $0x1  }
0x69: {  	v19 =	vor.u32 $0x1, v2;
	v4 =	vsub.f32 $0.0e+00, v4  }
0x6a: {  	v6 =	vor.u32 $0x1, v3  }
0x6b: {  	v4 =	vmul.f32 $1.442695020e+00, v4;
	_ =	sdelay $0x1  }
0x6c: {  	(erf) = vpow2.f32 v4  }
0x6d: {  	v20 =	vld.idx.msk [tilespmem:v19+s20+$0x0], $0xffff  }
0x6e: {  	v21 =	vld.idx.msk [tilespmem:v6+s21+$0x0], $0xffff;
	_ =	sdelay $0x4  }
0x6f: {  	v4 =	vadd.f32 v21, v20;
	_ =	sdelay $0x1  }
0x70: {  	v22 =	vor.u32 $0x2, v2;
	v4 =	vsub.f32 $0.0e+00, v4;
	v23 =	vpop (erf)  }
0x71: {  	v7 =	vor.u32 $0x2, v3;
	v6 =	vadd.f32 $1.000000000e+00, v23  }
0x72: {  	v4 =	vmul.f32 $1.442695020e+00, v4  }
0x73: {  	(erf) = vrcp.f32 v6  }
0x74: {  	(erf) = vpow2.f32 v4  }
0x75: {  	v24 =	vld.idx.msk [tilespmem:v22+s20+$0x0], $0xffff  }
0x76: {  	v25 =	vld.idx.msk [tilespmem:v7+s21+$0x0], $0xffff;
	_ =	sdelay $0x4  }
0x77: {  	v4 =	vadd.f32 v25, v24  }
0x78: {  	v26 =	vpop (erf)  }
0x79: {  	v2 =	vor.u32 $0x3, v2;
	v4 =	vsub.f32 $0.0e+00, v4;
	v27 =	vpop (erf)  }
0x7a: {  	v3 =	vor.u32 $0x3, v3;
	v6 =	vadd.f32 $1.000000000e+00, v27  }
0x7b: {  	v4 =	vmul.f32 $1.442695020e+00, v4  }
0x7c: {  	(erf) = vrcp.f32 v6  }
0x7d: {  	(erf) = vpow2.f32 v4  }
0x7e: {  	v2 =	vld.idx.msk [tilespmem:v2+s20+$0x0], $0xffff  }
0x7f: {  	v3 =	vld.idx.msk [tilespmem:v3+s21+$0x0], $0xffff;
	_ =	sdelay $0x4  }
0x80: {  	v2 =	vadd.f32 v3, v2  }
0x81: {  	v3 =	vpop (erf)  }
0x82: {  	v2 =	vsub.f32 $0.0e+00, v2;
	v4 =	vpop (erf)  }
0x83: {  	v4 =	vadd.f32 $1.000000000e+00, v4  }
0x84: {  	v2 =	vmul.f32 $1.442695020e+00, v2  }
0x85: {  	(erf) = vrcp.f32 v4  }
0x86: {  	(erf) = vpow2.f32 v2;
	_ =	sdelay $0x3  }
0x87: {  	v2 =	vld [tilespmem:s8+$0x8400];
	_ =	sdelay $0x3  }
0x88: {  	v4 =	vpop (erf)  }
0x89: {  	v28 =	vpop (erf)  }
0x8a: {  	v6 =	vadd.f32 $1.000000000e+00, v28  }
0x8b: {  	v29 =	vld [tilespmem:s8+$0xB000]  }
0x8c: {  	v2 =	vld.idx.msk [tilespmem:v2+s23+$0x0], $0xffff;
	(erf) = vrcp.f32 v6;
	_ =	sdelay $0x1  }
0x8d: {  	v1 =	vld.idx.msk [tilespmem:v1+s23+$0x0], $0xffff;
	_ =	sdelay $0x2  }
0x8e: {  	v2 =	vsub.f32 v29, v2;
	_ =	sdelay $0x1  }
0x8f: {  	v30 =	vld [tilespmem:s8+$0x5810];
	v1 =	vadd.f32 v2, v1;
	_ =	sdelay $0x1  }
0x90: {  	v2 =	vmul.f32 v3, v2;
	v3 =	vmul.f32 v4, v1;
	v8 =	vpop (erf)  }
0x91: {  	v6 =	vmul.f32 v8, v29  }
0x92: {  	v2 =	vadd.f32 v3, v2  }
0x93: {  	v1 =	vadd.f32 v6, v26  }
0x94: {  	[tilespmem:s8+$0x13400] =	vst v2  }
0x95: {  	v2 =	vld [tilespmem:s8+$0x2C10];
	[tilespmem:s8+$0x10800] =	vst v1  }
0x96: {  	v3 =	vld.idx.msk [tilespmem:v30+s22+$0x0], $0xffff;
	_ =	sdelay $0x3  }
0x97: {  	v31 =	vshll.u32 v2, $0x2  }
0x98: {  	v32 =	vshll.u32 v3, $0x2;
	_ =	sdelay $0x3  }
0x99: {  	v2 =	vld.idx.msk [tilespmem:v31+s20+$0x0], $0xffff  }
0x9a: {  	v3 =	vld.idx.msk [tilespmem:v32+s21+$0x0], $0xffff;
	_ =	sdelay $0x4  }
0x9b: {  	v2 =	vadd.f32 v3, v2;
	_ =	sdelay $0x1  }
0x9c: {  	v33 =	vor.u32 $0x1, v32;
	v2 =	vsub.f32 $0.0e+00, v2  }
0x9d: {  	v3 =	vor.u32 $0x1, v31  }
0x9e: {  	v34 =	vld [tilespmem:s8+$0x8410];
	v2 =	vmul.f32 $1.442695020e+00, v2;
	_ =	sdelay $0x1  }
0x9f: {  	(erf) = vpow2.f32 v2  }
0xa0: {  	v6 =	vld.idx.msk [tilespmem:v33+s21+$0x0], $0xffff  }
0xa1: {  	v10 =	vor.u32 $0x2, v31;
	v9 =	vld.idx.msk [tilespmem:v3+s20+$0x0], $0xffff  }
0xa2: {  	v4 =	vor.u32 $0x3, v31  }
0xa3: {  	v11 =	vld [tilespmem:s8+$0xB010];
	v12 =	vor.u32 $0x2, v32  }
0xa4: {  	v7 =	vld.idx.msk [tilespmem:v30+s23+$0x0], $0xffff;
	v5 =	vor.u32 $0x3, v32  }
0xa5: {  	v8 =	vld.idx.msk [tilespmem:v34+s23+$0x0], $0xffff  }
0xa6: {  	v35 =	vld.idx.msk [tilespmem:v10+s20+$0x0], $0xffff;
	v6 =	vadd.f32 v6, v9  }
0xa7: {  	v4 =	vld.idx.msk [tilespmem:v4+s20+$0x0], $0xffff  }
0xa8: {  	v36 =	vld.idx.msk [tilespmem:v12+s21+$0x0], $0xffff;
	v6 =	vsub.f32 $0.0e+00, v6;
	v37 =	vpop (erf)  }
0xa9: {  	v5 =	vld.idx.msk [tilespmem:v5+s21+$0x0], $0xffff;
	v12 =	vadd.f32 $1.000000000e+00, v37  }
0xaa: {  	v3 =	vld [tilespmem:s8+$0xDC10];
	v6 =	vmul.f32 $1.442695020e+00, v6  }
0xab: {  	s9 =	rddreg [dreg:$0x4];
	v2 =	vld [tilespmem:s8+$0xDC00];
	(erf) = vrcp.f32 v12  }
0xac: {  	(erf) = vpow2.f32 v6;
	_ =	sdelay $0x6  }
0xad: {  	v38 =	vadd.f32 v36, v35  }
0xae: {  	v39 =	vpop (erf)  }
0xaf: {  	v6 =	vsub.f32 $0.0e+00, v38;
	v40 =	vpop (erf)  }
0xb0: {  	v10 =	vadd.f32 $1.000000000e+00, v40  }
0xb1: {  	v6 =	vmul.f32 $1.442695020e+00, v6  }
0xb2: {  	(erf) = vrcp.f32 v10  }
0xb3: {  	(erf) = vpow2.f32 v6;
	_ =	sdelay $0x6  }
0xb4: {  	v4 =	vadd.f32 v5, v4  }
0xb5: {  	v41 =	vpop (erf)  }
0xb6: {  	v4 =	vsub.f32 $0.0e+00, v4;
	v6 =	vpop (erf)  }
0xb7: {  	v6 =	vadd.f32 $1.000000000e+00, v6  }
0xb8: {  	v4 =	vmul.f32 $1.442695020e+00, v4  }
0xb9: {  	(erf) = vrcp.f32 v6  }
0xba: {  	(erf) = vpow2.f32 v4;
	_ =	sdelay $0x7  }
0xbb: {  	v42 =	vpop (erf)  }
0xbc: {  	v43 =	vpop (erf)  }
0xbd: {  	v6 =	vadd.f32 $1.000000000e+00, v43;
	_ =	sdelay $0x1  }
0xbe: {  	(erf) = vrcp.f32 v6;
	_ =	sdelay $0x4  }
0xbf: {  	v44 =	vsub.f32 v11, v8;
	_ =	sdelay $0x1  }
0xc0: {  	v7 =	vadd.f32 v44, v7;
	v45 =	vld [tilespmem:s8+$0x5820];
	_ =	sdelay $0x1  }
0xc1: {  	v5 =	vmul.f32 v41, v44;
	v47 =	vmul.f32 v42, v7;
	v46 =	vpop (erf)  }
0xc2: {  	v10 =	vmul.f32 v46, v11  }
0xc3: {  	v5 =	vadd.f32 v47, v5  }
0xc4: {  	v4 =	vadd.f32 v10, v39  }
0xc5: {  	[tilespmem:s8+$0x13410] =	vst v5  }
0xc6: {  	v48 =	vld [tilespmem:s8+$0x2C20];
	[tilespmem:s8+$0x10810] =	vst v4  }
0xc7: {  	v49 =	vld.idx.msk [tilespmem:v45+s22+$0x0], $0xffff;
	_ =	sdelay $0x3  }
0xc8: {  	v5 =	vshll.u32 v48, $0x2  }
0xc9: {  	v6 =	vshll.u32 v49, $0x2;
	_ =	sdelay $0x3  }
0xca: {  	v50 =	vld.idx.msk [tilespmem:v5+s20+$0x0], $0xffff  }
0xcb: {  	v51 =	vld.idx.msk [tilespmem:v6+s21+$0x0], $0xffff;
	_ =	sdelay $0x4  }
0xcc: {  	v7 =	vadd.f32 v51, v50;
	_ =	sdelay $0x1  }
0xcd: {  	v52 =	vor.u32 $0x1, v5;
	v7 =	vsub.f32 $0.0e+00, v7  }
0xce: {  	v53 =	vor.u32 $0x1, v6  }
0xcf: {  	v7 =	vmul.f32 $1.442695020e+00, v7;
	_ =	sdelay $0x1  }
0xd0: {  	(erf) = vpow2.f32 v7  }
0xd1: {  	v54 =	vld.idx.msk [tilespmem:v52+s20+$0x0], $0xffff  }
0xd2: {  	v55 =	vld.idx.msk [tilespmem:v53+s21+$0x0], $0xffff;
	_ =	sdelay $0x4  }
0xd3: {  	v7 =	vadd.f32 v55, v54;
	_ =	sdelay $0x1  }
0xd4: {  	v56 =	vor.u32 $0x2, v5;
	v7 =	vsub.f32 $0.0e+00, v7;
	v57 =	vpop (erf)  }
0xd5: {  	v58 =	vor.u32 $0x2, v6;
	v10 =	vadd.f32 $1.000000000e+00, v57  }
0xd6: {  	v7 =	vmul.f32 $1.442695020e+00, v7  }
0xd7: {  	(erf) = vrcp.f32 v10  }
0xd8: {  	(erf) = vpow2.f32 v7  }
0xd9: {  	v59 =	vld.idx.msk [tilespmem:v56+s20+$0x0], $0xffff  }
0xda: {  	v60 =	vld.idx.msk [tilespmem:v58+s21+$0x0], $0xffff;
	_ =	sdelay $0x4  }
0xdb: {  	v7 =	vadd.f32 v60, v59  }
0xdc: {  	v61 =	vpop (erf)  }
0xdd: {  	v5 =	vor.u32 $0x3, v5;
	v7 =	vsub.f32 $0.0e+00, v7;
	v62 =	vpop (erf)  }
0xde: {  	v6 =	vor.u32 $0x3, v6;
	v10 =	vadd.f32 $1.000000000e+00, v62  }
0xdf: {  	v7 =	vmul.f32 $1.442695020e+00, v7  }
0xe0: {  	(erf) = vrcp.f32 v10  }
0xe1: {  	(erf) = vpow2.f32 v7  }
0xe2: {  	v5 =	vld.idx.msk [tilespmem:v5+s20+$0x0], $0xffff  }
0xe3: {  	v6 =	vld.idx.msk [tilespmem:v6+s21+$0x0], $0xffff;
	_ =	sdelay $0x4  }
0xe4: {  	v5 =	vadd.f32 v6, v5  }
0xe5: {  	v63 =	vpop (erf)  }
0xe6: {  	v5 =	vsub.f32 $0.0e+00, v5;
	v7 =	vpop (erf)  }
0xe7: {  	v7 =	vadd.f32 $1.000000000e+00, v7  }
0xe8: {  	v5 =	vmul.f32 $1.442695020e+00, v5  }
0xe9: {  	(erf) = vrcp.f32 v7  }
0xea: {  	(erf) = vpow2.f32 v5;
	_ =	sdelay $0x3  }
0xeb: {  	v14 =	vld [tilespmem:s8+$0x8420];
	_ =	sdelay $0x3  }
0xec: {  	v7 =	vpop (erf)  }
0xed: {  	v15 =	vpop (erf)  }
0xee: {  	v10 =	vadd.f32 $1.000000000e+00, v15  }
0xef: {  	v16 =	vld [tilespmem:s8+$0xB020]  }
0xf0: {  	v5 =	vld.idx.msk [tilespmem:v14+s23+$0x0], $0xffff;
	(erf) = vrcp.f32 v10;
	_ =	sdelay $0x1  }
0xf1: {  	v8 =	vld.idx.msk [tilespmem:v45+s23+$0x0], $0xffff;
	_ =	sdelay $0x2  }
0xf2: {  	v5 =	vsub.f32 v16, v5;
	_ =	sdelay $0x1  }
0xf3: {  	v17 =	vld [tilespmem:s8+$0x5830];
	v8 =	vadd.f32 v5, v8;
	_ =	sdelay $0x1  }
0xf4: {  	v6 =	vmul.f32 v63, v5;
	v7 =	vmul.f32 v7, v8;
	v12 =	vpop (erf)  }
0xf5: {  	v10 =	vmul.f32 v12, v16  }
0xf6: {  	v6 =	vadd.f32 v7, v6  }
0xf7: {  	v5 =	vadd.f32 v10, v61  }
0xf8: {  	[tilespmem:s8+$0x13420] =	vst v6  }
0xf9: {  	v18 =	vld [tilespmem:s8+$0x2C30];
	[tilespmem:s8+$0x10820] =	vst v5  }
0xfa: {  	v19 =	vld.idx.msk [tilespmem:v17+s22+$0x0], $0xffff;
	_ =	sdelay $0x3  }
0xfb: {  	v6 =	vshll.u32 v18, $0x2  }
0xfc: {  	v7 =	vshll.u32 v19, $0x2;
	_ =	sdelay $0x3  }
0xfd: {  	v20 =	vld.idx.msk [tilespmem:v6+s20+$0x0], $0xffff  }
0xfe: {  	v21 =	vld.idx.msk [tilespmem:v7+s21+$0x0], $0xffff;
	_ =	sdelay $0x4  }
0xff: {  	v8 =	vadd.f32 v21, v20;
	_ =	sdelay $0x1  }
0x100: {  	v22 =	vor.u32 $0x1, v6;
	v8 =	vsub.f32 $0.0e+00, v8  }
0x101: {  	v23 =	vor.u32 $0x1, v7  }
0x102: {  	v8 =	vmul.f32 $1.442695020e+00, v8;
	_ =	sdelay $0x1  }
0x103: {  	(erf) = vpow2.f32 v8  }
0x104: {  	v24 =	vld.idx.msk [tilespmem:v22+s20+$0x0], $0xffff  }
0x105: {  	v25 =	vld.idx.msk [tilespmem:v23+s21+$0x0], $0xffff;
	_ =	sdelay $0x4  }
0x106: {  	v8 =	vadd.f32 v25, v24;
	_ =	sdelay $0x1  }
0x107: {  	v26 =	vor.u32 $0x2, v6;
	v8 =	vsub.f32 $0.0e+00, v8;
	v27 =	vpop (erf)  }
0x108: {  	v28 =	vor.u32 $0x2, v7;
	v10 =	vadd.f32 $1.000000000e+00, v27  }
0x109: {  	v8 =	vmul.f32 $1.442695020e+00, v8  }
0x10a: {  	(erf) = vrcp.f32 v10  }
0x10b: {  	(erf) = vpow2.f32 v8  }
0x10c: {  	v29 =	vld.idx.msk [tilespmem:v26+s20+$0x0], $0xffff  }
0x10d: {  	v30 =	vld.idx.msk [tilespmem:v28+s21+$0x0], $0xffff;
	_ =	sdelay $0x4  }
0x10e: {  	v8 =	vadd.f32 v30, v29  }
0x10f: {  	v31 =	vpop (erf)  }
0x110: {  	v6 =	vor.u32 $0x3, v6;
	v8 =	vsub.f32 $0.0e+00, v8;
	v32 =	vpop (erf)  }
0x111: {  	v7 =	vor.u32 $0x3, v7;
	v10 =	vadd.f32 $1.000000000e+00, v32  }
0x112: {  	v8 =	vmul.f32 $1.442695020e+00, v8  }
0x113: {  	(erf) = vrcp.f32 v10  }
0x114: {  	(erf) = vpow2.f32 v8  }
0x115: {  	v6 =	vld.idx.msk [tilespmem:v6+s20+$0x0], $0xffff  }
0x116: {  	v7 =	vld.idx.msk [tilespmem:v7+s21+$0x0], $0xffff;
	_ =	sdelay $0x4  }
0x117: {  	v6 =	vadd.f32 v7, v6  }
0x118: {  	v33 =	vpop (erf)  }
0x119: {  	v6 =	vsub.f32 $0.0e+00, v6;
	v8 =	vpop (erf)  }
0x11a: {  	v8 =	vadd.f32 $1.000000000e+00, v8  }
0x11b: {  	v6 =	vmul.f32 $1.442695020e+00, v6  }
0x11c: {  	(erf) = vrcp.f32 v8  }
0x11d: {  	(erf) = vpow2.f32 v6;
	_ =	sdelay $0x3  }
0x11e: {  	v34 =	vld [tilespmem:s8+$0x8430];
	_ =	sdelay $0x3  }
0x11f: {  	v8 =	vpop (erf)  }
0x120: {  	v35 =	vpop (erf)  }
0x121: {  	v10 =	vadd.f32 $1.000000000e+00, v35  }
0x122: {  	v36 =	vld [tilespmem:s8+$0xB030]  }
0x123: {  	v6 =	vld.idx.msk [tilespmem:v34+s23+$0x0], $0xffff;
	(erf) = vrcp.f32 v10;
	_ =	sdelay $0x1  }
0x124: {  	v11 =	vld.idx.msk [tilespmem:v17+s23+$0x0], $0xffff;
	_ =	sdelay $0x2  }
0x125: {  	v6 =	vsub.f32 v36, v6;
	_ =	sdelay $0x1  }
0x126: {  	v37 =	vld [tilespmem:s8+$0x5840];
	v11 =	vadd.f32 v6, v11;
	_ =	sdelay $0x1  }
0x127: {  	v7 =	vmul.f32 v33, v6;
	v8 =	vmul.f32 v8, v11;
	v13 =	vpop (erf)  }
0x128: {  	v10 =	vmul.f32 v13, v36  }
0x129: {  	v7 =	vadd.f32 v8, v7  }
0x12a: {  	v6 =	vadd.f32 v10, v31  }
0x12b: {  	[tilespmem:s8+$0x13430] =	vst v7  }
0x12c: {  	v38 =	vld [tilespmem:s8+$0x2C40];
	[tilespmem:s8+$0x10830] =	vst v6  }
0x12d: {  	v39 =	vld.idx.msk [tilespmem:v37+s22+$0x0], $0xffff;
	_ =	sdelay $0x3  }
0x12e: {  	v7 =	vshll.u32 v38, $0x2  }
0x12f: {  	v8 =	vshll.u32 v39, $0x2;
	_ =	sdelay $0x3  }
0x130: {  	v40 =	vld.idx.msk [tilespmem:v7+s20+$0x0], $0xffff  }
0x131: {  	v41 =	vld.idx.msk [tilespmem:v8+s21+$0x0], $0xffff;
	_ =	sdelay $0x4  }
0x132: {  	v9 =	vadd.f32 v41, v40;
	_ =	sdelay $0x1  }
0x133: {  	v42 =	vor.u32 $0x1, v7;
	v9 =	vsub.f32 $0.0e+00, v9  }
0x134: {  	v43 =	vor.u32 $0x1, v8  }
0x135: {  	v9 =	vmul.f32 $1.442695020e+00, v9;
	_ =	sdelay $0x1  }
0x136: {  	(erf) = vpow2.f32 v9  }
0x137: {  	v44 =	vld.idx.msk [tilespmem:v42+s20+$0x0], $0xffff  }
0x138: {  	v45 =	vld.idx.msk [tilespmem:v43+s21+$0x0], $0xffff;
	_ =	sdelay $0x4  }
0x139: {  	v9 =	vadd.f32 v45, v44;
	_ =	sdelay $0x1  }
0x13a: {  	v46 =	vor.u32 $0x2, v7;
	v9 =	vsub.f32 $0.0e+00, v9;
	v47 =	vpop (erf)  }
0x13b: {  	v48 =	vor.u32 $0x2, v8;
	v11 =	vadd.f32 $1.000000000e+00, v47  }
0x13c: {  	v9 =	vmul.f32 $1.442695020e+00, v9  }
0x13d: {  	(erf) = vrcp.f32 v11  }
0x13e: {  	(erf) = vpow2.f32 v9  }
0x13f: {  	v49 =	vld.idx.msk [tilespmem:v46+s20+$0x0], $0xffff  }
0x140: {  	v50 =	vld.idx.msk [tilespmem:v48+s21+$0x0], $0xffff;
	_ =	sdelay $0x4  }
0x141: {  	v9 =	vadd.f32 v50, v49  }
0x142: {  	v51 =	vpop (erf)  }
0x143: {  	v7 =	vor.u32 $0x3, v7;
	v9 =	vsub.f32 $0.0e+00, v9;
	v52 =	vpop (erf)  }
0x144: {  	v8 =	vor.u32 $0x3, v8;
	v11 =	vadd.f32 $1.000000000e+00, v52  }
0x145: {  	v9 =	vmul.f32 $1.442695020e+00, v9  }
0x146: {  	(erf) = vrcp.f32 v11  }
0x147: {  	(erf) = vpow2.f32 v9  }
0x148: {  	v7 =	vld.idx.msk [tilespmem:v7+s20+$0x0], $0xffff  }
0x149: {  	v8 =	vld.idx.msk [tilespmem:v8+s21+$0x0], $0xffff;
	_ =	sdelay $0x4  }
0x14a: {  	v7 =	vadd.f32 v8, v7  }
0x14b: {  	v53 =	vpop (erf)  }
0x14c: {  	v7 =	vsub.f32 $0.0e+00, v7;
	v9 =	vpop (erf)  }
0x14d: {  	v9 =	vadd.f32 $1.000000000e+00, v9  }
0x14e: {  	v7 =	vmul.f32 $1.442695020e+00, v7  }
0x14f: {  	(erf) = vrcp.f32 v9  }
0x150: {  	(erf) = vpow2.f32 v7;
	_ =	sdelay $0x3  }
0x151: {  	v54 =	vld [tilespmem:s8+$0x8440];
	_ =	sdelay $0x3  }
0x152: {  	v9 =	vpop (erf)  }
0x153: {  	v55 =	vpop (erf)  }
0x154: {  	v11 =	vadd.f32 $1.000000000e+00, v55  }
0x155: {  	v56 =	vld [tilespmem:s8+$0xB040]  }
0x156: {  	v7 =	vld.idx.msk [tilespmem:v54+s23+$0x0], $0xffff;
	(erf) = vrcp.f32 v11;
	_ =	sdelay $0x1  }
0x157: {  	v12 =	vld.idx.msk [tilespmem:v37+s23+$0x0], $0xffff;
	_ =	sdelay $0x2  }
0x158: {  	v7 =	vsub.f32 v56, v7;
	_ =	sdelay $0x1  }
0x159: {  	v57 =	vld [tilespmem:s8+$0x5850];
	v12 =	vadd.f32 v7, v12;
	_ =	sdelay $0x1  }
0x15a: {  	v8 =	vmul.f32 v53, v7;
	v9 =	vmul.f32 v9, v12;
	v14 =	vpop (erf)  }
0x15b: {  	v11 =	vmul.f32 v14, v56  }
0x15c: {  	v8 =	vadd.f32 v9, v8  }
0x15d: {  	v7 =	vadd.f32 v11, v51  }
0x15e: {  	[tilespmem:s8+$0x13440] =	vst v8  }
0x15f: {  	v58 =	vld [tilespmem:s8+$0x2C50];
	[tilespmem:s8+$0x10840] =	vst v7  }
0x160: {  	v59 =	vld.idx.msk [tilespmem:v57+s22+$0x0], $0xffff;
	_ =	sdelay $0x3  }
0x161: {  	v8 =	vshll.u32 v58, $0x2  }
0x162: {  	v9 =	vshll.u32 v59, $0x2;
	_ =	sdelay $0x3  }
0x163: {  	v60 =	vld.idx.msk [tilespmem:v8+s20+$0x0], $0xffff  }
0x164: {  	v61 =	vld.idx.msk [tilespmem:v9+s21+$0x0], $0xffff;
	_ =	sdelay $0x4  }
0x165: {  	v10 =	vadd.f32 v61, v60;
	_ =	sdelay $0x1  }
0x166: {  	v62 =	vor.u32 $0x1, v8;
	v10 =	vsub.f32 $0.0e+00, v10  }
0x167: {  	v63 =	vor.u32 $0x1, v9  }
0x168: {  	v10 =	vmul.f32 $1.442695020e+00, v10;
	_ =	sdelay $0x1  }
0x169: {  	(erf) = vpow2.f32 v10  }
0x16a: {  	v16 =	vld.idx.msk [tilespmem:v62+s20+$0x0], $0xffff  }
0x16b: {  	v17 =	vld.idx.msk [tilespmem:v63+s21+$0x0], $0xffff;
	_ =	sdelay $0x4  }
0x16c: {  	v10 =	vadd.f32 v17, v16;
	_ =	sdelay $0x1  }
0x16d: {  	v18 =	vor.u32 $0x2, v8;
	v10 =	vsub.f32 $0.0e+00, v10;
	v19 =	vpop (erf)  }
0x16e: {  	v20 =	vor.u32 $0x2, v9;
	v12 =	vadd.f32 $1.000000000e+00, v19  }
0x16f: {  	v10 =	vmul.f32 $1.442695020e+00, v10  }
0x170: {  	(erf) = vrcp.f32 v12  }
0x171: {  	(erf) = vpow2.f32 v10  }
0x172: {  	v21 =	vld.idx.msk [tilespmem:v18+s20+$0x0], $0xffff  }
0x173: {  	v22 =	vld.idx.msk [tilespmem:v20+s21+$0x0], $0xffff;
	_ =	sdelay $0x4  }
0x174: {  	v10 =	vadd.f32 v22, v21  }
0x175: {  	v23 =	vpop (erf)  }
0x176: {  	v8 =	vor.u32 $0x3, v8;
	v10 =	vsub.f32 $0.0e+00, v10;
	v24 =	vpop (erf)  }
0x177: {  	v9 =	vor.u32 $0x3, v9;
	v12 =	vadd.f32 $1.000000000e+00, v24  }
0x178: {  	v10 =	vmul.f32 $1.442695020e+00, v10  }
0x179: {  	(erf) = vrcp.f32 v12  }
0x17a: {  	(erf) = vpow2.f32 v10  }
0x17b: {  	v8 =	vld.idx.msk [tilespmem:v8+s20+$0x0], $0xffff  }
0x17c: {  	v9 =	vld.idx.msk [tilespmem:v9+s21+$0x0], $0xffff;
	_ =	sdelay $0x4  }
0x17d: {  	v8 =	vadd.f32 v9, v8  }
0x17e: {  	v25 =	vpop (erf)  }
0x17f: {  	v8 =	vsub.f32 $0.0e+00, v8;
	v10 =	vpop (erf)  }
0x180: {  	v10 =	vadd.f32 $1.000000000e+00, v10  }
0x181: {  	v8 =	vmul.f32 $1.442695020e+00, v8  }
0x182: {  	(erf) = vrcp.f32 v10  }
0x183: {  	(erf) = vpow2.f32 v8;
	_ =	sdelay $0x3  }
0x184: {  	v26 =	vld [tilespmem:s8+$0x8450];
	_ =	sdelay $0x3  }
0x185: {  	v10 =	vpop (erf)  }
0x186: {  	v27 =	vpop (erf)  }
0x187: {  	v12 =	vadd.f32 $1.000000000e+00, v27  }
0x188: {  	v28 =	vld [tilespmem:s8+$0xB050]  }
0x189: {  	v8 =	vld.idx.msk [tilespmem:v26+s23+$0x0], $0xffff;
	(erf) = vrcp.f32 v12;
	_ =	sdelay $0x1  }
0x18a: {  	v13 =	vld.idx.msk [tilespmem:v57+s23+$0x0], $0xffff;
	_ =	sdelay $0x2  }
0x18b: {  	v8 =	vsub.f32 v28, v8;
	_ =	sdelay $0x1  }
0x18c: {  	v29 =	vld [tilespmem:s8+$0x5860];
	v13 =	vadd.f32 v8, v13;
	_ =	sdelay $0x1  }
0x18d: {  	v9 =	vmul.f32 v25, v8;
	v10 =	vmul.f32 v10, v13;
	v15 =	vpop (erf)  }
0x18e: {  	v12 =	vmul.f32 v15, v28  }
0x18f: {  	v9 =	vadd.f32 v10, v9  }
0x190: {  	v8 =	vadd.f32 v12, v23  }
0x191: {  	[tilespmem:s8+$0x13450] =	vst v9  }
0x192: {  	v30 =	vld [tilespmem:s8+$0x2C60];
	[tilespmem:s8+$0x10850] =	vst v8  }
0x193: {  	v31 =	vld.idx.msk [tilespmem:v29+s22+$0x0], $0xffff;
	_ =	sdelay $0x3  }
0x194: {  	v9 =	vshll.u32 v30, $0x2  }
0x195: {  	v10 =	vshll.u32 v31, $0x2;
	_ =	sdelay $0x3  }
0x196: {  	v32 =	vld.idx.msk [tilespmem:v9+s20+$0x0], $0xffff  }
0x197: {  	v33 =	vld.idx.msk [tilespmem:v10+s21+$0x0], $0xffff;
	_ =	sdelay $0x4  }
0x198: {  	v11 =	vadd.f32 v33, v32;
	_ =	sdelay $0x1  }
0x199: {  	v34 =	vor.u32 $0x1, v9;
	v11 =	vsub.f32 $0.0e+00, v11  }
0x19a: {  	v35 =	vor.u32 $0x1, v10  }
0x19b: {  	v11 =	vmul.f32 $1.442695020e+00, v11;
	_ =	sdelay $0x1  }
0x19c: {  	(erf) = vpow2.f32 v11  }
0x19d: {  	v36 =	vld.idx.msk [tilespmem:v34+s20+$0x0], $0xffff  }
0x19e: {  	v37 =	vld.idx.msk [tilespmem:v35+s21+$0x0], $0xffff;
	_ =	sdelay $0x4  }
0x19f: {  	v11 =	vadd.f32 v37, v36;
	_ =	sdelay $0x1  }
0x1a0: {  	v38 =	vor.u32 $0x2, v9;
	v11 =	vsub.f32 $0.0e+00, v11;
	v39 =	vpop (erf)  }
0x1a1: {  	v40 =	vor.u32 $0x2, v10;
	v13 =	vadd.f32 $1.000000000e+00, v39  }
0x1a2: {  	v11 =	vmul.f32 $1.442695020e+00, v11  }
0x1a3: {  	(erf) = vrcp.f32 v13  }
0x1a4: {  	(erf) = vpow2.f32 v11  }
0x1a5: {  	v41 =	vld.idx.msk [tilespmem:v38+s20+$0x0], $0xffff  }
0x1a6: {  	v42 =	vld.idx.msk [tilespmem:v40+s21+$0x0], $0xffff;
	_ =	sdelay $0x4  }
0x1a7: {  	v11 =	vadd.f32 v42, v41  }
0x1a8: {  	v43 =	vpop (erf)  }
0x1a9: {  	v9 =	vor.u32 $0x3, v9;
	v11 =	vsub.f32 $0.0e+00, v11;
	v44 =	vpop (erf)  }
0x1aa: {  	v10 =	vor.u32 $0x3, v10;
	v13 =	vadd.f32 $1.000000000e+00, v44  }
0x1ab: {  	v11 =	vmul.f32 $1.442695020e+00, v11  }
0x1ac: {  	(erf) = vrcp.f32 v13  }
0x1ad: {  	(erf) = vpow2.f32 v11  }
0x1ae: {  	v9 =	vld.idx.msk [tilespmem:v9+s20+$0x0], $0xffff  }
0x1af: {  	v10 =	vld.idx.msk [tilespmem:v10+s21+$0x0], $0xffff;
	_ =	sdelay $0x4  }
0x1b0: {  	v9 =	vadd.f32 v10, v9  }
0x1b1: {  	v45 =	vpop (erf)  }
0x1b2: {  	v9 =	vsub.f32 $0.0e+00, v9;
	v11 =	vpop (erf)  }
0x1b3: {  	v11 =	vadd.f32 $1.000000000e+00, v11  }
0x1b4: {  	v9 =	vmul.f32 $1.442695020e+00, v9  }
0x1b5: {  	(erf) = vrcp.f32 v11  }
0x1b6: {  	(erf) = vpow2.f32 v9;
	_ =	sdelay $0x3  }
0x1b7: {  	v46 =	vld [tilespmem:s8+$0x8460];
	_ =	sdelay $0x3  }
0x1b8: {  	v11 =	vpop (erf)  }
0x1b9: {  	v47 =	vpop (erf)  }
0x1ba: {  	v13 =	vadd.f32 $1.000000000e+00, v47  }
0x1bb: {  	v48 =	vld [tilespmem:s8+$0xB060]  }
0x1bc: {  	v9 =	vld.idx.msk [tilespmem:v46+s23+$0x0], $0xffff;
	(erf) = vrcp.f32 v13;
	_ =	sdelay $0x1  }
0x1bd: {  	v14 =	vld.idx.msk [tilespmem:v29+s23+$0x0], $0xffff;
	_ =	sdelay $0x2  }
0x1be: {  	v9 =	vsub.f32 v48, v9;
	_ =	sdelay $0x1  }
0x1bf: {  	v49 =	vld [tilespmem:s8+$0x5870];
	v14 =	vadd.f32 v9, v14;
	_ =	sdelay $0x1  }
0x1c0: {  	v10 =	vmul.f32 v45, v9;
	v11 =	vmul.f32 v11, v14;
	v16 =	vpop (erf)  }
0x1c1: {  	v13 =	vmul.f32 v16, v48  }
0x1c2: {  	v10 =	vadd.f32 v11, v10  }
0x1c3: {  	v9 =	vadd.f32 v13, v43  }
0x1c4: {  	[tilespmem:s8+$0x13460] =	vst v10  }
0x1c5: {  	v50 =	vld [tilespmem:s8+$0x2C70];
	[tilespmem:s8+$0x10860] =	vst v9  }
0x1c6: {  	v51 =	vld.idx.msk [tilespmem:v49+s22+$0x0], $0xffff;
	_ =	sdelay $0x3  }
0x1c7: {  	v10 =	vshll.u32 v50, $0x2  }
0x1c8: {  	v11 =	vshll.u32 v51, $0x2;
	_ =	sdelay $0x3  }
0x1c9: {  	v52 =	vld.idx.msk [tilespmem:v10+s20+$0x0], $0xffff  }
0x1ca: {  	v53 =	vld.idx.msk [tilespmem:v11+s21+$0x0], $0xffff;
	_ =	sdelay $0x4  }
0x1cb: {  	v12 =	vadd.f32 v53, v52;
	_ =	sdelay $0x1  }
0x1cc: {  	v54 =	vor.u32 $0x1, v10;
	v12 =	vsub.f32 $0.0e+00, v12  }
0x1cd: {  	v55 =	vor.u32 $0x1, v11  }
0x1ce: {  	v12 =	vmul.f32 $1.442695020e+00, v12;
	_ =	sdelay $0x1  }
0x1cf: {  	(erf) = vpow2.f32 v12  }
0x1d0: {  	v56 =	vld.idx.msk [tilespmem:v54+s20+$0x0], $0xffff  }
0x1d1: {  	v57 =	vld.idx.msk [tilespmem:v55+s21+$0x0], $0xffff;
	_ =	sdelay $0x4  }
0x1d2: {  	v12 =	vadd.f32 v57, v56;
	_ =	sdelay $0x1  }
0x1d3: {  	v58 =	vor.u32 $0x2, v10;
	v12 =	vsub.f32 $0.0e+00, v12;
	v59 =	vpop (erf)  }
0x1d4: {  	v60 =	vor.u32 $0x2, v11;
	v14 =	vadd.f32 $1.000000000e+00, v59  }
0x1d5: {  	v12 =	vmul.f32 $1.442695020e+00, v12  }
0x1d6: {  	(erf) = vrcp.f32 v14  }
0x1d7: {  	(erf) = vpow2.f32 v12  }
0x1d8: {  	v61 =	vld.idx.msk [tilespmem:v58+s20+$0x0], $0xffff  }
0x1d9: {  	v62 =	vld.idx.msk [tilespmem:v60+s21+$0x0], $0xffff;
	_ =	sdelay $0x4  }
0x1da: {  	v12 =	vadd.f32 v62, v61  }
0x1db: {  	v63 =	vpop (erf)  }
0x1dc: {  	v10 =	vor.u32 $0x3, v10;
	v12 =	vsub.f32 $0.0e+00, v12;
	v20 =	vpop (erf)  }
0x1dd: {  	v11 =	vor.u32 $0x3, v11;
	v14 =	vadd.f32 $1.000000000e+00, v20  }
0x1de: {  	v12 =	vmul.f32 $1.442695020e+00, v12  }
0x1df: {  	(erf) = vrcp.f32 v14  }
0x1e0: {  	(erf) = vpow2.f32 v12  }
0x1e1: {  	v10 =	vld.idx.msk [tilespmem:v10+s20+$0x0], $0xffff  }
0x1e2: {  	v11 =	vld.idx.msk [tilespmem:v11+s21+$0x0], $0xffff;
	_ =	sdelay $0x4  }
0x1e3: {  	v10 =	vadd.f32 v11, v10  }
0x1e4: {  	v21 =	vpop (erf)  }
0x1e5: {  	v10 =	vsub.f32 $0.0e+00, v10;
	v12 =	vpop (erf)  }
0x1e6: {  	v12 =	vadd.f32 $1.000000000e+00, v12  }
0x1e7: {  	v10 =	vmul.f32 $1.442695020e+00, v10  }
0x1e8: {  	(erf) = vrcp.f32 v12  }
0x1e9: {  	(erf) = vpow2.f32 v10;
	_ =	sdelay $0x3  }
0x1ea: {  	v22 =	vld [tilespmem:s8+$0x8470];
	_ =	sdelay $0x3  }
0x1eb: {  	v12 =	vpop (erf)  }
0x1ec: {  	v23 =	vpop (erf)  }
0x1ed: {  	v14 =	vadd.f32 $1.000000000e+00, v23  }
0x1ee: {  	v24 =	vld [tilespmem:s8+$0xB070]  }
0x1ef: {  	v10 =	vld.idx.msk [tilespmem:v22+s23+$0x0], $0xffff;
	(erf) = vrcp.f32 v14;
	_ =	sdelay $0x1  }
0x1f0: {  	v15 =	vld.idx.msk [tilespmem:v49+s23+$0x0], $0xffff;
	_ =	sdelay $0x2  }
0x1f1: {  	v10 =	vsub.f32 v24, v10;
	_ =	sdelay $0x1  }
0x1f2: {  	v18 =	vadd.f32 v10, v15;
	_ =	sdelay $0x1  }
0x1f3: {  	v11 =	vmul.f32 v21, v10;
	v12 =	vmul.f32 v12, v18;
	v17 =	vpop (erf)  }
0x1f4: {  	v16 =	vld [tilespmem:s8+$0xDC20];
	v17 =	vmul.f32 v17, v24  }
0x1f5: {  	v13 =	vld [tilespmem:s8+$0xDC50];
	v25 =	vadd.f32 v12, v11  }
0x1f6: {  	v15 =	vld [tilespmem:s8+$0xDC30];
	v10 =	vadd.f32 v17, v63  }
0x1f7: {  	v12 =	vld [tilespmem:s8+$0xDC60];
	[tilespmem:s8+$0x13470] =	vst v25  }
0x1f8: {  	s17 =	sand.u32 $0x3C00, s6;
	s11 =	sadd.s32 $0x8400, s8;
	s12 =	sadd.s32 $0x13400, s8;
	v11 =	vld [tilespmem:s8+$0xDC70];
	[tilespmem:s8+$0x10870] =	vst v10  }
0x1f9: {  	v14 =	vld [tilespmem:s8+$0xDC40];
	[spmem:s1] =	stream.indirect.scatter.add.f32 [tilespmem:s12], [sflag:$0x9], $0x1, s11, s30, $0xb8  }
0x1fa: {  	s13 =	sadd.s32 s2, s17;
	s12 =	sand.u32 $0x300, s6  }
0x1fb: {  	s11 =	sor.u32 s12, s13  }
0x1fc: {  	p1 =	sgt.u32 s7, $0x24;
	s11 =	sshrl.u32 s11, $0x3  }
0x1fd: {  	s15 =	sadd.s32 $0x10800, s8;
	s12 =	sshra.s32 @!p1 s5, $0x2;
	s11 =	sadd.s32 s10, s11  }
0x1fe: {  	[hbm4b:s11+s3] =	stream.linear.scatter [tilespmem:s15], [sflag:$0xB], $0x80, $0x38;
	[tilespmem:$0x1BB00] =	vst v63  }
0x1ff: {  	s16 =	sadd.s32 @!p1 $0x400, s12;
	s15 =	sadd.s32 @!p1 $0x3000, s12;
	s11 =	simm.s32 @!p1 $0x80  }
0x200: {  	[tilespmem:s15], [sflag:s14] =	stream.indirect.gather @!p1 [hbm4b:s4+s11], $0x1, s16, s11, $0xb8;
	[tilespmem:$0x1BB00] =	vst v63  }
0x201: {  	s16 =	sadd.s32 $0xFFFFFFF8, s28  }
0x202: {  	s14 =	sand.u32 $0x7, s16  }
0x203: {  	s14 =	sadd.s32 $0x1, s14  }
0x204: {  	_ =	swait.ge [sflag:s14], $0x80  }
0x205: {  	[sflag:s14] =	ssyncset.done $0x0  }
0x206: {  	[sflag:s14] =	ssyncadd.s32 $0xFFFFFF80  }
0x207: {  	v26 =	vld [tilespmem:s8+$0x5880];
	_ =	sdelay $0x6  }
0x208: {  	v27 =	vld [tilespmem:s8+$0x2C80]  }
0x209: {  	v19 =	vld.idx.msk [tilespmem:v26+s22+$0x0], $0xffff;
	_ =	sdelay $0x3  }
0x20a: {  	v18 =	vshll.u32 v27, $0x2  }
0x20b: {  	v19 =	vshll.u32 v19, $0x2;
	_ =	sdelay $0x3  }
0x20c: {  	v20 =	vld.idx.msk [tilespmem:v18+s20+$0x0], $0xffff  }
0x20d: {  	v21 =	vld.idx.msk [tilespmem:v19+s21+$0x0], $0xffff;
	_ =	sdelay $0x4  }
0x20e: {  	v20 =	vadd.f32 v21, v20;
	_ =	sdelay $0x1  }
0x20f: {  	v28 =	vor.u32 $0x1, v18;
	v20 =	vsub.f32 $0.0e+00, v20  }
0x210: {  	v22 =	vor.u32 $0x1, v19  }
0x211: {  	v20 =	vmul.f32 $1.442695020e+00, v20;
	_ =	sdelay $0x1  }
0x212: {  	(erf) = vpow2.f32 v20  }
0x213: {  	v29 =	vld.idx.msk [tilespmem:v28+s20+$0x0], $0xffff  }
0x214: {  	v30 =	vld.idx.msk [tilespmem:v22+s21+$0x0], $0xffff;
	_ =	sdelay $0x4  }
0x215: {  	v20 =	vadd.f32 v30, v29;
	_ =	sdelay $0x1  }
0x216: {  	v31 =	vor.u32 $0x2, v18;
	v20 =	vsub.f32 $0.0e+00, v20;
	v32 =	vpop (erf)  }
0x217: {  	v23 =	vor.u32 $0x2, v19;
	v22 =	vadd.f32 $1.000000000e+00, v32  }
0x218: {  	v20 =	vmul.f32 $1.442695020e+00, v20  }
0x219: {  	(erf) = vrcp.f32 v22  }
0x21a: {  	(erf) = vpow2.f32 v20  }
0x21b: {  	v33 =	vld.idx.msk [tilespmem:v31+s20+$0x0], $0xffff  }
0x21c: {  	v34 =	vld.idx.msk [tilespmem:v23+s21+$0x0], $0xffff;
	_ =	sdelay $0x4  }
0x21d: {  	v20 =	vadd.f32 v34, v33  }
0x21e: {  	v35 =	vpop (erf)  }
0x21f: {  	v18 =	vor.u32 $0x3, v18;
	v20 =	vsub.f32 $0.0e+00, v20;
	v36 =	vpop (erf)  }
0x220: {  	v19 =	vor.u32 $0x3, v19;
	v22 =	vadd.f32 $1.000000000e+00, v36  }
0x221: {  	v20 =	vmul.f32 $1.442695020e+00, v20  }
0x222: {  	(erf) = vrcp.f32 v22  }
0x223: {  	(erf) = vpow2.f32 v20  }
0x224: {  	v18 =	vld.idx.msk [tilespmem:v18+s20+$0x0], $0xffff  }
0x225: {  	v19 =	vld.idx.msk [tilespmem:v19+s21+$0x0], $0xffff;
	_ =	sdelay $0x4  }
0x226: {  	v18 =	vadd.f32 v19, v18  }
0x227: {  	v37 =	vpop (erf)  }
0x228: {  	v18 =	vsub.f32 $0.0e+00, v18;
	v20 =	vpop (erf)  }
0x229: {  	v20 =	vadd.f32 $1.000000000e+00, v20  }
0x22a: {  	v18 =	vmul.f32 $1.442695020e+00, v18  }
0x22b: {  	(erf) = vrcp.f32 v20  }
0x22c: {  	(erf) = vpow2.f32 v18;
	_ =	sdelay $0x3  }
0x22d: {  	v38 =	vld [tilespmem:s8+$0x8480];
	_ =	sdelay $0x3  }
0x22e: {  	v20 =	vpop (erf)  }
0x22f: {  	v39 =	vpop (erf)  }
0x230: {  	v22 =	vadd.f32 $1.000000000e+00, v39  }
0x231: {  	v40 =	vld [tilespmem:s8+$0xB080]  }
0x232: {  	v18 =	vld.idx.msk [tilespmem:v38+s23+$0x0], $0xffff;
	(erf) = vrcp.f32 v22;
	_ =	sdelay $0x1  }
0x233: {  	v17 =	vld.idx.msk [tilespmem:v26+s23+$0x0], $0xffff;
	_ =	sdelay $0x2  }
0x234: {  	v18 =	vsub.f32 v40, v18;
	_ =	sdelay $0x1  }
0x235: {  	v41 =	vld [tilespmem:s8+$0x5890];
	v17 =	vadd.f32 v18, v17;
	_ =	sdelay $0x1  }
0x236: {  	v18 =	vmul.f32 v37, v18;
	v42 =	vmul.f32 v20, v17;
	v24 =	vpop (erf)  }
0x237: {  	v22 =	vmul.f32 v24, v40  }
0x238: {  	v18 =	vadd.f32 v42, v18  }
0x239: {  	v17 =	vadd.f32 v22, v35  }
0x23a: {  	[tilespmem:s8+$0x13480] =	vst v18  }
0x23b: {  	v43 =	vld [tilespmem:s8+$0x2C90];
	[tilespmem:s8+$0x10880] =	vst v17  }
0x23c: {  	v44 =	vld.idx.msk [tilespmem:v41+s22+$0x0], $0xffff;
	_ =	sdelay $0x3  }
0x23d: {  	v18 =	vshll.u32 v43, $0x2  }
0x23e: {  	v19 =	vshll.u32 v44, $0x2;
	_ =	sdelay $0x3  }
0x23f: {  	v45 =	vld.idx.msk [tilespmem:v18+s20+$0x0], $0xffff  }
0x240: {  	v46 =	vld.idx.msk [tilespmem:v19+s21+$0x0], $0xffff;
	_ =	sdelay $0x4  }
0x241: {  	v20 =	vadd.f32 v46, v45;
	_ =	sdelay $0x1  }
0x242: {  	v47 =	vor.u32 $0x1, v18;
	v20 =	vsub.f32 $0.0e+00, v20  }
0x243: {  	v48 =	vor.u32 $0x1, v19  }
0x244: {  	v20 =	vmul.f32 $1.442695020e+00, v20;
	_ =	sdelay $0x1  }
0x245: {  	(erf) = vpow2.f32 v20  }
0x246: {  	v49 =	vld.idx.msk [tilespmem:v47+s20+$0x0], $0xffff  }
0x247: {  	v50 =	vld.idx.msk [tilespmem:v48+s21+$0x0], $0xffff;
	_ =	sdelay $0x4  }
0x248: {  	v20 =	vadd.f32 v50, v49;
	_ =	sdelay $0x1  }
0x249: {  	v51 =	vor.u32 $0x2, v18;
	v20 =	vsub.f32 $0.0e+00, v20;
	v52 =	vpop (erf)  }
0x24a: {  	v53 =	vor.u32 $0x2, v19;
	v22 =	vadd.f32 $1.000000000e+00, v52  }
0x24b: {  	v20 =	vmul.f32 $1.442695020e+00, v20  }
0x24c: {  	(erf) = vrcp.f32 v22  }
0x24d: {  	(erf) = vpow2.f32 v20  }
0x24e: {  	v54 =	vld.idx.msk [tilespmem:v51+s20+$0x0], $0xffff  }
0x24f: {  	v55 =	vld.idx.msk [tilespmem:v53+s21+$0x0], $0xffff;
	_ =	sdelay $0x4  }
0x250: {  	v20 =	vadd.f32 v55, v54  }
0x251: {  	v56 =	vpop (erf)  }
0x252: {  	v18 =	vor.u32 $0x3, v18;
	v20 =	vsub.f32 $0.0e+00, v20;
	v57 =	vpop (erf)  }
0x253: {  	v19 =	vor.u32 $0x3, v19;
	v22 =	vadd.f32 $1.000000000e+00, v57  }
0x254: {  	v20 =	vmul.f32 $1.442695020e+00, v20  }
0x255: {  	(erf) = vrcp.f32 v22  }
0x256: {  	(erf) = vpow2.f32 v20  }
0x257: {  	v18 =	vld.idx.msk [tilespmem:v18+s20+$0x0], $0xffff  }
0x258: {  	v19 =	vld.idx.msk [tilespmem:v19+s21+$0x0], $0xffff;
	_ =	sdelay $0x4  }
0x259: {  	v18 =	vadd.f32 v19, v18  }
0x25a: {  	v58 =	vpop (erf)  }
0x25b: {  	v18 =	vsub.f32 $0.0e+00, v18;
	v20 =	vpop (erf)  }
0x25c: {  	v20 =	vadd.f32 $1.000000000e+00, v20  }
0x25d: {  	v18 =	vmul.f32 $1.442695020e+00, v18  }
0x25e: {  	(erf) = vrcp.f32 v20  }
0x25f: {  	(erf) = vpow2.f32 v18;
	_ =	sdelay $0x3  }
0x260: {  	v59 =	vld [tilespmem:s8+$0x8490];
	_ =	sdelay $0x3  }
0x261: {  	v20 =	vpop (erf)  }
0x262: {  	v60 =	vpop (erf)  }
0x263: {  	v22 =	vadd.f32 $1.000000000e+00, v60  }
0x264: {  	v61 =	vld [tilespmem:s8+$0xB090]  }
0x265: {  	v18 =	vld.idx.msk [tilespmem:v59+s23+$0x0], $0xffff;
	(erf) = vrcp.f32 v22;
	_ =	sdelay $0x1  }
0x266: {  	v23 =	vld.idx.msk [tilespmem:v41+s23+$0x0], $0xffff;
	_ =	sdelay $0x2  }
0x267: {  	v18 =	vsub.f32 v61, v18;
	_ =	sdelay $0x1  }
0x268: {  	v62 =	vld [tilespmem:s8+$0x58A0];
	v23 =	vadd.f32 v18, v23;
	_ =	sdelay $0x1  }
0x269: {  	v19 =	vmul.f32 v58, v18;
	v20 =	vmul.f32 v20, v23;
	v25 =	vpop (erf)  }
0x26a: {  	v22 =	vmul.f32 v25, v61  }
0x26b: {  	v19 =	vadd.f32 v20, v19  }
0x26c: {  	v18 =	vadd.f32 v22, v56  }
0x26d: {  	[tilespmem:s8+$0x13490] =	vst v19  }
0x26e: {  	v63 =	vld [tilespmem:s8+$0x2CA0];
	[tilespmem:s8+$0x10890] =	vst v18  }
0x26f: {  	v25 =	vld.idx.msk [tilespmem:v62+s22+$0x0], $0xffff;
	_ =	sdelay $0x3  }
0x270: {  	v19 =	vshll.u32 v63, $0x2  }
0x271: {  	v20 =	vshll.u32 v25, $0x2;
	_ =	sdelay $0x3  }
0x272: {  	v26 =	vld.idx.msk [tilespmem:v19+s20+$0x0], $0xffff  }
0x273: {  	v27 =	vld.idx.msk [tilespmem:v20+s21+$0x0], $0xffff;
	_ =	sdelay $0x4  }
0x274: {  	v21 =	vadd.f32 v27, v26;
	_ =	sdelay $0x1  }
0x275: {  	v28 =	vor.u32 $0x1, v19;
	v21 =	vsub.f32 $0.0e+00, v21  }
0x276: {  	v29 =	vor.u32 $0x1, v20  }
0x277: {  	v21 =	vmul.f32 $1.442695020e+00, v21;
	_ =	sdelay $0x1  }
0x278: {  	(erf) = vpow2.f32 v21  }
0x279: {  	v30 =	vld.idx.msk [tilespmem:v28+s20+$0x0], $0xffff  }
0x27a: {  	v31 =	vld.idx.msk [tilespmem:v29+s21+$0x0], $0xffff;
	_ =	sdelay $0x4  }
0x27b: {  	v21 =	vadd.f32 v31, v30;
	_ =	sdelay $0x1  }
0x27c: {  	v32 =	vor.u32 $0x2, v19;
	v21 =	vsub.f32 $0.0e+00, v21;
	v33 =	vpop (erf)  }
0x27d: {  	v34 =	vor.u32 $0x2, v20;
	v23 =	vadd.f32 $1.000000000e+00, v33  }
0x27e: {  	v21 =	vmul.f32 $1.442695020e+00, v21  }
0x27f: {  	(erf) = vrcp.f32 v23  }
0x280: {  	(erf) = vpow2.f32 v21  }
0x281: {  	v35 =	vld.idx.msk [tilespmem:v32+s20+$0x0], $0xffff  }
0x282: {  	v36 =	vld.idx.msk [tilespmem:v34+s21+$0x0], $0xffff;
	_ =	sdelay $0x4  }
0x283: {  	v21 =	vadd.f32 v36, v35  }
0x284: {  	v37 =	vpop (erf)  }
0x285: {  	v19 =	vor.u32 $0x3, v19;
	v21 =	vsub.f32 $0.0e+00, v21;
	v38 =	vpop (erf)  }
0x286: {  	v20 =	vor.u32 $0x3, v20;
	v23 =	vadd.f32 $1.000000000e+00, v38  }
0x287: {  	v21 =	vmul.f32 $1.442695020e+00, v21  }
0x288: {  	(erf) = vrcp.f32 v23  }
0x289: {  	(erf) = vpow2.f32 v21  }
0x28a: {  	v19 =	vld.idx.msk [tilespmem:v19+s20+$0x0], $0xffff  }
0x28b: {  	v20 =	vld.idx.msk [tilespmem:v20+s21+$0x0], $0xffff;
	_ =	sdelay $0x4  }
0x28c: {  	v19 =	vadd.f32 v20, v19  }
0x28d: {  	v39 =	vpop (erf)  }
0x28e: {  	v19 =	vsub.f32 $0.0e+00, v19;
	v21 =	vpop (erf)  }
0x28f: {  	v21 =	vadd.f32 $1.000000000e+00, v21  }
0x290: {  	v19 =	vmul.f32 $1.442695020e+00, v19  }
0x291: {  	(erf) = vrcp.f32 v21  }
0x292: {  	(erf) = vpow2.f32 v19;
	_ =	sdelay $0x3  }
0x293: {  	v40 =	vld [tilespmem:s8+$0x84A0];
	_ =	sdelay $0x3  }
0x294: {  	v21 =	vpop (erf)  }
0x295: {  	v41 =	vpop (erf)  }
0x296: {  	v23 =	vadd.f32 $1.000000000e+00, v41  }
0x297: {  	v42 =	vld [tilespmem:s8+$0xB0A0]  }
0x298: {  	v19 =	vld.idx.msk [tilespmem:v40+s23+$0x0], $0xffff;
	(erf) = vrcp.f32 v23;
	_ =	sdelay $0x1  }
0x299: {  	v24 =	vld.idx.msk [tilespmem:v62+s23+$0x0], $0xffff;
	_ =	sdelay $0x2  }
0x29a: {  	v19 =	vsub.f32 v42, v19;
	_ =	sdelay $0x1  }
0x29b: {  	v43 =	vld [tilespmem:s8+$0x58B0];
	v24 =	vadd.f32 v19, v24;
	_ =	sdelay $0x1  }
0x29c: {  	v20 =	vmul.f32 v39, v19;
	v21 =	vmul.f32 v21, v24;
	v26 =	vpop (erf)  }
0x29d: {  	v23 =	vmul.f32 v26, v42  }
0x29e: {  	v20 =	vadd.f32 v21, v20  }
0x29f: {  	v19 =	vadd.f32 v23, v37  }
0x2a0: {  	[tilespmem:s8+$0x134A0] =	vst v20  }
0x2a1: {  	v44 =	vld [tilespmem:s8+$0x2CB0];
	[tilespmem:s8+$0x108A0] =	vst v19  }
0x2a2: {  	v45 =	vld.idx.msk [tilespmem:v43+s22+$0x0], $0xffff;
	_ =	sdelay $0x3  }
0x2a3: {  	v20 =	vshll.u32 v44, $0x2  }
0x2a4: {  	v21 =	vshll.u32 v45, $0x2;
	_ =	sdelay $0x3  }
0x2a5: {  	v46 =	vld.idx.msk [tilespmem:v20+s20+$0x0], $0xffff  }
0x2a6: {  	v47 =	vld.idx.msk [tilespmem:v21+s21+$0x0], $0xffff;
	_ =	sdelay $0x4  }
0x2a7: {  	v22 =	vadd.f32 v47, v46;
	_ =	sdelay $0x1  }
0x2a8: {  	v48 =	vor.u32 $0x1, v20;
	v22 =	vsub.f32 $0.0e+00, v22  }
0x2a9: {  	v49 =	vor.u32 $0x1, v21  }
0x2aa: {  	v22 =	vmul.f32 $1.442695020e+00, v22;
	_ =	sdelay $0x1  }
0x2ab: {  	(erf) = vpow2.f32 v22  }
0x2ac: {  	v50 =	vld.idx.msk [tilespmem:v48+s20+$0x0], $0xffff  }
0x2ad: {  	v51 =	vld.idx.msk [tilespmem:v49+s21+$0x0], $0xffff;
	_ =	sdelay $0x4  }
0x2ae: {  	v22 =	vadd.f32 v51, v50;
	_ =	sdelay $0x1  }
0x2af: {  	v52 =	vor.u32 $0x2, v20;
	v22 =	vsub.f32 $0.0e+00, v22;
	v53 =	vpop (erf)  }
0x2b0: {  	v54 =	vor.u32 $0x2, v21;
	v24 =	vadd.f32 $1.000000000e+00, v53  }
0x2b1: {  	v22 =	vmul.f32 $1.442695020e+00, v22  }
0x2b2: {  	(erf) = vrcp.f32 v24  }
0x2b3: {  	(erf) = vpow2.f32 v22  }
0x2b4: {  	v55 =	vld.idx.msk [tilespmem:v52+s20+$0x0], $0xffff  }
0x2b5: {  	v56 =	vld.idx.msk [tilespmem:v54+s21+$0x0], $0xffff;
	_ =	sdelay $0x4  }
0x2b6: {  	v22 =	vadd.f32 v56, v55  }
0x2b7: {  	v57 =	vpop (erf)  }
0x2b8: {  	v20 =	vor.u32 $0x3, v20;
	v22 =	vsub.f32 $0.0e+00, v22;
	v58 =	vpop (erf)  }
0x2b9: {  	v21 =	vor.u32 $0x3, v21;
	v24 =	vadd.f32 $1.000000000e+00, v58  }
0x2ba: {  	v22 =	vmul.f32 $1.442695020e+00, v22  }
0x2bb: {  	(erf) = vrcp.f32 v24  }
0x2bc: {  	(erf) = vpow2.f32 v22  }
0x2bd: {  	v20 =	vld.idx.msk [tilespmem:v20+s20+$0x0], $0xffff  }
0x2be: {  	v21 =	vld.idx.msk [tilespmem:v21+s21+$0x0], $0xffff;
	_ =	sdelay $0x4  }
0x2bf: {  	v20 =	vadd.f32 v21, v20  }
0x2c0: {  	v59 =	vpop (erf)  }
0x2c1: {  	v20 =	vsub.f32 $0.0e+00, v20;
	v22 =	vpop (erf)  }
0x2c2: {  	v22 =	vadd.f32 $1.000000000e+00, v22  }
0x2c3: {  	v20 =	vmul.f32 $1.442695020e+00, v20  }
0x2c4: {  	(erf) = vrcp.f32 v22  }
0x2c5: {  	(erf) = vpow2.f32 v20;
	_ =	sdelay $0x3  }
0x2c6: {  	v60 =	vld [tilespmem:s8+$0x84B0];
	_ =	sdelay $0x3  }
0x2c7: {  	v22 =	vpop (erf)  }
0x2c8: {  	v61 =	vpop (erf)  }
0x2c9: {  	v24 =	vadd.f32 $1.000000000e+00, v61  }
0x2ca: {  	v62 =	vld [tilespmem:s8+$0xB0B0]  }
0x2cb: {  	v20 =	vld.idx.msk [tilespmem:v60+s23+$0x0], $0xffff;
	(erf) = vrcp.f32 v24;
	_ =	sdelay $0x1  }
0x2cc: {  	v25 =	vld.idx.msk [tilespmem:v43+s23+$0x0], $0xffff;
	_ =	sdelay $0x2  }
0x2cd: {  	v20 =	vsub.f32 v62, v20;
	_ =	sdelay $0x1  }
0x2ce: {  	v63 =	vld [tilespmem:s8+$0x58C0];
	v25 =	vadd.f32 v20, v25;
	_ =	sdelay $0x1  }
0x2cf: {  	v21 =	vmul.f32 v59, v20;
	v22 =	vmul.f32 v22, v25;
	v27 =	vpop (erf)  }
0x2d0: {  	v24 =	vmul.f32 v27, v62  }
0x2d1: {  	v21 =	vadd.f32 v22, v21  }
0x2d2: {  	v20 =	vadd.f32 v24, v57  }
0x2d3: {  	[tilespmem:s8+$0x134B0] =	vst v21  }
0x2d4: {  	v30 =	vld [tilespmem:s8+$0x2CC0];
	[tilespmem:s8+$0x108B0] =	vst v20  }
0x2d5: {  	v31 =	vld.idx.msk [tilespmem:v63+s22+$0x0], $0xffff;
	_ =	sdelay $0x3  }
0x2d6: {  	v21 =	vshll.u32 v30, $0x2  }
0x2d7: {  	v22 =	vshll.u32 v31, $0x2;
	_ =	sdelay $0x3  }
0x2d8: {  	v32 =	vld.idx.msk [tilespmem:v21+s20+$0x0], $0xffff  }
0x2d9: {  	v33 =	vld.idx.msk [tilespmem:v22+s21+$0x0], $0xffff;
	_ =	sdelay $0x4  }
0x2da: {  	v23 =	vadd.f32 v33, v32;
	_ =	sdelay $0x1  }
0x2db: {  	v34 =	vor.u32 $0x1, v21;
	v23 =	vsub.f32 $0.0e+00, v23  }
0x2dc: {  	v35 =	vor.u32 $0x1, v22  }
0x2dd: {  	v23 =	vmul.f32 $1.442695020e+00, v23;
	_ =	sdelay $0x1  }
0x2de: {  	(erf) = vpow2.f32 v23  }
0x2df: {  	v36 =	vld.idx.msk [tilespmem:v34+s20+$0x0], $0xffff  }
0x2e0: {  	v37 =	vld.idx.msk [tilespmem:v35+s21+$0x0], $0xffff;
	_ =	sdelay $0x4  }
0x2e1: {  	v23 =	vadd.f32 v37, v36;
	_ =	sdelay $0x1  }
0x2e2: {  	v38 =	vor.u32 $0x2, v21;
	v23 =	vsub.f32 $0.0e+00, v23;
	v39 =	vpop (erf)  }
0x2e3: {  	v40 =	vor.u32 $0x2, v22;
	v25 =	vadd.f32 $1.000000000e+00, v39  }
0x2e4: {  	v23 =	vmul.f32 $1.442695020e+00, v23  }
0x2e5: {  	(erf) = vrcp.f32 v25  }
0x2e6: {  	(erf) = vpow2.f32 v23  }
0x2e7: {  	v41 =	vld.idx.msk [tilespmem:v38+s20+$0x0], $0xffff  }
0x2e8: {  	v42 =	vld.idx.msk [tilespmem:v40+s21+$0x0], $0xffff;
	_ =	sdelay $0x4  }
0x2e9: {  	v23 =	vadd.f32 v42, v41  }
0x2ea: {  	v43 =	vpop (erf)  }
0x2eb: {  	v21 =	vor.u32 $0x3, v21;
	v23 =	vsub.f32 $0.0e+00, v23;
	v44 =	vpop (erf)  }
0x2ec: {  	v22 =	vor.u32 $0x3, v22;
	v25 =	vadd.f32 $1.000000000e+00, v44  }
0x2ed: {  	v23 =	vmul.f32 $1.442695020e+00, v23  }
0x2ee: {  	(erf) = vrcp.f32 v25  }
0x2ef: {  	(erf) = vpow2.f32 v23  }
0x2f0: {  	v21 =	vld.idx.msk [tilespmem:v21+s20+$0x0], $0xffff  }
0x2f1: {  	v22 =	vld.idx.msk [tilespmem:v22+s21+$0x0], $0xffff;
	_ =	sdelay $0x4  }
0x2f2: {  	v21 =	vadd.f32 v22, v21  }
0x2f3: {  	v45 =	vpop (erf)  }
0x2f4: {  	v21 =	vsub.f32 $0.0e+00, v21;
	v23 =	vpop (erf)  }
0x2f5: {  	v23 =	vadd.f32 $1.000000000e+00, v23  }
0x2f6: {  	v21 =	vmul.f32 $1.442695020e+00, v21  }
0x2f7: {  	(erf) = vrcp.f32 v23  }
0x2f8: {  	(erf) = vpow2.f32 v21;
	_ =	sdelay $0x3  }
0x2f9: {  	v46 =	vld [tilespmem:s8+$0x84C0];
	_ =	sdelay $0x3  }
0x2fa: {  	v23 =	vpop (erf)  }
0x2fb: {  	v47 =	vpop (erf)  }
0x2fc: {  	v25 =	vadd.f32 $1.000000000e+00, v47  }
0x2fd: {  	v48 =	vld [tilespmem:s8+$0xB0C0]  }
0x2fe: {  	v21 =	vld.idx.msk [tilespmem:v46+s23+$0x0], $0xffff;
	(erf) = vrcp.f32 v25;
	_ =	sdelay $0x1  }
0x2ff: {  	v26 =	vld.idx.msk [tilespmem:v63+s23+$0x0], $0xffff;
	_ =	sdelay $0x2  }
0x300: {  	v21 =	vsub.f32 v48, v21;
	_ =	sdelay $0x1  }
0x301: {  	v49 =	vld [tilespmem:s8+$0x58D0];
	v26 =	vadd.f32 v21, v26;
	_ =	sdelay $0x1  }
0x302: {  	v22 =	vmul.f32 v45, v21;
	v23 =	vmul.f32 v23, v26;
	v28 =	vpop (erf)  }
0x303: {  	v25 =	vmul.f32 v28, v48  }
0x304: {  	v22 =	vadd.f32 v23, v22  }
0x305: {  	v21 =	vadd.f32 v25, v43  }
0x306: {  	[tilespmem:s8+$0x134C0] =	vst v22  }
0x307: {  	v50 =	vld [tilespmem:s8+$0x2CD0];
	[tilespmem:s8+$0x108C0] =	vst v21  }
0x308: {  	v51 =	vld.idx.msk [tilespmem:v49+s22+$0x0], $0xffff;
	_ =	sdelay $0x3  }
0x309: {  	v22 =	vshll.u32 v50, $0x2  }
0x30a: {  	v23 =	vshll.u32 v51, $0x2;
	_ =	sdelay $0x3  }
0x30b: {  	v52 =	vld.idx.msk [tilespmem:v22+s20+$0x0], $0xffff  }
0x30c: {  	v53 =	vld.idx.msk [tilespmem:v23+s21+$0x0], $0xffff;
	_ =	sdelay $0x4  }
0x30d: {  	v24 =	vadd.f32 v53, v52;
	_ =	sdelay $0x1  }
0x30e: {  	v54 =	vor.u32 $0x1, v22;
	v24 =	vsub.f32 $0.0e+00, v24  }
0x30f: {  	v55 =	vor.u32 $0x1, v23  }
0x310: {  	v24 =	vmul.f32 $1.442695020e+00, v24;
	_ =	sdelay $0x1  }
0x311: {  	(erf) = vpow2.f32 v24  }
0x312: {  	v56 =	vld.idx.msk [tilespmem:v54+s20+$0x0], $0xffff  }
0x313: {  	v57 =	vld.idx.msk [tilespmem:v55+s21+$0x0], $0xffff;
	_ =	sdelay $0x4  }
0x314: {  	v24 =	vadd.f32 v57, v56;
	_ =	sdelay $0x1  }
0x315: {  	v58 =	vor.u32 $0x2, v22;
	v24 =	vsub.f32 $0.0e+00, v24;
	v59 =	vpop (erf)  }
0x316: {  	v60 =	vor.u32 $0x2, v23;
	v26 =	vadd.f32 $1.000000000e+00, v59  }
0x317: {  	v24 =	vmul.f32 $1.442695020e+00, v24  }
0x318: {  	(erf) = vrcp.f32 v26  }
0x319: {  	(erf) = vpow2.f32 v24  }
0x31a: {  	v61 =	vld.idx.msk [tilespmem:v58+s20+$0x0], $0xffff  }
0x31b: {  	v62 =	vld.idx.msk [tilespmem:v60+s21+$0x0], $0xffff;
	_ =	sdelay $0x4  }
0x31c: {  	v24 =	vadd.f32 v62, v61  }
0x31d: {  	v63 =	vpop (erf)  }
0x31e: {  	v22 =	vor.u32 $0x3, v22;
	v24 =	vsub.f32 $0.0e+00, v24;
	v32 =	vpop (erf)  }
0x31f: {  	v23 =	vor.u32 $0x3, v23;
	v26 =	vadd.f32 $1.000000000e+00, v32  }
0x320: {  	v24 =	vmul.f32 $1.442695020e+00, v24  }
0x321: {  	(erf) = vrcp.f32 v26  }
0x322: {  	(erf) = vpow2.f32 v24  }
0x323: {  	v22 =	vld.idx.msk [tilespmem:v22+s20+$0x0], $0xffff  }
0x324: {  	v23 =	vld.idx.msk [tilespmem:v23+s21+$0x0], $0xffff;
	_ =	sdelay $0x4  }
0x325: {  	v22 =	vadd.f32 v23, v22  }
0x326: {  	v33 =	vpop (erf)  }
0x327: {  	v22 =	vsub.f32 $0.0e+00, v22;
	v24 =	vpop (erf)  }
0x328: {  	v24 =	vadd.f32 $1.000000000e+00, v24  }
0x329: {  	v22 =	vmul.f32 $1.442695020e+00, v22  }
0x32a: {  	(erf) = vrcp.f32 v24  }
0x32b: {  	(erf) = vpow2.f32 v22;
	_ =	sdelay $0x3  }
0x32c: {  	v34 =	vld [tilespmem:s8+$0x84D0];
	_ =	sdelay $0x3  }
0x32d: {  	v24 =	vpop (erf)  }
0x32e: {  	v35 =	vpop (erf)  }
0x32f: {  	v26 =	vadd.f32 $1.000000000e+00, v35  }
0x330: {  	v36 =	vld [tilespmem:s8+$0xB0D0]  }
0x331: {  	v22 =	vld.idx.msk [tilespmem:v34+s23+$0x0], $0xffff;
	(erf) = vrcp.f32 v26;
	_ =	sdelay $0x1  }
0x332: {  	v27 =	vld.idx.msk [tilespmem:v49+s23+$0x0], $0xffff;
	_ =	sdelay $0x2  }
0x333: {  	v22 =	vsub.f32 v36, v22;
	_ =	sdelay $0x1  }
0x334: {  	v37 =	vld [tilespmem:s8+$0x58E0];
	v27 =	vadd.f32 v22, v27;
	_ =	sdelay $0x1  }
0x335: {  	v23 =	vmul.f32 v33, v22;
	v24 =	vmul.f32 v24, v27;
	v29 =	vpop (erf)  }
0x336: {  	v26 =	vmul.f32 v29, v36  }
0x337: {  	v23 =	vadd.f32 v24, v23  }
0x338: {  	v22 =	vadd.f32 v26, v63  }
0x339: {  	[tilespmem:s8+$0x134D0] =	vst v23  }
0x33a: {  	v38 =	vld [tilespmem:s8+$0x2CE0];
	[tilespmem:s8+$0x108D0] =	vst v22  }
0x33b: {  	v39 =	vld.idx.msk [tilespmem:v37+s22+$0x0], $0xffff;
	_ =	sdelay $0x3  }
0x33c: {  	v23 =	vshll.u32 v38, $0x2  }
0x33d: {  	v24 =	vshll.u32 v39, $0x2;
	_ =	sdelay $0x3  }
0x33e: {  	v40 =	vld.idx.msk [tilespmem:v23+s20+$0x0], $0xffff  }
0x33f: {  	v41 =	vld.idx.msk [tilespmem:v24+s21+$0x0], $0xffff;
	_ =	sdelay $0x4  }
0x340: {  	v25 =	vadd.f32 v41, v40;
	_ =	sdelay $0x1  }
0x341: {  	v42 =	vor.u32 $0x1, v23;
	v25 =	vsub.f32 $0.0e+00, v25  }
0x342: {  	v43 =	vor.u32 $0x1, v24  }
0x343: {  	v25 =	vmul.f32 $1.442695020e+00, v25;
	_ =	sdelay $0x1  }
0x344: {  	(erf) = vpow2.f32 v25  }
0x345: {  	v44 =	vld.idx.msk [tilespmem:v42+s20+$0x0], $0xffff  }
0x346: {  	v45 =	vld.idx.msk [tilespmem:v43+s21+$0x0], $0xffff;
	_ =	sdelay $0x4  }
0x347: {  	v25 =	vadd.f32 v45, v44;
	_ =	sdelay $0x1  }
0x348: {  	v46 =	vor.u32 $0x2, v23;
	v25 =	vsub.f32 $0.0e+00, v25;
	v47 =	vpop (erf)  }
0x349: {  	v48 =	vor.u32 $0x2, v24;
	v27 =	vadd.f32 $1.000000000e+00, v47  }
0x34a: {  	v25 =	vmul.f32 $1.442695020e+00, v25  }
0x34b: {  	(erf) = vrcp.f32 v27  }
0x34c: {  	(erf) = vpow2.f32 v25  }
0x34d: {  	v49 =	vld.idx.msk [tilespmem:v46+s20+$0x0], $0xffff  }
0x34e: {  	v50 =	vld.idx.msk [tilespmem:v48+s21+$0x0], $0xffff;
	_ =	sdelay $0x4  }
0x34f: {  	v25 =	vadd.f32 v50, v49  }
0x350: {  	v51 =	vpop (erf)  }
0x351: {  	v23 =	vor.u32 $0x3, v23;
	v25 =	vsub.f32 $0.0e+00, v25;
	v52 =	vpop (erf)  }
0x352: {  	v24 =	vor.u32 $0x3, v24;
	v27 =	vadd.f32 $1.000000000e+00, v52  }
0x353: {  	v25 =	vmul.f32 $1.442695020e+00, v25  }
0x354: {  	(erf) = vrcp.f32 v27  }
0x355: {  	(erf) = vpow2.f32 v25  }
0x356: {  	v23 =	vld.idx.msk [tilespmem:v23+s20+$0x0], $0xffff  }
0x357: {  	v24 =	vld.idx.msk [tilespmem:v24+s21+$0x0], $0xffff;
	_ =	sdelay $0x4  }
0x358: {  	v23 =	vadd.f32 v24, v23  }
0x359: {  	v53 =	vpop (erf)  }
0x35a: {  	v23 =	vsub.f32 $0.0e+00, v23;
	v25 =	vpop (erf)  }
0x35b: {  	v25 =	vadd.f32 $1.000000000e+00, v25  }
0x35c: {  	v23 =	vmul.f32 $1.442695020e+00, v23  }
0x35d: {  	(erf) = vrcp.f32 v25  }
0x35e: {  	(erf) = vpow2.f32 v23;
	_ =	sdelay $0x3  }
0x35f: {  	v54 =	vld [tilespmem:s8+$0x84E0];
	_ =	sdelay $0x3  }
0x360: {  	v25 =	vpop (erf)  }
0x361: {  	v55 =	vpop (erf)  }
0x362: {  	v27 =	vadd.f32 $1.000000000e+00, v55  }
0x363: {  	v56 =	vld [tilespmem:s8+$0xB0E0]  }
0x364: {  	v23 =	vld.idx.msk [tilespmem:v54+s23+$0x0], $0xffff;
	(erf) = vrcp.f32 v27;
	_ =	sdelay $0x1  }
0x365: {  	v28 =	vld.idx.msk [tilespmem:v37+s23+$0x0], $0xffff;
	_ =	sdelay $0x2  }
0x366: {  	v23 =	vsub.f32 v56, v23;
	_ =	sdelay $0x1  }
0x367: {  	v57 =	vld [tilespmem:s8+$0x58F0];
	v28 =	vadd.f32 v23, v28;
	_ =	sdelay $0x1  }
0x368: {  	v24 =	vmul.f32 v53, v23;
	v25 =	vmul.f32 v25, v28;
	v30 =	vpop (erf)  }
0x369: {  	v27 =	vmul.f32 v30, v56  }
0x36a: {  	v24 =	vadd.f32 v25, v24  }
0x36b: {  	v23 =	vadd.f32 v27, v51  }
0x36c: {  	[tilespmem:s8+$0x134E0] =	vst v24  }
0x36d: {  	v58 =	vld [tilespmem:s8+$0x2CF0];
	[tilespmem:s8+$0x108E0] =	vst v23  }
0x36e: {  	v59 =	vld.idx.msk [tilespmem:v57+s22+$0x0], $0xffff;
	_ =	sdelay $0x3  }
0x36f: {  	v24 =	vshll.u32 v58, $0x2  }
0x370: {  	v25 =	vshll.u32 v59, $0x2;
	_ =	sdelay $0x3  }
0x371: {  	v60 =	vld.idx.msk [tilespmem:v24+s20+$0x0], $0xffff  }
0x372: {  	v61 =	vld.idx.msk [tilespmem:v25+s21+$0x0], $0xffff;
	_ =	sdelay $0x4  }
0x373: {  	v26 =	vadd.f32 v61, v60;
	_ =	sdelay $0x1  }
0x374: {  	v62 =	vor.u32 $0x1, v24;
	v26 =	vsub.f32 $0.0e+00, v26  }
0x375: {  	v63 =	vor.u32 $0x1, v25  }
0x376: {  	v26 =	vmul.f32 $1.442695020e+00, v26;
	_ =	sdelay $0x1  }
0x377: {  	(erf) = vpow2.f32 v26  }
0x378: {  	v31 =	vld.idx.msk [tilespmem:v62+s20+$0x0], $0xffff  }
0x379: {  	v32 =	vld.idx.msk [tilespmem:v63+s21+$0x0], $0xffff;
	_ =	sdelay $0x4  }
0x37a: {  	v26 =	vadd.f32 v32, v31;
	_ =	sdelay $0x1  }
0x37b: {  	v33 =	vor.u32 $0x2, v24;
	v26 =	vsub.f32 $0.0e+00, v26;
	v34 =	vpop (erf)  }
0x37c: {  	v35 =	vor.u32 $0x2, v25;
	v28 =	vadd.f32 $1.000000000e+00, v34  }
0x37d: {  	v26 =	vmul.f32 $1.442695020e+00, v26  }
0x37e: {  	(erf) = vrcp.f32 v28  }
0x37f: {  	(erf) = vpow2.f32 v26  }
0x380: {  	v36 =	vld.idx.msk [tilespmem:v33+s20+$0x0], $0xffff  }
0x381: {  	v37 =	vld.idx.msk [tilespmem:v35+s21+$0x0], $0xffff;
	_ =	sdelay $0x4  }
0x382: {  	v26 =	vadd.f32 v37, v36  }
0x383: {  	v38 =	vpop (erf)  }
0x384: {  	v24 =	vor.u32 $0x3, v24;
	v26 =	vsub.f32 $0.0e+00, v26;
	v39 =	vpop (erf)  }
0x385: {  	v25 =	vor.u32 $0x3, v25;
	v28 =	vadd.f32 $1.000000000e+00, v39  }
0x386: {  	v26 =	vmul.f32 $1.442695020e+00, v26  }
0x387: {  	(erf) = vrcp.f32 v28  }
0x388: {  	(erf) = vpow2.f32 v26  }
0x389: {  	v24 =	vld.idx.msk [tilespmem:v24+s20+$0x0], $0xffff  }
0x38a: {  	v25 =	vld.idx.msk [tilespmem:v25+s21+$0x0], $0xffff;
	_ =	sdelay $0x4  }
0x38b: {  	v24 =	vadd.f32 v25, v24  }
0x38c: {  	v40 =	vpop (erf)  }
0x38d: {  	v24 =	vsub.f32 $0.0e+00, v24;
	v26 =	vpop (erf)  }
0x38e: {  	v26 =	vadd.f32 $1.000000000e+00, v26  }
0x38f: {  	v24 =	vmul.f32 $1.442695020e+00, v24  }
0x390: {  	(erf) = vrcp.f32 v26  }
0x391: {  	(erf) = vpow2.f32 v24;
	_ =	sdelay $0x2  }
0x392: {  	v1 =	vsub.f32 v2, v1  }
0x393: {  	v2 =	vld [tilespmem:s8+$0x84F0]  }
0x394: {  	s9 =	sadd.s32 s6, s9;
	v1 =	vmul.f32 v1, v1;
	v3 =	vsub.f32 v3, v4  }
0x395: {  	p2 =	slt.u32 s9, $0x4E200  }
0x396: {  	s17 =	sadd.s32 $0x10, s9;
	v1 =	vpsel !p2, $0x0, v1;
	v3 =	vmul.f32 v3, v3;
	v41 =	vsub.f32 v16, v5  }
0x397: {  	p4 =	slt.u32 s17, $0x4E200;
	v0 =	vadd.f32 v1, v0;
	v42 =	vpop (erf)  }
0x398: {  	v1 =	vpsel !p4, $0x0, v3;
	s15 =	sadd.s32 $0x20, s9;
	v43 =	vsub.f32 v15, v6;
	v3 =	vmul.f32 v41, v41;
	v44 =	vpop (erf)  }
0x399: {  	v0 =	vadd.f32 v1, v0;
	p5 =	slt.u32 s15, $0x4E200;
	v1 =	vadd.f32 $1.000000000e+00, v44  }
0x39a: {  	s16 =	sadd.s32 $0x30, s9;
	v46 =	vld [tilespmem:s8+$0xB0F0];
	v4 =	vmul.f32 v43, v43;
	v3 =	vpsel !p5, $0x0, v3;
	v45 =	vsub.f32 v14, v7  }
0x39b: {  	p6 =	slt.u32 s16, $0x4E200;
	v0 =	vadd.f32 v3, v0;
	v3 =	vsub.f32 v13, v8;
	v2 =	vld.idx.msk [tilespmem:v2+s23+$0x0], $0xffff;
	(erf) = vrcp.f32 v1  }
0x39c: {  	s17 =	sadd.s32 $0x40, s9;
	v48 =	vld [tilespmem:s8+$0xDC80];
	v47 =	vmul.f32 v45, v45;
	v1 =	vpsel !p6, $0x0, v4  }
0x39d: {  	p3 =	slt.u32 s17, $0x4E200;
	v0 =	vadd.f32 v1, v0;
	v1 =	vmul.f32 v3, v3;
	v3 =	vld.idx.msk [tilespmem:v57+s23+$0x0], $0xffff  }
0x39e: {  	s15 =	sadd.s32 $0x50, s9;
	v49 =	vsub.f32 v12, v9;
	v4 =	vpsel !p3, $0x0, v47  }
0x39f: {  	p4 =	slt.u32 s15, $0x4E200;
	v52 =	vsub.f32 v11, v10;
	v0 =	vadd.f32 v4, v0  }
0x3a0: {  	s16 =	sadd.s32 $0x60, s9;
	v50 =	vld [tilespmem:s8+$0xDC90];
	v51 =	vmul.f32 v49, v49;
	v2 =	vsub.f32 v46, v2;
	v1 =	vpsel !p4, $0x0, v1  }
0x3a1: {  	p5 =	slt.u32 s16, $0x4E200;
	v54 =	vmul.f32 v52, v52;
	v53 =	vld [tilespmem:s8+$0xDCA0];
	v0 =	vadd.f32 v1, v0  }
0x3a2: {  	s17 =	sadd.s32 $0x70, s9;
	v4 =	vpsel !p5, $0x0, v51;
	v1 =	vsub.f32 v48, v17;
	v3 =	vadd.f32 v2, v3  }
0x3a3: {  	s14 =	sadd.s32 $0x80, s6;
	p6 =	slt.u32 s17, $0x4E200;
	v2 =	vmul.f32 v40, v2;
	v0 =	vadd.f32 v4, v0  }
0x3a4: {  	s15 =	sadd.s32 $0x80, s9;
	s14 =	sand.u32 $0x380, s14;
	v56 =	vld [tilespmem:s8+$0xDCB0];
	v6 =	vpsel !p6, $0x0, v54;
	v1 =	vmul.f32 v1, v1;
	v3 =	vmul.f32 v42, v3;
	v57 =	vpop (erf)  }
0x3a5: {  	s13 =	sor.u32 s13, s14;
	v55 =	vsub.f32 v50, v18;
	p3 =	slt.u32 s15, $0x4E200;
	v0 =	vadd.f32 v6, v0;
	v5 =	vmul.f32 v57, v46  }
0x3a6: {  	s13 =	sshrl.u32 s13, $0x3;
	v58 =	vsub.f32 v53, v19;
	v59 =	vld [tilespmem:s8+$0xDCC0];
	v1 =	vpsel !p3, $0x0, v1;
	v2 =	vadd.f32 v3, v2  }
0x3a7: {  	s6 =	sadd.s32 $0x100, s6;
	s13 =	sadd.s32 s10, s13;
	s16 =	sadd.s32 $0x90, s9;
	v3 =	vmul.f32 v55, v55;
	v0 =	vadd.f32 v1, v0;
	v1 =	vadd.f32 v5, v38  }
0x3a8: {  	v60 =	vld [tilespmem:s8+$0xDCD0];
	s15 =	sadd.s32 $0x8480, s8;
	p4 =	slt.u32 s16, $0x4E200;
	s16 =	sadd.s32 $0xA0, s9;
	[tilespmem:s8+$0x134F0] =	vst v2  }
0x3a9: {  	v61 =	vsub.f32 v56, v20;
	s17 =	sadd.s32 $0x13480, s8;
	p5 =	slt.u32 s16, $0x4E200;
	s16 =	sadd.s32 $0xB0, s9;
	v6 =	vmul.f32 v58, v58;
	v3 =	vpsel !p4, $0x0, v3;
	v2 =	vld [tilespmem:s8+$0xDCE0];
	[tilespmem:s8+$0x108F0] =	vst v1  }
0x3aa: {  	v0 =	vadd.f32 v3, v0;
	v3 =	vld [tilespmem:s8+$0xDCF0];
	[spmem:s1] =	stream.indirect.scatter.add.f32 [tilespmem:s17], [sflag:$0x9], $0x1, s15, s30, $0xb8  }
0x3ab: {  	v7 =	vsub.f32 v59, v21;
	p6 =	slt.u32 s16, $0x4E200;
	s16 =	sadd.s32 $0xE0, s9;
	v6 =	vpsel !p5, $0x0, v6;
	v5 =	vmul.f32 v61, v61;
	s17 =	sadd.s32 $0xC0, s9  }
0x3ac: {  	s8 =	sadd.s32 $0x10880, s8;
	v0 =	vadd.f32 v6, v0;
	s15 =	sadd.s32 $0xD0, s9;
	p3 =	slt.u32 s17, $0x4E200  }
0x3ad: {  	v62 =	vmul.f32 v7, v7;
	v4 =	vsub.f32 v60, v22;
	v5 =	vpsel !p6, $0x0, v5;
	p4 =	slt.u32 s15, $0x4E200;
	s17 =	sadd.s32 $0xF0, s9;
	s9 =	sand.u32 @!p1 $0x7, s28  }
0x3ae: {  	v0 =	vadd.f32 v5, v0;
	[hbm4b:s13+s3] =	stream.linear.scatter [tilespmem:s8], [sflag:$0xB], $0x80, $0x38;
	[tilespmem:$0x1BB00] =	vst v63  }
0x3af: {  	v4 =	vmul.f32 v4, v4;
	v63 =	vpsel !p3, $0x0, v62;
	v2 =	vsub.f32 v2, v23;
	s13 =	sadd.s32 @!p1 $0x3080, s12;
	s12 =	sadd.s32 @!p1 $0x480, s12;
	s9 =	sadd.s32 @!p1 $0x1, s9  }
0x3b0: {  	v0 =	vadd.f32 v63, v0;
	[tilespmem:s13], [sflag:s9] =	stream.indirect.gather @!p1 [hbm4b:s4+s11], $0x1, s12, s11, $0xb8;
	[tilespmem:$0x1BB00] =	vst v63  }
0x3b1: {  	v4 =	vpsel !p4, $0x0, v4;
	v1 =	vsub.f32 v3, v1;
	v2 =	vmul.f32 v2, v2;
	p1 =	sne.s32 s6, $0x2900  }
.Ltmp0:
0x3b2: {  	p5 =	slt.u32 s16, $0x4E200;
	v0 =	vadd.f32 v4, v0;
	(pc) =	sbr.rel @p1 .LBB2_2-.Ltmp0, $4  }
0x3b3: {  	v1 =	vmul.f32 v1, v1;
	v2 =	vpsel !p5, $0x0, v2  }
0x3b4: {  	p6 =	slt.u32 s17, $0x4E200;
	v0 =	vadd.f32 v2, v0  }
0x3b5: {  	v1 =	vpsel !p6, $0x0, v1  }
0x3b6: {  	s7 =	sadd.s32 $0x1, s7;
	s5 =	sadd.s32 $0x400, s5;
	s28 =	sadd.s32 $0x2, s28;
	v0 =	vadd.f32 v1, v0  }
0x3b7: {  	_ = 	snop  }
0x3b8: {  	[tilespmem:$0x1B800] =	vst v0  }
0x3b9: {  	_ =	swait.ge [sflag:s25], $0x80  }
0x3ba: {  	s5 =	simm.s32 $0x51;
	[sflag:s25] =	ssyncset.done $0x0  }
.LBB2_4:
0x3bb: {  	p1 =	sne.s32 s5, $0x1;
	s5 =	sadd.s32 $0xFFFFFFFF, s5;
	[sflag:s25] =	ssyncadd.s32 $0xFFFFFF80  }
.Ltmp1:
0x3bc: {  	(pc) =	sbr.rel @p1 .LBB2_4-.Ltmp1, $3  }
0x3bd: {  	_ =	sdelay $0x1  }
0x3be: {  	_ =	swait.ge [sflag:s25], $0x80  }
0x3bf: {  	[sflag:s25] =	ssyncset.done $0x0  }
0x3c0: {  	[sflag:s25] =	ssyncadd.s32 $0xFFFFFF80  }
0x3c1: {  	_ =	swait.ge [sflag:s26], $0x80  }
0x3c2: {  	s5 =	simm.s32 $0x51;
	[sflag:s26] =	ssyncset.done $0x0  }
.LBB2_6:
0x3c3: {  	p1 =	sne.s32 s5, $0x1;
	s5 =	sadd.s32 $0xFFFFFFFF, s5;
	[sflag:s26] =	ssyncadd.s32 $0xFFFFFF80  }
.Ltmp2:
0x3c4: {  	(pc) =	sbr.rel @p1 .LBB2_6-.Ltmp2, $3  }
0x3c5: {  	_ =	sdelay $0x1  }
0x3c6: {  	_ =	swait.ge [sflag:s26], $0x80  }
0x3c7: {  	[sflag:s26] =	ssyncset.done $0x0  }
0x3c8: {  	[sflag:s26] =	ssyncadd.s32 $0xFFFFFF80  }
0x3c9: {  	[bflag:$0x0] =	sbarrier.arrive $0xFFFF  }
0x3ca: {  	s5 =	simm.s32 @!p0 $0x1C0D;
	s6 =	rddreg [dreg:$0xf]  }
0x3cb: {  	[hbm:s6], [sflag:s5] =	dma.local @!p0 [spmem:s19], $0x500  }
0x3cc: {  	s5 =	simm.s32 @!p0 $0xD  }
0x3cd: {  	s0 =	sadd.s32 $0x1, s0;
	_ =	swait.ge @!p0 [sflag:s5], $0x500  }
0x3ce: {  	s28 =	simm.s32 $0x1B800;
	p1 =	sne.s32 s0, s18;
	[sflag:s5] =	ssyncset.done @!p0 $0x0  }
.Ltmp3:
0x3cf: {  	s17 =	rddreg [dreg:$0x10];
	[sflag:s5] =	ssyncadd.s32 @!p0 $0xFFFFFB00;
	(pc) =	sbr.rel @p1 .LBB2_1-.Ltmp3, $4  }
0x3d0: {  	[hbm4b:s17+s3] =	stream.linear.scatter [tilespmem:s28], [sflag:$0xD], $0x80, $0x38;
	[tilespmem:$0x1BB00] =	vst v63  }
0x3d1: {  	_ =	swait.ge [sflag:s31], $0x80  }
0x3d2: {  	[sflag:s31] =	ssyncset.done $0x0  }
0x3d3: {  	[sflag:s31] =	ssyncadd.s32 $0xFFFFFF80  }
0x3d4: {  	_ =	sfence.sel $0x180000  }
0x3d5: {  	[bflag:$0x0] =	sbarrier.arrive $0xFFFF  }
0x3d6: {  	_ =	strace $0x90000047  }
0x3d7: {  	[bflag:$0x2] =	sbarrier.arrive $0xFFFF  }
0x3d8: {  	s0 =	rddreg [dreg:$0x3]  }
0x3d9: {  	s0 =	sadd.s32 @!p0 $0x100000, s0  }
0x3da: {  	[sflag:s0] =	ssyncadd.tile.s32 @!p0 $0x1;
	_ =	shalt  }
.Lfunc_end2:
_tile_overlayer_lowered:
.L_overlay_start_2:
0x3db: {  	(tag) =	ssettag $0x2  }
0x3dc: {  	s0 =	rddreg [dreg:$0x0];
	s2 =	stileid.u32  }
0x3dd: {  	s1 =	rddreg [dreg:$0x1];
	p0 =	sne.s32 s2, $0x0  }
0x3de: {  	s3 =	rddreg [dreg:$0x2];
	[bflag:$0x3] =	sbarrier.arrive $0xFFFF;
	s2 =	simm.s32 @!p0 $0x1C0D  }
0x3df: {  	[timem:s3], [sflag:s2] =	dma.local @!p0 [hbm:s0], s1  }
0x3e0: {  	s0 =	simm.s32 @!p0 $0xD  }
0x3e1: {  	_ =	swait.ge @!p0 [sflag:s0], s1  }
0x3e2: {  	s1 =	ssub.s32 @!p0 $0x0, s1;
	[sflag:s0] =	ssyncset.done @!p0 $0x0  }
0x3e3: {  	[sflag:s0] =	ssyncadd.s32 @!p0 s1  }
0x3e4: {  	[bflag:$0x3] =	sbarrier.arrive $0xFFFF  }
0x3e5: {  	_ =	shalt  }

// kernel: kernel.8.cloned.1.call-start
scs
__scs_entry_jumppad:
0x0: {  	(pc) =	sbr.rel $0x88, $3  }
0x1: {  	(tag) =	ssettag $0x0;
	lr =	simm.s32 $0x1  }
0x2: {  	[smem:$0x3F8C] =	sst lr;
	_ =	strace $0xD0000000  }
0x3: {  	_ = 	snop  }
0x4: {  	_ = 	snop  }
0x5: {  	_ = 	snop  }
0x6: {  	_ = 	snop  }
0x7: {  	_ = 	snop  }
__scs_overlays_trampoline_lowered:
0x8: {  	[smem:$0x3F9B] =	sst s0  }
0x9: {  	[smem:$0x3F9C] =	sst s1  }
0xa: {  	[smem:$0x3F9D] =	sst s2  }
0xb: {  	[smem:$0x3F9E] =	sst s3  }
0xc: {  	[smem:$0x3F9F] =	sst s4  }
0xd: {  	[smem:$0x3FA0] =	sst s5  }
0xe: {  	[smem:$0x3FA1] =	sst s6  }
0xf: {  	[smem:$0x3FA2] =	sst s7  }
0x10: {  	[smem:$0x3FA3] =	sst s8  }
0x11: {  	[smem:$0x3FA4] =	sst s9;
	s0 =	simm.s32 @!p0 $0x0  }
0x12: {  	s1 =	sld [smem:$0x3F8A];
	s0 =	simm.s32 @p0 $0x1  }
0x13: {  	[smem:$0x3FA5] =	sst s0;
	s0 =	simm.s32 @!p1 $0x0  }
0x14: {  	s2 =	sld [smem:$0x3F89];
	s0 =	simm.s32 @p1 $0x1  }
0x15: {  	[smem:$0x3FA6] =	sst s0;
	s0 =	simm.s32 @!p2 $0x0  }
0x16: {  	s3 =	sld [smem:$0x3FDB];
	s0 =	simm.s32 @p2 $0x1  }
0x17: {  	s4 =	simm.s32 $0x1BF5;
	[smem:$0x3FA8] =	sst s0  }
0x18: {  	s0 =	sld [smem:$0x3F8B];
	_ =	swait.ge [sflag:s4], $0x0  }
0x19: {  	s7 =	sld [smem:$0x3F8C]  }
0x1a: {  	s8 =	sadd.s32 $0xFFFFE003, lr  }
0x1b: {  	s9 =	sadd.s32 $0xFFFFFEF7, lr;
	s5 =	simm.s32 $0xFFFFFFFF;
	p2 =	slt.u32 s8, $0xFFFFF086  }
0x1c: {  	p1 =	slt.u32 s9, $0xF7A;
	s5 =	simm.s32 @!p2 $0x0  }
0x1d: {  	s5 =	simm.s32 @p1 $0x1;
	p0 =	seq.s32 s7, s2  }
0x1e: {  	s7 =	smul.u32 @!p0 $0xF7A, s2;
	p2 =	seq.s32 @!p0 s5, $0x0  }
0x1f: {  	s9 =	smul.u32 $0xF7A, s1;
	s8 =	simm.s32 @!p0 $0x1BF5;
	p2 =	por !p2, p0  }
0x20: {  	[sflag:s8] =	ssyncset.s32 @!p0 $0xFFFFF086;
	s6 =	sadd.s32 @!p0 s3, s7;
	s7 =	simm.s32 @!p0 $0x108  }
0x21: {  	s3 =	sadd.s32 s3, s9;
	s6 =	sadd.s32 @!p0 $0x88, s6;
	s7 =	simm.s32 @p2 $0x1082  }
0x22: {  	[simem:s7], [sflag:s8] =	dma.local @!p0 [hbm:s6], $0xF7A  }
0x23: {  	s9 =	sor.u32 $0xD0000000, s2;
	s6 =	simm.s32 $0x108;
	_ =	swait.ge @!p0 [sflag:s8], $0x0  }
0x24: {  	s3 =	sadd.s32 $0x88, s3;
	s6 =	simm.s32 @!p1 $0x1082;
	[sflag:s4] =	ssyncset.s32 $0xFFFFF086  }
0x25: {  	[simem:s6], [sflag:s4] =	dma.local [hbm:s3], $0xF7A  }
0x26: {  	[smem:$0x3F8C] =	sst s1;
	(tag) =	ssettag s2;
	_ =	strace s9  }
0x27: {  	s1 =	sld [smem:$0x3F9C]  }
0x28: {  	s2 =	sld [smem:$0x3F9D]  }
0x29: {  	s4 =	sld [smem:$0x3F9F]  }
0x2a: {  	p0 =	seq.s32 s5, $0x0;
	s5 =	sld [smem:$0x3FA0]  }
0x2b: {  	s6 =	sld [smem:$0x3FA1]  }
0x2c: {  	s7 =	sld [smem:$0x3FA2]  }
0x2d: {  	s3 =	simm.s32 $0x108;
	s8 =	sld [smem:$0x3FA3]  }
0x2e: {  	s3 =	simm.s32 @!p0 $0x1082;
	s9 =	sld [smem:$0x3FA4]  }
0x2f: {  	lr =	sadd.s32 s0, s3;
	s0 =	sld [smem:$0x3F9B]  }
0x30: {  	s3 =	sld [smem:$0x3F9E]  }
0x31: {  	[smem:$0x3FA7] =	sst s10  }
0x32: {  	s10 =	sld [smem:$0x3FA5];
	_ =	sdelay $0x3  }
0x33: {  	p0 =	seq.s32 s10, $0x1;
	s10 =	sld [smem:$0x3FA7];
	_ =	sdelay $0x3  }
0x34: {  	[smem:$0x3FA7] =	sst s10  }
0x35: {  	s10 =	sld [smem:$0x3FA6];
	_ =	sdelay $0x3  }
0x36: {  	p1 =	seq.s32 s10, $0x1;
	s10 =	sld [smem:$0x3FA7];
	_ =	sdelay $0x3  }
0x37: {  	[smem:$0x3FA7] =	sst s10  }
0x38: {  	s10 =	sld [smem:$0x3FA8]  }
0x39: {  	_ = 	snop;
	(pc) =	sbr.ind lr, $3  }
0x3a: {  	_ = 	snop  }
0x3b: {  	_ = 	snop  }
0x3c: {  	p2 =	seq.s32 s10, $0x1;
	s10 =	sld [smem:$0x3FA7]  }
0x3d: {  	_ =	shalt  }
0x3e: {  	_ =	shalt  }
0x3f: {  	_ =	shalt  }
0x40: {  	_ =	shalt  }
0x41: {  	_ =	shalt  }
0x42: {  	_ =	shalt  }
0x43: {  	_ =	shalt  }
0x44: {  	_ =	shalt  }
0x45: {  	_ =	shalt  }
0x46: {  	_ =	shalt  }
0x47: {  	_ =	shalt  }
0x48: {  	_ =	shalt  }
0x49: {  	_ =	shalt  }
0x4a: {  	_ =	shalt  }
0x4b: {  	_ =	shalt  }
0x4c: {  	_ =	shalt  }
0x4d: {  	_ =	shalt  }
0x4e: {  	_ =	shalt  }
0x4f: {  	_ =	shalt  }
0x50: {  	_ =	shalt  }
0x51: {  	_ =	shalt  }
0x52: {  	_ =	shalt  }
0x53: {  	_ =	shalt  }
0x54: {  	_ =	shalt  }
0x55: {  	_ =	shalt  }
0x56: {  	_ =	shalt  }
0x57: {  	_ =	shalt  }
0x58: {  	_ =	shalt  }
0x59: {  	_ =	shalt  }
0x5a: {  	_ =	shalt  }
0x5b: {  	_ =	shalt  }
0x5c: {  	_ =	shalt  }
0x5d: {  	_ =	shalt  }
0x5e: {  	_ =	shalt  }
0x5f: {  	_ =	shalt  }
0x60: {  	_ =	shalt  }
0x61: {  	_ =	shalt  }
0x62: {  	_ =	shalt  }
0x63: {  	_ =	shalt  }
0x64: {  	_ =	shalt  }
0x65: {  	_ =	shalt  }
0x66: {  	_ =	shalt  }
0x67: {  	_ =	shalt  }
0x68: {  	_ =	shalt  }
0x69: {  	_ =	shalt  }
0x6a: {  	_ =	shalt  }
0x6b: {  	_ =	shalt  }
0x6c: {  	_ =	shalt  }
0x6d: {  	_ =	shalt  }
0x6e: {  	_ =	shalt  }
0x6f: {  	_ =	shalt  }
0x70: {  	_ =	shalt  }
0x71: {  	_ =	shalt  }
0x72: {  	_ =	shalt  }
0x73: {  	_ =	shalt  }
0x74: {  	_ =	shalt  }
0x75: {  	_ =	shalt  }
0x76: {  	_ =	shalt  }
0x77: {  	_ =	shalt  }
0x78: {  	_ =	shalt  }
0x79: {  	_ =	shalt  }
0x7a: {  	_ =	shalt  }
0x7b: {  	_ =	shalt  }
0x7c: {  	_ =	shalt  }
0x7d: {  	_ =	shalt  }
0x7e: {  	_ =	shalt  }
0x7f: {  	_ =	shalt  }
0x80: {  	_ =	shalt  }
0x81: {  	_ =	shalt  }
0x82: {  	_ =	shalt  }
0x83: {  	_ =	shalt  }
0x84: {  	_ =	shalt  }
0x85: {  	_ =	shalt  }
0x86: {  	_ =	shalt  }
0x87: {  	_ =	shalt  }
.Lfunc_end0:
.L_simem_size_0:
called_computation.1_lowered:
.L_overlay_start_0:
0x88: {  	s2 =	sld [smem:$0x3FD9]  }
0x89: {  	s3 =	sld [smem:$0x3FFE];
	_ =	sdelay $0x1  }
0x8a: {  	s1 =	srdreg.scid  }
0x8b: {  	s0 =	sand.u32 $0x1, s1  }
0x8c: {  	s14 =	sshll.u32 s0, $0xA;
	s2 =	sadd.s32 s3, s2  }
0x8d: {  	s2 =	sadd.s32 s2, s14  }
0x8e: {  	[smem:$0x3FB3] =	sst s2  }
0x8f: {  	_ = 	snop  }
0x90: {  	s2 =	sld [smem:$0x3FD0];
	_ =	sdelay $0x2  }
0x91: {  	s15 =	simm.s32 $0xA;
	s4 =	simm.s32 $0x10  }
0x92: {  	[smem:s4], [sflag:s15] =	dma.local [hbm:s2], $0x1  }
0x93: {  	_ =	swait.eq [sflag:s15], $0x1  }
0x94: {  	[sflag:s15] =	ssyncset.done $0x0  }
0x95: {  	[sflag:s15] =	ssyncadd.s32 $0xFFFFFFFF  }
0x96: {  	s16 =	sld [smem:$0x10];
	(tm) =	ssettm $0x1  }
0x97: {  	s17 =	sld [smem:$0x3FFB];
	_ =	sdelay $0x3  }
0x98: {  	_ =	strace s17  }
0x99: {  	s3 =	sld [smem:$0x3FFC];
	_ =	sdelay $0x3  }
0x9a: {  	_ =	strace s3  }
0x9b: {  	s3 =	sld [smem:$0x3FFD];
	_ =	sdelay $0x3  }
0x9c: {  	_ =	strace s3  }
0x9d: {  	_ =	strace $0x8FFFFFFF  }
0x9e: {  	s18 =	sld [smem:$0x3FDB];
	_ =	sdelay $0x1  }
0x9f: {  	s19 =	simm.s32 $_scs_section_size  }
0xa0: {  	s5 =	simm.s32 $_size__tile_overlayer_lowered;
	s6 =	simm.s32 $_tile_overlayer_lowered  }
0xa1: {  	s22 =	simm.s32 $0x1BFF;
	s21 =	sshll.u32 s6, $0x1;
	s3 =	sadd.s32 s19, s18  }
0xa2: {  	s7 =	simm.s32 $0x0;
	s20 =	sshll.u32 s5, $0x1;
	s5 =	sadd.s32 s21, s3  }
0xa3: {  	[timem:s7], [sflag:s22] =	dma.local [hbm:s5], s20  }
0xa4: {  	_ =	swait.ge [sflag:s22], s20  }
0xa5: {  	s4 =	ssub.s32 $0x0, s20;
	[sflag:s22] =	ssyncset.done $0x0  }
0xa6: {  	[sflag:s22] =	ssyncadd.s32 s4;
	_ =	sdelay $0x1  }
0xa7: {  	s23 =	simm.s32 $0x1B8B  }
0xa8: {  	_ =	swait.ge [sflag:s23], $0x1  }
0xa9: {  	[sflag:s23] =	ssyncset.done $0x0  }
0xaa: {  	s25 =	simm.s32 $0x1B8E;
	s24 =	sld [smem:$0x3FFE];
	[sflag:s23] =	ssyncadd.s32 $0xFFFFFFFF  }
0xab: {  	s26 =	simm.s32 $execute0_lowered;
	[smem:$0x3FD2] =	sst s25  }
0xac: {  	s5 =	sshll.u32 s26, $0x1;
	_ =	strace $0x80000049;
	[dreg:$0x1] =	wrdreg $0xFFFFFFFF  }
0xad: {  	s28 =	simm.s32 $_size_execute0_lowered;
	s3 =	sadd.s32 s3, s5;
	[dreg:$0x0] =	wrdreg $0x0  }
0xae: {  	s5 =	sshll.u32 s28, $0x1;
	[dreg:$0x2] =	wrdreg s3  }
0xaf: {  	[dreg:$0x3] =	wrdreg s5  }
0xb0: {  	[dreg:$0x4] =	wrdreg $0xC0  }
0xb1: {  	_ =	task [dreg:s7], $0x5FFFF  }
0xb2: {  	[dreg:$0x1] =	wrdreg $0xFFFFFFFF  }
0xb3: {  	[dreg:$0x0] =	wrdreg $0x60  }
0xb4: {  	[dreg:$0x2] =	wrdreg s16  }
0xb5: {  	[dreg:$0x3] =	wrdreg s24  }
0xb6: {  	[dreg:$0x4] =	wrdreg $0x9  }
0xb7: {  	_ =	task.clear_ibuf [dreg:s7], $0x5FFFF;
	_ =	strace $0x90000049  }
0xb8: {  	s29 =	simm.s32 $0x9;
	_ =	strace $0x8000004B  }
0xb9: {  	_ =	swait.ge [sflag:s29], $0x1  }
0xba: {  	[sflag:s29] =	ssyncadd.s32 $0xFFFFFFFF  }
0xbb: {  	_ =	strace $0x9000004B  }
0xbc: {  	_ =	sfence  }
0xbd: {  	s30 =	sld [smem:$0x0];
	_ =	sdelay $0x2  }
0xbe: {  	s31 =	sshll.u32 s1, $0xD;
	s1 =	sshrl.u32 s1, $0x2  }
0xbf: {  	s3 =	sand.u32 $0x4000, s31;
	s1 =	sadd.s32 s1, s30  }
0xc0: {  	s0 =	sor.u32 s3, s0;
	s1 =	sshll.u32 s1, $0x11  }
0xc1: {  	s0 =	sor.u32 s1, s0  }
0xc2: {  	s0 =	sadd.s32 $0x8F2B, s0  }
0xc3: {  	[sflag:s0] =	ssyncadd.remote.s32 $0x1  }
0xc4: {  	_ =	sfence.sel $0xFFFF  }
0xc5: {  	[dreg:$0x0] =	wrdreg $0xFFFFFFFF;
	(pc) =	sbr.abs _section_cstart, $3  }
0xc6: {  	[dreg:$0x1] =	wrdreg $0xFFFFFFFF  }
0xc7: {  	_ =	task.clear_ibuf [dreg:s7], $0x2FFFF;
	_ =	strace $0x9FFFFFFF  }
0xc8: {  	(tm) =	ssettm $0x7FFFFFFF  }
0xc9: {  	_ =	shalt  }
tec
execute0_lowered:
.L_overlay_start_1:
0x0: {  	(tag) =	ssettag $0x1  }
0x1: {  	s3 =	rddreg [dreg:$0x0]  }
0x2: {  	s0 =	srdreg.scid;
	s5 =	rddreg [dreg:$0x1]  }
0x3: {  	s1 =	stileid.u32;
	s2 =	simm.s32 $0x0;
	s14 =	simm.s32 $0x600  }
0x4: {  	s15 =	simm.s32 $0x780;
	s4 =	sand.u32 $0x1, s0;
	s0 =	rddreg [dreg:$0x2]  }
0x5: {  	[smem:$0x7FF] =	sst s2;
	s9 =	sshll.u32 s1, $0x4;
	s6 =	sshll.u32 s4, $0x4  }
0x6: {  	_ =	strace $0x8000004A;
	s4 =	ssub.s32 $0x2, s4;
	s7 =	sor.u32 s1, s6  }
0x7: {  	s9 =	sand.u32 $0x70, s9;
	s11 =	sshrl.u32 s4, $0x1;
	s8 =	smul.u32 $0x140, s7  }
0x8: {  	s9 =	sadd.s32 s9, s5;
	s11 =	ssub.s32 s4, s11;
	s7 =	sshll.u32 s7, $0x4  }
0x9: {  	s7 =	sand.u32 $0x180, s7;
	s25 =	sshrl.u32 s8, $0x3;
	s12 =	sadd.s32 $0x50, s8  }
0xa: {  	s26 =	sadd.s32 $0x60, s8;
	s28 =	sadd.s32 $0x70, s8;
	s13 =	sadd.s32 $0x80, s8  }
0xb: {  	s29 =	sadd.s32 $0x90, s8;
	s30 =	sadd.s32 $0xA0, s8;
	s31 =	sadd.s32 $0xB0, s8  }
0xc: {  	s16 =	sadd.s32 $0xC0, s8;
	s17 =	sadd.s32 $0xD0, s8;
	s18 =	sadd.s32 $0xE0, s8  }
0xd: {  	s19 =	sadd.s32 $0xF0, s8;
	s20 =	sadd.s32 $0x100, s8;
	p0 =	slt.u32 s12, $0x2710  }
0xe: {  	s21 =	sadd.s32 $0x110, s8;
	s22 =	sadd.s32 $0x120, s8;
	s12 =	simm.s32 @!p0 $0x0  }
0xf: {  	s9 =	sadd.s32 s7, s9;
	s12 =	simm.s32 @p0 $0x1;
	p0 =	slt.u32 s26, $0x2710  }
0x10: {  	s23 =	sadd.s32 $0x130, s8;
	[smem:$0x7F5] =	sst s12;
	s12 =	simm.s32 @!p0 $0x0  }
0x11: {  	s10 =	sadd.s32 s25, s5;
	s12 =	simm.s32 @p0 $0x1;
	p0 =	slt.u32 s28, $0x2710  }
0x12: {  	s3 =	sadd.s32 s3, s25;
	[smem:$0x7F6] =	sst s12;
	s12 =	simm.s32 @!p0 $0x0  }
0x13: {  	s8 =	sadd.s32 $0xC00, s9;
	s12 =	simm.s32 @p0 $0x1;
	p0 =	slt.u32 s13, $0x2710  }
0x14: {  	s9 =	smax.u32 s11, $0x1;
	[smem:$0x7F7] =	sst s12;
	s12 =	simm.s32 @!p0 $0x0  }
0x15: {  	s11 =	simm.s32 $0x180;
	s12 =	simm.s32 @p0 $0x1;
	p0 =	slt.u32 s29, $0x2710  }
0x16: {  	p2 =	slt.u32 s18, $0x2710;
	[smem:$0x7F8] =	sst s12;
	s12 =	simm.s32 @!p0 $0x0  }
0x17: {  	p3 =	slt.u32 s19, $0x2710;
	s12 =	simm.s32 @p0 $0x1;
	p0 =	slt.u32 s30, $0x2710  }
0x18: {  	p4 =	slt.u32 s20, $0x2710;
	[smem:$0x7F9] =	sst s12;
	s12 =	simm.s32 @!p0 $0x0  }
0x19: {  	p5 =	slt.u32 s21, $0x2710;
	s12 =	simm.s32 @p0 $0x1;
	p0 =	slt.u32 s31, $0x2710  }
0x1a: {  	p6 =	slt.u32 s22, $0x2710;
	[smem:$0x7FA] =	sst s12;
	s12 =	simm.s32 @!p0 $0x0  }
0x1b: {  	s4 =	sadd.s32 $0x500, s3;
	s12 =	simm.s32 @p0 $0x1;
	p0 =	slt.u32 s16, $0x2710  }
0x1c: {  	s5 =	sadd.s32 $0x600, s10;
	s6 =	sadd.s32 $0x4E200, s10;
	s16 =	simm.s32 @!p0 $0x0  }
0x1d: {  	s7 =	sadd.s32 $0xE00, s10;
	s16 =	simm.s32 @p0 $0x1;
	p0 =	slt.u32 s17, $0x2710  }
0x1e: {  	s10 =	simm.s32 $0x1;
	[smem:$0x7FC] =	sst s16;
	s16 =	simm.s32 @!p0 $0x0  }
0x1f: {  	s13 =	simm.s32 $0x480;
	[smem:$0x7FB] =	sst s12;
	s16 =	simm.s32 @p0 $0x1  }
0x20: {  	s12 =	simm.s32 $0x300;
	p0 =	slt.u32 s23, $0x2710;
	[smem:$0x7FD] =	sst s16  }
.LBB2_1:
0x21: {  	[tilespmem:s2], [sflag:$0x1] =	stream.linear.gather [hbm4b:s3+s2], $0x140, $0x38;
	[tilespmem:$0x800] =	vst v63  }
0x22: {  	_ =	swait.ge [sflag:s10], $0x140  }
0x23: {  	[sflag:s10] =	ssyncset.done $0x0  }
0x24: {  	[sflag:s10] =	ssyncadd.s32 $0xFFFFFEC0  }
0x25: {  	[tilespmem:s11], [sflag:$0x1] =	stream.linear.gather [hbm4b:s4+s2], $0x140, $0x38;
	[tilespmem:$0x800] =	vst v63  }
0x26: {  	_ =	swait.ge [sflag:s10], $0x140  }
0x27: {  	[sflag:s10] =	ssyncset.done $0x0  }
0x28: {  	[sflag:s10] =	ssyncadd.s32 $0xFFFFFEC0  }
0x29: {  	[tilespmem:s12], [sflag:$0x1] =	stream.linear.gather [hbm4b:s5+s2], $0x140, $0x38;
	[tilespmem:$0x800] =	vst v63  }
0x2a: {  	_ =	swait.ge [sflag:s10], $0x140  }
0x2b: {  	[sflag:s10] =	ssyncset.done $0x0  }
0x2c: {  	[sflag:s10] =	ssyncadd.s32 $0xFFFFFEC0  }
0x2d: {  	[tilespmem:s13], [sflag:$0x1] =	stream.linear.gather [hbm4b:s6+s2], $0x140, $0x38;
	[tilespmem:$0x800] =	vst v63  }
0x2e: {  	_ =	swait.ge [sflag:s10], $0x140  }
0x2f: {  	[sflag:s10] =	ssyncset.done $0x0  }
0x30: {  	[sflag:s10] =	ssyncadd.s32 $0xFFFFFEC0  }
0x31: {  	v0 =	vld [tilespmem:$0x300]  }
0x32: {  	v1 =	vld [tilespmem:$0x0]  }
0x33: {  	v2 =	vld [tilespmem:$0x180]  }
0x34: {  	v3 =	vld [tilespmem:$0x480]  }
0x35: {  	v4 =	vld [tilespmem:$0x310]  }
0x36: {  	v5 =	vld [tilespmem:$0x10]  }
0x37: {  	v6 =	vld [tilespmem:$0x190]  }
0x38: {  	v7 =	vld [tilespmem:$0x490]  }
0x39: {  	v8 =	vld [tilespmem:$0x320]  }
0x3a: {  	v9 =	vld [tilespmem:$0x20]  }
0x3b: {  	v10 =	vld [tilespmem:$0x1A0]  }
0x3c: {  	v11 =	vld [tilespmem:$0x4A0]  }
0x3d: {  	v12 =	vld [tilespmem:$0x330]  }
0x3e: {  	v13 =	vld [tilespmem:$0x30]  }
0x3f: {  	v14 =	vld [tilespmem:$0x1B0]  }
0x40: {  	v15 =	vld [tilespmem:$0x4B0]  }
0x41: {  	v16 =	vld [tilespmem:$0x340]  }
0x42: {  	v17 =	vld [tilespmem:$0x40]  }
0x43: {  	v18 =	vld [tilespmem:$0x1C0]  }
0x44: {  	v19 =	vld [tilespmem:$0x4C0]  }
0x45: {  	v20 =	vld [tilespmem:$0x350]  }
0x46: {  	v21 =	vld [tilespmem:$0x50]  }
0x47: {  	v22 =	vld [tilespmem:$0x1D0]  }
0x48: {  	v23 =	vld [tilespmem:$0x4D0]  }
0x49: {  	v24 =	vld [tilespmem:$0x360]  }
0x4a: {  	v25 =	vld [tilespmem:$0x60]  }
0x4b: {  	v26 =	vld [tilespmem:$0x1E0]  }
0x4c: {  	v27 =	vld [tilespmem:$0x4E0]  }
0x4d: {  	v28 =	vld [tilespmem:$0x370]  }
0x4e: {  	v29 =	vld [tilespmem:$0x70]  }
0x4f: {  	v30 =	vld [tilespmem:$0x1F0]  }
0x50: {  	v31 =	vld [tilespmem:$0x4F0]  }
0x51: {  	v32 =	vld [tilespmem:$0x380]  }
0x52: {  	v33 =	vld [tilespmem:$0x80]  }
0x53: {  	v34 =	vld [tilespmem:$0x200]  }
0x54: {  	v35 =	vld [tilespmem:$0x500]  }
0x55: {  	v36 =	vld [tilespmem:$0x390]  }
0x56: {  	v37 =	vld [tilespmem:$0x90]  }
0x57: {  	v38 =	vld [tilespmem:$0x210]  }
0x58: {  	v54 =	vld [tilespmem:$0xA0]  }
0x59: {  	v56 =	vld [tilespmem:$0x220]  }
0x5a: {  	v39 =	vld [tilespmem:$0x230]  }
0x5b: {  	v60 =	vld [tilespmem:$0x3C0];
	v0 =	vadd.f32 v1, v0;
	v4 =	vadd.f32 v5, v4  }
0x5c: {  	v61 =	vld [tilespmem:$0xC0];
	v55 =	vadd.f32 v9, v8;
	v12 =	vadd.f32 v13, v12  }
0x5d: {  	v62 =	vld [tilespmem:$0x240];
	v57 =	vadd.f32 v17, v16;
	v59 =	vadd.f32 v21, v20  }
0x5e: {  	v40 =	vld [tilespmem:$0x3D0];
	v63 =	vadd.f32 v25, v24;
	v29 =	vadd.f32 v29, v28  }
0x5f: {  	v5 =	vld [tilespmem:$0x3A0];
	v43 =	vadd.f32 v33, v32;
	v49 =	vadd.f32 v37, v36  }
0x60: {  	v41 =	vld [tilespmem:$0xD0];
	v0 =	vadd.f32 v2, v0;
	v4 =	vadd.f32 v6, v4  }
0x61: {  	v13 =	vld [tilespmem:$0xB0];
	v6 =	vadd.f32 v10, v55;
	v12 =	vadd.f32 v14, v12  }
0x62: {  	v10 =	vld [tilespmem:$0x3B0];
	v3 =	vsub.f32 v3, v0;
	v7 =	vsub.f32 v7, v4  }
0x63: {  	v9 =	vld [tilespmem:$0x520];
	v14 =	vadd.f32 v18, v57;
	v11 =	vsub.f32 v11, v6  }
0x64: {  	v42 =	vld [tilespmem:$0x250];
	v2 =	vadd.f32 v54, v5;
	v3 =	vmul.f32 v3, v3;
	v7 =	vmul.f32 v7, v7  }
0x65: {  	v44 =	vld [tilespmem:$0x550];
	v15 =	vsub.f32 v15, v12;
	v19 =	vsub.f32 v19, v14  }
0x66: {  	v46 =	vld [tilespmem:$0x3E0];
	v58 =	vmul.f32 v11, v11;
	v2 =	vadd.f32 v56, v2;
	v3 =	vadd.f32 v7, v3  }
0x67: {  	v48 =	vld [tilespmem:$0xE0];
	v10 =	vadd.f32 v13, v10;
	v7 =	vadd.f32 v22, v59  }
0x68: {  	v50 =	vld [tilespmem:$0x260];
	v15 =	vmul.f32 v15, v15;
	v9 =	vsub.f32 v9, v2;
	v3 =	vadd.f32 v58, v3  }
0x69: {  	v53 =	vld [tilespmem:$0x3F0];
	v10 =	vadd.f32 v39, v10;
	v22 =	vsub.f32 v23, v7  }
0x6a: {  	s16 =	sld [smem:$0x7F5];
	v54 =	vld [tilespmem:$0xF0];
	v3 =	vadd.f32 v15, v3;
	v15 =	vadd.f32 v26, v63  }
0x6b: {  	v52 =	vld [tilespmem:$0x560];
	v19 =	vmul.f32 v19, v19;
	v23 =	vadd.f32 v30, v29;
	v58 =	vadd.f32 v61, v60  }
0x6c: {  	s23 =	sld [smem:$0x7F6];
	v1 =	vld [tilespmem:$0x510];
	v61 =	vadd.f32 v41, v40;
	v22 =	vmul.f32 v22, v22;
	v26 =	vsub.f32 v27, v15  }
0x6d: {  	p1 =	seq.s32 s16, $0x1;
	v16 =	vld [tilespmem:$0x530];
	v47 =	vsub.f32 v31, v23;
	v3 =	vadd.f32 v19, v3  }
0x6e: {  	s24 =	sld [smem:$0x7F7];
	v21 =	vld [tilespmem:$0x540];
	v45 =	vpsel !p1, $0x0, v22;
	v27 =	vadd.f32 v34, v43;
	v26 =	vmul.f32 v26, v26  }
0x6f: {  	v55 =	vld [tilespmem:$0x270];
	v5 =	vadd.f32 v54, v53;
	p1 =	seq.s32 s23, $0x1;
	v29 =	vmul.f32 v47, v47;
	v3 =	vadd.f32 v45, v3  }
0x70: {  	s25 =	sld [smem:$0x7F8];
	v36 =	vld [tilespmem:$0x110];
	v19 =	vadd.f32 v38, v49;
	v51 =	vsub.f32 v35, v27;
	v26 =	vpsel !p1, $0x0, v26  }
0x71: {  	v57 =	vld [tilespmem:$0x570];
	v8 =	vadd.f32 v62, v58;
	p1 =	seq.s32 s24, $0x1;
	v3 =	vadd.f32 v26, v3  }
0x72: {  	s26 =	sld [smem:$0x7F9];
	v59 =	vld [tilespmem:$0x400];
	v1 =	vsub.f32 v1, v19;
	v32 =	vmul.f32 v51, v51;
	v29 =	vpsel !p1, $0x0, v29  }
0x73: {  	v39 =	vld [tilespmem:$0x420];
	v11 =	vadd.f32 v42, v61;
	p1 =	seq.s32 s25, $0x1;
	v3 =	vadd.f32 v29, v3  }
0x74: {  	s28 =	sld [smem:$0x7FA];
	v60 =	vld [tilespmem:$0x100];
	v5 =	vadd.f32 v55, v5;
	v1 =	vmul.f32 v1, v1;
	v56 =	vpsel !p1, $0x0, v32  }
0x75: {  	v63 =	vmul.f32 v9, v9;
	v21 =	vsub.f32 v21, v8;
	v47 =	vld [tilespmem:$0x430];
	p1 =	seq.s32 s26, $0x1;
	v3 =	vadd.f32 v56, v3  }
0x76: {  	s29 =	sld [smem:$0x7FB];
	v22 =	vadd.f32 v48, v46;
	v35 =	vld [tilespmem:$0x410];
	v32 =	vsub.f32 v16, v10;
	v1 =	vpsel !p1, $0x0, v1  }
0x77: {  	v28 =	vsub.f32 v44, v11;
	v48 =	vld [tilespmem:$0x130];
	p1 =	seq.s32 s28, $0x1;
	v1 =	vadd.f32 v1, v3  }
0x78: {  	s30 =	sld [smem:$0x7FC];
	v38 =	vld [tilespmem:$0x290];
	v22 =	vadd.f32 v50, v22;
	v9 =	vmul.f32 v32, v32;
	v3 =	vpsel !p1, $0x0, v63  }
0x79: {  	[tilespmem:$0x600] =	vst v0;
	v62 =	vld [tilespmem:$0x280];
	v46 =	vadd.f32 v60, v59;
	p1 =	seq.s32 s29, $0x1;
	v1 =	vadd.f32 v3, v1  }
0x7a: {  	s31 =	sld [smem:$0x7FD];
	[tilespmem:$0x610] =	vst v4;
	v42 =	vld [tilespmem:$0x120];
	v37 =	vmul.f32 v21, v21;
	v44 =	vsub.f32 v52, v22;
	v9 =	vpsel !p1, $0x0, v9  }
0x7b: {  	[tilespmem:$0x620] =	vst v6;
	v34 =	vld [tilespmem:$0x580];
	v43 =	vmul.f32 v28, v28;
	v52 =	vadd.f32 v36, v35;
	p1 =	seq.s32 s30, $0x1;
	v40 =	vadd.f32 v9, v1  }
0x7c: {  	[tilespmem:$0x630] =	vst v12;
	v45 =	vld [tilespmem:$0x2A0];
	v51 =	vsub.f32 v57, v5;
	v6 =	vadd.f32 v48, v47;
	v41 =	vpsel !p1, $0x0, v37  }
0x7d: {  	[tilespmem:$0x640] =	vst v14;
	v49 =	vld [tilespmem:$0x590];
	v13 =	vadd.f32 v38, v52;
	p1 =	seq.s32 s31, $0x1;
	v0 =	vadd.f32 v41, v40  }
0x7e: {  	[tilespmem:$0x6A0] =	vst v2;
	v53 =	vld [tilespmem:$0x2B0];
	v4 =	vpsel !p1, $0x0, v43;
	v9 =	vmul.f32 v44, v44;
	v1 =	vadd.f32 v62, v46  }
0x7f: {  	[tilespmem:$0x650] =	vst v7;
	v54 =	vld [tilespmem:$0x5A0];
	v3 =	vadd.f32 v42, v39;
	v0 =	vadd.f32 v4, v0  }
0x80: {  	[tilespmem:$0x6B0] =	vst v10;
	v50 =	vpsel !p2, $0x0, v9;
	v9 =	vmul.f32 v51, v51;
	v55 =	vsub.f32 v34, v1  }
0x81: {  	[tilespmem:$0x670] =	vst v23;
	v56 =	vld [tilespmem:$0x5B0];
	v3 =	vadd.f32 v45, v3;
	v0 =	vadd.f32 v50, v0  }
0x82: {  	[tilespmem:$0x660] =	vst v15;
	v9 =	vpsel !p3, $0x0, v9;
	v15 =	vmul.f32 v55, v55;
	v4 =	vsub.f32 v49, v13  }
0x83: {  	[tilespmem:$0x6C0] =	vst v8;
	v57 =	vadd.f32 v53, v6;
	v0 =	vadd.f32 v9, v0  }
0x84: {  	[tilespmem:$0x6D0] =	vst v11;
	v7 =	vsub.f32 v54, v3;
	v58 =	vpsel !p4, $0x0, v15;
	v4 =	vmul.f32 v4, v4  }
0x85: {  	[tilespmem:$0x6F0] =	vst v5;
	v0 =	vadd.f32 v58, v0  }
0x86: {  	[tilespmem:$0x680] =	vst v27;
	v60 =	vsub.f32 v56, v57;
	v59 =	vmul.f32 v7, v7;
	v4 =	vpsel !p5, $0x0, v4  }
0x87: {  	[tilespmem:$0x690] =	vst v19;
	v0 =	vadd.f32 v4, v0  }
0x88: {  	[tilespmem:$0x6E0] =	vst v22;
	v62 =	vmul.f32 v60, v60;
	v61 =	vpsel !p6, $0x0, v59  }
0x89: {  	[tilespmem:$0x730] =	vst v57;
	v0 =	vadd.f32 v61, v0  }
0x8a: {  	[tilespmem:$0x710] =	vst v13;
	v63 =	vpsel !p0, $0x0, v62  }
0x8b: {  	[tilespmem:$0x700] =	vst v1;
	v0 =	vadd.f32 v63, v0  }
0x8c: {  	[tilespmem:$0x720] =	vst v3  }
0x8d: {  	[tilespmem:$0x780] =	vst v0  }
0x8e: {  	[hbm4b:s7+s2] =	stream.linear.scatter [tilespmem:s14], [sflag:$0x1], $0x140, $0x38;
	[tilespmem:$0x800] =	vst v63  }
0x8f: {  	_ =	swait.ge [sflag:s10], $0x140  }
0x90: {  	p1 =	sne.s32 s9, $0x1;
	[sflag:s10] =	ssyncset.done $0x0  }
.Ltmp0:
0x91: {  	[sflag:s10] =	ssyncadd.s32 $0xFFFFFEC0;
	(pc) =	sbr.rel @p1 .LBB2_1-.Ltmp0, $4  }
0x92: {  	[hbm4b:s8+s2] =	stream.linear.scatter [tilespmem:s15], [sflag:$0x1], $0x80, $0x38;
	[tilespmem:$0x800] =	vst v63  }
0x93: {  	_ =	swait.ge [sflag:s10], $0x80  }
0x94: {  	[sflag:s10] =	ssyncset.done $0x0  }
0x95: {  	s9 =	sadd.s32 $0xFFFFFFFF, s9;
	[sflag:s10] =	ssyncadd.s32 $0xFFFFFF80  }
0x96: {  	_ =	sfence.sel $0x180000  }
0x97: {  	[bflag:$0x0] =	sbarrier.arrive $0xFFFF  }
0x98: {  	p0 =	sne.s32 s1, $0x0;
	_ =	strace $0x9000004A  }
0x99: {  	s0 =	sadd.s32 @!p0 $0x100000, s0;
	[bflag:$0x2] =	sbarrier.arrive $0xFFFF  }
0x9a: {  	[sflag:s0] =	ssyncadd.tile.s32 @!p0 $0x1;
	_ =	shalt  }
.Lfunc_end2:
_tile_overlayer_lowered:
.L_overlay_start_2:
0x9b: {  	(tag) =	ssettag $0x2  }
0x9c: {  	s0 =	rddreg [dreg:$0x0];
	s2 =	stileid.u32  }
0x9d: {  	s1 =	rddreg [dreg:$0x1];
	p0 =	sne.s32 s2, $0x0  }
0x9e: {  	s3 =	rddreg [dreg:$0x2];
	[bflag:$0x3] =	sbarrier.arrive $0xFFFF;
	s2 =	simm.s32 @!p0 $0x1C01  }
0x9f: {  	[timem:s3], [sflag:s2] =	dma.local @!p0 [hbm:s0], s1  }
0xa0: {  	s0 =	simm.s32 @!p0 $0x1  }
0xa1: {  	_ =	swait.ge @!p0 [sflag:s0], s1  }
0xa2: {  	s1 =	ssub.s32 @!p0 $0x0, s1;
	[sflag:s0] =	ssyncset.done @!p0 $0x0  }
0xa3: {  	[sflag:s0] =	ssyncadd.s32 @!p0 s1  }
0xa4: {  	[bflag:$0x3] =	sbarrier.arrive $0xFFFF  }
0xa5: {  	_ =	shalt  }

</sc_bundles>
